<compile_context>
chip_gen: v7x
topology: tpu7x:2x2x1
jax: 0.10.2.dev20260603
libtpu: 0.0.44.dev20260713+nightly
codegen_flags: <defaults>
</compile_context>

<pallas_src>
import jax
import jax.numpy as jnp
from jax import lax
from jax.experimental import pallas as pl
from jax.experimental.pallas import tpu as pltpu
from jax.experimental.pallas import tpu_sc as plsc

N = 1024
DH = 256
DE = 16
BI = 128
NB_TC = 6
N_TC = NB_TC * BI
N_SC = N - N_TC
NW = 32
ROWS_W = N_SC // NW

_BF = jnp.bfloat16


def _dot(p, q):
    return jnp.dot(p.astype(_BF), q.astype(_BF),
                   preferred_element_type=jnp.float32)


def _dot32(p, q):
    return jnp.dot(p, q, preferred_element_type=jnp.float32)


def _gru_layer(adjm, x, emsg, wmsg_ref, wz_ref, uz_ref, wr_ref, ur_ref,
               wh_ref, uh_ref, bz_ref, br_ref, bh_ref):
    m = _dot(adjm, _dot(x, wmsg_ref[...])) * (1.0 / N) + emsg
    z = jax.nn.sigmoid(_dot(m, wz_ref[...]) + _dot(x, uz_ref[...])
                       + bz_ref[...])
    r = jax.nn.sigmoid(_dot(m, wr_ref[...]) + _dot(x, ur_ref[...])
                       + br_ref[...])
    hh = jnp.tanh(_dot(m, wh_ref[...]) + _dot(r * x, uh_ref[...])
                  + bh_ref[...])
    return (1.0 - z) * x + z * hh



def _sc_eagg_body(et_hbm, adj_hbm, out_hbm, adj_v, ebuf0, ebuf1, res_v,
                  sem0, sem1):
    wid = lax.axis_index("s") * 2 + lax.axis_index("c")
    base = N_TC + wid * ROWS_W
    pltpu.sync_copy(adj_hbm.at[pl.ds(base, ROWS_W)], adj_v)
    pltpu.make_async_copy(et_hbm.at[base], ebuf0, sem0).start()
    bufs = (ebuf0, ebuf1)
    sems = (sem0, sem1)
    for r in range(ROWS_W):
        buf, sem = bufs[r % 2], sems[r % 2]
        pltpu.make_async_copy(et_hbm.at[base + r], buf, sem).wait()
        if r + 1 < ROWS_W:
            pltpu.make_async_copy(et_hbm.at[base + r + 1],
                                  bufs[(r + 1) % 2], sems[(r + 1) % 2]).start()

        def jb_body(jb, accs):
            av = adj_v[r, pl.ds(jb * 16, 16)]
            return tuple(accs[c] + buf[c, pl.ds(jb * 16, 16)] * av
                         for c in range(DE))

        accs = lax.fori_loop(
            0, N // 16, jb_body,
            tuple(jnp.zeros((16,), jnp.float32) for _ in range(DE)))
        for c in range(DE):
            res_v[r, pl.ds(c * 16, 16)] = accs[c]
    pltpu.sync_copy(res_v, out_hbm.at[pl.ds(wid * ROWS_W, ROWS_W)])



def _tc_stream_body(adj_ref, et_ref, we_ref, h_ref, wmsg_ref, wz_ref, uz_ref,
                    wr_ref, ur_ref, wh_ref, uh_ref, bz_ref, br_ref, bh_ref,
                    emsg_ref, x1_ref, xw_ref):
    i = pl.program_id(0)
    inv_n = 1.0 / N
    rows = pl.ds(i * BI, BI)

    @pl.when(i == 0)
    def _():
        xw_ref[...] = _dot(h_ref[...], wmsg_ref[...])

    a = adj_ref[rows, :]
    eagg = jnp.sum(et_ref[...] * a[:, None, :], axis=2)
    em = _dot32(eagg, we_ref[...]) * inv_n
    emsg_ref[...] = em

    hb = h_ref[rows, :]
    m1 = _dot(a, xw_ref[...]) * inv_n + em
    z1 = jax.nn.sigmoid(_dot(m1, wz_ref[...]) + _dot(hb, uz_ref[...])
                        + bz_ref[...])
    r1 = jax.nn.sigmoid(_dot(m1, wr_ref[...]) + _dot(hb, ur_ref[...])
                        + br_ref[...])
    hh1 = jnp.tanh(_dot(m1, wh_ref[...]) + _dot(r1 * hb, uh_ref[...])
                   + bh_ref[...])
    x1_ref[...] = (1.0 - z1) * hb + z1 * hh1



def _tc_tail_body(adj_ref, h_ref, eaggsc_ref, emsgtc_ref, x1tc_ref, f2_ref,
                  wmsg_ref, wz_ref, uz_ref, wr_ref, ur_ref, wh_ref, uh_ref,
                  bz_ref, br_ref, bh_ref, wg_ref, bg_ref, wo_ref, bo_ref,
                  node_ref, wnemb_ref, wfc_ref, bfc_ref, out_ref):
    inv_n = 1.0 / N
    em_sc = _dot32(eaggsc_ref[...], f2_ref[...]) * inv_n
    emsg = jnp.concatenate([emsgtc_ref[...], em_sc], axis=0)

    a_sc = adj_ref[N_TC:, :]
    hb = h_ref[N_TC:, :]
    xw = _dot(h_ref[...], wmsg_ref[...])
    m1 = _dot(a_sc, xw) * inv_n + em_sc
    z1 = jax.nn.sigmoid(_dot(m1, wz_ref[...]) + _dot(hb, uz_ref[...])
                        + bz_ref[...])
    r1 = jax.nn.sigmoid(_dot(m1, wr_ref[...]) + _dot(hb, ur_ref[...])
                        + br_ref[...])
    hh1 = jnp.tanh(_dot(m1, wh_ref[...]) + _dot(r1 * hb, uh_ref[...])
                   + bh_ref[...])
    x1_sc = (1.0 - z1) * hb + z1 * hh1

    x = jnp.concatenate([x1tc_ref[...], x1_sc], axis=0)
    adjm = adj_ref[...].astype(_BF)
    for _ in range(2):
        x = _gru_layer(adjm, x, emsg, wmsg_ref, wz_ref, uz_ref, wr_ref,
                       ur_ref, wh_ref, uh_ref, bz_ref, br_ref, bh_ref)
    gate = jax.nn.sigmoid(_dot(x, wg_ref[...]) + bg_ref[...])
    hv = gate * jnp.tanh(_dot(x, wo_ref[...]) + bo_ref[...])
    gv = jnp.sum(hv, axis=0, keepdims=True)
    ne = _dot32(node_ref[...], wnemb_ref[...])
    out_ref[...] = (_dot32(gv, wfc_ref[:DH, :]) + _dot32(ne, wfc_ref[DH:, :])
                    + bfc_ref[...])


def kernel(h, e, adj, node, W_msg, W_e, Wz, Uz, Wr, Ur, Wh, Uh, bz, br, bh,
           W_g, b_g, W_o, b_o, W_nemb, W_fc, b_fc):
    adj2 = adj.reshape(N, N)
    et = jnp.transpose(e.reshape(N, N, DE), (0, 2, 1))
    h2 = h.reshape(N, DH)
    bz2, br2, bh2 = (x.reshape(1, DH) for x in (bz, br, bh))
    f2 = jnp.repeat(W_e, 16, axis=0)

    eagg_sc = pl.kernel(
        _sc_eagg_body,
        out_type=jax.ShapeDtypeStruct((N_SC, DE * 16), jnp.float32),
        mesh=plsc.VectorSubcoreMesh(core_axis_name="c", subcore_axis_name="s"),
        scratch_types=[
            pltpu.VMEM((ROWS_W, N), jnp.float32),
            pltpu.VMEM((DE, N), jnp.float32),
            pltpu.VMEM((DE, N), jnp.float32),
            pltpu.VMEM((ROWS_W, DE * 16), jnp.float32),
            pltpu.SemaphoreType.DMA,
            pltpu.SemaphoreType.DMA,
        ],
    )(et, adj2)

    full = lambda *shape: pl.BlockSpec(shape, lambda i: (0,) * len(shape))
    emsg_tc, x1_tc, _ = pl.pallas_call(
        _tc_stream_body,
        grid=(NB_TC,),
        in_specs=[
            full(N, N),
            pl.BlockSpec((BI, DE, N), lambda i: (i, 0, 0)),
            full(DE, DH),
            full(N, DH),
            full(DH, DH), full(DH, DH), full(DH, DH),
            full(DH, DH), full(DH, DH), full(DH, DH),
            full(DH, DH),
            full(1, DH), full(1, DH), full(1, DH),
        ],
        out_specs=[
            pl.BlockSpec((BI, DH), lambda i: (i, 0)),
            pl.BlockSpec((BI, DH), lambda i: (i, 0)),
            full(N, DH),
        ],
        out_shape=[
            jax.ShapeDtypeStruct((N_TC, DH), jnp.float32),
            jax.ShapeDtypeStruct((N_TC, DH), jnp.float32),
            jax.ShapeDtypeStruct((N, DH), jnp.float32),
        ],
    )(adj2, et, W_e, h2, W_msg, Wz, Uz, Wr, Ur, Wh, Uh, bz2, br2, bh2)

    out = pl.pallas_call(
        _tc_tail_body,
        out_shape=jax.ShapeDtypeStruct((1, DH), jnp.float32),
    )(adj2, h2, eagg_sc, emsg_tc, x1_tc, f2, W_msg, Wz, Uz, Wr, Ur, Wh, Uh,
      bz2, br2, bh2, W_g, b_g.reshape(1, DH), W_o, b_o.reshape(1, DH),
      node.reshape(1, 128), W_nemb, W_fc, b_fc.reshape(1, DH))

    return out.reshape(DH)

# --- scband reference (transcript-rebuilt; emitter-appended) ---
"""Pipeline reference for scband-init-node-5884105196034 (READ-ONLY COPY).

The authoritative reference and input builder live on the scoring server;
editing this copy changes nothing except your own understanding.
"""

import jax, jax.numpy as jnp
import numpy as np

D_FEAT = 128
D_H = 256
D_E = 16
N = 1024
L = 3


def setup_inputs(seed: int = 0) -> dict:
    key = jax.random.key(seed)
    ks = jax.random.split(key, 24)

    def w(k, shape, scale):
        return jax.random.normal(k, shape, dtype=jnp.float32) * scale

    s = 1.0 / np.sqrt(D_H)
    inp = {
        'h': jax.random.normal(ks[0], (1, N, D_H), dtype=jnp.float32),
        'e': jax.random.normal(ks[1], (1, N, N, D_E), dtype=jnp.float32),
        'adj': jax.random.uniform(ks[2], (1, N, N), dtype=jnp.float32),
        'node': jax.random.normal(ks[3], (D_FEAT,), dtype=jnp.float32),
        'W_msg': w(ks[4], (D_H, D_H), s),
        'W_e': w(ks[5], (D_E, D_H), 1.0 / np.sqrt(D_E)),
        'Wz': w(ks[6], (D_H, D_H), s), 'Uz': w(ks[7], (D_H, D_H), s),
        'Wr': w(ks[8], (D_H, D_H), s), 'Ur': w(ks[9], (D_H, D_H), s),
        'Wh': w(ks[10], (D_H, D_H), s), 'Uh': w(ks[11], (D_H, D_H), s),
        'bz': jnp.zeros((D_H,), dtype=jnp.float32),
        'br': jnp.zeros((D_H,), dtype=jnp.float32),
        'bh': jnp.zeros((D_H,), dtype=jnp.float32),
        'W_g': w(ks[12], (D_H, D_H), s),
        'b_g': jnp.zeros((D_H,), dtype=jnp.float32),
        'W_o': w(ks[13], (D_H, D_H), s),
        'b_o': jnp.zeros((D_H,), dtype=jnp.float32),
        'W_nemb': w(ks[14], (D_FEAT, D_H), 1.0 / np.sqrt(D_FEAT)),
        'W_fc': w(ks[15], (2 * D_H, D_H), 1.0 / np.sqrt(2 * D_H)),
        'b_fc': jnp.zeros((D_H,), dtype=jnp.float32),
    }
    return inp


def reference(h, e, adj, node, W_msg, W_e, Wz, Uz, Wr, Ur, Wh, Uh, bz, br, bh,
              W_g, b_g, W_o, b_o, W_nemb, W_fc, b_fc):
    # GGNNBlock: edge-conditioned gated message passing over a dense adjacency.
    n = h.shape[1]
    # aggregate edge features once (adj-weighted, normalized by node count)
    e_agg = jnp.einsum('bij,bije->bie', adj, e) / n
    e_msg = e_agg @ W_e  # [1, N, D_H]
    x = h
    for _ in range(L):
        m = jnp.einsum('bij,bjd->bid', adj, x @ W_msg) / n + e_msg
        z = jax.nn.sigmoid(m @ Wz + x @ Uz + bz)
        r = jax.nn.sigmoid(m @ Wr + x @ Ur + br)
        hh = jnp.tanh(m @ Wh + (r * x) @ Uh + bh)
        x = (1.0 - z) * x + z * hh
    # gated graph-level readout -> graph vector [1, D_H]
    gate = jax.nn.sigmoid(x @ W_g + b_g)
    gv = jnp.sum(gate * jnp.tanh(x @ W_o + b_o), axis=1)
    graph_vector = jnp.squeeze(gv, axis=0)  # .squeeze(0) in torch
    # init node = fc(cat([graph_vector, node_embedding(node)], -1))
    node_emb = node @ W_nemb
    init_node = jnp.concatenate([graph_vector, node_emb], axis=-1) @ W_fc + b_fc
    return init_node

if __name__ == "__main__":
    import jax
    _d = setup_inputs()
    print(jax.jit(kernel)(*tuple(_d.values())))

</pallas_src>

<mosaic_0001>
#map = affine_map<(d0, d1) -> (0, 0, 0)>
#map1 = affine_map<(d0, d1) -> (0, 0)>
module attributes {stable_mosaic.version = 14 : i64} {
  func.func @_sc_eagg_body(%arg0: i32, %arg1: i32, %arg2: memref<1024x16x1024xf32, #tpu.memory_space<hbm>>, %arg3: memref<1024x1024xf32, #tpu.memory_space<hbm>>, %arg4: memref<256x256xf32, #tpu.memory_space<hbm>>, %arg5: memref<8x1024xf32, #tpu.memory_space<vmem>>, %arg6: memref<16x1024xf32, #tpu.memory_space<vmem>>, %arg7: memref<16x1024xf32, #tpu.memory_space<vmem>>, %arg8: memref<8x256xf32, #tpu.memory_space<vmem>>, %arg9: memref<!tpu.dma_semaphore, #tpu.memory_space<semaphore_mem>>, %arg10: memref<!tpu.dma_semaphore, #tpu.memory_space<semaphore_mem>>) attributes {dimension_semantics = [#tpu.dimension_semantics<core_parallel>, #tpu.dimension_semantics<subcore_parallel>], iteration_bounds = array<i64: 2, 16>, scalar_prefetch = 0 : i64, scratch_operands = 6 : i64, tpu.core_type = #tpu.core_type<sc_vector_subcore>, window_params = [{transform_indices = #map}, {transform_indices = #map1}, {transform_indices = #map1}]} {
    %mul3A = arith.constant 2 : i32
    %mul3A_0 = arith.muli %arg1, %mul3A : i32
    %add3A = arith.addi %mul3A_0, %arg0 : i32
    %mul3A_1 = arith.constant 8 : i32
    %mul3A_2 = arith.muli %add3A, %mul3A_1 : i32
    %add3A_3 = arith.constant 768 : i32
    %add3A_4 = arith.addi %add3A_3, %mul3A_2 : i32
    "tpu.region"() ({
      %run_scoped3A = tpu.sem_alloc : memref<!tpu.dma_semaphore, #tpu.memory_space<semaphore_mem>>
      %dma_start3A_1246 = arith.constant 0 : i32
      %dma_start3A_1247 = tpu.memref_slice %arg3[%add3A_4, %dma_start3A_1246] : memref<1024x1024xf32, #tpu.memory_space<hbm>> -> memref<8x1024xf32, #tpu.memory_space<hbm>>
      %dma_start3A_1248 = arith.constant 0 : i32
      %dma_start3A_1249 = tpu.memref_slice %arg3[%add3A_4, %dma_start3A_1248] : memref<1024x1024xf32, #tpu.memory_space<hbm>> -> memref<8x1024xf32, #tpu.memory_space<hbm>>
      tpu.enqueue_dma source(%dma_start3A_1249 : memref<8x1024xf32, #tpu.memory_space<hbm>>) target(%arg5 : memref<8x1024xf32, #tpu.memory_space<vmem>>) target_semaphore(%run_scoped3A : memref<!tpu.dma_semaphore, #tpu.memory_space<semaphore_mem>>)
      %dma_wait3A_1250 = arith.constant 0 : i32
      %dma_wait3A_1251 = tpu.memref_slice %arg3[%add3A_4, %dma_wait3A_1250] : memref<1024x1024xf32, #tpu.memory_space<hbm>> -> memref<8x1024xf32, #tpu.memory_space<hbm>>
      %dma_wait3A_1252 = arith.constant 0 : i32
      %dma_wait3A_1253 = tpu.memref_slice %arg3[%add3A_4, %dma_wait3A_1252] : memref<1024x1024xf32, #tpu.memory_space<hbm>> -> memref<8x1024xf32, #tpu.memory_space<hbm>>
      tpu.wait_dma2 semaphore(%run_scoped3A : memref<!tpu.dma_semaphore, #tpu.memory_space<semaphore_mem>>) src(%dma_wait3A_1253 : memref<8x1024xf32, #tpu.memory_space<hbm>>) dst(%arg5 : memref<8x1024xf32, #tpu.memory_space<vmem>>)
      tpu.yield
    }) : () -> ()
    %dma_start3A = arith.constant 0 : i32
    %dma_start3A_5 = arith.constant 0 : i32
    %dma_start3A_6 = tpu.memref_slice %arg2[%add3A_4, %dma_start3A, %dma_start3A_5] : memref<1024x16x1024xf32, #tpu.memory_space<hbm>> -> memref<1x16x1024xf32, #tpu.memory_space<hbm>>
    %dma_start3A_7 = tpu.memref_squeeze %dma_start3A_6 : memref<1x16x1024xf32, #tpu.memory_space<hbm>> -> memref<16x1024xf32, #tpu.memory_space<hbm>>
    %dma_start3A_8 = arith.constant 0 : i32
    %dma_start3A_9 = arith.constant 0 : i32
    %dma_start3A_10 = tpu.memref_slice %arg2[%add3A_4, %dma_start3A_8, %dma_start3A_9] : memref<1024x16x1024xf32, #tpu.memory_space<hbm>> -> memref<1x16x1024xf32, #tpu.memory_space<hbm>>
    %dma_start3A_11 = tpu.memref_squeeze %dma_start3A_10 : memref<1x16x1024xf32, #tpu.memory_space<hbm>> -> memref<16x1024xf32, #tpu.memory_space<hbm>>
    tpu.enqueue_dma source(%dma_start3A_11 : memref<16x1024xf32, #tpu.memory_space<hbm>>) target(%arg6 : memref<16x1024xf32, #tpu.memory_space<vmem>>) target_semaphore(%arg9 : memref<!tpu.dma_semaphore, #tpu.memory_space<semaphore_mem>>)
    %add3A_12 = arith.constant 0 : i32
    %add3A_13 = arith.addi %add3A_4, %add3A_12 : i32
    %dma_wait3A = arith.constant 0 : i32
    %dma_wait3A_14 = arith.constant 0 : i32
    %dma_wait3A_15 = tpu.memref_slice %arg2[%add3A_13, %dma_wait3A, %dma_wait3A_14] : memref<1024x16x1024xf32, #tpu.memory_space<hbm>> -> memref<1x16x1024xf32, #tpu.memory_space<hbm>>
    %dma_wait3A_16 = tpu.memref_squeeze %dma_wait3A_15 : memref<1x16x1024xf32, #tpu.memory_space<hbm>> -> memref<16x1024xf32, #tpu.memory_space<hbm>>
    %dma_wait3A_17 = arith.constant 0 : i32
    %dma_wait3A_18 = arith.constant 0 : i32
    %dma_wait3A_19 = tpu.memref_slice %arg2[%add3A_13, %dma_wait3A_17, %dma_wait3A_18] : memref<1024x16x1024xf32, #tpu.memory_space<hbm>> -> memref<1x16x1024xf32, #tpu.memory_space<hbm>>
    %dma_wait3A_20 = tpu.memref_squeeze %dma_wait3A_19 : memref<1x16x1024xf32, #tpu.memory_space<hbm>> -> memref<16x1024xf32, #tpu.memory_space<hbm>>
    tpu.wait_dma2 semaphore(%arg9 : memref<!tpu.dma_semaphore, #tpu.memory_space<semaphore_mem>>) src(%dma_wait3A_20 : memref<16x1024xf32, #tpu.memory_space<hbm>>) dst(%arg6 : memref<16x1024xf32, #tpu.memory_space<vmem>>)
    %add3A_21 = arith.constant 0 : i32
    %add3A_22 = arith.addi %add3A_4, %add3A_21 : i32
    %add3A_23 = arith.constant 1 : i32
    %add3A_24 = arith.addi %add3A_22, %add3A_23 : i32
    %dma_start3A_25 = arith.constant 0 : i32
    %dma_start3A_26 = arith.constant 0 : i32
    %dma_start3A_27 = tpu.memref_slice %arg2[%add3A_24, %dma_start3A_25, %dma_start3A_26] : memref<1024x16x1024xf32, #tpu.memory_space<hbm>> -> memref<1x16x1024xf32, #tpu.memory_space<hbm>>
    %dma_start3A_28 = tpu.memref_squeeze %dma_start3A_27 : memref<1x16x1024xf32, #tpu.memory_space<hbm>> -> memref<16x1024xf32, #tpu.memory_space<hbm>>
    %dma_start3A_29 = arith.constant 0 : i32
    %dma_start3A_30 = arith.constant 0 : i32
    %dma_start3A_31 = tpu.memref_slice %arg2[%add3A_24, %dma_start3A_29, %dma_start3A_30] : memref<1024x16x1024xf32, #tpu.memory_space<hbm>> -> memref<1x16x1024xf32, #tpu.memory_space<hbm>>
    %dma_start3A_32 = tpu.memref_squeeze %dma_start3A_31 : memref<1x16x1024xf32, #tpu.memory_space<hbm>> -> memref<16x1024xf32, #tpu.memory_space<hbm>>
    tpu.enqueue_dma source(%dma_start3A_32 : memref<16x1024xf32, #tpu.memory_space<hbm>>) target(%arg7 : memref<16x1024xf32, #tpu.memory_space<vmem>>) target_semaphore(%arg10 : memref<!tpu.dma_semaphore, #tpu.memory_space<semaphore_mem>>)
    %broadcast_in_dim3A = arith.constant 0.000000e+00 : f32
    %broadcast_in_dim3A_33 = vector.broadcast %broadcast_in_dim3A : f32 to vector<16xf32>
    %broadcast_in_dim3A_34 = arith.constant 0.000000e+00 : f32
    %broadcast_in_dim3A_35 = vector.broadcast %broadcast_in_dim3A_34 : f32 to vector<16xf32>
    %broadcast_in_dim3A_36 = arith.constant 0.000000e+00 : f32
    %broadcast_in_dim3A_37 = vector.broadcast %broadcast_in_dim3A_36 : f32 to vector<16xf32>
    %broadcast_in_dim3A_38 = arith.constant 0.000000e+00 : f32
    %broadcast_in_dim3A_39 = vector.broadcast %broadcast_in_dim3A_38 : f32 to vector<16xf32>
    %broadcast_in_dim3A_40 = arith.constant 0.000000e+00 : f32
    %broadcast_in_dim3A_41 = vector.broadcast %broadcast_in_dim3A_40 : f32 to vector<16xf32>
    %broadcast_in_dim3A_42 = arith.constant 0.000000e+00 : f32
    %broadcast_in_dim3A_43 = vector.broadcast %broadcast_in_dim3A_42 : f32 to vector<16xf32>
    %broadcast_in_dim3A_44 = arith.constant 0.000000e+00 : f32
    %broadcast_in_dim3A_45 = vector.broadcast %broadcast_in_dim3A_44 : f32 to vector<16xf32>
    %broadcast_in_dim3A_46 = arith.constant 0.000000e+00 : f32
    %broadcast_in_dim3A_47 = vector.broadcast %broadcast_in_dim3A_46 : f32 to vector<16xf32>
    %broadcast_in_dim3A_48 = arith.constant 0.000000e+00 : f32
    %broadcast_in_dim3A_49 = vector.broadcast %broadcast_in_dim3A_48 : f32 to vector<16xf32>
    %broadcast_in_dim3A_50 = arith.constant 0.000000e+00 : f32
    %broadcast_in_dim3A_51 = vector.broadcast %broadcast_in_dim3A_50 : f32 to vector<16xf32>
    %broadcast_in_dim3A_52 = arith.constant 0.000000e+00 : f32
    %broadcast_in_dim3A_53 = vector.broadcast %broadcast_in_dim3A_52 : f32 to vector<16xf32>
    %broadcast_in_dim3A_54 = arith.constant 0.000000e+00 : f32
    %broadcast_in_dim3A_55 = vector.broadcast %broadcast_in_dim3A_54 : f32 to vector<16xf32>
    %broadcast_in_dim3A_56 = arith.constant 0.000000e+00 : f32
    %broadcast_in_dim3A_57 = vector.broadcast %broadcast_in_dim3A_56 : f32 to vector<16xf32>
    %broadcast_in_dim3A_58 = arith.constant 0.000000e+00 : f32
    %broadcast_in_dim3A_59 = vector.broadcast %broadcast_in_dim3A_58 : f32 to vector<16xf32>
    %broadcast_in_dim3A_60 = arith.constant 0.000000e+00 : f32
    %broadcast_in_dim3A_61 = vector.broadcast %broadcast_in_dim3A_60 : f32 to vector<16xf32>
    %broadcast_in_dim3A_62 = arith.constant 0.000000e+00 : f32
    %broadcast_in_dim3A_63 = vector.broadcast %broadcast_in_dim3A_62 : f32 to vector<16xf32>
    %scan3A = arith.constant 0 : i32
    %scan3A_64 = arith.constant 64 : i32
    %scan3A_65 = arith.addi %scan3A, %scan3A_64 : i32
    %scan3A_66 = arith.constant 1 : i32
    %scan3A_67:16 = scf.for %scan3A_1246 = %scan3A to %scan3A_65 step %scan3A_66 iter_args(%scan3A_1247 = %broadcast_in_dim3A_33, %scan3A_1248 = %broadcast_in_dim3A_35, %scan3A_1249 = %broadcast_in_dim3A_37, %scan3A_1250 = %broadcast_in_dim3A_39, %scan3A_1251 = %broadcast_in_dim3A_41, %scan3A_1252 = %broadcast_in_dim3A_43, %scan3A_1253 = %broadcast_in_dim3A_45, %scan3A_1254 = %broadcast_in_dim3A_47, %scan3A_1255 = %broadcast_in_dim3A_49, %scan3A_1256 = %broadcast_in_dim3A_51, %scan3A_1257 = %broadcast_in_dim3A_53, %scan3A_1258 = %broadcast_in_dim3A_55, %scan3A_1259 = %broadcast_in_dim3A_57, %scan3A_1260 = %broadcast_in_dim3A_59, %scan3A_1261 = %broadcast_in_dim3A_61, %scan3A_1262 = %broadcast_in_dim3A_63) -> (vector<16xf32>, vector<16xf32>, vector<16xf32>, vector<16xf32>, vector<16xf32>, vector<16xf32>, vector<16xf32>, vector<16xf32>, vector<16xf32>, vector<16xf32>, vector<16xf32>, vector<16xf32>, vector<16xf32>, vector<16xf32>, vector<16xf32>, vector<16xf32>)  : i32 {
      %mul3A_1263 = arith.constant 16 : i32
      %mul3A_1264 = arith.muli %scan3A_1246, %mul3A_1263 : i32
      %get3A = arith.constant 0 : i32
      %get3A_1265 = arith.index_cast %get3A : i32 to index
      %get3A_1266 = arith.index_cast %mul3A_1264 : i32 to index
      %get3A_1267 = tpu.vector_load %arg5[%get3A_1265, %get3A_1266] {strides = array<i32>} : memref<8x1024xf32, #tpu.memory_space<vmem>>, vector<1x16xf32>,
      %get3A_1268 = vector.shape_cast %get3A_1267 : vector<1x16xf32> to vector<16xf32>
      %mul3A_1269 = arith.constant 16 : i32
      %mul3A_1270 = arith.muli %scan3A_1246, %mul3A_1269 : i32
      %get3A_1271 = arith.constant 0 : i32
      %get3A_1272 = arith.index_cast %get3A_1271 : i32 to index
      %get3A_1273 = arith.index_cast %mul3A_1270 : i32 to index
      %get3A_1274 = tpu.vector_load %arg6[%get3A_1272, %get3A_1273] {strides = array<i32>} : memref<16x1024xf32, #tpu.memory_space<vmem>>, vector<1x16xf32>,
      %get3A_1275 = vector.shape_cast %get3A_1274 : vector<1x16xf32> to vector<16xf32>
      %mul3A_1276 = arith.mulf %get3A_1275, %get3A_1268 : vector<16xf32>
      %add3A_1277 = arith.addf %scan3A_1247, %mul3A_1276 : vector<16xf32>
      %mul3A_1278 = arith.constant 16 : i32
      %mul3A_1279 = arith.muli %scan3A_1246, %mul3A_1278 : i32
      %get3A_1280 = arith.constant 1 : i32
      %get3A_1281 = arith.index_cast %get3A_1280 : i32 to index
      %get3A_1282 = arith.index_cast %mul3A_1279 : i32 to index
      %get3A_1283 = tpu.vector_load %arg6[%get3A_1281, %get3A_1282] {strides = array<i32>} : memref<16x1024xf32, #tpu.memory_space<vmem>>, vector<1x16xf32>,
      %get3A_1284 = vector.shape_cast %get3A_1283 : vector<1x16xf32> to vector<16xf32>
      %mul3A_1285 = arith.mulf %get3A_1284, %get3A_1268 : vector<16xf32>
      %add3A_1286 = arith.addf %scan3A_1248, %mul3A_1285 : vector<16xf32>
      %mul3A_1287 = arith.constant 16 : i32
      %mul3A_1288 = arith.muli %scan3A_1246, %mul3A_1287 : i32
      %get3A_1289 = arith.constant 2 : i32
      %get3A_1290 = arith.index_cast %get3A_1289 : i32 to index
      %get3A_1291 = arith.index_cast %mul3A_1288 : i32 to index
      %get3A_1292 = tpu.vector_load %arg6[%get3A_1290, %get3A_1291] {strides = array<i32>} : memref<16x1024xf32, #tpu.memory_space<vmem>>, vector<1x16xf32>,
      %get3A_1293 = vector.shape_cast %get3A_1292 : vector<1x16xf32> to vector<16xf32>
      %mul3A_1294 = arith.mulf %get3A_1293, %get3A_1268 : vector<16xf32>
      %add3A_1295 = arith.addf %scan3A_1249, %mul3A_1294 : vector<16xf32>
      %mul3A_1296 = arith.constant 16 : i32
      %mul3A_1297 = arith.muli %scan3A_1246, %mul3A_1296 : i32
      %get3A_1298 = arith.constant 3 : i32
      %get3A_1299 = arith.index_cast %get3A_1298 : i32 to index
      %get3A_1300 = arith.index_cast %mul3A_1297 : i32 to index
      %get3A_1301 = tpu.vector_load %arg6[%get3A_1299, %get3A_1300] {strides = array<i32>} : memref<16x1024xf32, #tpu.memory_space<vmem>>, vector<1x16xf32>,
      %get3A_1302 = vector.shape_cast %get3A_1301 : vector<1x16xf32> to vector<16xf32>
      %mul3A_1303 = arith.mulf %get3A_1302, %get3A_1268 : vector<16xf32>
      %add3A_1304 = arith.addf %scan3A_1250, %mul3A_1303 : vector<16xf32>
      %mul3A_1305 = arith.constant 16 : i32
      %mul3A_1306 = arith.muli %scan3A_1246, %mul3A_1305 : i32
      %get3A_1307 = arith.constant 4 : i32
      %get3A_1308 = arith.index_cast %get3A_1307 : i32 to index
      %get3A_1309 = arith.index_cast %mul3A_1306 : i32 to index
      %get3A_1310 = tpu.vector_load %arg6[%get3A_1308, %get3A_1309] {strides = array<i32>} : memref<16x1024xf32, #tpu.memory_space<vmem>>, vector<1x16xf32>,
      %get3A_1311 = vector.shape_cast %get3A_1310 : vector<1x16xf32> to vector<16xf32>
      %mul3A_1312 = arith.mulf %get3A_1311, %get3A_1268 : vector<16xf32>
      %add3A_1313 = arith.addf %scan3A_1251, %mul3A_1312 : vector<16xf32>
      %mul3A_1314 = arith.constant 16 : i32
      %mul3A_1315 = arith.muli %scan3A_1246, %mul3A_1314 : i32
      %get3A_1316 = arith.constant 5 : i32
      %get3A_1317 = arith.index_cast %get3A_1316 : i32 to index
      %get3A_1318 = arith.index_cast %mul3A_1315 : i32 to index
      %get3A_1319 = tpu.vector_load %arg6[%get3A_1317, %get3A_1318] {strides = array<i32>} : memref<16x1024xf32, #tpu.memory_space<vmem>>, vector<1x16xf32>,
      %get3A_1320 = vector.shape_cast %get3A_1319 : vector<1x16xf32> to vector<16xf32>
      %mul3A_1321 = arith.mulf %get3A_1320, %get3A_1268 : vector<16xf32>
      %add3A_1322 = arith.addf %scan3A_1252, %mul3A_1321 : vector<16xf32>
      %mul3A_1323 = arith.constant 16 : i32
      %mul3A_1324 = arith.muli %scan3A_1246, %mul3A_1323 : i32
      %get3A_1325 = arith.constant 6 : i32
      %get3A_1326 = arith.index_cast %get3A_1325 : i32 to index
      %get3A_1327 = arith.index_cast %mul3A_1324 : i32 to index
      %get3A_1328 = tpu.vector_load %arg6[%get3A_1326, %get3A_1327] {strides = array<i32>} : memref<16x1024xf32, #tpu.memory_space<vmem>>, vector<1x16xf32>,
      %get3A_1329 = vector.shape_cast %get3A_1328 : vector<1x16xf32> to vector<16xf32>
      %mul3A_1330 = arith.mulf %get3A_1329, %get3A_1268 : vector<16xf32>
      %add3A_1331 = arith.addf %scan3A_1253, %mul3A_1330 : vector<16xf32>
      %mul3A_1332 = arith.constant 16 : i32
      %mul3A_1333 = arith.muli %scan3A_1246, %mul3A_1332 : i32
      %get3A_1334 = arith.constant 7 : i32
      %get3A_1335 = arith.index_cast %get3A_1334 : i32 to index
      %get3A_1336 = arith.index_cast %mul3A_1333 : i32 to index
      %get3A_1337 = tpu.vector_load %arg6[%get3A_1335, %get3A_1336] {strides = array<i32>} : memref<16x1024xf32, #tpu.memory_space<vmem>>, vector<1x16xf32>,
      %get3A_1338 = vector.shape_cast %get3A_1337 : vector<1x16xf32> to vector<16xf32>
      %mul3A_1339 = arith.mulf %get3A_1338, %get3A_1268 : vector<16xf32>
      %add3A_1340 = arith.addf %scan3A_1254, %mul3A_1339 : vector<16xf32>
      %mul3A_1341 = arith.constant 16 : i32
      %mul3A_1342 = arith.muli %scan3A_1246, %mul3A_1341 : i32
      %get3A_1343 = arith.constant 8 : i32
      %get3A_1344 = arith.index_cast %get3A_1343 : i32 to index
      %get3A_1345 = arith.index_cast %mul3A_1342 : i32 to index
      %get3A_1346 = tpu.vector_load %arg6[%get3A_1344, %get3A_1345] {strides = array<i32>} : memref<16x1024xf32, #tpu.memory_space<vmem>>, vector<1x16xf32>,
      %get3A_1347 = vector.shape_cast %get3A_1346 : vector<1x16xf32> to vector<16xf32>
      %mul3A_1348 = arith.mulf %get3A_1347, %get3A_1268 : vector<16xf32>
      %add3A_1349 = arith.addf %scan3A_1255, %mul3A_1348 : vector<16xf32>
      %mul3A_1350 = arith.constant 16 : i32
      %mul3A_1351 = arith.muli %scan3A_1246, %mul3A_1350 : i32
      %get3A_1352 = arith.constant 9 : i32
      %get3A_1353 = arith.index_cast %get3A_1352 : i32 to index
      %get3A_1354 = arith.index_cast %mul3A_1351 : i32 to index
      %get3A_1355 = tpu.vector_load %arg6[%get3A_1353, %get3A_1354] {strides = array<i32>} : memref<16x1024xf32, #tpu.memory_space<vmem>>, vector<1x16xf32>,
      %get3A_1356 = vector.shape_cast %get3A_1355 : vector<1x16xf32> to vector<16xf32>
      %mul3A_1357 = arith.mulf %get3A_1356, %get3A_1268 : vector<16xf32>
      %add3A_1358 = arith.addf %scan3A_1256, %mul3A_1357 : vector<16xf32>
      %mul3A_1359 = arith.constant 16 : i32
      %mul3A_1360 = arith.muli %scan3A_1246, %mul3A_1359 : i32
      %get3A_1361 = arith.constant 10 : i32
      %get3A_1362 = arith.index_cast %get3A_1361 : i32 to index
      %get3A_1363 = arith.index_cast %mul3A_1360 : i32 to index
      %get3A_1364 = tpu.vector_load %arg6[%get3A_1362, %get3A_1363] {strides = array<i32>} : memref<16x1024xf32, #tpu.memory_space<vmem>>, vector<1x16xf32>,
      %get3A_1365 = vector.shape_cast %get3A_1364 : vector<1x16xf32> to vector<16xf32>
      %mul3A_1366 = arith.mulf %get3A_1365, %get3A_1268 : vector<16xf32>
      %add3A_1367 = arith.addf %scan3A_1257, %mul3A_1366 : vector<16xf32>
      %mul3A_1368 = arith.constant 16 : i32
      %mul3A_1369 = arith.muli %scan3A_1246, %mul3A_1368 : i32
      %get3A_1370 = arith.constant 11 : i32
      %get3A_1371 = arith.index_cast %get3A_1370 : i32 to index
      %get3A_1372 = arith.index_cast %mul3A_1369 : i32 to index
      %get3A_1373 = tpu.vector_load %arg6[%get3A_1371, %get3A_1372] {strides = array<i32>} : memref<16x1024xf32, #tpu.memory_space<vmem>>, vector<1x16xf32>,
      %get3A_1374 = vector.shape_cast %get3A_1373 : vector<1x16xf32> to vector<16xf32>
      %mul3A_1375 = arith.mulf %get3A_1374, %get3A_1268 : vector<16xf32>
      %add3A_1376 = arith.addf %scan3A_1258, %mul3A_1375 : vector<16xf32>
      %mul3A_1377 = arith.constant 16 : i32
      %mul3A_1378 = arith.muli %scan3A_1246, %mul3A_1377 : i32
      %get3A_1379 = arith.constant 12 : i32
      %get3A_1380 = arith.index_cast %get3A_1379 : i32 to index
      %get3A_1381 = arith.index_cast %mul3A_1378 : i32 to index
      %get3A_1382 = tpu.vector_load %arg6[%get3A_1380, %get3A_1381] {strides = array<i32>} : memref<16x1024xf32, #tpu.memory_space<vmem>>, vector<1x16xf32>,
      %get3A_1383 = vector.shape_cast %get3A_1382 : vector<1x16xf32> to vector<16xf32>
      %mul3A_1384 = arith.mulf %get3A_1383, %get3A_1268 : vector<16xf32>
      %add3A_1385 = arith.addf %scan3A_1259, %mul3A_1384 : vector<16xf32>
      %mul3A_1386 = arith.constant 16 : i32
      %mul3A_1387 = arith.muli %scan3A_1246, %mul3A_1386 : i32
      %get3A_1388 = arith.constant 13 : i32
      %get3A_1389 = arith.index_cast %get3A_1388 : i32 to index
      %get3A_1390 = arith.index_cast %mul3A_1387 : i32 to index
      %get3A_1391 = tpu.vector_load %arg6[%get3A_1389, %get3A_1390] {strides = array<i32>} : memref<16x1024xf32, #tpu.memory_space<vmem>>, vector<1x16xf32>,
      %get3A_1392 = vector.shape_cast %get3A_1391 : vector<1x16xf32> to vector<16xf32>
      %mul3A_1393 = arith.mulf %get3A_1392, %get3A_1268 : vector<16xf32>
      %add3A_1394 = arith.addf %scan3A_1260, %mul3A_1393 : vector<16xf32>
      %mul3A_1395 = arith.constant 16 : i32
      %mul3A_1396 = arith.muli %scan3A_1246, %mul3A_1395 : i32
      %get3A_1397 = arith.constant 14 : i32
      %get3A_1398 = arith.index_cast %get3A_1397 : i32 to index
      %get3A_1399 = arith.index_cast %mul3A_1396 : i32 to index
      %get3A_1400 = tpu.vector_load %arg6[%get3A_1398, %get3A_1399] {strides = array<i32>} : memref<16x1024xf32, #tpu.memory_space<vmem>>, vector<1x16xf32>,
      %get3A_1401 = vector.shape_cast %get3A_1400 : vector<1x16xf32> to vector<16xf32>
      %mul3A_1402 = arith.mulf %get3A_1401, %get3A_1268 : vector<16xf32>
      %add3A_1403 = arith.addf %scan3A_1261, %mul3A_1402 : vector<16xf32>
      %mul3A_1404 = arith.constant 16 : i32
      %mul3A_1405 = arith.muli %scan3A_1246, %mul3A_1404 : i32
      %get3A_1406 = arith.constant 15 : i32
      %get3A_1407 = arith.index_cast %get3A_1406 : i32 to index
      %get3A_1408 = arith.index_cast %mul3A_1405 : i32 to index
      %get3A_1409 = tpu.vector_load %arg6[%get3A_1407, %get3A_1408] {strides = array<i32>} : memref<16x1024xf32, #tpu.memory_space<vmem>>, vector<1x16xf32>,
      %get3A_1410 = vector.shape_cast %get3A_1409 : vector<1x16xf32> to vector<16xf32>
      %mul3A_1411 = arith.mulf %get3A_1410, %get3A_1268 : vector<16xf32>
      %add3A_1412 = arith.addf %scan3A_1262, %mul3A_1411 : vector<16xf32>
      scf.yield %add3A_1277, %add3A_1286, %add3A_1295, %add3A_1304, %add3A_1313, %add3A_1322, %add3A_1331, %add3A_1340, %add3A_1349, %add3A_1358, %add3A_1367, %add3A_1376, %add3A_1385, %add3A_1394, %add3A_1403, %add3A_1412 : vector<16xf32>, vector<16xf32>, vector<16xf32>, vector<16xf32>, vector<16xf32>, vector<16xf32>, vector<16xf32>, vector<16xf32>, vector<16xf32>, vector<16xf32>, vector<16xf32>, vector<16xf32>, vector<16xf32>, vector<16xf32>, vector<16xf32>, vector<16xf32>
    }
    %scan3A_68 = arith.constant 64 : i32
    %swap3A = arith.constant 0 : i32
    %swap3A_69 = arith.index_cast %swap3A : i32 to index
    %swap3A_70 = arith.constant 0 : index
    %swap3A_71 = tpu.vector_load %arg8[%swap3A_69, %swap3A_70] {strides = array<i32>} : memref<8x256xf32, #tpu.memory_space<vmem>>, vector<1x16xf32>,
    %swap3A_72 = vector.shape_cast %swap3A_71 : vector<1x16xf32> to vector<16xf32>
    %swap3A_73 = vector.shape_cast %scan3A_67#0 : vector<16xf32> to vector<1x16xf32>
    tpu.vector_store %arg8[%swap3A_69, %swap3A_70], %swap3A_73 {strides = array<i32>} : memref<8x256xf32, #tpu.memory_space<vmem>>, vector<1x16xf32>,
    %swap3A_74 = arith.constant 0 : i32
    %swap3A_75 = arith.index_cast %swap3A_74 : i32 to index
    %swap3A_76 = arith.constant 16 : index
    %swap3A_77 = tpu.vector_load %arg8[%swap3A_75, %swap3A_76] {strides = array<i32>} : memref<8x256xf32, #tpu.memory_space<vmem>>, vector<1x16xf32>,
    %swap3A_78 = vector.shape_cast %swap3A_77 : vector<1x16xf32> to vector<16xf32>
    %swap3A_79 = vector.shape_cast %scan3A_67#1 : vector<16xf32> to vector<1x16xf32>
    tpu.vector_store %arg8[%swap3A_75, %swap3A_76], %swap3A_79 {strides = array<i32>} : memref<8x256xf32, #tpu.memory_space<vmem>>, vector<1x16xf32>,
    %swap3A_80 = arith.constant 0 : i32
    %swap3A_81 = arith.index_cast %swap3A_80 : i32 to index
    %swap3A_82 = arith.constant 32 : index
    %swap3A_83 = tpu.vector_load %arg8[%swap3A_81, %swap3A_82] {strides = array<i32>} : memref<8x256xf32, #tpu.memory_space<vmem>>, vector<1x16xf32>,
    %swap3A_84 = vector.shape_cast %swap3A_83 : vector<1x16xf32> to vector<16xf32>
    %swap3A_85 = vector.shape_cast %scan3A_67#2 : vector<16xf32> to vector<1x16xf32>
    tpu.vector_store %arg8[%swap3A_81, %swap3A_82], %swap3A_85 {strides = array<i32>} : memref<8x256xf32, #tpu.memory_space<vmem>>, vector<1x16xf32>,
    %swap3A_86 = arith.constant 0 : i32
    %swap3A_87 = arith.index_cast %swap3A_86 : i32 to index
    %swap3A_88 = arith.constant 48 : index
    %swap3A_89 = tpu.vector_load %arg8[%swap3A_87, %swap3A_88] {strides = array<i32>} : memref<8x256xf32, #tpu.memory_space<vmem>>, vector<1x16xf32>,
    %swap3A_90 = vector.shape_cast %swap3A_89 : vector<1x16xf32> to vector<16xf32>
    %swap3A_91 = vector.shape_cast %scan3A_67#3 : vector<16xf32> to vector<1x16xf32>
    tpu.vector_store %arg8[%swap3A_87, %swap3A_88], %swap3A_91 {strides = array<i32>} : memref<8x256xf32, #tpu.memory_space<vmem>>, vector<1x16xf32>,
    %swap3A_92 = arith.constant 0 : i32
    %swap3A_93 = arith.index_cast %swap3A_92 : i32 to index
    %swap3A_94 = arith.constant 64 : index
    %swap3A_95 = tpu.vector_load %arg8[%swap3A_93, %swap3A_94] {strides = array<i32>} : memref<8x256xf32, #tpu.memory_space<vmem>>, vector<1x16xf32>,
    %swap3A_96 = vector.shape_cast %swap3A_95 : vector<1x16xf32> to vector<16xf32>
    %swap3A_97 = vector.shape_cast %scan3A_67#4 : vector<16xf32> to vector<1x16xf32>
    tpu.vector_store %arg8[%swap3A_93, %swap3A_94], %swap3A_97 {strides = array<i32>} : memref<8x256xf32, #tpu.memory_space<vmem>>, vector<1x16xf32>,
    %swap3A_98 = arith.constant 0 : i32
    %swap3A_99 = arith.index_cast %swap3A_98 : i32 to index
    %swap3A_100 = arith.constant 80 : index
    %swap3A_101 = tpu.vector_load %arg8[%swap3A_99, %swap3A_100] {strides = array<i32>} : memref<8x256xf32, #tpu.memory_space<vmem>>, vector<1x16xf32>,
    %swap3A_102 = vector.shape_cast %swap3A_101 : vector<1x16xf32> to vector<16xf32>
    %swap3A_103 = vector.shape_cast %scan3A_67#5 : vector<16xf32> to vector<1x16xf32>
    tpu.vector_store %arg8[%swap3A_99, %swap3A_100], %swap3A_103 {strides = array<i32>} : memref<8x256xf32, #tpu.memory_space<vmem>>, vector<1x16xf32>,
    %swap3A_104 = arith.constant 0 : i32
    %swap3A_105 = arith.index_cast %swap3A_104 : i32 to index
    %swap3A_106 = arith.constant 96 : index
    %swap3A_107 = tpu.vector_load %arg8[%swap3A_105, %swap3A_106] {strides = array<i32>} : memref<8x256xf32, #tpu.memory_space<vmem>>, vector<1x16xf32>,
    %swap3A_108 = vector.shape_cast %swap3A_107 : vector<1x16xf32> to vector<16xf32>
    %swap3A_109 = vector.shape_cast %scan3A_67#6 : vector<16xf32> to vector<1x16xf32>
    tpu.vector_store %arg8[%swap3A_105, %swap3A_106], %swap3A_109 {strides = array<i32>} : memref<8x256xf32, #tpu.memory_space<vmem>>, vector<1x16xf32>,
    %swap3A_110 = arith.constant 0 : i32
    %swap3A_111 = arith.index_cast %swap3A_110 : i32 to index
    %swap3A_112 = arith.constant 112 : index
    %swap3A_113 = tpu.vector_load %arg8[%swap3A_111, %swap3A_112] {strides = array<i32>} : memref<8x256xf32, #tpu.memory_space<vmem>>, vector<1x16xf32>,
    %swap3A_114 = vector.shape_cast %swap3A_113 : vector<1x16xf32> to vector<16xf32>
    %swap3A_115 = vector.shape_cast %scan3A_67#7 : vector<16xf32> to vector<1x16xf32>
    tpu.vector_store %arg8[%swap3A_111, %swap3A_112], %swap3A_115 {strides = array<i32>} : memref<8x256xf32, #tpu.memory_space<vmem>>, vector<1x16xf32>,
    %swap3A_116 = arith.constant 0 : i32
    %swap3A_117 = arith.index_cast %swap3A_116 : i32 to index
    %swap3A_118 = arith.constant 128 : index
    %swap3A_119 = tpu.vector_load %arg8[%swap3A_117, %swap3A_118] {strides = array<i32>} : memref<8x256xf32, #tpu.memory_space<vmem>>, vector<1x16xf32>,
    %swap3A_120 = vector.shape_cast %swap3A_119 : vector<1x16xf32> to vector<16xf32>
    %swap3A_121 = vector.shape_cast %scan3A_67#8 : vector<16xf32> to vector<1x16xf32>
    tpu.vector_store %arg8[%swap3A_117, %swap3A_118], %swap3A_121 {strides = array<i32>} : memref<8x256xf32, #tpu.memory_space<vmem>>, vector<1x16xf32>,
    %swap3A_122 = arith.constant 0 : i32
    %swap3A_123 = arith.index_cast %swap3A_122 : i32 to index
    %swap3A_124 = arith.constant 144 : index
    %swap3A_125 = tpu.vector_load %arg8[%swap3A_123, %swap3A_124] {strides = array<i32>} : memref<8x256xf32, #tpu.memory_space<vmem>>, vector<1x16xf32>,
    %swap3A_126 = vector.shape_cast %swap3A_125 : vector<1x16xf32> to vector<16xf32>
    %swap3A_127 = vector.shape_cast %scan3A_67#9 : vector<16xf32> to vector<1x16xf32>
    tpu.vector_store %arg8[%swap3A_123, %swap3A_124], %swap3A_127 {strides = array<i32>} : memref<8x256xf32, #tpu.memory_space<vmem>>, vector<1x16xf32>,
    %swap3A_128 = arith.constant 0 : i32
    %swap3A_129 = arith.index_cast %swap3A_128 : i32 to index
    %swap3A_130 = arith.constant 160 : index
    %swap3A_131 = tpu.vector_load %arg8[%swap3A_129, %swap3A_130] {strides = array<i32>} : memref<8x256xf32, #tpu.memory_space<vmem>>, vector<1x16xf32>,
    %swap3A_132 = vector.shape_cast %swap3A_131 : vector<1x16xf32> to vector<16xf32>
    %swap3A_133 = vector.shape_cast %scan3A_67#10 : vector<16xf32> to vector<1x16xf32>
    tpu.vector_store %arg8[%swap3A_129, %swap3A_130], %swap3A_133 {strides = array<i32>} : memref<8x256xf32, #tpu.memory_space<vmem>>, vector<1x16xf32>,
    %swap3A_134 = arith.constant 0 : i32
    %swap3A_135 = arith.index_cast %swap3A_134 : i32 to index
    %swap3A_136 = arith.constant 176 : index
    %swap3A_137 = tpu.vector_load %arg8[%swap3A_135, %swap3A_136] {strides = array<i32>} : memref<8x256xf32, #tpu.memory_space<vmem>>, vector<1x16xf32>,
    %swap3A_138 = vector.shape_cast %swap3A_137 : vector<1x16xf32> to vector<16xf32>
    %swap3A_139 = vector.shape_cast %scan3A_67#11 : vector<16xf32> to vector<1x16xf32>
    tpu.vector_store %arg8[%swap3A_135, %swap3A_136], %swap3A_139 {strides = array<i32>} : memref<8x256xf32, #tpu.memory_space<vmem>>, vector<1x16xf32>,
    %swap3A_140 = arith.constant 0 : i32
    %swap3A_141 = arith.index_cast %swap3A_140 : i32 to index
    %swap3A_142 = arith.constant 192 : index
    %swap3A_143 = tpu.vector_load %arg8[%swap3A_141, %swap3A_142] {strides = array<i32>} : memref<8x256xf32, #tpu.memory_space<vmem>>, vector<1x16xf32>,
    %swap3A_144 = vector.shape_cast %swap3A_143 : vector<1x16xf32> to vector<16xf32>
    %swap3A_145 = vector.shape_cast %scan3A_67#12 : vector<16xf32> to vector<1x16xf32>
    tpu.vector_store %arg8[%swap3A_141, %swap3A_142], %swap3A_145 {strides = array<i32>} : memref<8x256xf32, #tpu.memory_space<vmem>>, vector<1x16xf32>,
    %swap3A_146 = arith.constant 0 : i32
    %swap3A_147 = arith.index_cast %swap3A_146 : i32 to index
    %swap3A_148 = arith.constant 208 : index
    %swap3A_149 = tpu.vector_load %arg8[%swap3A_147, %swap3A_148] {strides = array<i32>} : memref<8x256xf32, #tpu.memory_space<vmem>>, vector<1x16xf32>,
    %swap3A_150 = vector.shape_cast %swap3A_149 : vector<1x16xf32> to vector<16xf32>
    %swap3A_151 = vector.shape_cast %scan3A_67#13 : vector<16xf32> to vector<1x16xf32>
    tpu.vector_store %arg8[%swap3A_147, %swap3A_148], %swap3A_151 {strides = array<i32>} : memref<8x256xf32, #tpu.memory_space<vmem>>, vector<1x16xf32>,
    %swap3A_152 = arith.constant 0 : i32
    %swap3A_153 = arith.index_cast %swap3A_152 : i32 to index
    %swap3A_154 = arith.constant 224 : index
    %swap3A_155 = tpu.vector_load %arg8[%swap3A_153, %swap3A_154] {strides = array<i32>} : memref<8x256xf32, #tpu.memory_space<vmem>>, vector<1x16xf32>,
    %swap3A_156 = vector.shape_cast %swap3A_155 : vector<1x16xf32> to vector<16xf32>
    %swap3A_157 = vector.shape_cast %scan3A_67#14 : vector<16xf32> to vector<1x16xf32>
    tpu.vector_store %arg8[%swap3A_153, %swap3A_154], %swap3A_157 {strides = array<i32>} : memref<8x256xf32, #tpu.memory_space<vmem>>, vector<1x16xf32>,
    %swap3A_158 = arith.constant 0 : i32
    %swap3A_159 = arith.index_cast %swap3A_158 : i32 to index
    %swap3A_160 = arith.constant 240 : index
    %swap3A_161 = tpu.vector_load %arg8[%swap3A_159, %swap3A_160] {strides = array<i32>} : memref<8x256xf32, #tpu.memory_space<vmem>>, vector<1x16xf32>,
    %swap3A_162 = vector.shape_cast %swap3A_161 : vector<1x16xf32> to vector<16xf32>
    %swap3A_163 = vector.shape_cast %scan3A_67#15 : vector<16xf32> to vector<1x16xf32>
    tpu.vector_store %arg8[%swap3A_159, %swap3A_160], %swap3A_163 {strides = array<i32>} : memref<8x256xf32, #tpu.memory_space<vmem>>, vector<1x16xf32>,
    %add3A_164 = arith.constant 1 : i32
    %add3A_165 = arith.addi %add3A_4, %add3A_164 : i32
    %dma_wait3A_166 = arith.constant 0 : i32
    %dma_wait3A_167 = arith.constant 0 : i32
    %dma_wait3A_168 = tpu.memref_slice %arg2[%add3A_165, %dma_wait3A_166, %dma_wait3A_167] : memref<1024x16x1024xf32, #tpu.memory_space<hbm>> -> memref<1x16x1024xf32, #tpu.memory_space<hbm>>
    %dma_wait3A_169 = tpu.memref_squeeze %dma_wait3A_168 : memref<1x16x1024xf32, #tpu.memory_space<hbm>> -> memref<16x1024xf32, #tpu.memory_space<hbm>>
    %dma_wait3A_170 = arith.constant 0 : i32
    %dma_wait3A_171 = arith.constant 0 : i32
    %dma_wait3A_172 = tpu.memref_slice %arg2[%add3A_165, %dma_wait3A_170, %dma_wait3A_171] : memref<1024x16x1024xf32, #tpu.memory_space<hbm>> -> memref<1x16x1024xf32, #tpu.memory_space<hbm>>
    %dma_wait3A_173 = tpu.memref_squeeze %dma_wait3A_172 : memref<1x16x1024xf32, #tpu.memory_space<hbm>> -> memref<16x1024xf32, #tpu.memory_space<hbm>>
    tpu.wait_dma2 semaphore(%arg10 : memref<!tpu.dma_semaphore, #tpu.memory_space<semaphore_mem>>) src(%dma_wait3A_173 : memref<16x1024xf32, #tpu.memory_space<hbm>>) dst(%arg7 : memref<16x1024xf32, #tpu.memory_space<vmem>>)
    %add3A_174 = arith.constant 1 : i32
    %add3A_175 = arith.addi %add3A_4, %add3A_174 : i32
    %add3A_176 = arith.constant 1 : i32
    %add3A_177 = arith.addi %add3A_175, %add3A_176 : i32
    %dma_start3A_178 = arith.constant 0 : i32
    %dma_start3A_179 = arith.constant 0 : i32
    %dma_start3A_180 = tpu.memref_slice %arg2[%add3A_177, %dma_start3A_178, %dma_start3A_179] : memref<1024x16x1024xf32, #tpu.memory_space<hbm>> -> memref<1x16x1024xf32, #tpu.memory_space<hbm>>
    %dma_start3A_181 = tpu.memref_squeeze %dma_start3A_180 : memref<1x16x1024xf32, #tpu.memory_space<hbm>> -> memref<16x1024xf32, #tpu.memory_space<hbm>>
    %dma_start3A_182 = arith.constant 0 : i32
    %dma_start3A_183 = arith.constant 0 : i32
    %dma_start3A_184 = tpu.memref_slice %arg2[%add3A_177, %dma_start3A_182, %dma_start3A_183] : memref<1024x16x1024xf32, #tpu.memory_space<hbm>> -> memref<1x16x1024xf32, #tpu.memory_space<hbm>>
    %dma_start3A_185 = tpu.memref_squeeze %dma_start3A_184 : memref<1x16x1024xf32, #tpu.memory_space<hbm>> -> memref<16x1024xf32, #tpu.memory_space<hbm>>
    tpu.enqueue_dma source(%dma_start3A_185 : memref<16x1024xf32, #tpu.memory_space<hbm>>) target(%arg6 : memref<16x1024xf32, #tpu.memory_space<vmem>>) target_semaphore(%arg9 : memref<!tpu.dma_semaphore, #tpu.memory_space<semaphore_mem>>)
    %broadcast_in_dim3A_186 = arith.constant 0.000000e+00 : f32
    %broadcast_in_dim3A_187 = vector.broadcast %broadcast_in_dim3A_186 : f32 to vector<16xf32>
    %broadcast_in_dim3A_188 = arith.constant 0.000000e+00 : f32
    %broadcast_in_dim3A_189 = vector.broadcast %broadcast_in_dim3A_188 : f32 to vector<16xf32>
    %broadcast_in_dim3A_190 = arith.constant 0.000000e+00 : f32
    %broadcast_in_dim3A_191 = vector.broadcast %broadcast_in_dim3A_190 : f32 to vector<16xf32>
    %broadcast_in_dim3A_192 = arith.constant 0.000000e+00 : f32
    %broadcast_in_dim3A_193 = vector.broadcast %broadcast_in_dim3A_192 : f32 to vector<16xf32>
    %broadcast_in_dim3A_194 = arith.constant 0.000000e+00 : f32
    %broadcast_in_dim3A_195 = vector.broadcast %broadcast_in_dim3A_194 : f32 to vector<16xf32>
    %broadcast_in_dim3A_196 = arith.constant 0.000000e+00 : f32
    %broadcast_in_dim3A_197 = vector.broadcast %broadcast_in_dim3A_196 : f32 to vector<16xf32>
    %broadcast_in_dim3A_198 = arith.constant 0.000000e+00 : f32
    %broadcast_in_dim3A_199 = vector.broadcast %broadcast_in_dim3A_198 : f32 to vector<16xf32>
    %broadcast_in_dim3A_200 = arith.constant 0.000000e+00 : f32
    %broadcast_in_dim3A_201 = vector.broadcast %broadcast_in_dim3A_200 : f32 to vector<16xf32>
    %broadcast_in_dim3A_202 = arith.constant 0.000000e+00 : f32
    %broadcast_in_dim3A_203 = vector.broadcast %broadcast_in_dim3A_202 : f32 to vector<16xf32>
    %broadcast_in_dim3A_204 = arith.constant 0.000000e+00 : f32
    %broadcast_in_dim3A_205 = vector.broadcast %broadcast_in_dim3A_204 : f32 to vector<16xf32>
    %broadcast_in_dim3A_206 = arith.constant 0.000000e+00 : f32
    %broadcast_in_dim3A_207 = vector.broadcast %broadcast_in_dim3A_206 : f32 to vector<16xf32>
    %broadcast_in_dim3A_208 = arith.constant 0.000000e+00 : f32
    %broadcast_in_dim3A_209 = vector.broadcast %broadcast_in_dim3A_208 : f32 to vector<16xf32>
    %broadcast_in_dim3A_210 = arith.constant 0.000000e+00 : f32
    %broadcast_in_dim3A_211 = vector.broadcast %broadcast_in_dim3A_210 : f32 to vector<16xf32>
    %broadcast_in_dim3A_212 = arith.constant 0.000000e+00 : f32
    %broadcast_in_dim3A_213 = vector.broadcast %broadcast_in_dim3A_212 : f32 to vector<16xf32>
    %broadcast_in_dim3A_214 = arith.constant 0.000000e+00 : f32
    %broadcast_in_dim3A_215 = vector.broadcast %broadcast_in_dim3A_214 : f32 to vector<16xf32>
    %broadcast_in_dim3A_216 = arith.constant 0.000000e+00 : f32
    %broadcast_in_dim3A_217 = vector.broadcast %broadcast_in_dim3A_216 : f32 to vector<16xf32>
    %scan3A_218 = arith.constant 0 : i32
    %scan3A_219 = arith.constant 64 : i32
    %scan3A_220 = arith.addi %scan3A_218, %scan3A_219 : i32
    %scan3A_221 = arith.constant 1 : i32
    %scan3A_222:16 = scf.for %scan3A_1246 = %scan3A_218 to %scan3A_220 step %scan3A_221 iter_args(%scan3A_1247 = %broadcast_in_dim3A_187, %scan3A_1248 = %broadcast_in_dim3A_189, %scan3A_1249 = %broadcast_in_dim3A_191, %scan3A_1250 = %broadcast_in_dim3A_193, %scan3A_1251 = %broadcast_in_dim3A_195, %scan3A_1252 = %broadcast_in_dim3A_197, %scan3A_1253 = %broadcast_in_dim3A_199, %scan3A_1254 = %broadcast_in_dim3A_201, %scan3A_1255 = %broadcast_in_dim3A_203, %scan3A_1256 = %broadcast_in_dim3A_205, %scan3A_1257 = %broadcast_in_dim3A_207, %scan3A_1258 = %broadcast_in_dim3A_209, %scan3A_1259 = %broadcast_in_dim3A_211, %scan3A_1260 = %broadcast_in_dim3A_213, %scan3A_1261 = %broadcast_in_dim3A_215, %scan3A_1262 = %broadcast_in_dim3A_217) -> (vector<16xf32>, vector<16xf32>, vector<16xf32>, vector<16xf32>, vector<16xf32>, vector<16xf32>, vector<16xf32>, vector<16xf32>, vector<16xf32>, vector<16xf32>, vector<16xf32>, vector<16xf32>, vector<16xf32>, vector<16xf32>, vector<16xf32>, vector<16xf32>)  : i32 {
      %mul3A_1263 = arith.constant 16 : i32
      %mul3A_1264 = arith.muli %scan3A_1246, %mul3A_1263 : i32
      %get3A = arith.constant 1 : i32
      %get3A_1265 = arith.index_cast %get3A : i32 to index
      %get3A_1266 = arith.index_cast %mul3A_1264 : i32 to index
      %get3A_1267 = tpu.vector_load %arg5[%get3A_1265, %get3A_1266] {strides = array<i32>} : memref<8x1024xf32, #tpu.memory_space<vmem>>, vector<1x16xf32>,
      %get3A_1268 = vector.shape_cast %get3A_1267 : vector<1x16xf32> to vector<16xf32>
      %mul3A_1269 = arith.constant 16 : i32
      %mul3A_1270 = arith.muli %scan3A_1246, %mul3A_1269 : i32
      %get3A_1271 = arith.constant 0 : i32
      %get3A_1272 = arith.index_cast %get3A_1271 : i32 to index
      %get3A_1273 = arith.index_cast %mul3A_1270 : i32 to index
      %get3A_1274 = tpu.vector_load %arg7[%get3A_1272, %get3A_1273] {strides = array<i32>} : memref<16x1024xf32, #tpu.memory_space<vmem>>, vector<1x16xf32>,
      %get3A_1275 = vector.shape_cast %get3A_1274 : vector<1x16xf32> to vector<16xf32>
      %mul3A_1276 = arith.mulf %get3A_1275, %get3A_1268 : vector<16xf32>
      %add3A_1277 = arith.addf %scan3A_1247, %mul3A_1276 : vector<16xf32>
      %mul3A_1278 = arith.constant 16 : i32
      %mul3A_1279 = arith.muli %scan3A_1246, %mul3A_1278 : i32
      %get3A_1280 = arith.constant 1 : i32
      %get3A_1281 = arith.index_cast %get3A_1280 : i32 to index
      %get3A_1282 = arith.index_cast %mul3A_1279 : i32 to index
      %get3A_1283 = tpu.vector_load %arg7[%get3A_1281, %get3A_1282] {strides = array<i32>} : memref<16x1024xf32, #tpu.memory_space<vmem>>, vector<1x16xf32>,
      %get3A_1284 = vector.shape_cast %get3A_1283 : vector<1x16xf32> to vector<16xf32>
      %mul3A_1285 = arith.mulf %get3A_1284, %get3A_1268 : vector<16xf32>
      %add3A_1286 = arith.addf %scan3A_1248, %mul3A_1285 : vector<16xf32>
      %mul3A_1287 = arith.constant 16 : i32
      %mul3A_1288 = arith.muli %scan3A_1246, %mul3A_1287 : i32
      %get3A_1289 = arith.constant 2 : i32
      %get3A_1290 = arith.index_cast %get3A_1289 : i32 to index
      %get3A_1291 = arith.index_cast %mul3A_1288 : i32 to index
      %get3A_1292 = tpu.vector_load %arg7[%get3A_1290, %get3A_1291] {strides = array<i32>} : memref<16x1024xf32, #tpu.memory_space<vmem>>, vector<1x16xf32>,
      %get3A_1293 = vector.shape_cast %get3A_1292 : vector<1x16xf32> to vector<16xf32>
      %mul3A_1294 = arith.mulf %get3A_1293, %get3A_1268 : vector<16xf32>
      %add3A_1295 = arith.addf %scan3A_1249, %mul3A_1294 : vector<16xf32>
      %mul3A_1296 = arith.constant 16 : i32
      %mul3A_1297 = arith.muli %scan3A_1246, %mul3A_1296 : i32
      %get3A_1298 = arith.constant 3 : i32
      %get3A_1299 = arith.index_cast %get3A_1298 : i32 to index
      %get3A_1300 = arith.index_cast %mul3A_1297 : i32 to index
      %get3A_1301 = tpu.vector_load %arg7[%get3A_1299, %get3A_1300] {strides = array<i32>} : memref<16x1024xf32, #tpu.memory_space<vmem>>, vector<1x16xf32>,
      %get3A_1302 = vector.shape_cast %get3A_1301 : vector<1x16xf32> to vector<16xf32>
      %mul3A_1303 = arith.mulf %get3A_1302, %get3A_1268 : vector<16xf32>
      %add3A_1304 = arith.addf %scan3A_1250, %mul3A_1303 : vector<16xf32>
      %mul3A_1305 = arith.constant 16 : i32
      %mul3A_1306 = arith.muli %scan3A_1246, %mul3A_1305 : i32
      %get3A_1307 = arith.constant 4 : i32
      %get3A_1308 = arith.index_cast %get3A_1307 : i32 to index
      %get3A_1309 = arith.index_cast %mul3A_1306 : i32 to index
      %get3A_1310 = tpu.vector_load %arg7[%get3A_1308, %get3A_1309] {strides = array<i32>} : memref<16x1024xf32, #tpu.memory_space<vmem>>, vector<1x16xf32>,
      %get3A_1311 = vector.shape_cast %get3A_1310 : vector<1x16xf32> to vector<16xf32>
      %mul3A_1312 = arith.mulf %get3A_1311, %get3A_1268 : vector<16xf32>
      %add3A_1313 = arith.addf %scan3A_1251, %mul3A_1312 : vector<16xf32>
      %mul3A_1314 = arith.constant 16 : i32
      %mul3A_1315 = arith.muli %scan3A_1246, %mul3A_1314 : i32
      %get3A_1316 = arith.constant 5 : i32
      %get3A_1317 = arith.index_cast %get3A_1316 : i32 to index
      %get3A_1318 = arith.index_cast %mul3A_1315 : i32 to index
      %get3A_1319 = tpu.vector_load %arg7[%get3A_1317, %get3A_1318] {strides = array<i32>} : memref<16x1024xf32, #tpu.memory_space<vmem>>, vector<1x16xf32>,
      %get3A_1320 = vector.shape_cast %get3A_1319 : vector<1x16xf32> to vector<16xf32>
      %mul3A_1321 = arith.mulf %get3A_1320, %get3A_1268 : vector<16xf32>
      %add3A_1322 = arith.addf %scan3A_1252, %mul3A_1321 : vector<16xf32>
      %mul3A_1323 = arith.constant 16 : i32
      %mul3A_1324 = arith.muli %scan3A_1246, %mul3A_1323 : i32
      %get3A_1325 = arith.constant 6 : i32
      %get3A_1326 = arith.index_cast %get3A_1325 : i32 to index
      %get3A_1327 = arith.index_cast %mul3A_1324 : i32 to index
      %get3A_1328 = tpu.vector_load %arg7[%get3A_1326, %get3A_1327] {strides = array<i32>} : memref<16x1024xf32, #tpu.memory_space<vmem>>, vector<1x16xf32>,
      %get3A_1329 = vector.shape_cast %get3A_1328 : vector<1x16xf32> to vector<16xf32>
      %mul3A_1330 = arith.mulf %get3A_1329, %get3A_1268 : vector<16xf32>
      %add3A_1331 = arith.addf %scan3A_1253, %mul3A_1330 : vector<16xf32>
      %mul3A_1332 = arith.constant 16 : i32
      %mul3A_1333 = arith.muli %scan3A_1246, %mul3A_1332 : i32
      %get3A_1334 = arith.constant 7 : i32
      %get3A_1335 = arith.index_cast %get3A_1334 : i32 to index
      %get3A_1336 = arith.index_cast %mul3A_1333 : i32 to index
      %get3A_1337 = tpu.vector_load %arg7[%get3A_1335, %get3A_1336] {strides = array<i32>} : memref<16x1024xf32, #tpu.memory_space<vmem>>, vector<1x16xf32>,
      %get3A_1338 = vector.shape_cast %get3A_1337 : vector<1x16xf32> to vector<16xf32>
      %mul3A_1339 = arith.mulf %get3A_1338, %get3A_1268 : vector<16xf32>
      %add3A_1340 = arith.addf %scan3A_1254, %mul3A_1339 : vector<16xf32>
      %mul3A_1341 = arith.constant 16 : i32
      %mul3A_1342 = arith.muli %scan3A_1246, %mul3A_1341 : i32
      %get3A_1343 = arith.constant 8 : i32
      %get3A_1344 = arith.index_cast %get3A_1343 : i32 to index
      %get3A_1345 = arith.index_cast %mul3A_1342 : i32 to index
      %get3A_1346 = tpu.vector_load %arg7[%get3A_1344, %get3A_1345] {strides = array<i32>} : memref<16x1024xf32, #tpu.memory_space<vmem>>, vector<1x16xf32>,
      %get3A_1347 = vector.shape_cast %get3A_1346 : vector<1x16xf32> to vector<16xf32>
      %mul3A_1348 = arith.mulf %get3A_1347, %get3A_1268 : vector<16xf32>
      %add3A_1349 = arith.addf %scan3A_1255, %mul3A_1348 : vector<16xf32>
      %mul3A_1350 = arith.constant 16 : i32
      %mul3A_1351 = arith.muli %scan3A_1246, %mul3A_1350 : i32
      %get3A_1352 = arith.constant 9 : i32
      %get3A_1353 = arith.index_cast %get3A_1352 : i32 to index
      %get3A_1354 = arith.index_cast %mul3A_1351 : i32 to index
      %get3A_1355 = tpu.vector_load %arg7[%get3A_1353, %get3A_1354] {strides = array<i32>} : memref<16x1024xf32, #tpu.memory_space<vmem>>, vector<1x16xf32>,
      %get3A_1356 = vector.shape_cast %get3A_1355 : vector<1x16xf32> to vector<16xf32>
      %mul3A_1357 = arith.mulf %get3A_1356, %get3A_1268 : vector<16xf32>
      %add3A_1358 = arith.addf %scan3A_1256, %mul3A_1357 : vector<16xf32>
      %mul3A_1359 = arith.constant 16 : i32
      %mul3A_1360 = arith.muli %scan3A_1246, %mul3A_1359 : i32
      %get3A_1361 = arith.constant 10 : i32
      %get3A_1362 = arith.index_cast %get3A_1361 : i32 to index
      %get3A_1363 = arith.index_cast %mul3A_1360 : i32 to index
      %get3A_1364 = tpu.vector_load %arg7[%get3A_1362, %get3A_1363] {strides = array<i32>} : memref<16x1024xf32, #tpu.memory_space<vmem>>, vector<1x16xf32>,
      %get3A_1365 = vector.shape_cast %get3A_1364 : vector<1x16xf32> to vector<16xf32>
      %mul3A_1366 = arith.mulf %get3A_1365, %get3A_1268 : vector<16xf32>
      %add3A_1367 = arith.addf %scan3A_1257, %mul3A_1366 : vector<16xf32>
      %mul3A_1368 = arith.constant 16 : i32
      %mul3A_1369 = arith.muli %scan3A_1246, %mul3A_1368 : i32
      %get3A_1370 = arith.constant 11 : i32
      %get3A_1371 = arith.index_cast %get3A_1370 : i32 to index
      %get3A_1372 = arith.index_cast %mul3A_1369 : i32 to index
      %get3A_1373 = tpu.vector_load %arg7[%get3A_1371, %get3A_1372] {strides = array<i32>} : memref<16x1024xf32, #tpu.memory_space<vmem>>, vector<1x16xf32>,
      %get3A_1374 = vector.shape_cast %get3A_1373 : vector<1x16xf32> to vector<16xf32>
      %mul3A_1375 = arith.mulf %get3A_1374, %get3A_1268 : vector<16xf32>
      %add3A_1376 = arith.addf %scan3A_1258, %mul3A_1375 : vector<16xf32>
      %mul3A_1377 = arith.constant 16 : i32
      %mul3A_1378 = arith.muli %scan3A_1246, %mul3A_1377 : i32
      %get3A_1379 = arith.constant 12 : i32
      %get3A_1380 = arith.index_cast %get3A_1379 : i32 to index
      %get3A_1381 = arith.index_cast %mul3A_1378 : i32 to index
      %get3A_1382 = tpu.vector_load %arg7[%get3A_1380, %get3A_1381] {strides = array<i32>} : memref<16x1024xf32, #tpu.memory_space<vmem>>, vector<1x16xf32>,
      %get3A_1383 = vector.shape_cast %get3A_1382 : vector<1x16xf32> to vector<16xf32>
      %mul3A_1384 = arith.mulf %get3A_1383, %get3A_1268 : vector<16xf32>
      %add3A_1385 = arith.addf %scan3A_1259, %mul3A_1384 : vector<16xf32>
      %mul3A_1386 = arith.constant 16 : i32
      %mul3A_1387 = arith.muli %scan3A_1246, %mul3A_1386 : i32
      %get3A_1388 = arith.constant 13 : i32
      %get3A_1389 = arith.index_cast %get3A_1388 : i32 to index
      %get3A_1390 = arith.index_cast %mul3A_1387 : i32 to index
      %get3A_1391 = tpu.vector_load %arg7[%get3A_1389, %get3A_1390] {strides = array<i32>} : memref<16x1024xf32, #tpu.memory_space<vmem>>, vector<1x16xf32>,
      %get3A_1392 = vector.shape_cast %get3A_1391 : vector<1x16xf32> to vector<16xf32>
      %mul3A_1393 = arith.mulf %get3A_1392, %get3A_1268 : vector<16xf32>
      %add3A_1394 = arith.addf %scan3A_1260, %mul3A_1393 : vector<16xf32>
      %mul3A_1395 = arith.constant 16 : i32
      %mul3A_1396 = arith.muli %scan3A_1246, %mul3A_1395 : i32
      %get3A_1397 = arith.constant 14 : i32
      %get3A_1398 = arith.index_cast %get3A_1397 : i32 to index
      %get3A_1399 = arith.index_cast %mul3A_1396 : i32 to index
      %get3A_1400 = tpu.vector_load %arg7[%get3A_1398, %get3A_1399] {strides = array<i32>} : memref<16x1024xf32, #tpu.memory_space<vmem>>, vector<1x16xf32>,
      %get3A_1401 = vector.shape_cast %get3A_1400 : vector<1x16xf32> to vector<16xf32>
      %mul3A_1402 = arith.mulf %get3A_1401, %get3A_1268 : vector<16xf32>
      %add3A_1403 = arith.addf %scan3A_1261, %mul3A_1402 : vector<16xf32>
      %mul3A_1404 = arith.constant 16 : i32
      %mul3A_1405 = arith.muli %scan3A_1246, %mul3A_1404 : i32
      %get3A_1406 = arith.constant 15 : i32
      %get3A_1407 = arith.index_cast %get3A_1406 : i32 to index
      %get3A_1408 = arith.index_cast %mul3A_1405 : i32 to index
      %get3A_1409 = tpu.vector_load %arg7[%get3A_1407, %get3A_1408] {strides = array<i32>} : memref<16x1024xf32, #tpu.memory_space<vmem>>, vector<1x16xf32>,
      %get3A_1410 = vector.shape_cast %get3A_1409 : vector<1x16xf32> to vector<16xf32>
      %mul3A_1411 = arith.mulf %get3A_1410, %get3A_1268 : vector<16xf32>
      %add3A_1412 = arith.addf %scan3A_1262, %mul3A_1411 : vector<16xf32>
      scf.yield %add3A_1277, %add3A_1286, %add3A_1295, %add3A_1304, %add3A_1313, %add3A_1322, %add3A_1331, %add3A_1340, %add3A_1349, %add3A_1358, %add3A_1367, %add3A_1376, %add3A_1385, %add3A_1394, %add3A_1403, %add3A_1412 : vector<16xf32>, vector<16xf32>, vector<16xf32>, vector<16xf32>, vector<16xf32>, vector<16xf32>, vector<16xf32>, vector<16xf32>, vector<16xf32>, vector<16xf32>, vector<16xf32>, vector<16xf32>, vector<16xf32>, vector<16xf32>, vector<16xf32>, vector<16xf32>
    }
    %scan3A_223 = arith.constant 64 : i32
    %swap3A_224 = arith.constant 1 : i32
    %swap3A_225 = arith.index_cast %swap3A_224 : i32 to index
    %swap3A_226 = arith.constant 0 : index
    %swap3A_227 = tpu.vector_load %arg8[%swap3A_225, %swap3A_226] {strides = array<i32>} : memref<8x256xf32, #tpu.memory_space<vmem>>, vector<1x16xf32>,
    %swap3A_228 = vector.shape_cast %swap3A_227 : vector<1x16xf32> to vector<16xf32>
    %swap3A_229 = vector.shape_cast %scan3A_222#0 : vector<16xf32> to vector<1x16xf32>
    tpu.vector_store %arg8[%swap3A_225, %swap3A_226], %swap3A_229 {strides = array<i32>} : memref<8x256xf32, #tpu.memory_space<vmem>>, vector<1x16xf32>,
    %swap3A_230 = arith.constant 1 : i32
    %swap3A_231 = arith.index_cast %swap3A_230 : i32 to index
    %swap3A_232 = arith.constant 16 : index
    %swap3A_233 = tpu.vector_load %arg8[%swap3A_231, %swap3A_232] {strides = array<i32>} : memref<8x256xf32, #tpu.memory_space<vmem>>, vector<1x16xf32>,
    %swap3A_234 = vector.shape_cast %swap3A_233 : vector<1x16xf32> to vector<16xf32>
    %swap3A_235 = vector.shape_cast %scan3A_222#1 : vector<16xf32> to vector<1x16xf32>
    tpu.vector_store %arg8[%swap3A_231, %swap3A_232], %swap3A_235 {strides = array<i32>} : memref<8x256xf32, #tpu.memory_space<vmem>>, vector<1x16xf32>,
    %swap3A_236 = arith.constant 1 : i32
    %swap3A_237 = arith.index_cast %swap3A_236 : i32 to index
    %swap3A_238 = arith.constant 32 : index
    %swap3A_239 = tpu.vector_load %arg8[%swap3A_237, %swap3A_238] {strides = array<i32>} : memref<8x256xf32, #tpu.memory_space<vmem>>, vector<1x16xf32>,
    %swap3A_240 = vector.shape_cast %swap3A_239 : vector<1x16xf32> to vector<16xf32>
    %swap3A_241 = vector.shape_cast %scan3A_222#2 : vector<16xf32> to vector<1x16xf32>
    tpu.vector_store %arg8[%swap3A_237, %swap3A_238], %swap3A_241 {strides = array<i32>} : memref<8x256xf32, #tpu.memory_space<vmem>>, vector<1x16xf32>,
    %swap3A_242 = arith.constant 1 : i32
    %swap3A_243 = arith.index_cast %swap3A_242 : i32 to index
    %swap3A_244 = arith.constant 48 : index
    %swap3A_245 = tpu.vector_load %arg8[%swap3A_243, %swap3A_244] {strides = array<i32>} : memref<8x256xf32, #tpu.memory_space<vmem>>, vector<1x16xf32>,
    %swap3A_246 = vector.shape_cast %swap3A_245 : vector<1x16xf32> to vector<16xf32>
    %swap3A_247 = vector.shape_cast %scan3A_222#3 : vector<16xf32> to vector<1x16xf32>
    tpu.vector_store %arg8[%swap3A_243, %swap3A_244], %swap3A_247 {strides = array<i32>} : memref<8x256xf32, #tpu.memory_space<vmem>>, vector<1x16xf32>,
    %swap3A_248 = arith.constant 1 : i32
    %swap3A_249 = arith.index_cast %swap3A_248 : i32 to index
    %swap3A_250 = arith.constant 64 : index
    %swap3A_251 = tpu.vector_load %arg8[%swap3A_249, %swap3A_250] {strides = array<i32>} : memref<8x256xf32, #tpu.memory_space<vmem>>, vector<1x16xf32>,
    %swap3A_252 = vector.shape_cast %swap3A_251 : vector<1x16xf32> to vector<16xf32>
    %swap3A_253 = vector.shape_cast %scan3A_222#4 : vector<16xf32> to vector<1x16xf32>
    tpu.vector_store %arg8[%swap3A_249, %swap3A_250], %swap3A_253 {strides = array<i32>} : memref<8x256xf32, #tpu.memory_space<vmem>>, vector<1x16xf32>,
    %swap3A_254 = arith.constant 1 : i32
    %swap3A_255 = arith.index_cast %swap3A_254 : i32 to index
    %swap3A_256 = arith.constant 80 : index
    %swap3A_257 = tpu.vector_load %arg8[%swap3A_255, %swap3A_256] {strides = array<i32>} : memref<8x256xf32, #tpu.memory_space<vmem>>, vector<1x16xf32>,
    %swap3A_258 = vector.shape_cast %swap3A_257 : vector<1x16xf32> to vector<16xf32>
    %swap3A_259 = vector.shape_cast %scan3A_222#5 : vector<16xf32> to vector<1x16xf32>
    tpu.vector_store %arg8[%swap3A_255, %swap3A_256], %swap3A_259 {strides = array<i32>} : memref<8x256xf32, #tpu.memory_space<vmem>>, vector<1x16xf32>,
    %swap3A_260 = arith.constant 1 : i32
    %swap3A_261 = arith.index_cast %swap3A_260 : i32 to index
    %swap3A_262 = arith.constant 96 : index
    %swap3A_263 = tpu.vector_load %arg8[%swap3A_261, %swap3A_262] {strides = array<i32>} : memref<8x256xf32, #tpu.memory_space<vmem>>, vector<1x16xf32>,
    %swap3A_264 = vector.shape_cast %swap3A_263 : vector<1x16xf32> to vector<16xf32>
    %swap3A_265 = vector.shape_cast %scan3A_222#6 : vector<16xf32> to vector<1x16xf32>
    tpu.vector_store %arg8[%swap3A_261, %swap3A_262], %swap3A_265 {strides = array<i32>} : memref<8x256xf32, #tpu.memory_space<vmem>>, vector<1x16xf32>,
    %swap3A_266 = arith.constant 1 : i32
    %swap3A_267 = arith.index_cast %swap3A_266 : i32 to index
    %swap3A_268 = arith.constant 112 : index
    %swap3A_269 = tpu.vector_load %arg8[%swap3A_267, %swap3A_268] {strides = array<i32>} : memref<8x256xf32, #tpu.memory_space<vmem>>, vector<1x16xf32>,
    %swap3A_270 = vector.shape_cast %swap3A_269 : vector<1x16xf32> to vector<16xf32>
    %swap3A_271 = vector.shape_cast %scan3A_222#7 : vector<16xf32> to vector<1x16xf32>
    tpu.vector_store %arg8[%swap3A_267, %swap3A_268], %swap3A_271 {strides = array<i32>} : memref<8x256xf32, #tpu.memory_space<vmem>>, vector<1x16xf32>,
    %swap3A_272 = arith.constant 1 : i32
    %swap3A_273 = arith.index_cast %swap3A_272 : i32 to index
    %swap3A_274 = arith.constant 128 : index
    %swap3A_275 = tpu.vector_load %arg8[%swap3A_273, %swap3A_274] {strides = array<i32>} : memref<8x256xf32, #tpu.memory_space<vmem>>, vector<1x16xf32>,
    %swap3A_276 = vector.shape_cast %swap3A_275 : vector<1x16xf32> to vector<16xf32>
    %swap3A_277 = vector.shape_cast %scan3A_222#8 : vector<16xf32> to vector<1x16xf32>
    tpu.vector_store %arg8[%swap3A_273, %swap3A_274], %swap3A_277 {strides = array<i32>} : memref<8x256xf32, #tpu.memory_space<vmem>>, vector<1x16xf32>,
    %swap3A_278 = arith.constant 1 : i32
    %swap3A_279 = arith.index_cast %swap3A_278 : i32 to index
    %swap3A_280 = arith.constant 144 : index
    %swap3A_281 = tpu.vector_load %arg8[%swap3A_279, %swap3A_280] {strides = array<i32>} : memref<8x256xf32, #tpu.memory_space<vmem>>, vector<1x16xf32>,
    %swap3A_282 = vector.shape_cast %swap3A_281 : vector<1x16xf32> to vector<16xf32>
    %swap3A_283 = vector.shape_cast %scan3A_222#9 : vector<16xf32> to vector<1x16xf32>
    tpu.vector_store %arg8[%swap3A_279, %swap3A_280], %swap3A_283 {strides = array<i32>} : memref<8x256xf32, #tpu.memory_space<vmem>>, vector<1x16xf32>,
    %swap3A_284 = arith.constant 1 : i32
    %swap3A_285 = arith.index_cast %swap3A_284 : i32 to index
    %swap3A_286 = arith.constant 160 : index
    %swap3A_287 = tpu.vector_load %arg8[%swap3A_285, %swap3A_286] {strides = array<i32>} : memref<8x256xf32, #tpu.memory_space<vmem>>, vector<1x16xf32>,
    %swap3A_288 = vector.shape_cast %swap3A_287 : vector<1x16xf32> to vector<16xf32>
    %swap3A_289 = vector.shape_cast %scan3A_222#10 : vector<16xf32> to vector<1x16xf32>
    tpu.vector_store %arg8[%swap3A_285, %swap3A_286], %swap3A_289 {strides = array<i32>} : memref<8x256xf32, #tpu.memory_space<vmem>>, vector<1x16xf32>,
    %swap3A_290 = arith.constant 1 : i32
    %swap3A_291 = arith.index_cast %swap3A_290 : i32 to index
    %swap3A_292 = arith.constant 176 : index
    %swap3A_293 = tpu.vector_load %arg8[%swap3A_291, %swap3A_292] {strides = array<i32>} : memref<8x256xf32, #tpu.memory_space<vmem>>, vector<1x16xf32>,
    %swap3A_294 = vector.shape_cast %swap3A_293 : vector<1x16xf32> to vector<16xf32>
    %swap3A_295 = vector.shape_cast %scan3A_222#11 : vector<16xf32> to vector<1x16xf32>
    tpu.vector_store %arg8[%swap3A_291, %swap3A_292], %swap3A_295 {strides = array<i32>} : memref<8x256xf32, #tpu.memory_space<vmem>>, vector<1x16xf32>,
    %swap3A_296 = arith.constant 1 : i32
    %swap3A_297 = arith.index_cast %swap3A_296 : i32 to index
    %swap3A_298 = arith.constant 192 : index
    %swap3A_299 = tpu.vector_load %arg8[%swap3A_297, %swap3A_298] {strides = array<i32>} : memref<8x256xf32, #tpu.memory_space<vmem>>, vector<1x16xf32>,
    %swap3A_300 = vector.shape_cast %swap3A_299 : vector<1x16xf32> to vector<16xf32>
    %swap3A_301 = vector.shape_cast %scan3A_222#12 : vector<16xf32> to vector<1x16xf32>
    tpu.vector_store %arg8[%swap3A_297, %swap3A_298], %swap3A_301 {strides = array<i32>} : memref<8x256xf32, #tpu.memory_space<vmem>>, vector<1x16xf32>,
    %swap3A_302 = arith.constant 1 : i32
    %swap3A_303 = arith.index_cast %swap3A_302 : i32 to index
    %swap3A_304 = arith.constant 208 : index
    %swap3A_305 = tpu.vector_load %arg8[%swap3A_303, %swap3A_304] {strides = array<i32>} : memref<8x256xf32, #tpu.memory_space<vmem>>, vector<1x16xf32>,
    %swap3A_306 = vector.shape_cast %swap3A_305 : vector<1x16xf32> to vector<16xf32>
    %swap3A_307 = vector.shape_cast %scan3A_222#13 : vector<16xf32> to vector<1x16xf32>
    tpu.vector_store %arg8[%swap3A_303, %swap3A_304], %swap3A_307 {strides = array<i32>} : memref<8x256xf32, #tpu.memory_space<vmem>>, vector<1x16xf32>,
    %swap3A_308 = arith.constant 1 : i32
    %swap3A_309 = arith.index_cast %swap3A_308 : i32 to index
    %swap3A_310 = arith.constant 224 : index
    %swap3A_311 = tpu.vector_load %arg8[%swap3A_309, %swap3A_310] {strides = array<i32>} : memref<8x256xf32, #tpu.memory_space<vmem>>, vector<1x16xf32>,
    %swap3A_312 = vector.shape_cast %swap3A_311 : vector<1x16xf32> to vector<16xf32>
    %swap3A_313 = vector.shape_cast %scan3A_222#14 : vector<16xf32> to vector<1x16xf32>
    tpu.vector_store %arg8[%swap3A_309, %swap3A_310], %swap3A_313 {strides = array<i32>} : memref<8x256xf32, #tpu.memory_space<vmem>>, vector<1x16xf32>,
    %swap3A_314 = arith.constant 1 : i32
    %swap3A_315 = arith.index_cast %swap3A_314 : i32 to index
    %swap3A_316 = arith.constant 240 : index
    %swap3A_317 = tpu.vector_load %arg8[%swap3A_315, %swap3A_316] {strides = array<i32>} : memref<8x256xf32, #tpu.memory_space<vmem>>, vector<1x16xf32>,
    %swap3A_318 = vector.shape_cast %swap3A_317 : vector<1x16xf32> to vector<16xf32>
    %swap3A_319 = vector.shape_cast %scan3A_222#15 : vector<16xf32> to vector<1x16xf32>
    tpu.vector_store %arg8[%swap3A_315, %swap3A_316], %swap3A_319 {strides = array<i32>} : memref<8x256xf32, #tpu.memory_space<vmem>>, vector<1x16xf32>,
    %add3A_320 = arith.constant 2 : i32
    %add3A_321 = arith.addi %add3A_4, %add3A_320 : i32
    %dma_wait3A_322 = arith.constant 0 : i32
    %dma_wait3A_323 = arith.constant 0 : i32
    %dma_wait3A_324 = tpu.memref_slice %arg2[%add3A_321, %dma_wait3A_322, %dma_wait3A_323] : memref<1024x16x1024xf32, #tpu.memory_space<hbm>> -> memref<1x16x1024xf32, #tpu.memory_space<hbm>>
    %dma_wait3A_325 = tpu.memref_squeeze %dma_wait3A_324 : memref<1x16x1024xf32, #tpu.memory_space<hbm>> -> memref<16x1024xf32, #tpu.memory_space<hbm>>
    %dma_wait3A_326 = arith.constant 0 : i32
    %dma_wait3A_327 = arith.constant 0 : i32
    %dma_wait3A_328 = tpu.memref_slice %arg2[%add3A_321, %dma_wait3A_326, %dma_wait3A_327] : memref<1024x16x1024xf32, #tpu.memory_space<hbm>> -> memref<1x16x1024xf32, #tpu.memory_space<hbm>>
    %dma_wait3A_329 = tpu.memref_squeeze %dma_wait3A_328 : memref<1x16x1024xf32, #tpu.memory_space<hbm>> -> memref<16x1024xf32, #tpu.memory_space<hbm>>
    tpu.wait_dma2 semaphore(%arg9 : memref<!tpu.dma_semaphore, #tpu.memory_space<semaphore_mem>>) src(%dma_wait3A_329 : memref<16x1024xf32, #tpu.memory_space<hbm>>) dst(%arg6 : memref<16x1024xf32, #tpu.memory_space<vmem>>)
    %add3A_330 = arith.constant 2 : i32
    %add3A_331 = arith.addi %add3A_4, %add3A_330 : i32
    %add3A_332 = arith.constant 1 : i32
    %add3A_333 = arith.addi %add3A_331, %add3A_332 : i32
    %dma_start3A_334 = arith.constant 0 : i32
    %dma_start3A_335 = arith.constant 0 : i32
    %dma_start3A_336 = tpu.memref_slice %arg2[%add3A_333, %dma_start3A_334, %dma_start3A_335] : memref<1024x16x1024xf32, #tpu.memory_space<hbm>> -> memref<1x16x1024xf32, #tpu.memory_space<hbm>>
    %dma_start3A_337 = tpu.memref_squeeze %dma_start3A_336 : memref<1x16x1024xf32, #tpu.memory_space<hbm>> -> memref<16x1024xf32, #tpu.memory_space<hbm>>
    %dma_start3A_338 = arith.constant 0 : i32
    %dma_start3A_339 = arith.constant 0 : i32
    %dma_start3A_340 = tpu.memref_slice %arg2[%add3A_333, %dma_start3A_338, %dma_start3A_339] : memref<1024x16x1024xf32, #tpu.memory_space<hbm>> -> memref<1x16x1024xf32, #tpu.memory_space<hbm>>
    %dma_start3A_341 = tpu.memref_squeeze %dma_start3A_340 : memref<1x16x1024xf32, #tpu.memory_space<hbm>> -> memref<16x1024xf32, #tpu.memory_space<hbm>>
    tpu.enqueue_dma source(%dma_start3A_341 : memref<16x1024xf32, #tpu.memory_space<hbm>>) target(%arg7 : memref<16x1024xf32, #tpu.memory_space<vmem>>) target_semaphore(%arg10 : memref<!tpu.dma_semaphore, #tpu.memory_space<semaphore_mem>>)
    %broadcast_in_dim3A_342 = arith.constant 0.000000e+00 : f32
    %broadcast_in_dim3A_343 = vector.broadcast %broadcast_in_dim3A_342 : f32 to vector<16xf32>
    %broadcast_in_dim3A_344 = arith.constant 0.000000e+00 : f32
    %broadcast_in_dim3A_345 = vector.broadcast %broadcast_in_dim3A_344 : f32 to vector<16xf32>
    %broadcast_in_dim3A_346 = arith.constant 0.000000e+00 : f32
    %broadcast_in_dim3A_347 = vector.broadcast %broadcast_in_dim3A_346 : f32 to vector<16xf32>
    %broadcast_in_dim3A_348 = arith.constant 0.000000e+00 : f32
    %broadcast_in_dim3A_349 = vector.broadcast %broadcast_in_dim3A_348 : f32 to vector<16xf32>
    %broadcast_in_dim3A_350 = arith.constant 0.000000e+00 : f32
    %broadcast_in_dim3A_351 = vector.broadcast %broadcast_in_dim3A_350 : f32 to vector<16xf32>
    %broadcast_in_dim3A_352 = arith.constant 0.000000e+00 : f32
    %broadcast_in_dim3A_353 = vector.broadcast %broadcast_in_dim3A_352 : f32 to vector<16xf32>
    %broadcast_in_dim3A_354 = arith.constant 0.000000e+00 : f32
    %broadcast_in_dim3A_355 = vector.broadcast %broadcast_in_dim3A_354 : f32 to vector<16xf32>
    %broadcast_in_dim3A_356 = arith.constant 0.000000e+00 : f32
    %broadcast_in_dim3A_357 = vector.broadcast %broadcast_in_dim3A_356 : f32 to vector<16xf32>
    %broadcast_in_dim3A_358 = arith.constant 0.000000e+00 : f32
    %broadcast_in_dim3A_359 = vector.broadcast %broadcast_in_dim3A_358 : f32 to vector<16xf32>
    %broadcast_in_dim3A_360 = arith.constant 0.000000e+00 : f32
    %broadcast_in_dim3A_361 = vector.broadcast %broadcast_in_dim3A_360 : f32 to vector<16xf32>
    %broadcast_in_dim3A_362 = arith.constant 0.000000e+00 : f32
    %broadcast_in_dim3A_363 = vector.broadcast %broadcast_in_dim3A_362 : f32 to vector<16xf32>
    %broadcast_in_dim3A_364 = arith.constant 0.000000e+00 : f32
    %broadcast_in_dim3A_365 = vector.broadcast %broadcast_in_dim3A_364 : f32 to vector<16xf32>
    %broadcast_in_dim3A_366 = arith.constant 0.000000e+00 : f32
    %broadcast_in_dim3A_367 = vector.broadcast %broadcast_in_dim3A_366 : f32 to vector<16xf32>
    %broadcast_in_dim3A_368 = arith.constant 0.000000e+00 : f32
    %broadcast_in_dim3A_369 = vector.broadcast %broadcast_in_dim3A_368 : f32 to vector<16xf32>
    %broadcast_in_dim3A_370 = arith.constant 0.000000e+00 : f32
    %broadcast_in_dim3A_371 = vector.broadcast %broadcast_in_dim3A_370 : f32 to vector<16xf32>
    %broadcast_in_dim3A_372 = arith.constant 0.000000e+00 : f32
    %broadcast_in_dim3A_373 = vector.broadcast %broadcast_in_dim3A_372 : f32 to vector<16xf32>
    %scan3A_374 = arith.constant 0 : i32
    %scan3A_375 = arith.constant 64 : i32
    %scan3A_376 = arith.addi %scan3A_374, %scan3A_375 : i32
    %scan3A_377 = arith.constant 1 : i32
    %scan3A_378:16 = scf.for %scan3A_1246 = %scan3A_374 to %scan3A_376 step %scan3A_377 iter_args(%scan3A_1247 = %broadcast_in_dim3A_343, %scan3A_1248 = %broadcast_in_dim3A_345, %scan3A_1249 = %broadcast_in_dim3A_347, %scan3A_1250 = %broadcast_in_dim3A_349, %scan3A_1251 = %broadcast_in_dim3A_351, %scan3A_1252 = %broadcast_in_dim3A_353, %scan3A_1253 = %broadcast_in_dim3A_355, %scan3A_1254 = %broadcast_in_dim3A_357, %scan3A_1255 = %broadcast_in_dim3A_359, %scan3A_1256 = %broadcast_in_dim3A_361, %scan3A_1257 = %broadcast_in_dim3A_363, %scan3A_1258 = %broadcast_in_dim3A_365, %scan3A_1259 = %broadcast_in_dim3A_367, %scan3A_1260 = %broadcast_in_dim3A_369, %scan3A_1261 = %broadcast_in_dim3A_371, %scan3A_1262 = %broadcast_in_dim3A_373) -> (vector<16xf32>, vector<16xf32>, vector<16xf32>, vector<16xf32>, vector<16xf32>, vector<16xf32>, vector<16xf32>, vector<16xf32>, vector<16xf32>, vector<16xf32>, vector<16xf32>, vector<16xf32>, vector<16xf32>, vector<16xf32>, vector<16xf32>, vector<16xf32>)  : i32 {
      %mul3A_1263 = arith.constant 16 : i32
      %mul3A_1264 = arith.muli %scan3A_1246, %mul3A_1263 : i32
      %get3A = arith.constant 2 : i32
      %get3A_1265 = arith.index_cast %get3A : i32 to index
      %get3A_1266 = arith.index_cast %mul3A_1264 : i32 to index
      %get3A_1267 = tpu.vector_load %arg5[%get3A_1265, %get3A_1266] {strides = array<i32>} : memref<8x1024xf32, #tpu.memory_space<vmem>>, vector<1x16xf32>,
      %get3A_1268 = vector.shape_cast %get3A_1267 : vector<1x16xf32> to vector<16xf32>
      %mul3A_1269 = arith.constant 16 : i32
      %mul3A_1270 = arith.muli %scan3A_1246, %mul3A_1269 : i32
      %get3A_1271 = arith.constant 0 : i32
      %get3A_1272 = arith.index_cast %get3A_1271 : i32 to index
      %get3A_1273 = arith.index_cast %mul3A_1270 : i32 to index
      %get3A_1274 = tpu.vector_load %arg6[%get3A_1272, %get3A_1273] {strides = array<i32>} : memref<16x1024xf32, #tpu.memory_space<vmem>>, vector<1x16xf32>,
      %get3A_1275 = vector.shape_cast %get3A_1274 : vector<1x16xf32> to vector<16xf32>
      %mul3A_1276 = arith.mulf %get3A_1275, %get3A_1268 : vector<16xf32>
      %add3A_1277 = arith.addf %scan3A_1247, %mul3A_1276 : vector<16xf32>
      %mul3A_1278 = arith.constant 16 : i32
      %mul3A_1279 = arith.muli %scan3A_1246, %mul3A_1278 : i32
      %get3A_1280 = arith.constant 1 : i32
      %get3A_1281 = arith.index_cast %get3A_1280 : i32 to index
      %get3A_1282 = arith.index_cast %mul3A_1279 : i32 to index
      %get3A_1283 = tpu.vector_load %arg6[%get3A_1281, %get3A_1282] {strides = array<i32>} : memref<16x1024xf32, #tpu.memory_space<vmem>>, vector<1x16xf32>,
      %get3A_1284 = vector.shape_cast %get3A_1283 : vector<1x16xf32> to vector<16xf32>
      %mul3A_1285 = arith.mulf %get3A_1284, %get3A_1268 : vector<16xf32>
      %add3A_1286 = arith.addf %scan3A_1248, %mul3A_1285 : vector<16xf32>
      %mul3A_1287 = arith.constant 16 : i32
      %mul3A_1288 = arith.muli %scan3A_1246, %mul3A_1287 : i32
      %get3A_1289 = arith.constant 2 : i32
      %get3A_1290 = arith.index_cast %get3A_1289 : i32 to index
      %get3A_1291 = arith.index_cast %mul3A_1288 : i32 to index
      %get3A_1292 = tpu.vector_load %arg6[%get3A_1290, %get3A_1291] {strides = array<i32>} : memref<16x1024xf32, #tpu.memory_space<vmem>>, vector<1x16xf32>,
      %get3A_1293 = vector.shape_cast %get3A_1292 : vector<1x16xf32> to vector<16xf32>
      %mul3A_1294 = arith.mulf %get3A_1293, %get3A_1268 : vector<16xf32>
      %add3A_1295 = arith.addf %scan3A_1249, %mul3A_1294 : vector<16xf32>
      %mul3A_1296 = arith.constant 16 : i32
      %mul3A_1297 = arith.muli %scan3A_1246, %mul3A_1296 : i32
      %get3A_1298 = arith.constant 3 : i32
      %get3A_1299 = arith.index_cast %get3A_1298 : i32 to index
      %get3A_1300 = arith.index_cast %mul3A_1297 : i32 to index
      %get3A_1301 = tpu.vector_load %arg6[%get3A_1299, %get3A_1300] {strides = array<i32>} : memref<16x1024xf32, #tpu.memory_space<vmem>>, vector<1x16xf32>,
      %get3A_1302 = vector.shape_cast %get3A_1301 : vector<1x16xf32> to vector<16xf32>
      %mul3A_1303 = arith.mulf %get3A_1302, %get3A_1268 : vector<16xf32>
      %add3A_1304 = arith.addf %scan3A_1250, %mul3A_1303 : vector<16xf32>
      %mul3A_1305 = arith.constant 16 : i32
      %mul3A_1306 = arith.muli %scan3A_1246, %mul3A_1305 : i32
      %get3A_1307 = arith.constant 4 : i32
      %get3A_1308 = arith.index_cast %get3A_1307 : i32 to index
      %get3A_1309 = arith.index_cast %mul3A_1306 : i32 to index
      %get3A_1310 = tpu.vector_load %arg6[%get3A_1308, %get3A_1309] {strides = array<i32>} : memref<16x1024xf32, #tpu.memory_space<vmem>>, vector<1x16xf32>,
      %get3A_1311 = vector.shape_cast %get3A_1310 : vector<1x16xf32> to vector<16xf32>
      %mul3A_1312 = arith.mulf %get3A_1311, %get3A_1268 : vector<16xf32>
      %add3A_1313 = arith.addf %scan3A_1251, %mul3A_1312 : vector<16xf32>
      %mul3A_1314 = arith.constant 16 : i32
      %mul3A_1315 = arith.muli %scan3A_1246, %mul3A_1314 : i32
      %get3A_1316 = arith.constant 5 : i32
      %get3A_1317 = arith.index_cast %get3A_1316 : i32 to index
      %get3A_1318 = arith.index_cast %mul3A_1315 : i32 to index
      %get3A_1319 = tpu.vector_load %arg6[%get3A_1317, %get3A_1318] {strides = array<i32>} : memref<16x1024xf32, #tpu.memory_space<vmem>>, vector<1x16xf32>,
      %get3A_1320 = vector.shape_cast %get3A_1319 : vector<1x16xf32> to vector<16xf32>
      %mul3A_1321 = arith.mulf %get3A_1320, %get3A_1268 : vector<16xf32>
      %add3A_1322 = arith.addf %scan3A_1252, %mul3A_1321 : vector<16xf32>
      %mul3A_1323 = arith.constant 16 : i32
      %mul3A_1324 = arith.muli %scan3A_1246, %mul3A_1323 : i32
      %get3A_1325 = arith.constant 6 : i32
      %get3A_1326 = arith.index_cast %get3A_1325 : i32 to index
      %get3A_1327 = arith.index_cast %mul3A_1324 : i32 to index
      %get3A_1328 = tpu.vector_load %arg6[%get3A_1326, %get3A_1327] {strides = array<i32>} : memref<16x1024xf32, #tpu.memory_space<vmem>>, vector<1x16xf32>,
      %get3A_1329 = vector.shape_cast %get3A_1328 : vector<1x16xf32> to vector<16xf32>
      %mul3A_1330 = arith.mulf %get3A_1329, %get3A_1268 : vector<16xf32>
      %add3A_1331 = arith.addf %scan3A_1253, %mul3A_1330 : vector<16xf32>
      %mul3A_1332 = arith.constant 16 : i32
      %mul3A_1333 = arith.muli %scan3A_1246, %mul3A_1332 : i32
      %get3A_1334 = arith.constant 7 : i32
      %get3A_1335 = arith.index_cast %get3A_1334 : i32 to index
      %get3A_1336 = arith.index_cast %mul3A_1333 : i32 to index
      %get3A_1337 = tpu.vector_load %arg6[%get3A_1335, %get3A_1336] {strides = array<i32>} : memref<16x1024xf32, #tpu.memory_space<vmem>>, vector<1x16xf32>,
      %get3A_1338 = vector.shape_cast %get3A_1337 : vector<1x16xf32> to vector<16xf32>
      %mul3A_1339 = arith.mulf %get3A_1338, %get3A_1268 : vector<16xf32>
      %add3A_1340 = arith.addf %scan3A_1254, %mul3A_1339 : vector<16xf32>
      %mul3A_1341 = arith.constant 16 : i32
      %mul3A_1342 = arith.muli %scan3A_1246, %mul3A_1341 : i32
      %get3A_1343 = arith.constant 8 : i32
      %get3A_1344 = arith.index_cast %get3A_1343 : i32 to index
      %get3A_1345 = arith.index_cast %mul3A_1342 : i32 to index
      %get3A_1346 = tpu.vector_load %arg6[%get3A_1344, %get3A_1345] {strides = array<i32>} : memref<16x1024xf32, #tpu.memory_space<vmem>>, vector<1x16xf32>,
      %get3A_1347 = vector.shape_cast %get3A_1346 : vector<1x16xf32> to vector<16xf32>
      %mul3A_1348 = arith.mulf %get3A_1347, %get3A_1268 : vector<16xf32>
      %add3A_1349 = arith.addf %scan3A_1255, %mul3A_1348 : vector<16xf32>
      %mul3A_1350 = arith.constant 16 : i32
      %mul3A_1351 = arith.muli %scan3A_1246, %mul3A_1350 : i32
      %get3A_1352 = arith.constant 9 : i32
      %get3A_1353 = arith.index_cast %get3A_1352 : i32 to index
      %get3A_1354 = arith.index_cast %mul3A_1351 : i32 to index
      %get3A_1355 = tpu.vector_load %arg6[%get3A_1353, %get3A_1354] {strides = array<i32>} : memref<16x1024xf32, #tpu.memory_space<vmem>>, vector<1x16xf32>,
      %get3A_1356 = vector.shape_cast %get3A_1355 : vector<1x16xf32> to vector<16xf32>
      %mul3A_1357 = arith.mulf %get3A_1356, %get3A_1268 : vector<16xf32>
      %add3A_1358 = arith.addf %scan3A_1256, %mul3A_1357 : vector<16xf32>
      %mul3A_1359 = arith.constant 16 : i32
      %mul3A_1360 = arith.muli %scan3A_1246, %mul3A_1359 : i32
      %get3A_1361 = arith.constant 10 : i32
      %get3A_1362 = arith.index_cast %get3A_1361 : i32 to index
      %get3A_1363 = arith.index_cast %mul3A_1360 : i32 to index
      %get3A_1364 = tpu.vector_load %arg6[%get3A_1362, %get3A_1363] {strides = array<i32>} : memref<16x1024xf32, #tpu.memory_space<vmem>>, vector<1x16xf32>,
      %get3A_1365 = vector.shape_cast %get3A_1364 : vector<1x16xf32> to vector<16xf32>
      %mul3A_1366 = arith.mulf %get3A_1365, %get3A_1268 : vector<16xf32>
      %add3A_1367 = arith.addf %scan3A_1257, %mul3A_1366 : vector<16xf32>
      %mul3A_1368 = arith.constant 16 : i32
      %mul3A_1369 = arith.muli %scan3A_1246, %mul3A_1368 : i32
      %get3A_1370 = arith.constant 11 : i32
      %get3A_1371 = arith.index_cast %get3A_1370 : i32 to index
      %get3A_1372 = arith.index_cast %mul3A_1369 : i32 to index
      %get3A_1373 = tpu.vector_load %arg6[%get3A_1371, %get3A_1372] {strides = array<i32>} : memref<16x1024xf32, #tpu.memory_space<vmem>>, vector<1x16xf32>,
      %get3A_1374 = vector.shape_cast %get3A_1373 : vector<1x16xf32> to vector<16xf32>
      %mul3A_1375 = arith.mulf %get3A_1374, %get3A_1268 : vector<16xf32>
      %add3A_1376 = arith.addf %scan3A_1258, %mul3A_1375 : vector<16xf32>
      %mul3A_1377 = arith.constant 16 : i32
      %mul3A_1378 = arith.muli %scan3A_1246, %mul3A_1377 : i32
      %get3A_1379 = arith.constant 12 : i32
      %get3A_1380 = arith.index_cast %get3A_1379 : i32 to index
      %get3A_1381 = arith.index_cast %mul3A_1378 : i32 to index
      %get3A_1382 = tpu.vector_load %arg6[%get3A_1380, %get3A_1381] {strides = array<i32>} : memref<16x1024xf32, #tpu.memory_space<vmem>>, vector<1x16xf32>,
      %get3A_1383 = vector.shape_cast %get3A_1382 : vector<1x16xf32> to vector<16xf32>
      %mul3A_1384 = arith.mulf %get3A_1383, %get3A_1268 : vector<16xf32>
      %add3A_1385 = arith.addf %scan3A_1259, %mul3A_1384 : vector<16xf32>
      %mul3A_1386 = arith.constant 16 : i32
      %mul3A_1387 = arith.muli %scan3A_1246, %mul3A_1386 : i32
      %get3A_1388 = arith.constant 13 : i32
      %get3A_1389 = arith.index_cast %get3A_1388 : i32 to index
      %get3A_1390 = arith.index_cast %mul3A_1387 : i32 to index
      %get3A_1391 = tpu.vector_load %arg6[%get3A_1389, %get3A_1390] {strides = array<i32>} : memref<16x1024xf32, #tpu.memory_space<vmem>>, vector<1x16xf32>,
      %get3A_1392 = vector.shape_cast %get3A_1391 : vector<1x16xf32> to vector<16xf32>
      %mul3A_1393 = arith.mulf %get3A_1392, %get3A_1268 : vector<16xf32>
      %add3A_1394 = arith.addf %scan3A_1260, %mul3A_1393 : vector<16xf32>
      %mul3A_1395 = arith.constant 16 : i32
      %mul3A_1396 = arith.muli %scan3A_1246, %mul3A_1395 : i32
      %get3A_1397 = arith.constant 14 : i32
      %get3A_1398 = arith.index_cast %get3A_1397 : i32 to index
      %get3A_1399 = arith.index_cast %mul3A_1396 : i32 to index
      %get3A_1400 = tpu.vector_load %arg6[%get3A_1398, %get3A_1399] {strides = array<i32>} : memref<16x1024xf32, #tpu.memory_space<vmem>>, vector<1x16xf32>,
      %get3A_1401 = vector.shape_cast %get3A_1400 : vector<1x16xf32> to vector<16xf32>
      %mul3A_1402 = arith.mulf %get3A_1401, %get3A_1268 : vector<16xf32>
      %add3A_1403 = arith.addf %scan3A_1261, %mul3A_1402 : vector<16xf32>
      %mul3A_1404 = arith.constant 16 : i32
      %mul3A_1405 = arith.muli %scan3A_1246, %mul3A_1404 : i32
      %get3A_1406 = arith.constant 15 : i32
      %get3A_1407 = arith.index_cast %get3A_1406 : i32 to index
      %get3A_1408 = arith.index_cast %mul3A_1405 : i32 to index
      %get3A_1409 = tpu.vector_load %arg6[%get3A_1407, %get3A_1408] {strides = array<i32>} : memref<16x1024xf32, #tpu.memory_space<vmem>>, vector<1x16xf32>,
      %get3A_1410 = vector.shape_cast %get3A_1409 : vector<1x16xf32> to vector<16xf32>
      %mul3A_1411 = arith.mulf %get3A_1410, %get3A_1268 : vector<16xf32>
      %add3A_1412 = arith.addf %scan3A_1262, %mul3A_1411 : vector<16xf32>
      scf.yield %add3A_1277, %add3A_1286, %add3A_1295, %add3A_1304, %add3A_1313, %add3A_1322, %add3A_1331, %add3A_1340, %add3A_1349, %add3A_1358, %add3A_1367, %add3A_1376, %add3A_1385, %add3A_1394, %add3A_1403, %add3A_1412 : vector<16xf32>, vector<16xf32>, vector<16xf32>, vector<16xf32>, vector<16xf32>, vector<16xf32>, vector<16xf32>, vector<16xf32>, vector<16xf32>, vector<16xf32>, vector<16xf32>, vector<16xf32>, vector<16xf32>, vector<16xf32>, vector<16xf32>, vector<16xf32>
    }
    %scan3A_379 = arith.constant 64 : i32
    %swap3A_380 = arith.constant 2 : i32
    %swap3A_381 = arith.index_cast %swap3A_380 : i32 to index
    %swap3A_382 = arith.constant 0 : index
    %swap3A_383 = tpu.vector_load %arg8[%swap3A_381, %swap3A_382] {strides = array<i32>} : memref<8x256xf32, #tpu.memory_space<vmem>>, vector<1x16xf32>,
    %swap3A_384 = vector.shape_cast %swap3A_383 : vector<1x16xf32> to vector<16xf32>
    %swap3A_385 = vector.shape_cast %scan3A_378#0 : vector<16xf32> to vector<1x16xf32>
    tpu.vector_store %arg8[%swap3A_381, %swap3A_382], %swap3A_385 {strides = array<i32>} : memref<8x256xf32, #tpu.memory_space<vmem>>, vector<1x16xf32>,
    %swap3A_386 = arith.constant 2 : i32
    %swap3A_387 = arith.index_cast %swap3A_386 : i32 to index
    %swap3A_388 = arith.constant 16 : index
    %swap3A_389 = tpu.vector_load %arg8[%swap3A_387, %swap3A_388] {strides = array<i32>} : memref<8x256xf32, #tpu.memory_space<vmem>>, vector<1x16xf32>,
    %swap3A_390 = vector.shape_cast %swap3A_389 : vector<1x16xf32> to vector<16xf32>
    %swap3A_391 = vector.shape_cast %scan3A_378#1 : vector<16xf32> to vector<1x16xf32>
    tpu.vector_store %arg8[%swap3A_387, %swap3A_388], %swap3A_391 {strides = array<i32>} : memref<8x256xf32, #tpu.memory_space<vmem>>, vector<1x16xf32>,
    %swap3A_392 = arith.constant 2 : i32
    %swap3A_393 = arith.index_cast %swap3A_392 : i32 to index
    %swap3A_394 = arith.constant 32 : index
    %swap3A_395 = tpu.vector_load %arg8[%swap3A_393, %swap3A_394] {strides = array<i32>} : memref<8x256xf32, #tpu.memory_space<vmem>>, vector<1x16xf32>,
    %swap3A_396 = vector.shape_cast %swap3A_395 : vector<1x16xf32> to vector<16xf32>
    %swap3A_397 = vector.shape_cast %scan3A_378#2 : vector<16xf32> to vector<1x16xf32>
    tpu.vector_store %arg8[%swap3A_393, %swap3A_394], %swap3A_397 {strides = array<i32>} : memref<8x256xf32, #tpu.memory_space<vmem>>, vector<1x16xf32>,
    %swap3A_398 = arith.constant 2 : i32
    %swap3A_399 = arith.index_cast %swap3A_398 : i32 to index
    %swap3A_400 = arith.constant 48 : index
    %swap3A_401 = tpu.vector_load %arg8[%swap3A_399, %swap3A_400] {strides = array<i32>} : memref<8x256xf32, #tpu.memory_space<vmem>>, vector<1x16xf32>,
    %swap3A_402 = vector.shape_cast %swap3A_401 : vector<1x16xf32> to vector<16xf32>
    %swap3A_403 = vector.shape_cast %scan3A_378#3 : vector<16xf32> to vector<1x16xf32>
    tpu.vector_store %arg8[%swap3A_399, %swap3A_400], %swap3A_403 {strides = array<i32>} : memref<8x256xf32, #tpu.memory_space<vmem>>, vector<1x16xf32>,
    %swap3A_404 = arith.constant 2 : i32
    %swap3A_405 = arith.index_cast %swap3A_404 : i32 to index
    %swap3A_406 = arith.constant 64 : index
    %swap3A_407 = tpu.vector_load %arg8[%swap3A_405, %swap3A_406] {strides = array<i32>} : memref<8x256xf32, #tpu.memory_space<vmem>>, vector<1x16xf32>,
    %swap3A_408 = vector.shape_cast %swap3A_407 : vector<1x16xf32> to vector<16xf32>
    %swap3A_409 = vector.shape_cast %scan3A_378#4 : vector<16xf32> to vector<1x16xf32>
    tpu.vector_store %arg8[%swap3A_405, %swap3A_406], %swap3A_409 {strides = array<i32>} : memref<8x256xf32, #tpu.memory_space<vmem>>, vector<1x16xf32>,
    %swap3A_410 = arith.constant 2 : i32
    %swap3A_411 = arith.index_cast %swap3A_410 : i32 to index
    %swap3A_412 = arith.constant 80 : index
    %swap3A_413 = tpu.vector_load %arg8[%swap3A_411, %swap3A_412] {strides = array<i32>} : memref<8x256xf32, #tpu.memory_space<vmem>>, vector<1x16xf32>,
    %swap3A_414 = vector.shape_cast %swap3A_413 : vector<1x16xf32> to vector<16xf32>
    %swap3A_415 = vector.shape_cast %scan3A_378#5 : vector<16xf32> to vector<1x16xf32>
    tpu.vector_store %arg8[%swap3A_411, %swap3A_412], %swap3A_415 {strides = array<i32>} : memref<8x256xf32, #tpu.memory_space<vmem>>, vector<1x16xf32>,
    %swap3A_416 = arith.constant 2 : i32
    %swap3A_417 = arith.index_cast %swap3A_416 : i32 to index
    %swap3A_418 = arith.constant 96 : index
    %swap3A_419 = tpu.vector_load %arg8[%swap3A_417, %swap3A_418] {strides = array<i32>} : memref<8x256xf32, #tpu.memory_space<vmem>>, vector<1x16xf32>,
    %swap3A_420 = vector.shape_cast %swap3A_419 : vector<1x16xf32> to vector<16xf32>
    %swap3A_421 = vector.shape_cast %scan3A_378#6 : vector<16xf32> to vector<1x16xf32>
    tpu.vector_store %arg8[%swap3A_417, %swap3A_418], %swap3A_421 {strides = array<i32>} : memref<8x256xf32, #tpu.memory_space<vmem>>, vector<1x16xf32>,
    %swap3A_422 = arith.constant 2 : i32
    %swap3A_423 = arith.index_cast %swap3A_422 : i32 to index
    %swap3A_424 = arith.constant 112 : index
    %swap3A_425 = tpu.vector_load %arg8[%swap3A_423, %swap3A_424] {strides = array<i32>} : memref<8x256xf32, #tpu.memory_space<vmem>>, vector<1x16xf32>,
    %swap3A_426 = vector.shape_cast %swap3A_425 : vector<1x16xf32> to vector<16xf32>
    %swap3A_427 = vector.shape_cast %scan3A_378#7 : vector<16xf32> to vector<1x16xf32>
    tpu.vector_store %arg8[%swap3A_423, %swap3A_424], %swap3A_427 {strides = array<i32>} : memref<8x256xf32, #tpu.memory_space<vmem>>, vector<1x16xf32>,
    %swap3A_428 = arith.constant 2 : i32
    %swap3A_429 = arith.index_cast %swap3A_428 : i32 to index
    %swap3A_430 = arith.constant 128 : index
    %swap3A_431 = tpu.vector_load %arg8[%swap3A_429, %swap3A_430] {strides = array<i32>} : memref<8x256xf32, #tpu.memory_space<vmem>>, vector<1x16xf32>,
    %swap3A_432 = vector.shape_cast %swap3A_431 : vector<1x16xf32> to vector<16xf32>
    %swap3A_433 = vector.shape_cast %scan3A_378#8 : vector<16xf32> to vector<1x16xf32>
    tpu.vector_store %arg8[%swap3A_429, %swap3A_430], %swap3A_433 {strides = array<i32>} : memref<8x256xf32, #tpu.memory_space<vmem>>, vector<1x16xf32>,
    %swap3A_434 = arith.constant 2 : i32
    %swap3A_435 = arith.index_cast %swap3A_434 : i32 to index
    %swap3A_436 = arith.constant 144 : index
    %swap3A_437 = tpu.vector_load %arg8[%swap3A_435, %swap3A_436] {strides = array<i32>} : memref<8x256xf32, #tpu.memory_space<vmem>>, vector<1x16xf32>,
    %swap3A_438 = vector.shape_cast %swap3A_437 : vector<1x16xf32> to vector<16xf32>
    %swap3A_439 = vector.shape_cast %scan3A_378#9 : vector<16xf32> to vector<1x16xf32>
    tpu.vector_store %arg8[%swap3A_435, %swap3A_436], %swap3A_439 {strides = array<i32>} : memref<8x256xf32, #tpu.memory_space<vmem>>, vector<1x16xf32>,
    %swap3A_440 = arith.constant 2 : i32
    %swap3A_441 = arith.index_cast %swap3A_440 : i32 to index
    %swap3A_442 = arith.constant 160 : index
    %swap3A_443 = tpu.vector_load %arg8[%swap3A_441, %swap3A_442] {strides = array<i32>} : memref<8x256xf32, #tpu.memory_space<vmem>>, vector<1x16xf32>,
    %swap3A_444 = vector.shape_cast %swap3A_443 : vector<1x16xf32> to vector<16xf32>
    %swap3A_445 = vector.shape_cast %scan3A_378#10 : vector<16xf32> to vector<1x16xf32>
    tpu.vector_store %arg8[%swap3A_441, %swap3A_442], %swap3A_445 {strides = array<i32>} : memref<8x256xf32, #tpu.memory_space<vmem>>, vector<1x16xf32>,
    %swap3A_446 = arith.constant 2 : i32
    %swap3A_447 = arith.index_cast %swap3A_446 : i32 to index
    %swap3A_448 = arith.constant 176 : index
    %swap3A_449 = tpu.vector_load %arg8[%swap3A_447, %swap3A_448] {strides = array<i32>} : memref<8x256xf32, #tpu.memory_space<vmem>>, vector<1x16xf32>,
    %swap3A_450 = vector.shape_cast %swap3A_449 : vector<1x16xf32> to vector<16xf32>
    %swap3A_451 = vector.shape_cast %scan3A_378#11 : vector<16xf32> to vector<1x16xf32>
    tpu.vector_store %arg8[%swap3A_447, %swap3A_448], %swap3A_451 {strides = array<i32>} : memref<8x256xf32, #tpu.memory_space<vmem>>, vector<1x16xf32>,
    %swap3A_452 = arith.constant 2 : i32
    %swap3A_453 = arith.index_cast %swap3A_452 : i32 to index
    %swap3A_454 = arith.constant 192 : index
    %swap3A_455 = tpu.vector_load %arg8[%swap3A_453, %swap3A_454] {strides = array<i32>} : memref<8x256xf32, #tpu.memory_space<vmem>>, vector<1x16xf32>,
    %swap3A_456 = vector.shape_cast %swap3A_455 : vector<1x16xf32> to vector<16xf32>
    %swap3A_457 = vector.shape_cast %scan3A_378#12 : vector<16xf32> to vector<1x16xf32>
    tpu.vector_store %arg8[%swap3A_453, %swap3A_454], %swap3A_457 {strides = array<i32>} : memref<8x256xf32, #tpu.memory_space<vmem>>, vector<1x16xf32>,
    %swap3A_458 = arith.constant 2 : i32
    %swap3A_459 = arith.index_cast %swap3A_458 : i32 to index
    %swap3A_460 = arith.constant 208 : index
    %swap3A_461 = tpu.vector_load %arg8[%swap3A_459, %swap3A_460] {strides = array<i32>} : memref<8x256xf32, #tpu.memory_space<vmem>>, vector<1x16xf32>,
    %swap3A_462 = vector.shape_cast %swap3A_461 : vector<1x16xf32> to vector<16xf32>
    %swap3A_463 = vector.shape_cast %scan3A_378#13 : vector<16xf32> to vector<1x16xf32>
    tpu.vector_store %arg8[%swap3A_459, %swap3A_460], %swap3A_463 {strides = array<i32>} : memref<8x256xf32, #tpu.memory_space<vmem>>, vector<1x16xf32>,
    %swap3A_464 = arith.constant 2 : i32
    %swap3A_465 = arith.index_cast %swap3A_464 : i32 to index
    %swap3A_466 = arith.constant 224 : index
    %swap3A_467 = tpu.vector_load %arg8[%swap3A_465, %swap3A_466] {strides = array<i32>} : memref<8x256xf32, #tpu.memory_space<vmem>>, vector<1x16xf32>,
    %swap3A_468 = vector.shape_cast %swap3A_467 : vector<1x16xf32> to vector<16xf32>
    %swap3A_469 = vector.shape_cast %scan3A_378#14 : vector<16xf32> to vector<1x16xf32>
    tpu.vector_store %arg8[%swap3A_465, %swap3A_466], %swap3A_469 {strides = array<i32>} : memref<8x256xf32, #tpu.memory_space<vmem>>, vector<1x16xf32>,
    %swap3A_470 = arith.constant 2 : i32
    %swap3A_471 = arith.index_cast %swap3A_470 : i32 to index
    %swap3A_472 = arith.constant 240 : index
    %swap3A_473 = tpu.vector_load %arg8[%swap3A_471, %swap3A_472] {strides = array<i32>} : memref<8x256xf32, #tpu.memory_space<vmem>>, vector<1x16xf32>,
    %swap3A_474 = vector.shape_cast %swap3A_473 : vector<1x16xf32> to vector<16xf32>
    %swap3A_475 = vector.shape_cast %scan3A_378#15 : vector<16xf32> to vector<1x16xf32>
    tpu.vector_store %arg8[%swap3A_471, %swap3A_472], %swap3A_475 {strides = array<i32>} : memref<8x256xf32, #tpu.memory_space<vmem>>, vector<1x16xf32>,
    %add3A_476 = arith.constant 3 : i32
    %add3A_477 = arith.addi %add3A_4, %add3A_476 : i32
    %dma_wait3A_478 = arith.constant 0 : i32
    %dma_wait3A_479 = arith.constant 0 : i32
    %dma_wait3A_480 = tpu.memref_slice %arg2[%add3A_477, %dma_wait3A_478, %dma_wait3A_479] : memref<1024x16x1024xf32, #tpu.memory_space<hbm>> -> memref<1x16x1024xf32, #tpu.memory_space<hbm>>
    %dma_wait3A_481 = tpu.memref_squeeze %dma_wait3A_480 : memref<1x16x1024xf32, #tpu.memory_space<hbm>> -> memref<16x1024xf32, #tpu.memory_space<hbm>>
    %dma_wait3A_482 = arith.constant 0 : i32
    %dma_wait3A_483 = arith.constant 0 : i32
    %dma_wait3A_484 = tpu.memref_slice %arg2[%add3A_477, %dma_wait3A_482, %dma_wait3A_483] : memref<1024x16x1024xf32, #tpu.memory_space<hbm>> -> memref<1x16x1024xf32, #tpu.memory_space<hbm>>
    %dma_wait3A_485 = tpu.memref_squeeze %dma_wait3A_484 : memref<1x16x1024xf32, #tpu.memory_space<hbm>> -> memref<16x1024xf32, #tpu.memory_space<hbm>>
    tpu.wait_dma2 semaphore(%arg10 : memref<!tpu.dma_semaphore, #tpu.memory_space<semaphore_mem>>) src(%dma_wait3A_485 : memref<16x1024xf32, #tpu.memory_space<hbm>>) dst(%arg7 : memref<16x1024xf32, #tpu.memory_space<vmem>>)
    %add3A_486 = arith.constant 3 : i32
    %add3A_487 = arith.addi %add3A_4, %add3A_486 : i32
    %add3A_488 = arith.constant 1 : i32
    %add3A_489 = arith.addi %add3A_487, %add3A_488 : i32
    %dma_start3A_490 = arith.constant 0 : i32
    %dma_start3A_491 = arith.constant 0 : i32
    %dma_start3A_492 = tpu.memref_slice %arg2[%add3A_489, %dma_start3A_490, %dma_start3A_491] : memref<1024x16x1024xf32, #tpu.memory_space<hbm>> -> memref<1x16x1024xf32, #tpu.memory_space<hbm>>
    %dma_start3A_493 = tpu.memref_squeeze %dma_start3A_492 : memref<1x16x1024xf32, #tpu.memory_space<hbm>> -> memref<16x1024xf32, #tpu.memory_space<hbm>>
    %dma_start3A_494 = arith.constant 0 : i32
    %dma_start3A_495 = arith.constant 0 : i32
    %dma_start3A_496 = tpu.memref_slice %arg2[%add3A_489, %dma_start3A_494, %dma_start3A_495] : memref<1024x16x1024xf32, #tpu.memory_space<hbm>> -> memref<1x16x1024xf32, #tpu.memory_space<hbm>>
    %dma_start3A_497 = tpu.memref_squeeze %dma_start3A_496 : memref<1x16x1024xf32, #tpu.memory_space<hbm>> -> memref<16x1024xf32, #tpu.memory_space<hbm>>
    tpu.enqueue_dma source(%dma_start3A_497 : memref<16x1024xf32, #tpu.memory_space<hbm>>) target(%arg6 : memref<16x1024xf32, #tpu.memory_space<vmem>>) target_semaphore(%arg9 : memref<!tpu.dma_semaphore, #tpu.memory_space<semaphore_mem>>)
    %broadcast_in_dim3A_498 = arith.constant 0.000000e+00 : f32
    %broadcast_in_dim3A_499 = vector.broadcast %broadcast_in_dim3A_498 : f32 to vector<16xf32>
    %broadcast_in_dim3A_500 = arith.constant 0.000000e+00 : f32
    %broadcast_in_dim3A_501 = vector.broadcast %broadcast_in_dim3A_500 : f32 to vector<16xf32>
    %broadcast_in_dim3A_502 = arith.constant 0.000000e+00 : f32
    %broadcast_in_dim3A_503 = vector.broadcast %broadcast_in_dim3A_502 : f32 to vector<16xf32>
    %broadcast_in_dim3A_504 = arith.constant 0.000000e+00 : f32
    %broadcast_in_dim3A_505 = vector.broadcast %broadcast_in_dim3A_504 : f32 to vector<16xf32>
    %broadcast_in_dim3A_506 = arith.constant 0.000000e+00 : f32
    %broadcast_in_dim3A_507 = vector.broadcast %broadcast_in_dim3A_506 : f32 to vector<16xf32>
    %broadcast_in_dim3A_508 = arith.constant 0.000000e+00 : f32
    %broadcast_in_dim3A_509 = vector.broadcast %broadcast_in_dim3A_508 : f32 to vector<16xf32>
    %broadcast_in_dim3A_510 = arith.constant 0.000000e+00 : f32
    %broadcast_in_dim3A_511 = vector.broadcast %broadcast_in_dim3A_510 : f32 to vector<16xf32>
    %broadcast_in_dim3A_512 = arith.constant 0.000000e+00 : f32
    %broadcast_in_dim3A_513 = vector.broadcast %broadcast_in_dim3A_512 : f32 to vector<16xf32>
    %broadcast_in_dim3A_514 = arith.constant 0.000000e+00 : f32
    %broadcast_in_dim3A_515 = vector.broadcast %broadcast_in_dim3A_514 : f32 to vector<16xf32>
    %broadcast_in_dim3A_516 = arith.constant 0.000000e+00 : f32
    %broadcast_in_dim3A_517 = vector.broadcast %broadcast_in_dim3A_516 : f32 to vector<16xf32>
    %broadcast_in_dim3A_518 = arith.constant 0.000000e+00 : f32
    %broadcast_in_dim3A_519 = vector.broadcast %broadcast_in_dim3A_518 : f32 to vector<16xf32>
    %broadcast_in_dim3A_520 = arith.constant 0.000000e+00 : f32
    %broadcast_in_dim3A_521 = vector.broadcast %broadcast_in_dim3A_520 : f32 to vector<16xf32>
    %broadcast_in_dim3A_522 = arith.constant 0.000000e+00 : f32
    %broadcast_in_dim3A_523 = vector.broadcast %broadcast_in_dim3A_522 : f32 to vector<16xf32>
    %broadcast_in_dim3A_524 = arith.constant 0.000000e+00 : f32
    %broadcast_in_dim3A_525 = vector.broadcast %broadcast_in_dim3A_524 : f32 to vector<16xf32>
    %broadcast_in_dim3A_526 = arith.constant 0.000000e+00 : f32
    %broadcast_in_dim3A_527 = vector.broadcast %broadcast_in_dim3A_526 : f32 to vector<16xf32>
    %broadcast_in_dim3A_528 = arith.constant 0.000000e+00 : f32
    %broadcast_in_dim3A_529 = vector.broadcast %broadcast_in_dim3A_528 : f32 to vector<16xf32>
    %scan3A_530 = arith.constant 0 : i32
    %scan3A_531 = arith.constant 64 : i32
    %scan3A_532 = arith.addi %scan3A_530, %scan3A_531 : i32
    %scan3A_533 = arith.constant 1 : i32
    %scan3A_534:16 = scf.for %scan3A_1246 = %scan3A_530 to %scan3A_532 step %scan3A_533 iter_args(%scan3A_1247 = %broadcast_in_dim3A_499, %scan3A_1248 = %broadcast_in_dim3A_501, %scan3A_1249 = %broadcast_in_dim3A_503, %scan3A_1250 = %broadcast_in_dim3A_505, %scan3A_1251 = %broadcast_in_dim3A_507, %scan3A_1252 = %broadcast_in_dim3A_509, %scan3A_1253 = %broadcast_in_dim3A_511, %scan3A_1254 = %broadcast_in_dim3A_513, %scan3A_1255 = %broadcast_in_dim3A_515, %scan3A_1256 = %broadcast_in_dim3A_517, %scan3A_1257 = %broadcast_in_dim3A_519, %scan3A_1258 = %broadcast_in_dim3A_521, %scan3A_1259 = %broadcast_in_dim3A_523, %scan3A_1260 = %broadcast_in_dim3A_525, %scan3A_1261 = %broadcast_in_dim3A_527, %scan3A_1262 = %broadcast_in_dim3A_529) -> (vector<16xf32>, vector<16xf32>, vector<16xf32>, vector<16xf32>, vector<16xf32>, vector<16xf32>, vector<16xf32>, vector<16xf32>, vector<16xf32>, vector<16xf32>, vector<16xf32>, vector<16xf32>, vector<16xf32>, vector<16xf32>, vector<16xf32>, vector<16xf32>)  : i32 {
      %mul3A_1263 = arith.constant 16 : i32
      %mul3A_1264 = arith.muli %scan3A_1246, %mul3A_1263 : i32
      %get3A = arith.constant 3 : i32
      %get3A_1265 = arith.index_cast %get3A : i32 to index
      %get3A_1266 = arith.index_cast %mul3A_1264 : i32 to index
      %get3A_1267 = tpu.vector_load %arg5[%get3A_1265, %get3A_1266] {strides = array<i32>} : memref<8x1024xf32, #tpu.memory_space<vmem>>, vector<1x16xf32>,
      %get3A_1268 = vector.shape_cast %get3A_1267 : vector<1x16xf32> to vector<16xf32>
      %mul3A_1269 = arith.constant 16 : i32
      %mul3A_1270 = arith.muli %scan3A_1246, %mul3A_1269 : i32
      %get3A_1271 = arith.constant 0 : i32
      %get3A_1272 = arith.index_cast %get3A_1271 : i32 to index
      %get3A_1273 = arith.index_cast %mul3A_1270 : i32 to index
      %get3A_1274 = tpu.vector_load %arg7[%get3A_1272, %get3A_1273] {strides = array<i32>} : memref<16x1024xf32, #tpu.memory_space<vmem>>, vector<1x16xf32>,
      %get3A_1275 = vector.shape_cast %get3A_1274 : vector<1x16xf32> to vector<16xf32>
      %mul3A_1276 = arith.mulf %get3A_1275, %get3A_1268 : vector<16xf32>
      %add3A_1277 = arith.addf %scan3A_1247, %mul3A_1276 : vector<16xf32>
      %mul3A_1278 = arith.constant 16 : i32
      %mul3A_1279 = arith.muli %scan3A_1246, %mul3A_1278 : i32
      %get3A_1280 = arith.constant 1 : i32
      %get3A_1281 = arith.index_cast %get3A_1280 : i32 to index
      %get3A_1282 = arith.index_cast %mul3A_1279 : i32 to index
      %get3A_1283 = tpu.vector_load %arg7[%get3A_1281, %get3A_1282] {strides = array<i32>} : memref<16x1024xf32, #tpu.memory_space<vmem>>, vector<1x16xf32>,
      %get3A_1284 = vector.shape_cast %get3A_1283 : vector<1x16xf32> to vector<16xf32>
      %mul3A_1285 = arith.mulf %get3A_1284, %get3A_1268 : vector<16xf32>
      %add3A_1286 = arith.addf %scan3A_1248, %mul3A_1285 : vector<16xf32>
      %mul3A_1287 = arith.constant 16 : i32
      %mul3A_1288 = arith.muli %scan3A_1246, %mul3A_1287 : i32
      %get3A_1289 = arith.constant 2 : i32
      %get3A_1290 = arith.index_cast %get3A_1289 : i32 to index
      %get3A_1291 = arith.index_cast %mul3A_1288 : i32 to index
      %get3A_1292 = tpu.vector_load %arg7[%get3A_1290, %get3A_1291] {strides = array<i32>} : memref<16x1024xf32, #tpu.memory_space<vmem>>, vector<1x16xf32>,
      %get3A_1293 = vector.shape_cast %get3A_1292 : vector<1x16xf32> to vector<16xf32>
      %mul3A_1294 = arith.mulf %get3A_1293, %get3A_1268 : vector<16xf32>
      %add3A_1295 = arith.addf %scan3A_1249, %mul3A_1294 : vector<16xf32>
      %mul3A_1296 = arith.constant 16 : i32
      %mul3A_1297 = arith.muli %scan3A_1246, %mul3A_1296 : i32
      %get3A_1298 = arith.constant 3 : i32
      %get3A_1299 = arith.index_cast %get3A_1298 : i32 to index
      %get3A_1300 = arith.index_cast %mul3A_1297 : i32 to index
      %get3A_1301 = tpu.vector_load %arg7[%get3A_1299, %get3A_1300] {strides = array<i32>} : memref<16x1024xf32, #tpu.memory_space<vmem>>, vector<1x16xf32>,
      %get3A_1302 = vector.shape_cast %get3A_1301 : vector<1x16xf32> to vector<16xf32>
      %mul3A_1303 = arith.mulf %get3A_1302, %get3A_1268 : vector<16xf32>
      %add3A_1304 = arith.addf %scan3A_1250, %mul3A_1303 : vector<16xf32>
      %mul3A_1305 = arith.constant 16 : i32
      %mul3A_1306 = arith.muli %scan3A_1246, %mul3A_1305 : i32
      %get3A_1307 = arith.constant 4 : i32
      %get3A_1308 = arith.index_cast %get3A_1307 : i32 to index
      %get3A_1309 = arith.index_cast %mul3A_1306 : i32 to index
      %get3A_1310 = tpu.vector_load %arg7[%get3A_1308, %get3A_1309] {strides = array<i32>} : memref<16x1024xf32, #tpu.memory_space<vmem>>, vector<1x16xf32>,
      %get3A_1311 = vector.shape_cast %get3A_1310 : vector<1x16xf32> to vector<16xf32>
      %mul3A_1312 = arith.mulf %get3A_1311, %get3A_1268 : vector<16xf32>
      %add3A_1313 = arith.addf %scan3A_1251, %mul3A_1312 : vector<16xf32>
      %mul3A_1314 = arith.constant 16 : i32
      %mul3A_1315 = arith.muli %scan3A_1246, %mul3A_1314 : i32
      %get3A_1316 = arith.constant 5 : i32
      %get3A_1317 = arith.index_cast %get3A_1316 : i32 to index
      %get3A_1318 = arith.index_cast %mul3A_1315 : i32 to index
      %get3A_1319 = tpu.vector_load %arg7[%get3A_1317, %get3A_1318] {strides = array<i32>} : memref<16x1024xf32, #tpu.memory_space<vmem>>, vector<1x16xf32>,
      %get3A_1320 = vector.shape_cast %get3A_1319 : vector<1x16xf32> to vector<16xf32>
      %mul3A_1321 = arith.mulf %get3A_1320, %get3A_1268 : vector<16xf32>
      %add3A_1322 = arith.addf %scan3A_1252, %mul3A_1321 : vector<16xf32>
      %mul3A_1323 = arith.constant 16 : i32
      %mul3A_1324 = arith.muli %scan3A_1246, %mul3A_1323 : i32
      %get3A_1325 = arith.constant 6 : i32
      %get3A_1326 = arith.index_cast %get3A_1325 : i32 to index
      %get3A_1327 = arith.index_cast %mul3A_1324 : i32 to index
      %get3A_1328 = tpu.vector_load %arg7[%get3A_1326, %get3A_1327] {strides = array<i32>} : memref<16x1024xf32, #tpu.memory_space<vmem>>, vector<1x16xf32>,
      %get3A_1329 = vector.shape_cast %get3A_1328 : vector<1x16xf32> to vector<16xf32>
      %mul3A_1330 = arith.mulf %get3A_1329, %get3A_1268 : vector<16xf32>
      %add3A_1331 = arith.addf %scan3A_1253, %mul3A_1330 : vector<16xf32>
      %mul3A_1332 = arith.constant 16 : i32
      %mul3A_1333 = arith.muli %scan3A_1246, %mul3A_1332 : i32
      %get3A_1334 = arith.constant 7 : i32
      %get3A_1335 = arith.index_cast %get3A_1334 : i32 to index
      %get3A_1336 = arith.index_cast %mul3A_1333 : i32 to index
      %get3A_1337 = tpu.vector_load %arg7[%get3A_1335, %get3A_1336] {strides = array<i32>} : memref<16x1024xf32, #tpu.memory_space<vmem>>, vector<1x16xf32>,
      %get3A_1338 = vector.shape_cast %get3A_1337 : vector<1x16xf32> to vector<16xf32>
      %mul3A_1339 = arith.mulf %get3A_1338, %get3A_1268 : vector<16xf32>
      %add3A_1340 = arith.addf %scan3A_1254, %mul3A_1339 : vector<16xf32>
      %mul3A_1341 = arith.constant 16 : i32
      %mul3A_1342 = arith.muli %scan3A_1246, %mul3A_1341 : i32
      %get3A_1343 = arith.constant 8 : i32
      %get3A_1344 = arith.index_cast %get3A_1343 : i32 to index
      %get3A_1345 = arith.index_cast %mul3A_1342 : i32 to index
      %get3A_1346 = tpu.vector_load %arg7[%get3A_1344, %get3A_1345] {strides = array<i32>} : memref<16x1024xf32, #tpu.memory_space<vmem>>, vector<1x16xf32>,
      %get3A_1347 = vector.shape_cast %get3A_1346 : vector<1x16xf32> to vector<16xf32>
      %mul3A_1348 = arith.mulf %get3A_1347, %get3A_1268 : vector<16xf32>
      %add3A_1349 = arith.addf %scan3A_1255, %mul3A_1348 : vector<16xf32>
      %mul3A_1350 = arith.constant 16 : i32
      %mul3A_1351 = arith.muli %scan3A_1246, %mul3A_1350 : i32
      %get3A_1352 = arith.constant 9 : i32
      %get3A_1353 = arith.index_cast %get3A_1352 : i32 to index
      %get3A_1354 = arith.index_cast %mul3A_1351 : i32 to index
      %get3A_1355 = tpu.vector_load %arg7[%get3A_1353, %get3A_1354] {strides = array<i32>} : memref<16x1024xf32, #tpu.memory_space<vmem>>, vector<1x16xf32>,
      %get3A_1356 = vector.shape_cast %get3A_1355 : vector<1x16xf32> to vector<16xf32>
      %mul3A_1357 = arith.mulf %get3A_1356, %get3A_1268 : vector<16xf32>
      %add3A_1358 = arith.addf %scan3A_1256, %mul3A_1357 : vector<16xf32>
      %mul3A_1359 = arith.constant 16 : i32
      %mul3A_1360 = arith.muli %scan3A_1246, %mul3A_1359 : i32
      %get3A_1361 = arith.constant 10 : i32
      %get3A_1362 = arith.index_cast %get3A_1361 : i32 to index
      %get3A_1363 = arith.index_cast %mul3A_1360 : i32 to index
      %get3A_1364 = tpu.vector_load %arg7[%get3A_1362, %get3A_1363] {strides = array<i32>} : memref<16x1024xf32, #tpu.memory_space<vmem>>, vector<1x16xf32>,
      %get3A_1365 = vector.shape_cast %get3A_1364 : vector<1x16xf32> to vector<16xf32>
      %mul3A_1366 = arith.mulf %get3A_1365, %get3A_1268 : vector<16xf32>
      %add3A_1367 = arith.addf %scan3A_1257, %mul3A_1366 : vector<16xf32>
      %mul3A_1368 = arith.constant 16 : i32
      %mul3A_1369 = arith.muli %scan3A_1246, %mul3A_1368 : i32
      %get3A_1370 = arith.constant 11 : i32
      %get3A_1371 = arith.index_cast %get3A_1370 : i32 to index
      %get3A_1372 = arith.index_cast %mul3A_1369 : i32 to index
      %get3A_1373 = tpu.vector_load %arg7[%get3A_1371, %get3A_1372] {strides = array<i32>} : memref<16x1024xf32, #tpu.memory_space<vmem>>, vector<1x16xf32>,
      %get3A_1374 = vector.shape_cast %get3A_1373 : vector<1x16xf32> to vector<16xf32>
      %mul3A_1375 = arith.mulf %get3A_1374, %get3A_1268 : vector<16xf32>
      %add3A_1376 = arith.addf %scan3A_1258, %mul3A_1375 : vector<16xf32>
      %mul3A_1377 = arith.constant 16 : i32
      %mul3A_1378 = arith.muli %scan3A_1246, %mul3A_1377 : i32
      %get3A_1379 = arith.constant 12 : i32
      %get3A_1380 = arith.index_cast %get3A_1379 : i32 to index
      %get3A_1381 = arith.index_cast %mul3A_1378 : i32 to index
      %get3A_1382 = tpu.vector_load %arg7[%get3A_1380, %get3A_1381] {strides = array<i32>} : memref<16x1024xf32, #tpu.memory_space<vmem>>, vector<1x16xf32>,
      %get3A_1383 = vector.shape_cast %get3A_1382 : vector<1x16xf32> to vector<16xf32>
      %mul3A_1384 = arith.mulf %get3A_1383, %get3A_1268 : vector<16xf32>
      %add3A_1385 = arith.addf %scan3A_1259, %mul3A_1384 : vector<16xf32>
      %mul3A_1386 = arith.constant 16 : i32
      %mul3A_1387 = arith.muli %scan3A_1246, %mul3A_1386 : i32
      %get3A_1388 = arith.constant 13 : i32
      %get3A_1389 = arith.index_cast %get3A_1388 : i32 to index
      %get3A_1390 = arith.index_cast %mul3A_1387 : i32 to index
      %get3A_1391 = tpu.vector_load %arg7[%get3A_1389, %get3A_1390] {strides = array<i32>} : memref<16x1024xf32, #tpu.memory_space<vmem>>, vector<1x16xf32>,
      %get3A_1392 = vector.shape_cast %get3A_1391 : vector<1x16xf32> to vector<16xf32>
      %mul3A_1393 = arith.mulf %get3A_1392, %get3A_1268 : vector<16xf32>
      %add3A_1394 = arith.addf %scan3A_1260, %mul3A_1393 : vector<16xf32>
      %mul3A_1395 = arith.constant 16 : i32
      %mul3A_1396 = arith.muli %scan3A_1246, %mul3A_1395 : i32
      %get3A_1397 = arith.constant 14 : i32
      %get3A_1398 = arith.index_cast %get3A_1397 : i32 to index
      %get3A_1399 = arith.index_cast %mul3A_1396 : i32 to index
      %get3A_1400 = tpu.vector_load %arg7[%get3A_1398, %get3A_1399] {strides = array<i32>} : memref<16x1024xf32, #tpu.memory_space<vmem>>, vector<1x16xf32>,
      %get3A_1401 = vector.shape_cast %get3A_1400 : vector<1x16xf32> to vector<16xf32>
      %mul3A_1402 = arith.mulf %get3A_1401, %get3A_1268 : vector<16xf32>
      %add3A_1403 = arith.addf %scan3A_1261, %mul3A_1402 : vector<16xf32>
      %mul3A_1404 = arith.constant 16 : i32
      %mul3A_1405 = arith.muli %scan3A_1246, %mul3A_1404 : i32
      %get3A_1406 = arith.constant 15 : i32
      %get3A_1407 = arith.index_cast %get3A_1406 : i32 to index
      %get3A_1408 = arith.index_cast %mul3A_1405 : i32 to index
      %get3A_1409 = tpu.vector_load %arg7[%get3A_1407, %get3A_1408] {strides = array<i32>} : memref<16x1024xf32, #tpu.memory_space<vmem>>, vector<1x16xf32>,
      %get3A_1410 = vector.shape_cast %get3A_1409 : vector<1x16xf32> to vector<16xf32>
      %mul3A_1411 = arith.mulf %get3A_1410, %get3A_1268 : vector<16xf32>
      %add3A_1412 = arith.addf %scan3A_1262, %mul3A_1411 : vector<16xf32>
      scf.yield %add3A_1277, %add3A_1286, %add3A_1295, %add3A_1304, %add3A_1313, %add3A_1322, %add3A_1331, %add3A_1340, %add3A_1349, %add3A_1358, %add3A_1367, %add3A_1376, %add3A_1385, %add3A_1394, %add3A_1403, %add3A_1412 : vector<16xf32>, vector<16xf32>, vector<16xf32>, vector<16xf32>, vector<16xf32>, vector<16xf32>, vector<16xf32>, vector<16xf32>, vector<16xf32>, vector<16xf32>, vector<16xf32>, vector<16xf32>, vector<16xf32>, vector<16xf32>, vector<16xf32>, vector<16xf32>
    }
    %scan3A_535 = arith.constant 64 : i32
    %swap3A_536 = arith.constant 3 : i32
    %swap3A_537 = arith.index_cast %swap3A_536 : i32 to index
    %swap3A_538 = arith.constant 0 : index
    %swap3A_539 = tpu.vector_load %arg8[%swap3A_537, %swap3A_538] {strides = array<i32>} : memref<8x256xf32, #tpu.memory_space<vmem>>, vector<1x16xf32>,
    %swap3A_540 = vector.shape_cast %swap3A_539 : vector<1x16xf32> to vector<16xf32>
    %swap3A_541 = vector.shape_cast %scan3A_534#0 : vector<16xf32> to vector<1x16xf32>
    tpu.vector_store %arg8[%swap3A_537, %swap3A_538], %swap3A_541 {strides = array<i32>} : memref<8x256xf32, #tpu.memory_space<vmem>>, vector<1x16xf32>,
    %swap3A_542 = arith.constant 3 : i32
    %swap3A_543 = arith.index_cast %swap3A_542 : i32 to index
    %swap3A_544 = arith.constant 16 : index
    %swap3A_545 = tpu.vector_load %arg8[%swap3A_543, %swap3A_544] {strides = array<i32>} : memref<8x256xf32, #tpu.memory_space<vmem>>, vector<1x16xf32>,
    %swap3A_546 = vector.shape_cast %swap3A_545 : vector<1x16xf32> to vector<16xf32>
    %swap3A_547 = vector.shape_cast %scan3A_534#1 : vector<16xf32> to vector<1x16xf32>
    tpu.vector_store %arg8[%swap3A_543, %swap3A_544], %swap3A_547 {strides = array<i32>} : memref<8x256xf32, #tpu.memory_space<vmem>>, vector<1x16xf32>,
    %swap3A_548 = arith.constant 3 : i32
    %swap3A_549 = arith.index_cast %swap3A_548 : i32 to index
    %swap3A_550 = arith.constant 32 : index
    %swap3A_551 = tpu.vector_load %arg8[%swap3A_549, %swap3A_550] {strides = array<i32>} : memref<8x256xf32, #tpu.memory_space<vmem>>, vector<1x16xf32>,
    %swap3A_552 = vector.shape_cast %swap3A_551 : vector<1x16xf32> to vector<16xf32>
    %swap3A_553 = vector.shape_cast %scan3A_534#2 : vector<16xf32> to vector<1x16xf32>
    tpu.vector_store %arg8[%swap3A_549, %swap3A_550], %swap3A_553 {strides = array<i32>} : memref<8x256xf32, #tpu.memory_space<vmem>>, vector<1x16xf32>,
    %swap3A_554 = arith.constant 3 : i32
    %swap3A_555 = arith.index_cast %swap3A_554 : i32 to index
    %swap3A_556 = arith.constant 48 : index
    %swap3A_557 = tpu.vector_load %arg8[%swap3A_555, %swap3A_556] {strides = array<i32>} : memref<8x256xf32, #tpu.memory_space<vmem>>, vector<1x16xf32>,
    %swap3A_558 = vector.shape_cast %swap3A_557 : vector<1x16xf32> to vector<16xf32>
    %swap3A_559 = vector.shape_cast %scan3A_534#3 : vector<16xf32> to vector<1x16xf32>
    tpu.vector_store %arg8[%swap3A_555, %swap3A_556], %swap3A_559 {strides = array<i32>} : memref<8x256xf32, #tpu.memory_space<vmem>>, vector<1x16xf32>,
    %swap3A_560 = arith.constant 3 : i32
    %swap3A_561 = arith.index_cast %swap3A_560 : i32 to index
    %swap3A_562 = arith.constant 64 : index
    %swap3A_563 = tpu.vector_load %arg8[%swap3A_561, %swap3A_562] {strides = array<i32>} : memref<8x256xf32, #tpu.memory_space<vmem>>, vector<1x16xf32>,
    %swap3A_564 = vector.shape_cast %swap3A_563 : vector<1x16xf32> to vector<16xf32>
    %swap3A_565 = vector.shape_cast %scan3A_534#4 : vector<16xf32> to vector<1x16xf32>
    tpu.vector_store %arg8[%swap3A_561, %swap3A_562], %swap3A_565 {strides = array<i32>} : memref<8x256xf32, #tpu.memory_space<vmem>>, vector<1x16xf32>,
    %swap3A_566 = arith.constant 3 : i32
    %swap3A_567 = arith.index_cast %swap3A_566 : i32 to index
    %swap3A_568 = arith.constant 80 : index
    %swap3A_569 = tpu.vector_load %arg8[%swap3A_567, %swap3A_568] {strides = array<i32>} : memref<8x256xf32, #tpu.memory_space<vmem>>, vector<1x16xf32>,
    %swap3A_570 = vector.shape_cast %swap3A_569 : vector<1x16xf32> to vector<16xf32>
    %swap3A_571 = vector.shape_cast %scan3A_534#5 : vector<16xf32> to vector<1x16xf32>
    tpu.vector_store %arg8[%swap3A_567, %swap3A_568], %swap3A_571 {strides = array<i32>} : memref<8x256xf32, #tpu.memory_space<vmem>>, vector<1x16xf32>,
    %swap3A_572 = arith.constant 3 : i32
    %swap3A_573 = arith.index_cast %swap3A_572 : i32 to index
    %swap3A_574 = arith.constant 96 : index
    %swap3A_575 = tpu.vector_load %arg8[%swap3A_573, %swap3A_574] {strides = array<i32>} : memref<8x256xf32, #tpu.memory_space<vmem>>, vector<1x16xf32>,
    %swap3A_576 = vector.shape_cast %swap3A_575 : vector<1x16xf32> to vector<16xf32>
    %swap3A_577 = vector.shape_cast %scan3A_534#6 : vector<16xf32> to vector<1x16xf32>
    tpu.vector_store %arg8[%swap3A_573, %swap3A_574], %swap3A_577 {strides = array<i32>} : memref<8x256xf32, #tpu.memory_space<vmem>>, vector<1x16xf32>,
    %swap3A_578 = arith.constant 3 : i32
    %swap3A_579 = arith.index_cast %swap3A_578 : i32 to index
    %swap3A_580 = arith.constant 112 : index
    %swap3A_581 = tpu.vector_load %arg8[%swap3A_579, %swap3A_580] {strides = array<i32>} : memref<8x256xf32, #tpu.memory_space<vmem>>, vector<1x16xf32>,
    %swap3A_582 = vector.shape_cast %swap3A_581 : vector<1x16xf32> to vector<16xf32>
    %swap3A_583 = vector.shape_cast %scan3A_534#7 : vector<16xf32> to vector<1x16xf32>
    tpu.vector_store %arg8[%swap3A_579, %swap3A_580], %swap3A_583 {strides = array<i32>} : memref<8x256xf32, #tpu.memory_space<vmem>>, vector<1x16xf32>,
    %swap3A_584 = arith.constant 3 : i32
    %swap3A_585 = arith.index_cast %swap3A_584 : i32 to index
    %swap3A_586 = arith.constant 128 : index
    %swap3A_587 = tpu.vector_load %arg8[%swap3A_585, %swap3A_586] {strides = array<i32>} : memref<8x256xf32, #tpu.memory_space<vmem>>, vector<1x16xf32>,
    %swap3A_588 = vector.shape_cast %swap3A_587 : vector<1x16xf32> to vector<16xf32>
    %swap3A_589 = vector.shape_cast %scan3A_534#8 : vector<16xf32> to vector<1x16xf32>
    tpu.vector_store %arg8[%swap3A_585, %swap3A_586], %swap3A_589 {strides = array<i32>} : memref<8x256xf32, #tpu.memory_space<vmem>>, vector<1x16xf32>,
    %swap3A_590 = arith.constant 3 : i32
    %swap3A_591 = arith.index_cast %swap3A_590 : i32 to index
    %swap3A_592 = arith.constant 144 : index
    %swap3A_593 = tpu.vector_load %arg8[%swap3A_591, %swap3A_592] {strides = array<i32>} : memref<8x256xf32, #tpu.memory_space<vmem>>, vector<1x16xf32>,
    %swap3A_594 = vector.shape_cast %swap3A_593 : vector<1x16xf32> to vector<16xf32>
    %swap3A_595 = vector.shape_cast %scan3A_534#9 : vector<16xf32> to vector<1x16xf32>
    tpu.vector_store %arg8[%swap3A_591, %swap3A_592], %swap3A_595 {strides = array<i32>} : memref<8x256xf32, #tpu.memory_space<vmem>>, vector<1x16xf32>,
    %swap3A_596 = arith.constant 3 : i32
    %swap3A_597 = arith.index_cast %swap3A_596 : i32 to index
    %swap3A_598 = arith.constant 160 : index
    %swap3A_599 = tpu.vector_load %arg8[%swap3A_597, %swap3A_598] {strides = array<i32>} : memref<8x256xf32, #tpu.memory_space<vmem>>, vector<1x16xf32>,
    %swap3A_600 = vector.shape_cast %swap3A_599 : vector<1x16xf32> to vector<16xf32>
    %swap3A_601 = vector.shape_cast %scan3A_534#10 : vector<16xf32> to vector<1x16xf32>
    tpu.vector_store %arg8[%swap3A_597, %swap3A_598], %swap3A_601 {strides = array<i32>} : memref<8x256xf32, #tpu.memory_space<vmem>>, vector<1x16xf32>,
    %swap3A_602 = arith.constant 3 : i32
    %swap3A_603 = arith.index_cast %swap3A_602 : i32 to index
    %swap3A_604 = arith.constant 176 : index
    %swap3A_605 = tpu.vector_load %arg8[%swap3A_603, %swap3A_604] {strides = array<i32>} : memref<8x256xf32, #tpu.memory_space<vmem>>, vector<1x16xf32>,
    %swap3A_606 = vector.shape_cast %swap3A_605 : vector<1x16xf32> to vector<16xf32>
    %swap3A_607 = vector.shape_cast %scan3A_534#11 : vector<16xf32> to vector<1x16xf32>
    tpu.vector_store %arg8[%swap3A_603, %swap3A_604], %swap3A_607 {strides = array<i32>} : memref<8x256xf32, #tpu.memory_space<vmem>>, vector<1x16xf32>,
    %swap3A_608 = arith.constant 3 : i32
    %swap3A_609 = arith.index_cast %swap3A_608 : i32 to index
    %swap3A_610 = arith.constant 192 : index
    %swap3A_611 = tpu.vector_load %arg8[%swap3A_609, %swap3A_610] {strides = array<i32>} : memref<8x256xf32, #tpu.memory_space<vmem>>, vector<1x16xf32>,
    %swap3A_612 = vector.shape_cast %swap3A_611 : vector<1x16xf32> to vector<16xf32>
    %swap3A_613 = vector.shape_cast %scan3A_534#12 : vector<16xf32> to vector<1x16xf32>
    tpu.vector_store %arg8[%swap3A_609, %swap3A_610], %swap3A_613 {strides = array<i32>} : memref<8x256xf32, #tpu.memory_space<vmem>>, vector<1x16xf32>,
    %swap3A_614 = arith.constant 3 : i32
    %swap3A_615 = arith.index_cast %swap3A_614 : i32 to index
    %swap3A_616 = arith.constant 208 : index
    %swap3A_617 = tpu.vector_load %arg8[%swap3A_615, %swap3A_616] {strides = array<i32>} : memref<8x256xf32, #tpu.memory_space<vmem>>, vector<1x16xf32>,
    %swap3A_618 = vector.shape_cast %swap3A_617 : vector<1x16xf32> to vector<16xf32>
    %swap3A_619 = vector.shape_cast %scan3A_534#13 : vector<16xf32> to vector<1x16xf32>
    tpu.vector_store %arg8[%swap3A_615, %swap3A_616], %swap3A_619 {strides = array<i32>} : memref<8x256xf32, #tpu.memory_space<vmem>>, vector<1x16xf32>,
    %swap3A_620 = arith.constant 3 : i32
    %swap3A_621 = arith.index_cast %swap3A_620 : i32 to index
    %swap3A_622 = arith.constant 224 : index
    %swap3A_623 = tpu.vector_load %arg8[%swap3A_621, %swap3A_622] {strides = array<i32>} : memref<8x256xf32, #tpu.memory_space<vmem>>, vector<1x16xf32>,
    %swap3A_624 = vector.shape_cast %swap3A_623 : vector<1x16xf32> to vector<16xf32>
    %swap3A_625 = vector.shape_cast %scan3A_534#14 : vector<16xf32> to vector<1x16xf32>
    tpu.vector_store %arg8[%swap3A_621, %swap3A_622], %swap3A_625 {strides = array<i32>} : memref<8x256xf32, #tpu.memory_space<vmem>>, vector<1x16xf32>,
    %swap3A_626 = arith.constant 3 : i32
    %swap3A_627 = arith.index_cast %swap3A_626 : i32 to index
    %swap3A_628 = arith.constant 240 : index
    %swap3A_629 = tpu.vector_load %arg8[%swap3A_627, %swap3A_628] {strides = array<i32>} : memref<8x256xf32, #tpu.memory_space<vmem>>, vector<1x16xf32>,
    %swap3A_630 = vector.shape_cast %swap3A_629 : vector<1x16xf32> to vector<16xf32>
    %swap3A_631 = vector.shape_cast %scan3A_534#15 : vector<16xf32> to vector<1x16xf32>
    tpu.vector_store %arg8[%swap3A_627, %swap3A_628], %swap3A_631 {strides = array<i32>} : memref<8x256xf32, #tpu.memory_space<vmem>>, vector<1x16xf32>,
    %add3A_632 = arith.constant 4 : i32
    %add3A_633 = arith.addi %add3A_4, %add3A_632 : i32
    %dma_wait3A_634 = arith.constant 0 : i32
    %dma_wait3A_635 = arith.constant 0 : i32
    %dma_wait3A_636 = tpu.memref_slice %arg2[%add3A_633, %dma_wait3A_634, %dma_wait3A_635] : memref<1024x16x1024xf32, #tpu.memory_space<hbm>> -> memref<1x16x1024xf32, #tpu.memory_space<hbm>>
    %dma_wait3A_637 = tpu.memref_squeeze %dma_wait3A_636 : memref<1x16x1024xf32, #tpu.memory_space<hbm>> -> memref<16x1024xf32, #tpu.memory_space<hbm>>
    %dma_wait3A_638 = arith.constant 0 : i32
    %dma_wait3A_639 = arith.constant 0 : i32
    %dma_wait3A_640 = tpu.memref_slice %arg2[%add3A_633, %dma_wait3A_638, %dma_wait3A_639] : memref<1024x16x1024xf32, #tpu.memory_space<hbm>> -> memref<1x16x1024xf32, #tpu.memory_space<hbm>>
    %dma_wait3A_641 = tpu.memref_squeeze %dma_wait3A_640 : memref<1x16x1024xf32, #tpu.memory_space<hbm>> -> memref<16x1024xf32, #tpu.memory_space<hbm>>
    tpu.wait_dma2 semaphore(%arg9 : memref<!tpu.dma_semaphore, #tpu.memory_space<semaphore_mem>>) src(%dma_wait3A_641 : memref<16x1024xf32, #tpu.memory_space<hbm>>) dst(%arg6 : memref<16x1024xf32, #tpu.memory_space<vmem>>)
    %add3A_642 = arith.constant 4 : i32
    %add3A_643 = arith.addi %add3A_4, %add3A_642 : i32
    %add3A_644 = arith.constant 1 : i32
    %add3A_645 = arith.addi %add3A_643, %add3A_644 : i32
    %dma_start3A_646 = arith.constant 0 : i32
    %dma_start3A_647 = arith.constant 0 : i32
    %dma_start3A_648 = tpu.memref_slice %arg2[%add3A_645, %dma_start3A_646, %dma_start3A_647] : memref<1024x16x1024xf32, #tpu.memory_space<hbm>> -> memref<1x16x1024xf32, #tpu.memory_space<hbm>>
    %dma_start3A_649 = tpu.memref_squeeze %dma_start3A_648 : memref<1x16x1024xf32, #tpu.memory_space<hbm>> -> memref<16x1024xf32, #tpu.memory_space<hbm>>
    %dma_start3A_650 = arith.constant 0 : i32
    %dma_start3A_651 = arith.constant 0 : i32
    %dma_start3A_652 = tpu.memref_slice %arg2[%add3A_645, %dma_start3A_650, %dma_start3A_651] : memref<1024x16x1024xf32, #tpu.memory_space<hbm>> -> memref<1x16x1024xf32, #tpu.memory_space<hbm>>
    %dma_start3A_653 = tpu.memref_squeeze %dma_start3A_652 : memref<1x16x1024xf32, #tpu.memory_space<hbm>> -> memref<16x1024xf32, #tpu.memory_space<hbm>>
    tpu.enqueue_dma source(%dma_start3A_653 : memref<16x1024xf32, #tpu.memory_space<hbm>>) target(%arg7 : memref<16x1024xf32, #tpu.memory_space<vmem>>) target_semaphore(%arg10 : memref<!tpu.dma_semaphore, #tpu.memory_space<semaphore_mem>>)
    %broadcast_in_dim3A_654 = arith.constant 0.000000e+00 : f32
    %broadcast_in_dim3A_655 = vector.broadcast %broadcast_in_dim3A_654 : f32 to vector<16xf32>
    %broadcast_in_dim3A_656 = arith.constant 0.000000e+00 : f32
    %broadcast_in_dim3A_657 = vector.broadcast %broadcast_in_dim3A_656 : f32 to vector<16xf32>
    %broadcast_in_dim3A_658 = arith.constant 0.000000e+00 : f32
    %broadcast_in_dim3A_659 = vector.broadcast %broadcast_in_dim3A_658 : f32 to vector<16xf32>
    %broadcast_in_dim3A_660 = arith.constant 0.000000e+00 : f32
    %broadcast_in_dim3A_661 = vector.broadcast %broadcast_in_dim3A_660 : f32 to vector<16xf32>
    %broadcast_in_dim3A_662 = arith.constant 0.000000e+00 : f32
    %broadcast_in_dim3A_663 = vector.broadcast %broadcast_in_dim3A_662 : f32 to vector<16xf32>
    %broadcast_in_dim3A_664 = arith.constant 0.000000e+00 : f32
    %broadcast_in_dim3A_665 = vector.broadcast %broadcast_in_dim3A_664 : f32 to vector<16xf32>
    %broadcast_in_dim3A_666 = arith.constant 0.000000e+00 : f32
    %broadcast_in_dim3A_667 = vector.broadcast %broadcast_in_dim3A_666 : f32 to vector<16xf32>
    %broadcast_in_dim3A_668 = arith.constant 0.000000e+00 : f32
    %broadcast_in_dim3A_669 = vector.broadcast %broadcast_in_dim3A_668 : f32 to vector<16xf32>
    %broadcast_in_dim3A_670 = arith.constant 0.000000e+00 : f32
    %broadcast_in_dim3A_671 = vector.broadcast %broadcast_in_dim3A_670 : f32 to vector<16xf32>
    %broadcast_in_dim3A_672 = arith.constant 0.000000e+00 : f32
    %broadcast_in_dim3A_673 = vector.broadcast %broadcast_in_dim3A_672 : f32 to vector<16xf32>
    %broadcast_in_dim3A_674 = arith.constant 0.000000e+00 : f32
    %broadcast_in_dim3A_675 = vector.broadcast %broadcast_in_dim3A_674 : f32 to vector<16xf32>
    %broadcast_in_dim3A_676 = arith.constant 0.000000e+00 : f32
    %broadcast_in_dim3A_677 = vector.broadcast %broadcast_in_dim3A_676 : f32 to vector<16xf32>
    %broadcast_in_dim3A_678 = arith.constant 0.000000e+00 : f32
    %broadcast_in_dim3A_679 = vector.broadcast %broadcast_in_dim3A_678 : f32 to vector<16xf32>
    %broadcast_in_dim3A_680 = arith.constant 0.000000e+00 : f32
    %broadcast_in_dim3A_681 = vector.broadcast %broadcast_in_dim3A_680 : f32 to vector<16xf32>
    %broadcast_in_dim3A_682 = arith.constant 0.000000e+00 : f32
    %broadcast_in_dim3A_683 = vector.broadcast %broadcast_in_dim3A_682 : f32 to vector<16xf32>
    %broadcast_in_dim3A_684 = arith.constant 0.000000e+00 : f32
    %broadcast_in_dim3A_685 = vector.broadcast %broadcast_in_dim3A_684 : f32 to vector<16xf32>
    %scan3A_686 = arith.constant 0 : i32
    %scan3A_687 = arith.constant 64 : i32
    %scan3A_688 = arith.addi %scan3A_686, %scan3A_687 : i32
    %scan3A_689 = arith.constant 1 : i32
    %scan3A_690:16 = scf.for %scan3A_1246 = %scan3A_686 to %scan3A_688 step %scan3A_689 iter_args(%scan3A_1247 = %broadcast_in_dim3A_655, %scan3A_1248 = %broadcast_in_dim3A_657, %scan3A_1249 = %broadcast_in_dim3A_659, %scan3A_1250 = %broadcast_in_dim3A_661, %scan3A_1251 = %broadcast_in_dim3A_663, %scan3A_1252 = %broadcast_in_dim3A_665, %scan3A_1253 = %broadcast_in_dim3A_667, %scan3A_1254 = %broadcast_in_dim3A_669, %scan3A_1255 = %broadcast_in_dim3A_671, %scan3A_1256 = %broadcast_in_dim3A_673, %scan3A_1257 = %broadcast_in_dim3A_675, %scan3A_1258 = %broadcast_in_dim3A_677, %scan3A_1259 = %broadcast_in_dim3A_679, %scan3A_1260 = %broadcast_in_dim3A_681, %scan3A_1261 = %broadcast_in_dim3A_683, %scan3A_1262 = %broadcast_in_dim3A_685) -> (vector<16xf32>, vector<16xf32>, vector<16xf32>, vector<16xf32>, vector<16xf32>, vector<16xf32>, vector<16xf32>, vector<16xf32>, vector<16xf32>, vector<16xf32>, vector<16xf32>, vector<16xf32>, vector<16xf32>, vector<16xf32>, vector<16xf32>, vector<16xf32>)  : i32 {
      %mul3A_1263 = arith.constant 16 : i32
      %mul3A_1264 = arith.muli %scan3A_1246, %mul3A_1263 : i32
      %get3A = arith.constant 4 : i32
      %get3A_1265 = arith.index_cast %get3A : i32 to index
      %get3A_1266 = arith.index_cast %mul3A_1264 : i32 to index
      %get3A_1267 = tpu.vector_load %arg5[%get3A_1265, %get3A_1266] {strides = array<i32>} : memref<8x1024xf32, #tpu.memory_space<vmem>>, vector<1x16xf32>,
      %get3A_1268 = vector.shape_cast %get3A_1267 : vector<1x16xf32> to vector<16xf32>
      %mul3A_1269 = arith.constant 16 : i32
      %mul3A_1270 = arith.muli %scan3A_1246, %mul3A_1269 : i32
      %get3A_1271 = arith.constant 0 : i32
      %get3A_1272 = arith.index_cast %get3A_1271 : i32 to index
      %get3A_1273 = arith.index_cast %mul3A_1270 : i32 to index
      %get3A_1274 = tpu.vector_load %arg6[%get3A_1272, %get3A_1273] {strides = array<i32>} : memref<16x1024xf32, #tpu.memory_space<vmem>>, vector<1x16xf32>,
      %get3A_1275 = vector.shape_cast %get3A_1274 : vector<1x16xf32> to vector<16xf32>
      %mul3A_1276 = arith.mulf %get3A_1275, %get3A_1268 : vector<16xf32>
      %add3A_1277 = arith.addf %scan3A_1247, %mul3A_1276 : vector<16xf32>
      %mul3A_1278 = arith.constant 16 : i32
      %mul3A_1279 = arith.muli %scan3A_1246, %mul3A_1278 : i32
      %get3A_1280 = arith.constant 1 : i32
      %get3A_1281 = arith.index_cast %get3A_1280 : i32 to index
      %get3A_1282 = arith.index_cast %mul3A_1279 : i32 to index
      %get3A_1283 = tpu.vector_load %arg6[%get3A_1281, %get3A_1282] {strides = array<i32>} : memref<16x1024xf32, #tpu.memory_space<vmem>>, vector<1x16xf32>,
      %get3A_1284 = vector.shape_cast %get3A_1283 : vector<1x16xf32> to vector<16xf32>
      %mul3A_1285 = arith.mulf %get3A_1284, %get3A_1268 : vector<16xf32>
      %add3A_1286 = arith.addf %scan3A_1248, %mul3A_1285 : vector<16xf32>
      %mul3A_1287 = arith.constant 16 : i32
      %mul3A_1288 = arith.muli %scan3A_1246, %mul3A_1287 : i32
      %get3A_1289 = arith.constant 2 : i32
      %get3A_1290 = arith.index_cast %get3A_1289 : i32 to index
      %get3A_1291 = arith.index_cast %mul3A_1288 : i32 to index
      %get3A_1292 = tpu.vector_load %arg6[%get3A_1290, %get3A_1291] {strides = array<i32>} : memref<16x1024xf32, #tpu.memory_space<vmem>>, vector<1x16xf32>,
      %get3A_1293 = vector.shape_cast %get3A_1292 : vector<1x16xf32> to vector<16xf32>
      %mul3A_1294 = arith.mulf %get3A_1293, %get3A_1268 : vector<16xf32>
      %add3A_1295 = arith.addf %scan3A_1249, %mul3A_1294 : vector<16xf32>
      %mul3A_1296 = arith.constant 16 : i32
      %mul3A_1297 = arith.muli %scan3A_1246, %mul3A_1296 : i32
      %get3A_1298 = arith.constant 3 : i32
      %get3A_1299 = arith.index_cast %get3A_1298 : i32 to index
      %get3A_1300 = arith.index_cast %mul3A_1297 : i32 to index
      %get3A_1301 = tpu.vector_load %arg6[%get3A_1299, %get3A_1300] {strides = array<i32>} : memref<16x1024xf32, #tpu.memory_space<vmem>>, vector<1x16xf32>,
      %get3A_1302 = vector.shape_cast %get3A_1301 : vector<1x16xf32> to vector<16xf32>
      %mul3A_1303 = arith.mulf %get3A_1302, %get3A_1268 : vector<16xf32>
      %add3A_1304 = arith.addf %scan3A_1250, %mul3A_1303 : vector<16xf32>
      %mul3A_1305 = arith.constant 16 : i32
      %mul3A_1306 = arith.muli %scan3A_1246, %mul3A_1305 : i32
      %get3A_1307 = arith.constant 4 : i32
      %get3A_1308 = arith.index_cast %get3A_1307 : i32 to index
      %get3A_1309 = arith.index_cast %mul3A_1306 : i32 to index
      %get3A_1310 = tpu.vector_load %arg6[%get3A_1308, %get3A_1309] {strides = array<i32>} : memref<16x1024xf32, #tpu.memory_space<vmem>>, vector<1x16xf32>,
      %get3A_1311 = vector.shape_cast %get3A_1310 : vector<1x16xf32> to vector<16xf32>
      %mul3A_1312 = arith.mulf %get3A_1311, %get3A_1268 : vector<16xf32>
      %add3A_1313 = arith.addf %scan3A_1251, %mul3A_1312 : vector<16xf32>
      %mul3A_1314 = arith.constant 16 : i32
      %mul3A_1315 = arith.muli %scan3A_1246, %mul3A_1314 : i32
      %get3A_1316 = arith.constant 5 : i32
      %get3A_1317 = arith.index_cast %get3A_1316 : i32 to index
      %get3A_1318 = arith.index_cast %mul3A_1315 : i32 to index
      %get3A_1319 = tpu.vector_load %arg6[%get3A_1317, %get3A_1318] {strides = array<i32>} : memref<16x1024xf32, #tpu.memory_space<vmem>>, vector<1x16xf32>,
      %get3A_1320 = vector.shape_cast %get3A_1319 : vector<1x16xf32> to vector<16xf32>
      %mul3A_1321 = arith.mulf %get3A_1320, %get3A_1268 : vector<16xf32>
      %add3A_1322 = arith.addf %scan3A_1252, %mul3A_1321 : vector<16xf32>
      %mul3A_1323 = arith.constant 16 : i32
      %mul3A_1324 = arith.muli %scan3A_1246, %mul3A_1323 : i32
      %get3A_1325 = arith.constant 6 : i32
      %get3A_1326 = arith.index_cast %get3A_1325 : i32 to index
      %get3A_1327 = arith.index_cast %mul3A_1324 : i32 to index
      %get3A_1328 = tpu.vector_load %arg6[%get3A_1326, %get3A_1327] {strides = array<i32>} : memref<16x1024xf32, #tpu.memory_space<vmem>>, vector<1x16xf32>,
      %get3A_1329 = vector.shape_cast %get3A_1328 : vector<1x16xf32> to vector<16xf32>
      %mul3A_1330 = arith.mulf %get3A_1329, %get3A_1268 : vector<16xf32>
      %add3A_1331 = arith.addf %scan3A_1253, %mul3A_1330 : vector<16xf32>
      %mul3A_1332 = arith.constant 16 : i32
      %mul3A_1333 = arith.muli %scan3A_1246, %mul3A_1332 : i32
      %get3A_1334 = arith.constant 7 : i32
      %get3A_1335 = arith.index_cast %get3A_1334 : i32 to index
      %get3A_1336 = arith.index_cast %mul3A_1333 : i32 to index
      %get3A_1337 = tpu.vector_load %arg6[%get3A_1335, %get3A_1336] {strides = array<i32>} : memref<16x1024xf32, #tpu.memory_space<vmem>>, vector<1x16xf32>,
      %get3A_1338 = vector.shape_cast %get3A_1337 : vector<1x16xf32> to vector<16xf32>
      %mul3A_1339 = arith.mulf %get3A_1338, %get3A_1268 : vector<16xf32>
      %add3A_1340 = arith.addf %scan3A_1254, %mul3A_1339 : vector<16xf32>
      %mul3A_1341 = arith.constant 16 : i32
      %mul3A_1342 = arith.muli %scan3A_1246, %mul3A_1341 : i32
      %get3A_1343 = arith.constant 8 : i32
      %get3A_1344 = arith.index_cast %get3A_1343 : i32 to index
      %get3A_1345 = arith.index_cast %mul3A_1342 : i32 to index
      %get3A_1346 = tpu.vector_load %arg6[%get3A_1344, %get3A_1345] {strides = array<i32>} : memref<16x1024xf32, #tpu.memory_space<vmem>>, vector<1x16xf32>,
      %get3A_1347 = vector.shape_cast %get3A_1346 : vector<1x16xf32> to vector<16xf32>
      %mul3A_1348 = arith.mulf %get3A_1347, %get3A_1268 : vector<16xf32>
      %add3A_1349 = arith.addf %scan3A_1255, %mul3A_1348 : vector<16xf32>
      %mul3A_1350 = arith.constant 16 : i32
      %mul3A_1351 = arith.muli %scan3A_1246, %mul3A_1350 : i32
      %get3A_1352 = arith.constant 9 : i32
      %get3A_1353 = arith.index_cast %get3A_1352 : i32 to index
      %get3A_1354 = arith.index_cast %mul3A_1351 : i32 to index
      %get3A_1355 = tpu.vector_load %arg6[%get3A_1353, %get3A_1354] {strides = array<i32>} : memref<16x1024xf32, #tpu.memory_space<vmem>>, vector<1x16xf32>,
      %get3A_1356 = vector.shape_cast %get3A_1355 : vector<1x16xf32> to vector<16xf32>
      %mul3A_1357 = arith.mulf %get3A_1356, %get3A_1268 : vector<16xf32>
      %add3A_1358 = arith.addf %scan3A_1256, %mul3A_1357 : vector<16xf32>
      %mul3A_1359 = arith.constant 16 : i32
      %mul3A_1360 = arith.muli %scan3A_1246, %mul3A_1359 : i32
      %get3A_1361 = arith.constant 10 : i32
      %get3A_1362 = arith.index_cast %get3A_1361 : i32 to index
      %get3A_1363 = arith.index_cast %mul3A_1360 : i32 to index
      %get3A_1364 = tpu.vector_load %arg6[%get3A_1362, %get3A_1363] {strides = array<i32>} : memref<16x1024xf32, #tpu.memory_space<vmem>>, vector<1x16xf32>,
      %get3A_1365 = vector.shape_cast %get3A_1364 : vector<1x16xf32> to vector<16xf32>
      %mul3A_1366 = arith.mulf %get3A_1365, %get3A_1268 : vector<16xf32>
      %add3A_1367 = arith.addf %scan3A_1257, %mul3A_1366 : vector<16xf32>
      %mul3A_1368 = arith.constant 16 : i32
      %mul3A_1369 = arith.muli %scan3A_1246, %mul3A_1368 : i32
      %get3A_1370 = arith.constant 11 : i32
      %get3A_1371 = arith.index_cast %get3A_1370 : i32 to index
      %get3A_1372 = arith.index_cast %mul3A_1369 : i32 to index
      %get3A_1373 = tpu.vector_load %arg6[%get3A_1371, %get3A_1372] {strides = array<i32>} : memref<16x1024xf32, #tpu.memory_space<vmem>>, vector<1x16xf32>,
      %get3A_1374 = vector.shape_cast %get3A_1373 : vector<1x16xf32> to vector<16xf32>
      %mul3A_1375 = arith.mulf %get3A_1374, %get3A_1268 : vector<16xf32>
      %add3A_1376 = arith.addf %scan3A_1258, %mul3A_1375 : vector<16xf32>
      %mul3A_1377 = arith.constant 16 : i32
      %mul3A_1378 = arith.muli %scan3A_1246, %mul3A_1377 : i32
      %get3A_1379 = arith.constant 12 : i32
      %get3A_1380 = arith.index_cast %get3A_1379 : i32 to index
      %get3A_1381 = arith.index_cast %mul3A_1378 : i32 to index
      %get3A_1382 = tpu.vector_load %arg6[%get3A_1380, %get3A_1381] {strides = array<i32>} : memref<16x1024xf32, #tpu.memory_space<vmem>>, vector<1x16xf32>,
      %get3A_1383 = vector.shape_cast %get3A_1382 : vector<1x16xf32> to vector<16xf32>
      %mul3A_1384 = arith.mulf %get3A_1383, %get3A_1268 : vector<16xf32>
      %add3A_1385 = arith.addf %scan3A_1259, %mul3A_1384 : vector<16xf32>
      %mul3A_1386 = arith.constant 16 : i32
      %mul3A_1387 = arith.muli %scan3A_1246, %mul3A_1386 : i32
      %get3A_1388 = arith.constant 13 : i32
      %get3A_1389 = arith.index_cast %get3A_1388 : i32 to index
      %get3A_1390 = arith.index_cast %mul3A_1387 : i32 to index
      %get3A_1391 = tpu.vector_load %arg6[%get3A_1389, %get3A_1390] {strides = array<i32>} : memref<16x1024xf32, #tpu.memory_space<vmem>>, vector<1x16xf32>,
      %get3A_1392 = vector.shape_cast %get3A_1391 : vector<1x16xf32> to vector<16xf32>
      %mul3A_1393 = arith.mulf %get3A_1392, %get3A_1268 : vector<16xf32>
      %add3A_1394 = arith.addf %scan3A_1260, %mul3A_1393 : vector<16xf32>
      %mul3A_1395 = arith.constant 16 : i32
      %mul3A_1396 = arith.muli %scan3A_1246, %mul3A_1395 : i32
      %get3A_1397 = arith.constant 14 : i32
      %get3A_1398 = arith.index_cast %get3A_1397 : i32 to index
      %get3A_1399 = arith.index_cast %mul3A_1396 : i32 to index
      %get3A_1400 = tpu.vector_load %arg6[%get3A_1398, %get3A_1399] {strides = array<i32>} : memref<16x1024xf32, #tpu.memory_space<vmem>>, vector<1x16xf32>,
      %get3A_1401 = vector.shape_cast %get3A_1400 : vector<1x16xf32> to vector<16xf32>
      %mul3A_1402 = arith.mulf %get3A_1401, %get3A_1268 : vector<16xf32>
      %add3A_1403 = arith.addf %scan3A_1261, %mul3A_1402 : vector<16xf32>
      %mul3A_1404 = arith.constant 16 : i32
      %mul3A_1405 = arith.muli %scan3A_1246, %mul3A_1404 : i32
      %get3A_1406 = arith.constant 15 : i32
      %get3A_1407 = arith.index_cast %get3A_1406 : i32 to index
      %get3A_1408 = arith.index_cast %mul3A_1405 : i32 to index
      %get3A_1409 = tpu.vector_load %arg6[%get3A_1407, %get3A_1408] {strides = array<i32>} : memref<16x1024xf32, #tpu.memory_space<vmem>>, vector<1x16xf32>,
      %get3A_1410 = vector.shape_cast %get3A_1409 : vector<1x16xf32> to vector<16xf32>
      %mul3A_1411 = arith.mulf %get3A_1410, %get3A_1268 : vector<16xf32>
      %add3A_1412 = arith.addf %scan3A_1262, %mul3A_1411 : vector<16xf32>
      scf.yield %add3A_1277, %add3A_1286, %add3A_1295, %add3A_1304, %add3A_1313, %add3A_1322, %add3A_1331, %add3A_1340, %add3A_1349, %add3A_1358, %add3A_1367, %add3A_1376, %add3A_1385, %add3A_1394, %add3A_1403, %add3A_1412 : vector<16xf32>, vector<16xf32>, vector<16xf32>, vector<16xf32>, vector<16xf32>, vector<16xf32>, vector<16xf32>, vector<16xf32>, vector<16xf32>, vector<16xf32>, vector<16xf32>, vector<16xf32>, vector<16xf32>, vector<16xf32>, vector<16xf32>, vector<16xf32>
    }
    %scan3A_691 = arith.constant 64 : i32
    %swap3A_692 = arith.constant 4 : i32
    %swap3A_693 = arith.index_cast %swap3A_692 : i32 to index
    %swap3A_694 = arith.constant 0 : index
    %swap3A_695 = tpu.vector_load %arg8[%swap3A_693, %swap3A_694] {strides = array<i32>} : memref<8x256xf32, #tpu.memory_space<vmem>>, vector<1x16xf32>,
    %swap3A_696 = vector.shape_cast %swap3A_695 : vector<1x16xf32> to vector<16xf32>
    %swap3A_697 = vector.shape_cast %scan3A_690#0 : vector<16xf32> to vector<1x16xf32>
    tpu.vector_store %arg8[%swap3A_693, %swap3A_694], %swap3A_697 {strides = array<i32>} : memref<8x256xf32, #tpu.memory_space<vmem>>, vector<1x16xf32>,
    %swap3A_698 = arith.constant 4 : i32
    %swap3A_699 = arith.index_cast %swap3A_698 : i32 to index
    %swap3A_700 = arith.constant 16 : index
    %swap3A_701 = tpu.vector_load %arg8[%swap3A_699, %swap3A_700] {strides = array<i32>} : memref<8x256xf32, #tpu.memory_space<vmem>>, vector<1x16xf32>,
    %swap3A_702 = vector.shape_cast %swap3A_701 : vector<1x16xf32> to vector<16xf32>
    %swap3A_703 = vector.shape_cast %scan3A_690#1 : vector<16xf32> to vector<1x16xf32>
    tpu.vector_store %arg8[%swap3A_699, %swap3A_700], %swap3A_703 {strides = array<i32>} : memref<8x256xf32, #tpu.memory_space<vmem>>, vector<1x16xf32>,
    %swap3A_704 = arith.constant 4 : i32
    %swap3A_705 = arith.index_cast %swap3A_704 : i32 to index
    %swap3A_706 = arith.constant 32 : index
    %swap3A_707 = tpu.vector_load %arg8[%swap3A_705, %swap3A_706] {strides = array<i32>} : memref<8x256xf32, #tpu.memory_space<vmem>>, vector<1x16xf32>,
    %swap3A_708 = vector.shape_cast %swap3A_707 : vector<1x16xf32> to vector<16xf32>
    %swap3A_709 = vector.shape_cast %scan3A_690#2 : vector<16xf32> to vector<1x16xf32>
    tpu.vector_store %arg8[%swap3A_705, %swap3A_706], %swap3A_709 {strides = array<i32>} : memref<8x256xf32, #tpu.memory_space<vmem>>, vector<1x16xf32>,
    %swap3A_710 = arith.constant 4 : i32
    %swap3A_711 = arith.index_cast %swap3A_710 : i32 to index
    %swap3A_712 = arith.constant 48 : index
    %swap3A_713 = tpu.vector_load %arg8[%swap3A_711, %swap3A_712] {strides = array<i32>} : memref<8x256xf32, #tpu.memory_space<vmem>>, vector<1x16xf32>,
    %swap3A_714 = vector.shape_cast %swap3A_713 : vector<1x16xf32> to vector<16xf32>
    %swap3A_715 = vector.shape_cast %scan3A_690#3 : vector<16xf32> to vector<1x16xf32>
    tpu.vector_store %arg8[%swap3A_711, %swap3A_712], %swap3A_715 {strides = array<i32>} : memref<8x256xf32, #tpu.memory_space<vmem>>, vector<1x16xf32>,
    %swap3A_716 = arith.constant 4 : i32
    %swap3A_717 = arith.index_cast %swap3A_716 : i32 to index
    %swap3A_718 = arith.constant 64 : index
    %swap3A_719 = tpu.vector_load %arg8[%swap3A_717, %swap3A_718] {strides = array<i32>} : memref<8x256xf32, #tpu.memory_space<vmem>>, vector<1x16xf32>,
    %swap3A_720 = vector.shape_cast %swap3A_719 : vector<1x16xf32> to vector<16xf32>
    %swap3A_721 = vector.shape_cast %scan3A_690#4 : vector<16xf32> to vector<1x16xf32>
    tpu.vector_store %arg8[%swap3A_717, %swap3A_718], %swap3A_721 {strides = array<i32>} : memref<8x256xf32, #tpu.memory_space<vmem>>, vector<1x16xf32>,
    %swap3A_722 = arith.constant 4 : i32
    %swap3A_723 = arith.index_cast %swap3A_722 : i32 to index
    %swap3A_724 = arith.constant 80 : index
    %swap3A_725 = tpu.vector_load %arg8[%swap3A_723, %swap3A_724] {strides = array<i32>} : memref<8x256xf32, #tpu.memory_space<vmem>>, vector<1x16xf32>,
    %swap3A_726 = vector.shape_cast %swap3A_725 : vector<1x16xf32> to vector<16xf32>
    %swap3A_727 = vector.shape_cast %scan3A_690#5 : vector<16xf32> to vector<1x16xf32>
    tpu.vector_store %arg8[%swap3A_723, %swap3A_724], %swap3A_727 {strides = array<i32>} : memref<8x256xf32, #tpu.memory_space<vmem>>, vector<1x16xf32>,
    %swap3A_728 = arith.constant 4 : i32
    %swap3A_729 = arith.index_cast %swap3A_728 : i32 to index
    %swap3A_730 = arith.constant 96 : index
    %swap3A_731 = tpu.vector_load %arg8[%swap3A_729, %swap3A_730] {strides = array<i32>} : memref<8x256xf32, #tpu.memory_space<vmem>>, vector<1x16xf32>,
    %swap3A_732 = vector.shape_cast %swap3A_731 : vector<1x16xf32> to vector<16xf32>
    %swap3A_733 = vector.shape_cast %scan3A_690#6 : vector<16xf32> to vector<1x16xf32>
    tpu.vector_store %arg8[%swap3A_729, %swap3A_730], %swap3A_733 {strides = array<i32>} : memref<8x256xf32, #tpu.memory_space<vmem>>, vector<1x16xf32>,
    %swap3A_734 = arith.constant 4 : i32
    %swap3A_735 = arith.index_cast %swap3A_734 : i32 to index
    %swap3A_736 = arith.constant 112 : index
    %swap3A_737 = tpu.vector_load %arg8[%swap3A_735, %swap3A_736] {strides = array<i32>} : memref<8x256xf32, #tpu.memory_space<vmem>>, vector<1x16xf32>,
    %swap3A_738 = vector.shape_cast %swap3A_737 : vector<1x16xf32> to vector<16xf32>
    %swap3A_739 = vector.shape_cast %scan3A_690#7 : vector<16xf32> to vector<1x16xf32>
    tpu.vector_store %arg8[%swap3A_735, %swap3A_736], %swap3A_739 {strides = array<i32>} : memref<8x256xf32, #tpu.memory_space<vmem>>, vector<1x16xf32>,
    %swap3A_740 = arith.constant 4 : i32
    %swap3A_741 = arith.index_cast %swap3A_740 : i32 to index
    %swap3A_742 = arith.constant 128 : index
    %swap3A_743 = tpu.vector_load %arg8[%swap3A_741, %swap3A_742] {strides = array<i32>} : memref<8x256xf32, #tpu.memory_space<vmem>>, vector<1x16xf32>,
    %swap3A_744 = vector.shape_cast %swap3A_743 : vector<1x16xf32> to vector<16xf32>
    %swap3A_745 = vector.shape_cast %scan3A_690#8 : vector<16xf32> to vector<1x16xf32>
    tpu.vector_store %arg8[%swap3A_741, %swap3A_742], %swap3A_745 {strides = array<i32>} : memref<8x256xf32, #tpu.memory_space<vmem>>, vector<1x16xf32>,
    %swap3A_746 = arith.constant 4 : i32
    %swap3A_747 = arith.index_cast %swap3A_746 : i32 to index
    %swap3A_748 = arith.constant 144 : index
    %swap3A_749 = tpu.vector_load %arg8[%swap3A_747, %swap3A_748] {strides = array<i32>} : memref<8x256xf32, #tpu.memory_space<vmem>>, vector<1x16xf32>,
    %swap3A_750 = vector.shape_cast %swap3A_749 : vector<1x16xf32> to vector<16xf32>
    %swap3A_751 = vector.shape_cast %scan3A_690#9 : vector<16xf32> to vector<1x16xf32>
    tpu.vector_store %arg8[%swap3A_747, %swap3A_748], %swap3A_751 {strides = array<i32>} : memref<8x256xf32, #tpu.memory_space<vmem>>, vector<1x16xf32>,
    %swap3A_752 = arith.constant 4 : i32
    %swap3A_753 = arith.index_cast %swap3A_752 : i32 to index
    %swap3A_754 = arith.constant 160 : index
    %swap3A_755 = tpu.vector_load %arg8[%swap3A_753, %swap3A_754] {strides = array<i32>} : memref<8x256xf32, #tpu.memory_space<vmem>>, vector<1x16xf32>,
    %swap3A_756 = vector.shape_cast %swap3A_755 : vector<1x16xf32> to vector<16xf32>
    %swap3A_757 = vector.shape_cast %scan3A_690#10 : vector<16xf32> to vector<1x16xf32>
    tpu.vector_store %arg8[%swap3A_753, %swap3A_754], %swap3A_757 {strides = array<i32>} : memref<8x256xf32, #tpu.memory_space<vmem>>, vector<1x16xf32>,
    %swap3A_758 = arith.constant 4 : i32
    %swap3A_759 = arith.index_cast %swap3A_758 : i32 to index
    %swap3A_760 = arith.constant 176 : index
    %swap3A_761 = tpu.vector_load %arg8[%swap3A_759, %swap3A_760] {strides = array<i32>} : memref<8x256xf32, #tpu.memory_space<vmem>>, vector<1x16xf32>,
    %swap3A_762 = vector.shape_cast %swap3A_761 : vector<1x16xf32> to vector<16xf32>
    %swap3A_763 = vector.shape_cast %scan3A_690#11 : vector<16xf32> to vector<1x16xf32>
    tpu.vector_store %arg8[%swap3A_759, %swap3A_760], %swap3A_763 {strides = array<i32>} : memref<8x256xf32, #tpu.memory_space<vmem>>, vector<1x16xf32>,
    %swap3A_764 = arith.constant 4 : i32
    %swap3A_765 = arith.index_cast %swap3A_764 : i32 to index
    %swap3A_766 = arith.constant 192 : index
    %swap3A_767 = tpu.vector_load %arg8[%swap3A_765, %swap3A_766] {strides = array<i32>} : memref<8x256xf32, #tpu.memory_space<vmem>>, vector<1x16xf32>,
    %swap3A_768 = vector.shape_cast %swap3A_767 : vector<1x16xf32> to vector<16xf32>
    %swap3A_769 = vector.shape_cast %scan3A_690#12 : vector<16xf32> to vector<1x16xf32>
    tpu.vector_store %arg8[%swap3A_765, %swap3A_766], %swap3A_769 {strides = array<i32>} : memref<8x256xf32, #tpu.memory_space<vmem>>, vector<1x16xf32>,
    %swap3A_770 = arith.constant 4 : i32
    %swap3A_771 = arith.index_cast %swap3A_770 : i32 to index
    %swap3A_772 = arith.constant 208 : index
    %swap3A_773 = tpu.vector_load %arg8[%swap3A_771, %swap3A_772] {strides = array<i32>} : memref<8x256xf32, #tpu.memory_space<vmem>>, vector<1x16xf32>,
    %swap3A_774 = vector.shape_cast %swap3A_773 : vector<1x16xf32> to vector<16xf32>
    %swap3A_775 = vector.shape_cast %scan3A_690#13 : vector<16xf32> to vector<1x16xf32>
    tpu.vector_store %arg8[%swap3A_771, %swap3A_772], %swap3A_775 {strides = array<i32>} : memref<8x256xf32, #tpu.memory_space<vmem>>, vector<1x16xf32>,
    %swap3A_776 = arith.constant 4 : i32
    %swap3A_777 = arith.index_cast %swap3A_776 : i32 to index
    %swap3A_778 = arith.constant 224 : index
    %swap3A_779 = tpu.vector_load %arg8[%swap3A_777, %swap3A_778] {strides = array<i32>} : memref<8x256xf32, #tpu.memory_space<vmem>>, vector<1x16xf32>,
    %swap3A_780 = vector.shape_cast %swap3A_779 : vector<1x16xf32> to vector<16xf32>
    %swap3A_781 = vector.shape_cast %scan3A_690#14 : vector<16xf32> to vector<1x16xf32>
    tpu.vector_store %arg8[%swap3A_777, %swap3A_778], %swap3A_781 {strides = array<i32>} : memref<8x256xf32, #tpu.memory_space<vmem>>, vector<1x16xf32>,
    %swap3A_782 = arith.constant 4 : i32
    %swap3A_783 = arith.index_cast %swap3A_782 : i32 to index
    %swap3A_784 = arith.constant 240 : index
    %swap3A_785 = tpu.vector_load %arg8[%swap3A_783, %swap3A_784] {strides = array<i32>} : memref<8x256xf32, #tpu.memory_space<vmem>>, vector<1x16xf32>,
    %swap3A_786 = vector.shape_cast %swap3A_785 : vector<1x16xf32> to vector<16xf32>
    %swap3A_787 = vector.shape_cast %scan3A_690#15 : vector<16xf32> to vector<1x16xf32>
    tpu.vector_store %arg8[%swap3A_783, %swap3A_784], %swap3A_787 {strides = array<i32>} : memref<8x256xf32, #tpu.memory_space<vmem>>, vector<1x16xf32>,
    %add3A_788 = arith.constant 5 : i32
    %add3A_789 = arith.addi %add3A_4, %add3A_788 : i32
    %dma_wait3A_790 = arith.constant 0 : i32
    %dma_wait3A_791 = arith.constant 0 : i32
    %dma_wait3A_792 = tpu.memref_slice %arg2[%add3A_789, %dma_wait3A_790, %dma_wait3A_791] : memref<1024x16x1024xf32, #tpu.memory_space<hbm>> -> memref<1x16x1024xf32, #tpu.memory_space<hbm>>
    %dma_wait3A_793 = tpu.memref_squeeze %dma_wait3A_792 : memref<1x16x1024xf32, #tpu.memory_space<hbm>> -> memref<16x1024xf32, #tpu.memory_space<hbm>>
    %dma_wait3A_794 = arith.constant 0 : i32
    %dma_wait3A_795 = arith.constant 0 : i32
    %dma_wait3A_796 = tpu.memref_slice %arg2[%add3A_789, %dma_wait3A_794, %dma_wait3A_795] : memref<1024x16x1024xf32, #tpu.memory_space<hbm>> -> memref<1x16x1024xf32, #tpu.memory_space<hbm>>
    %dma_wait3A_797 = tpu.memref_squeeze %dma_wait3A_796 : memref<1x16x1024xf32, #tpu.memory_space<hbm>> -> memref<16x1024xf32, #tpu.memory_space<hbm>>
    tpu.wait_dma2 semaphore(%arg10 : memref<!tpu.dma_semaphore, #tpu.memory_space<semaphore_mem>>) src(%dma_wait3A_797 : memref<16x1024xf32, #tpu.memory_space<hbm>>) dst(%arg7 : memref<16x1024xf32, #tpu.memory_space<vmem>>)
    %add3A_798 = arith.constant 5 : i32
    %add3A_799 = arith.addi %add3A_4, %add3A_798 : i32
    %add3A_800 = arith.constant 1 : i32
    %add3A_801 = arith.addi %add3A_799, %add3A_800 : i32
    %dma_start3A_802 = arith.constant 0 : i32
    %dma_start3A_803 = arith.constant 0 : i32
    %dma_start3A_804 = tpu.memref_slice %arg2[%add3A_801, %dma_start3A_802, %dma_start3A_803] : memref<1024x16x1024xf32, #tpu.memory_space<hbm>> -> memref<1x16x1024xf32, #tpu.memory_space<hbm>>
    %dma_start3A_805 = tpu.memref_squeeze %dma_start3A_804 : memref<1x16x1024xf32, #tpu.memory_space<hbm>> -> memref<16x1024xf32, #tpu.memory_space<hbm>>
    %dma_start3A_806 = arith.constant 0 : i32
    %dma_start3A_807 = arith.constant 0 : i32
    %dma_start3A_808 = tpu.memref_slice %arg2[%add3A_801, %dma_start3A_806, %dma_start3A_807] : memref<1024x16x1024xf32, #tpu.memory_space<hbm>> -> memref<1x16x1024xf32, #tpu.memory_space<hbm>>
    %dma_start3A_809 = tpu.memref_squeeze %dma_start3A_808 : memref<1x16x1024xf32, #tpu.memory_space<hbm>> -> memref<16x1024xf32, #tpu.memory_space<hbm>>
    tpu.enqueue_dma source(%dma_start3A_809 : memref<16x1024xf32, #tpu.memory_space<hbm>>) target(%arg6 : memref<16x1024xf32, #tpu.memory_space<vmem>>) target_semaphore(%arg9 : memref<!tpu.dma_semaphore, #tpu.memory_space<semaphore_mem>>)
    %broadcast_in_dim3A_810 = arith.constant 0.000000e+00 : f32
    %broadcast_in_dim3A_811 = vector.broadcast %broadcast_in_dim3A_810 : f32 to vector<16xf32>
    %broadcast_in_dim3A_812 = arith.constant 0.000000e+00 : f32
    %broadcast_in_dim3A_813 = vector.broadcast %broadcast_in_dim3A_812 : f32 to vector<16xf32>
    %broadcast_in_dim3A_814 = arith.constant 0.000000e+00 : f32
    %broadcast_in_dim3A_815 = vector.broadcast %broadcast_in_dim3A_814 : f32 to vector<16xf32>
    %broadcast_in_dim3A_816 = arith.constant 0.000000e+00 : f32
    %broadcast_in_dim3A_817 = vector.broadcast %broadcast_in_dim3A_816 : f32 to vector<16xf32>
    %broadcast_in_dim3A_818 = arith.constant 0.000000e+00 : f32
    %broadcast_in_dim3A_819 = vector.broadcast %broadcast_in_dim3A_818 : f32 to vector<16xf32>
    %broadcast_in_dim3A_820 = arith.constant 0.000000e+00 : f32
    %broadcast_in_dim3A_821 = vector.broadcast %broadcast_in_dim3A_820 : f32 to vector<16xf32>
    %broadcast_in_dim3A_822 = arith.constant 0.000000e+00 : f32
    %broadcast_in_dim3A_823 = vector.broadcast %broadcast_in_dim3A_822 : f32 to vector<16xf32>
    %broadcast_in_dim3A_824 = arith.constant 0.000000e+00 : f32
    %broadcast_in_dim3A_825 = vector.broadcast %broadcast_in_dim3A_824 : f32 to vector<16xf32>
    %broadcast_in_dim3A_826 = arith.constant 0.000000e+00 : f32
    %broadcast_in_dim3A_827 = vector.broadcast %broadcast_in_dim3A_826 : f32 to vector<16xf32>
    %broadcast_in_dim3A_828 = arith.constant 0.000000e+00 : f32
    %broadcast_in_dim3A_829 = vector.broadcast %broadcast_in_dim3A_828 : f32 to vector<16xf32>
    %broadcast_in_dim3A_830 = arith.constant 0.000000e+00 : f32
    %broadcast_in_dim3A_831 = vector.broadcast %broadcast_in_dim3A_830 : f32 to vector<16xf32>
    %broadcast_in_dim3A_832 = arith.constant 0.000000e+00 : f32
    %broadcast_in_dim3A_833 = vector.broadcast %broadcast_in_dim3A_832 : f32 to vector<16xf32>
    %broadcast_in_dim3A_834 = arith.constant 0.000000e+00 : f32
    %broadcast_in_dim3A_835 = vector.broadcast %broadcast_in_dim3A_834 : f32 to vector<16xf32>
    %broadcast_in_dim3A_836 = arith.constant 0.000000e+00 : f32
    %broadcast_in_dim3A_837 = vector.broadcast %broadcast_in_dim3A_836 : f32 to vector<16xf32>
    %broadcast_in_dim3A_838 = arith.constant 0.000000e+00 : f32
    %broadcast_in_dim3A_839 = vector.broadcast %broadcast_in_dim3A_838 : f32 to vector<16xf32>
    %broadcast_in_dim3A_840 = arith.constant 0.000000e+00 : f32
    %broadcast_in_dim3A_841 = vector.broadcast %broadcast_in_dim3A_840 : f32 to vector<16xf32>
    %scan3A_842 = arith.constant 0 : i32
    %scan3A_843 = arith.constant 64 : i32
    %scan3A_844 = arith.addi %scan3A_842, %scan3A_843 : i32
    %scan3A_845 = arith.constant 1 : i32
    %scan3A_846:16 = scf.for %scan3A_1246 = %scan3A_842 to %scan3A_844 step %scan3A_845 iter_args(%scan3A_1247 = %broadcast_in_dim3A_811, %scan3A_1248 = %broadcast_in_dim3A_813, %scan3A_1249 = %broadcast_in_dim3A_815, %scan3A_1250 = %broadcast_in_dim3A_817, %scan3A_1251 = %broadcast_in_dim3A_819, %scan3A_1252 = %broadcast_in_dim3A_821, %scan3A_1253 = %broadcast_in_dim3A_823, %scan3A_1254 = %broadcast_in_dim3A_825, %scan3A_1255 = %broadcast_in_dim3A_827, %scan3A_1256 = %broadcast_in_dim3A_829, %scan3A_1257 = %broadcast_in_dim3A_831, %scan3A_1258 = %broadcast_in_dim3A_833, %scan3A_1259 = %broadcast_in_dim3A_835, %scan3A_1260 = %broadcast_in_dim3A_837, %scan3A_1261 = %broadcast_in_dim3A_839, %scan3A_1262 = %broadcast_in_dim3A_841) -> (vector<16xf32>, vector<16xf32>, vector<16xf32>, vector<16xf32>, vector<16xf32>, vector<16xf32>, vector<16xf32>, vector<16xf32>, vector<16xf32>, vector<16xf32>, vector<16xf32>, vector<16xf32>, vector<16xf32>, vector<16xf32>, vector<16xf32>, vector<16xf32>)  : i32 {
      %mul3A_1263 = arith.constant 16 : i32
      %mul3A_1264 = arith.muli %scan3A_1246, %mul3A_1263 : i32
      %get3A = arith.constant 5 : i32
      %get3A_1265 = arith.index_cast %get3A : i32 to index
      %get3A_1266 = arith.index_cast %mul3A_1264 : i32 to index
      %get3A_1267 = tpu.vector_load %arg5[%get3A_1265, %get3A_1266] {strides = array<i32>} : memref<8x1024xf32, #tpu.memory_space<vmem>>, vector<1x16xf32>,
      %get3A_1268 = vector.shape_cast %get3A_1267 : vector<1x16xf32> to vector<16xf32>
      %mul3A_1269 = arith.constant 16 : i32
      %mul3A_1270 = arith.muli %scan3A_1246, %mul3A_1269 : i32
      %get3A_1271 = arith.constant 0 : i32
      %get3A_1272 = arith.index_cast %get3A_1271 : i32 to index
      %get3A_1273 = arith.index_cast %mul3A_1270 : i32 to index
      %get3A_1274 = tpu.vector_load %arg7[%get3A_1272, %get3A_1273] {strides = array<i32>} : memref<16x1024xf32, #tpu.memory_space<vmem>>, vector<1x16xf32>,
      %get3A_1275 = vector.shape_cast %get3A_1274 : vector<1x16xf32> to vector<16xf32>
      %mul3A_1276 = arith.mulf %get3A_1275, %get3A_1268 : vector<16xf32>
      %add3A_1277 = arith.addf %scan3A_1247, %mul3A_1276 : vector<16xf32>
      %mul3A_1278 = arith.constant 16 : i32
      %mul3A_1279 = arith.muli %scan3A_1246, %mul3A_1278 : i32
      %get3A_1280 = arith.constant 1 : i32
      %get3A_1281 = arith.index_cast %get3A_1280 : i32 to index
      %get3A_1282 = arith.index_cast %mul3A_1279 : i32 to index
      %get3A_1283 = tpu.vector_load %arg7[%get3A_1281, %get3A_1282] {strides = array<i32>} : memref<16x1024xf32, #tpu.memory_space<vmem>>, vector<1x16xf32>,
      %get3A_1284 = vector.shape_cast %get3A_1283 : vector<1x16xf32> to vector<16xf32>
      %mul3A_1285 = arith.mulf %get3A_1284, %get3A_1268 : vector<16xf32>
      %add3A_1286 = arith.addf %scan3A_1248, %mul3A_1285 : vector<16xf32>
      %mul3A_1287 = arith.constant 16 : i32
      %mul3A_1288 = arith.muli %scan3A_1246, %mul3A_1287 : i32
      %get3A_1289 = arith.constant 2 : i32
      %get3A_1290 = arith.index_cast %get3A_1289 : i32 to index
      %get3A_1291 = arith.index_cast %mul3A_1288 : i32 to index
      %get3A_1292 = tpu.vector_load %arg7[%get3A_1290, %get3A_1291] {strides = array<i32>} : memref<16x1024xf32, #tpu.memory_space<vmem>>, vector<1x16xf32>,
      %get3A_1293 = vector.shape_cast %get3A_1292 : vector<1x16xf32> to vector<16xf32>
      %mul3A_1294 = arith.mulf %get3A_1293, %get3A_1268 : vector<16xf32>
      %add3A_1295 = arith.addf %scan3A_1249, %mul3A_1294 : vector<16xf32>
      %mul3A_1296 = arith.constant 16 : i32
      %mul3A_1297 = arith.muli %scan3A_1246, %mul3A_1296 : i32
      %get3A_1298 = arith.constant 3 : i32
      %get3A_1299 = arith.index_cast %get3A_1298 : i32 to index
      %get3A_1300 = arith.index_cast %mul3A_1297 : i32 to index
      %get3A_1301 = tpu.vector_load %arg7[%get3A_1299, %get3A_1300] {strides = array<i32>} : memref<16x1024xf32, #tpu.memory_space<vmem>>, vector<1x16xf32>,
      %get3A_1302 = vector.shape_cast %get3A_1301 : vector<1x16xf32> to vector<16xf32>
      %mul3A_1303 = arith.mulf %get3A_1302, %get3A_1268 : vector<16xf32>
      %add3A_1304 = arith.addf %scan3A_1250, %mul3A_1303 : vector<16xf32>
      %mul3A_1305 = arith.constant 16 : i32
      %mul3A_1306 = arith.muli %scan3A_1246, %mul3A_1305 : i32
      %get3A_1307 = arith.constant 4 : i32
      %get3A_1308 = arith.index_cast %get3A_1307 : i32 to index
      %get3A_1309 = arith.index_cast %mul3A_1306 : i32 to index
      %get3A_1310 = tpu.vector_load %arg7[%get3A_1308, %get3A_1309] {strides = array<i32>} : memref<16x1024xf32, #tpu.memory_space<vmem>>, vector<1x16xf32>,
      %get3A_1311 = vector.shape_cast %get3A_1310 : vector<1x16xf32> to vector<16xf32>
      %mul3A_1312 = arith.mulf %get3A_1311, %get3A_1268 : vector<16xf32>
      %add3A_1313 = arith.addf %scan3A_1251, %mul3A_1312 : vector<16xf32>
      %mul3A_1314 = arith.constant 16 : i32
      %mul3A_1315 = arith.muli %scan3A_1246, %mul3A_1314 : i32
      %get3A_1316 = arith.constant 5 : i32
      %get3A_1317 = arith.index_cast %get3A_1316 : i32 to index
      %get3A_1318 = arith.index_cast %mul3A_1315 : i32 to index
      %get3A_1319 = tpu.vector_load %arg7[%get3A_1317, %get3A_1318] {strides = array<i32>} : memref<16x1024xf32, #tpu.memory_space<vmem>>, vector<1x16xf32>,
      %get3A_1320 = vector.shape_cast %get3A_1319 : vector<1x16xf32> to vector<16xf32>
      %mul3A_1321 = arith.mulf %get3A_1320, %get3A_1268 : vector<16xf32>
      %add3A_1322 = arith.addf %scan3A_1252, %mul3A_1321 : vector<16xf32>
      %mul3A_1323 = arith.constant 16 : i32
      %mul3A_1324 = arith.muli %scan3A_1246, %mul3A_1323 : i32
      %get3A_1325 = arith.constant 6 : i32
      %get3A_1326 = arith.index_cast %get3A_1325 : i32 to index
      %get3A_1327 = arith.index_cast %mul3A_1324 : i32 to index
      %get3A_1328 = tpu.vector_load %arg7[%get3A_1326, %get3A_1327] {strides = array<i32>} : memref<16x1024xf32, #tpu.memory_space<vmem>>, vector<1x16xf32>,
      %get3A_1329 = vector.shape_cast %get3A_1328 : vector<1x16xf32> to vector<16xf32>
      %mul3A_1330 = arith.mulf %get3A_1329, %get3A_1268 : vector<16xf32>
      %add3A_1331 = arith.addf %scan3A_1253, %mul3A_1330 : vector<16xf32>
      %mul3A_1332 = arith.constant 16 : i32
      %mul3A_1333 = arith.muli %scan3A_1246, %mul3A_1332 : i32
      %get3A_1334 = arith.constant 7 : i32
      %get3A_1335 = arith.index_cast %get3A_1334 : i32 to index
      %get3A_1336 = arith.index_cast %mul3A_1333 : i32 to index
      %get3A_1337 = tpu.vector_load %arg7[%get3A_1335, %get3A_1336] {strides = array<i32>} : memref<16x1024xf32, #tpu.memory_space<vmem>>, vector<1x16xf32>,
      %get3A_1338 = vector.shape_cast %get3A_1337 : vector<1x16xf32> to vector<16xf32>
      %mul3A_1339 = arith.mulf %get3A_1338, %get3A_1268 : vector<16xf32>
      %add3A_1340 = arith.addf %scan3A_1254, %mul3A_1339 : vector<16xf32>
      %mul3A_1341 = arith.constant 16 : i32
      %mul3A_1342 = arith.muli %scan3A_1246, %mul3A_1341 : i32
      %get3A_1343 = arith.constant 8 : i32
      %get3A_1344 = arith.index_cast %get3A_1343 : i32 to index
      %get3A_1345 = arith.index_cast %mul3A_1342 : i32 to index
      %get3A_1346 = tpu.vector_load %arg7[%get3A_1344, %get3A_1345] {strides = array<i32>} : memref<16x1024xf32, #tpu.memory_space<vmem>>, vector<1x16xf32>,
      %get3A_1347 = vector.shape_cast %get3A_1346 : vector<1x16xf32> to vector<16xf32>
      %mul3A_1348 = arith.mulf %get3A_1347, %get3A_1268 : vector<16xf32>
      %add3A_1349 = arith.addf %scan3A_1255, %mul3A_1348 : vector<16xf32>
      %mul3A_1350 = arith.constant 16 : i32
      %mul3A_1351 = arith.muli %scan3A_1246, %mul3A_1350 : i32
      %get3A_1352 = arith.constant 9 : i32
      %get3A_1353 = arith.index_cast %get3A_1352 : i32 to index
      %get3A_1354 = arith.index_cast %mul3A_1351 : i32 to index
      %get3A_1355 = tpu.vector_load %arg7[%get3A_1353, %get3A_1354] {strides = array<i32>} : memref<16x1024xf32, #tpu.memory_space<vmem>>, vector<1x16xf32>,
      %get3A_1356 = vector.shape_cast %get3A_1355 : vector<1x16xf32> to vector<16xf32>
      %mul3A_1357 = arith.mulf %get3A_1356, %get3A_1268 : vector<16xf32>
      %add3A_1358 = arith.addf %scan3A_1256, %mul3A_1357 : vector<16xf32>
      %mul3A_1359 = arith.constant 16 : i32
      %mul3A_1360 = arith.muli %scan3A_1246, %mul3A_1359 : i32
      %get3A_1361 = arith.constant 10 : i32
      %get3A_1362 = arith.index_cast %get3A_1361 : i32 to index
      %get3A_1363 = arith.index_cast %mul3A_1360 : i32 to index
      %get3A_1364 = tpu.vector_load %arg7[%get3A_1362, %get3A_1363] {strides = array<i32>} : memref<16x1024xf32, #tpu.memory_space<vmem>>, vector<1x16xf32>,
      %get3A_1365 = vector.shape_cast %get3A_1364 : vector<1x16xf32> to vector<16xf32>
      %mul3A_1366 = arith.mulf %get3A_1365, %get3A_1268 : vector<16xf32>
      %add3A_1367 = arith.addf %scan3A_1257, %mul3A_1366 : vector<16xf32>
      %mul3A_1368 = arith.constant 16 : i32
      %mul3A_1369 = arith.muli %scan3A_1246, %mul3A_1368 : i32
      %get3A_1370 = arith.constant 11 : i32
      %get3A_1371 = arith.index_cast %get3A_1370 : i32 to index
      %get3A_1372 = arith.index_cast %mul3A_1369 : i32 to index
      %get3A_1373 = tpu.vector_load %arg7[%get3A_1371, %get3A_1372] {strides = array<i32>} : memref<16x1024xf32, #tpu.memory_space<vmem>>, vector<1x16xf32>,
      %get3A_1374 = vector.shape_cast %get3A_1373 : vector<1x16xf32> to vector<16xf32>
      %mul3A_1375 = arith.mulf %get3A_1374, %get3A_1268 : vector<16xf32>
      %add3A_1376 = arith.addf %scan3A_1258, %mul3A_1375 : vector<16xf32>
      %mul3A_1377 = arith.constant 16 : i32
      %mul3A_1378 = arith.muli %scan3A_1246, %mul3A_1377 : i32
      %get3A_1379 = arith.constant 12 : i32
      %get3A_1380 = arith.index_cast %get3A_1379 : i32 to index
      %get3A_1381 = arith.index_cast %mul3A_1378 : i32 to index
      %get3A_1382 = tpu.vector_load %arg7[%get3A_1380, %get3A_1381] {strides = array<i32>} : memref<16x1024xf32, #tpu.memory_space<vmem>>, vector<1x16xf32>,
      %get3A_1383 = vector.shape_cast %get3A_1382 : vector<1x16xf32> to vector<16xf32>
      %mul3A_1384 = arith.mulf %get3A_1383, %get3A_1268 : vector<16xf32>
      %add3A_1385 = arith.addf %scan3A_1259, %mul3A_1384 : vector<16xf32>
      %mul3A_1386 = arith.constant 16 : i32
      %mul3A_1387 = arith.muli %scan3A_1246, %mul3A_1386 : i32
      %get3A_1388 = arith.constant 13 : i32
      %get3A_1389 = arith.index_cast %get3A_1388 : i32 to index
      %get3A_1390 = arith.index_cast %mul3A_1387 : i32 to index
      %get3A_1391 = tpu.vector_load %arg7[%get3A_1389, %get3A_1390] {strides = array<i32>} : memref<16x1024xf32, #tpu.memory_space<vmem>>, vector<1x16xf32>,
      %get3A_1392 = vector.shape_cast %get3A_1391 : vector<1x16xf32> to vector<16xf32>
      %mul3A_1393 = arith.mulf %get3A_1392, %get3A_1268 : vector<16xf32>
      %add3A_1394 = arith.addf %scan3A_1260, %mul3A_1393 : vector<16xf32>
      %mul3A_1395 = arith.constant 16 : i32
      %mul3A_1396 = arith.muli %scan3A_1246, %mul3A_1395 : i32
      %get3A_1397 = arith.constant 14 : i32
      %get3A_1398 = arith.index_cast %get3A_1397 : i32 to index
      %get3A_1399 = arith.index_cast %mul3A_1396 : i32 to index
      %get3A_1400 = tpu.vector_load %arg7[%get3A_1398, %get3A_1399] {strides = array<i32>} : memref<16x1024xf32, #tpu.memory_space<vmem>>, vector<1x16xf32>,
      %get3A_1401 = vector.shape_cast %get3A_1400 : vector<1x16xf32> to vector<16xf32>
      %mul3A_1402 = arith.mulf %get3A_1401, %get3A_1268 : vector<16xf32>
      %add3A_1403 = arith.addf %scan3A_1261, %mul3A_1402 : vector<16xf32>
      %mul3A_1404 = arith.constant 16 : i32
      %mul3A_1405 = arith.muli %scan3A_1246, %mul3A_1404 : i32
      %get3A_1406 = arith.constant 15 : i32
      %get3A_1407 = arith.index_cast %get3A_1406 : i32 to index
      %get3A_1408 = arith.index_cast %mul3A_1405 : i32 to index
      %get3A_1409 = tpu.vector_load %arg7[%get3A_1407, %get3A_1408] {strides = array<i32>} : memref<16x1024xf32, #tpu.memory_space<vmem>>, vector<1x16xf32>,
      %get3A_1410 = vector.shape_cast %get3A_1409 : vector<1x16xf32> to vector<16xf32>
      %mul3A_1411 = arith.mulf %get3A_1410, %get3A_1268 : vector<16xf32>
      %add3A_1412 = arith.addf %scan3A_1262, %mul3A_1411 : vector<16xf32>
      scf.yield %add3A_1277, %add3A_1286, %add3A_1295, %add3A_1304, %add3A_1313, %add3A_1322, %add3A_1331, %add3A_1340, %add3A_1349, %add3A_1358, %add3A_1367, %add3A_1376, %add3A_1385, %add3A_1394, %add3A_1403, %add3A_1412 : vector<16xf32>, vector<16xf32>, vector<16xf32>, vector<16xf32>, vector<16xf32>, vector<16xf32>, vector<16xf32>, vector<16xf32>, vector<16xf32>, vector<16xf32>, vector<16xf32>, vector<16xf32>, vector<16xf32>, vector<16xf32>, vector<16xf32>, vector<16xf32>
    }
    %scan3A_847 = arith.constant 64 : i32
    %swap3A_848 = arith.constant 5 : i32
    %swap3A_849 = arith.index_cast %swap3A_848 : i32 to index
    %swap3A_850 = arith.constant 0 : index
    %swap3A_851 = tpu.vector_load %arg8[%swap3A_849, %swap3A_850] {strides = array<i32>} : memref<8x256xf32, #tpu.memory_space<vmem>>, vector<1x16xf32>,
    %swap3A_852 = vector.shape_cast %swap3A_851 : vector<1x16xf32> to vector<16xf32>
    %swap3A_853 = vector.shape_cast %scan3A_846#0 : vector<16xf32> to vector<1x16xf32>
    tpu.vector_store %arg8[%swap3A_849, %swap3A_850], %swap3A_853 {strides = array<i32>} : memref<8x256xf32, #tpu.memory_space<vmem>>, vector<1x16xf32>,
    %swap3A_854 = arith.constant 5 : i32
    %swap3A_855 = arith.index_cast %swap3A_854 : i32 to index
    %swap3A_856 = arith.constant 16 : index
    %swap3A_857 = tpu.vector_load %arg8[%swap3A_855, %swap3A_856] {strides = array<i32>} : memref<8x256xf32, #tpu.memory_space<vmem>>, vector<1x16xf32>,
    %swap3A_858 = vector.shape_cast %swap3A_857 : vector<1x16xf32> to vector<16xf32>
    %swap3A_859 = vector.shape_cast %scan3A_846#1 : vector<16xf32> to vector<1x16xf32>
    tpu.vector_store %arg8[%swap3A_855, %swap3A_856], %swap3A_859 {strides = array<i32>} : memref<8x256xf32, #tpu.memory_space<vmem>>, vector<1x16xf32>,
    %swap3A_860 = arith.constant 5 : i32
    %swap3A_861 = arith.index_cast %swap3A_860 : i32 to index
    %swap3A_862 = arith.constant 32 : index
    %swap3A_863 = tpu.vector_load %arg8[%swap3A_861, %swap3A_862] {strides = array<i32>} : memref<8x256xf32, #tpu.memory_space<vmem>>, vector<1x16xf32>,
    %swap3A_864 = vector.shape_cast %swap3A_863 : vector<1x16xf32> to vector<16xf32>
    %swap3A_865 = vector.shape_cast %scan3A_846#2 : vector<16xf32> to vector<1x16xf32>
    tpu.vector_store %arg8[%swap3A_861, %swap3A_862], %swap3A_865 {strides = array<i32>} : memref<8x256xf32, #tpu.memory_space<vmem>>, vector<1x16xf32>,
    %swap3A_866 = arith.constant 5 : i32
    %swap3A_867 = arith.index_cast %swap3A_866 : i32 to index
    %swap3A_868 = arith.constant 48 : index
    %swap3A_869 = tpu.vector_load %arg8[%swap3A_867, %swap3A_868] {strides = array<i32>} : memref<8x256xf32, #tpu.memory_space<vmem>>, vector<1x16xf32>,
    %swap3A_870 = vector.shape_cast %swap3A_869 : vector<1x16xf32> to vector<16xf32>
    %swap3A_871 = vector.shape_cast %scan3A_846#3 : vector<16xf32> to vector<1x16xf32>
    tpu.vector_store %arg8[%swap3A_867, %swap3A_868], %swap3A_871 {strides = array<i32>} : memref<8x256xf32, #tpu.memory_space<vmem>>, vector<1x16xf32>,
    %swap3A_872 = arith.constant 5 : i32
    %swap3A_873 = arith.index_cast %swap3A_872 : i32 to index
    %swap3A_874 = arith.constant 64 : index
    %swap3A_875 = tpu.vector_load %arg8[%swap3A_873, %swap3A_874] {strides = array<i32>} : memref<8x256xf32, #tpu.memory_space<vmem>>, vector<1x16xf32>,
    %swap3A_876 = vector.shape_cast %swap3A_875 : vector<1x16xf32> to vector<16xf32>
    %swap3A_877 = vector.shape_cast %scan3A_846#4 : vector<16xf32> to vector<1x16xf32>
    tpu.vector_store %arg8[%swap3A_873, %swap3A_874], %swap3A_877 {strides = array<i32>} : memref<8x256xf32, #tpu.memory_space<vmem>>, vector<1x16xf32>,
    %swap3A_878 = arith.constant 5 : i32
    %swap3A_879 = arith.index_cast %swap3A_878 : i32 to index
    %swap3A_880 = arith.constant 80 : index
    %swap3A_881 = tpu.vector_load %arg8[%swap3A_879, %swap3A_880] {strides = array<i32>} : memref<8x256xf32, #tpu.memory_space<vmem>>, vector<1x16xf32>,
    %swap3A_882 = vector.shape_cast %swap3A_881 : vector<1x16xf32> to vector<16xf32>
    %swap3A_883 = vector.shape_cast %scan3A_846#5 : vector<16xf32> to vector<1x16xf32>
    tpu.vector_store %arg8[%swap3A_879, %swap3A_880], %swap3A_883 {strides = array<i32>} : memref<8x256xf32, #tpu.memory_space<vmem>>, vector<1x16xf32>,
    %swap3A_884 = arith.constant 5 : i32
    %swap3A_885 = arith.index_cast %swap3A_884 : i32 to index
    %swap3A_886 = arith.constant 96 : index
    %swap3A_887 = tpu.vector_load %arg8[%swap3A_885, %swap3A_886] {strides = array<i32>} : memref<8x256xf32, #tpu.memory_space<vmem>>, vector<1x16xf32>,
    %swap3A_888 = vector.shape_cast %swap3A_887 : vector<1x16xf32> to vector<16xf32>
    %swap3A_889 = vector.shape_cast %scan3A_846#6 : vector<16xf32> to vector<1x16xf32>
    tpu.vector_store %arg8[%swap3A_885, %swap3A_886], %swap3A_889 {strides = array<i32>} : memref<8x256xf32, #tpu.memory_space<vmem>>, vector<1x16xf32>,
    %swap3A_890 = arith.constant 5 : i32
    %swap3A_891 = arith.index_cast %swap3A_890 : i32 to index
    %swap3A_892 = arith.constant 112 : index
    %swap3A_893 = tpu.vector_load %arg8[%swap3A_891, %swap3A_892] {strides = array<i32>} : memref<8x256xf32, #tpu.memory_space<vmem>>, vector<1x16xf32>,
    %swap3A_894 = vector.shape_cast %swap3A_893 : vector<1x16xf32> to vector<16xf32>
    %swap3A_895 = vector.shape_cast %scan3A_846#7 : vector<16xf32> to vector<1x16xf32>
    tpu.vector_store %arg8[%swap3A_891, %swap3A_892], %swap3A_895 {strides = array<i32>} : memref<8x256xf32, #tpu.memory_space<vmem>>, vector<1x16xf32>,
    %swap3A_896 = arith.constant 5 : i32
    %swap3A_897 = arith.index_cast %swap3A_896 : i32 to index
    %swap3A_898 = arith.constant 128 : index
    %swap3A_899 = tpu.vector_load %arg8[%swap3A_897, %swap3A_898] {strides = array<i32>} : memref<8x256xf32, #tpu.memory_space<vmem>>, vector<1x16xf32>,
    %swap3A_900 = vector.shape_cast %swap3A_899 : vector<1x16xf32> to vector<16xf32>
    %swap3A_901 = vector.shape_cast %scan3A_846#8 : vector<16xf32> to vector<1x16xf32>
    tpu.vector_store %arg8[%swap3A_897, %swap3A_898], %swap3A_901 {strides = array<i32>} : memref<8x256xf32, #tpu.memory_space<vmem>>, vector<1x16xf32>,
    %swap3A_902 = arith.constant 5 : i32
    %swap3A_903 = arith.index_cast %swap3A_902 : i32 to index
    %swap3A_904 = arith.constant 144 : index
    %swap3A_905 = tpu.vector_load %arg8[%swap3A_903, %swap3A_904] {strides = array<i32>} : memref<8x256xf32, #tpu.memory_space<vmem>>, vector<1x16xf32>,
    %swap3A_906 = vector.shape_cast %swap3A_905 : vector<1x16xf32> to vector<16xf32>
    %swap3A_907 = vector.shape_cast %scan3A_846#9 : vector<16xf32> to vector<1x16xf32>
    tpu.vector_store %arg8[%swap3A_903, %swap3A_904], %swap3A_907 {strides = array<i32>} : memref<8x256xf32, #tpu.memory_space<vmem>>, vector<1x16xf32>,
    %swap3A_908 = arith.constant 5 : i32
    %swap3A_909 = arith.index_cast %swap3A_908 : i32 to index
    %swap3A_910 = arith.constant 160 : index
    %swap3A_911 = tpu.vector_load %arg8[%swap3A_909, %swap3A_910] {strides = array<i32>} : memref<8x256xf32, #tpu.memory_space<vmem>>, vector<1x16xf32>,
    %swap3A_912 = vector.shape_cast %swap3A_911 : vector<1x16xf32> to vector<16xf32>
    %swap3A_913 = vector.shape_cast %scan3A_846#10 : vector<16xf32> to vector<1x16xf32>
    tpu.vector_store %arg8[%swap3A_909, %swap3A_910], %swap3A_913 {strides = array<i32>} : memref<8x256xf32, #tpu.memory_space<vmem>>, vector<1x16xf32>,
    %swap3A_914 = arith.constant 5 : i32
    %swap3A_915 = arith.index_cast %swap3A_914 : i32 to index
    %swap3A_916 = arith.constant 176 : index
    %swap3A_917 = tpu.vector_load %arg8[%swap3A_915, %swap3A_916] {strides = array<i32>} : memref<8x256xf32, #tpu.memory_space<vmem>>, vector<1x16xf32>,
    %swap3A_918 = vector.shape_cast %swap3A_917 : vector<1x16xf32> to vector<16xf32>
    %swap3A_919 = vector.shape_cast %scan3A_846#11 : vector<16xf32> to vector<1x16xf32>
    tpu.vector_store %arg8[%swap3A_915, %swap3A_916], %swap3A_919 {strides = array<i32>} : memref<8x256xf32, #tpu.memory_space<vmem>>, vector<1x16xf32>,
    %swap3A_920 = arith.constant 5 : i32
    %swap3A_921 = arith.index_cast %swap3A_920 : i32 to index
    %swap3A_922 = arith.constant 192 : index
    %swap3A_923 = tpu.vector_load %arg8[%swap3A_921, %swap3A_922] {strides = array<i32>} : memref<8x256xf32, #tpu.memory_space<vmem>>, vector<1x16xf32>,
    %swap3A_924 = vector.shape_cast %swap3A_923 : vector<1x16xf32> to vector<16xf32>
    %swap3A_925 = vector.shape_cast %scan3A_846#12 : vector<16xf32> to vector<1x16xf32>
    tpu.vector_store %arg8[%swap3A_921, %swap3A_922], %swap3A_925 {strides = array<i32>} : memref<8x256xf32, #tpu.memory_space<vmem>>, vector<1x16xf32>,
    %swap3A_926 = arith.constant 5 : i32
    %swap3A_927 = arith.index_cast %swap3A_926 : i32 to index
    %swap3A_928 = arith.constant 208 : index
    %swap3A_929 = tpu.vector_load %arg8[%swap3A_927, %swap3A_928] {strides = array<i32>} : memref<8x256xf32, #tpu.memory_space<vmem>>, vector<1x16xf32>,
    %swap3A_930 = vector.shape_cast %swap3A_929 : vector<1x16xf32> to vector<16xf32>
    %swap3A_931 = vector.shape_cast %scan3A_846#13 : vector<16xf32> to vector<1x16xf32>
    tpu.vector_store %arg8[%swap3A_927, %swap3A_928], %swap3A_931 {strides = array<i32>} : memref<8x256xf32, #tpu.memory_space<vmem>>, vector<1x16xf32>,
    %swap3A_932 = arith.constant 5 : i32
    %swap3A_933 = arith.index_cast %swap3A_932 : i32 to index
    %swap3A_934 = arith.constant 224 : index
    %swap3A_935 = tpu.vector_load %arg8[%swap3A_933, %swap3A_934] {strides = array<i32>} : memref<8x256xf32, #tpu.memory_space<vmem>>, vector<1x16xf32>,
    %swap3A_936 = vector.shape_cast %swap3A_935 : vector<1x16xf32> to vector<16xf32>
    %swap3A_937 = vector.shape_cast %scan3A_846#14 : vector<16xf32> to vector<1x16xf32>
    tpu.vector_store %arg8[%swap3A_933, %swap3A_934], %swap3A_937 {strides = array<i32>} : memref<8x256xf32, #tpu.memory_space<vmem>>, vector<1x16xf32>,
    %swap3A_938 = arith.constant 5 : i32
    %swap3A_939 = arith.index_cast %swap3A_938 : i32 to index
    %swap3A_940 = arith.constant 240 : index
    %swap3A_941 = tpu.vector_load %arg8[%swap3A_939, %swap3A_940] {strides = array<i32>} : memref<8x256xf32, #tpu.memory_space<vmem>>, vector<1x16xf32>,
    %swap3A_942 = vector.shape_cast %swap3A_941 : vector<1x16xf32> to vector<16xf32>
    %swap3A_943 = vector.shape_cast %scan3A_846#15 : vector<16xf32> to vector<1x16xf32>
    tpu.vector_store %arg8[%swap3A_939, %swap3A_940], %swap3A_943 {strides = array<i32>} : memref<8x256xf32, #tpu.memory_space<vmem>>, vector<1x16xf32>,
    %add3A_944 = arith.constant 6 : i32
    %add3A_945 = arith.addi %add3A_4, %add3A_944 : i32
    %dma_wait3A_946 = arith.constant 0 : i32
    %dma_wait3A_947 = arith.constant 0 : i32
    %dma_wait3A_948 = tpu.memref_slice %arg2[%add3A_945, %dma_wait3A_946, %dma_wait3A_947] : memref<1024x16x1024xf32, #tpu.memory_space<hbm>> -> memref<1x16x1024xf32, #tpu.memory_space<hbm>>
    %dma_wait3A_949 = tpu.memref_squeeze %dma_wait3A_948 : memref<1x16x1024xf32, #tpu.memory_space<hbm>> -> memref<16x1024xf32, #tpu.memory_space<hbm>>
    %dma_wait3A_950 = arith.constant 0 : i32
    %dma_wait3A_951 = arith.constant 0 : i32
    %dma_wait3A_952 = tpu.memref_slice %arg2[%add3A_945, %dma_wait3A_950, %dma_wait3A_951] : memref<1024x16x1024xf32, #tpu.memory_space<hbm>> -> memref<1x16x1024xf32, #tpu.memory_space<hbm>>
    %dma_wait3A_953 = tpu.memref_squeeze %dma_wait3A_952 : memref<1x16x1024xf32, #tpu.memory_space<hbm>> -> memref<16x1024xf32, #tpu.memory_space<hbm>>
    tpu.wait_dma2 semaphore(%arg9 : memref<!tpu.dma_semaphore, #tpu.memory_space<semaphore_mem>>) src(%dma_wait3A_953 : memref<16x1024xf32, #tpu.memory_space<hbm>>) dst(%arg6 : memref<16x1024xf32, #tpu.memory_space<vmem>>)
    %add3A_954 = arith.constant 6 : i32
    %add3A_955 = arith.addi %add3A_4, %add3A_954 : i32
    %add3A_956 = arith.constant 1 : i32
    %add3A_957 = arith.addi %add3A_955, %add3A_956 : i32
    %dma_start3A_958 = arith.constant 0 : i32
    %dma_start3A_959 = arith.constant 0 : i32
    %dma_start3A_960 = tpu.memref_slice %arg2[%add3A_957, %dma_start3A_958, %dma_start3A_959] : memref<1024x16x1024xf32, #tpu.memory_space<hbm>> -> memref<1x16x1024xf32, #tpu.memory_space<hbm>>
    %dma_start3A_961 = tpu.memref_squeeze %dma_start3A_960 : memref<1x16x1024xf32, #tpu.memory_space<hbm>> -> memref<16x1024xf32, #tpu.memory_space<hbm>>
    %dma_start3A_962 = arith.constant 0 : i32
    %dma_start3A_963 = arith.constant 0 : i32
    %dma_start3A_964 = tpu.memref_slice %arg2[%add3A_957, %dma_start3A_962, %dma_start3A_963] : memref<1024x16x1024xf32, #tpu.memory_space<hbm>> -> memref<1x16x1024xf32, #tpu.memory_space<hbm>>
    %dma_start3A_965 = tpu.memref_squeeze %dma_start3A_964 : memref<1x16x1024xf32, #tpu.memory_space<hbm>> -> memref<16x1024xf32, #tpu.memory_space<hbm>>
    tpu.enqueue_dma source(%dma_start3A_965 : memref<16x1024xf32, #tpu.memory_space<hbm>>) target(%arg7 : memref<16x1024xf32, #tpu.memory_space<vmem>>) target_semaphore(%arg10 : memref<!tpu.dma_semaphore, #tpu.memory_space<semaphore_mem>>)
    %broadcast_in_dim3A_966 = arith.constant 0.000000e+00 : f32
    %broadcast_in_dim3A_967 = vector.broadcast %broadcast_in_dim3A_966 : f32 to vector<16xf32>
    %broadcast_in_dim3A_968 = arith.constant 0.000000e+00 : f32
    %broadcast_in_dim3A_969 = vector.broadcast %broadcast_in_dim3A_968 : f32 to vector<16xf32>
    %broadcast_in_dim3A_970 = arith.constant 0.000000e+00 : f32
    %broadcast_in_dim3A_971 = vector.broadcast %broadcast_in_dim3A_970 : f32 to vector<16xf32>
    %broadcast_in_dim3A_972 = arith.constant 0.000000e+00 : f32
    %broadcast_in_dim3A_973 = vector.broadcast %broadcast_in_dim3A_972 : f32 to vector<16xf32>
    %broadcast_in_dim3A_974 = arith.constant 0.000000e+00 : f32
    %broadcast_in_dim3A_975 = vector.broadcast %broadcast_in_dim3A_974 : f32 to vector<16xf32>
    %broadcast_in_dim3A_976 = arith.constant 0.000000e+00 : f32
    %broadcast_in_dim3A_977 = vector.broadcast %broadcast_in_dim3A_976 : f32 to vector<16xf32>
    %broadcast_in_dim3A_978 = arith.constant 0.000000e+00 : f32
    %broadcast_in_dim3A_979 = vector.broadcast %broadcast_in_dim3A_978 : f32 to vector<16xf32>
    %broadcast_in_dim3A_980 = arith.constant 0.000000e+00 : f32
    %broadcast_in_dim3A_981 = vector.broadcast %broadcast_in_dim3A_980 : f32 to vector<16xf32>
    %broadcast_in_dim3A_982 = arith.constant 0.000000e+00 : f32
    %broadcast_in_dim3A_983 = vector.broadcast %broadcast_in_dim3A_982 : f32 to vector<16xf32>
    %broadcast_in_dim3A_984 = arith.constant 0.000000e+00 : f32
    %broadcast_in_dim3A_985 = vector.broadcast %broadcast_in_dim3A_984 : f32 to vector<16xf32>
    %broadcast_in_dim3A_986 = arith.constant 0.000000e+00 : f32
    %broadcast_in_dim3A_987 = vector.broadcast %broadcast_in_dim3A_986 : f32 to vector<16xf32>
    %broadcast_in_dim3A_988 = arith.constant 0.000000e+00 : f32
    %broadcast_in_dim3A_989 = vector.broadcast %broadcast_in_dim3A_988 : f32 to vector<16xf32>
    %broadcast_in_dim3A_990 = arith.constant 0.000000e+00 : f32
    %broadcast_in_dim3A_991 = vector.broadcast %broadcast_in_dim3A_990 : f32 to vector<16xf32>
    %broadcast_in_dim3A_992 = arith.constant 0.000000e+00 : f32
    %broadcast_in_dim3A_993 = vector.broadcast %broadcast_in_dim3A_992 : f32 to vector<16xf32>
    %broadcast_in_dim3A_994 = arith.constant 0.000000e+00 : f32
    %broadcast_in_dim3A_995 = vector.broadcast %broadcast_in_dim3A_994 : f32 to vector<16xf32>
    %broadcast_in_dim3A_996 = arith.constant 0.000000e+00 : f32
    %broadcast_in_dim3A_997 = vector.broadcast %broadcast_in_dim3A_996 : f32 to vector<16xf32>
    %scan3A_998 = arith.constant 0 : i32
    %scan3A_999 = arith.constant 64 : i32
    %scan3A_1000 = arith.addi %scan3A_998, %scan3A_999 : i32
    %scan3A_1001 = arith.constant 1 : i32
    %scan3A_1002:16 = scf.for %scan3A_1246 = %scan3A_998 to %scan3A_1000 step %scan3A_1001 iter_args(%scan3A_1247 = %broadcast_in_dim3A_967, %scan3A_1248 = %broadcast_in_dim3A_969, %scan3A_1249 = %broadcast_in_dim3A_971, %scan3A_1250 = %broadcast_in_dim3A_973, %scan3A_1251 = %broadcast_in_dim3A_975, %scan3A_1252 = %broadcast_in_dim3A_977, %scan3A_1253 = %broadcast_in_dim3A_979, %scan3A_1254 = %broadcast_in_dim3A_981, %scan3A_1255 = %broadcast_in_dim3A_983, %scan3A_1256 = %broadcast_in_dim3A_985, %scan3A_1257 = %broadcast_in_dim3A_987, %scan3A_1258 = %broadcast_in_dim3A_989, %scan3A_1259 = %broadcast_in_dim3A_991, %scan3A_1260 = %broadcast_in_dim3A_993, %scan3A_1261 = %broadcast_in_dim3A_995, %scan3A_1262 = %broadcast_in_dim3A_997) -> (vector<16xf32>, vector<16xf32>, vector<16xf32>, vector<16xf32>, vector<16xf32>, vector<16xf32>, vector<16xf32>, vector<16xf32>, vector<16xf32>, vector<16xf32>, vector<16xf32>, vector<16xf32>, vector<16xf32>, vector<16xf32>, vector<16xf32>, vector<16xf32>)  : i32 {
      %mul3A_1263 = arith.constant 16 : i32
      %mul3A_1264 = arith.muli %scan3A_1246, %mul3A_1263 : i32
      %get3A = arith.constant 6 : i32
      %get3A_1265 = arith.index_cast %get3A : i32 to index
      %get3A_1266 = arith.index_cast %mul3A_1264 : i32 to index
      %get3A_1267 = tpu.vector_load %arg5[%get3A_1265, %get3A_1266] {strides = array<i32>} : memref<8x1024xf32, #tpu.memory_space<vmem>>, vector<1x16xf32>,
      %get3A_1268 = vector.shape_cast %get3A_1267 : vector<1x16xf32> to vector<16xf32>
      %mul3A_1269 = arith.constant 16 : i32
      %mul3A_1270 = arith.muli %scan3A_1246, %mul3A_1269 : i32
      %get3A_1271 = arith.constant 0 : i32
      %get3A_1272 = arith.index_cast %get3A_1271 : i32 to index
      %get3A_1273 = arith.index_cast %mul3A_1270 : i32 to index
      %get3A_1274 = tpu.vector_load %arg6[%get3A_1272, %get3A_1273] {strides = array<i32>} : memref<16x1024xf32, #tpu.memory_space<vmem>>, vector<1x16xf32>,
      %get3A_1275 = vector.shape_cast %get3A_1274 : vector<1x16xf32> to vector<16xf32>
      %mul3A_1276 = arith.mulf %get3A_1275, %get3A_1268 : vector<16xf32>
      %add3A_1277 = arith.addf %scan3A_1247, %mul3A_1276 : vector<16xf32>
      %mul3A_1278 = arith.constant 16 : i32
      %mul3A_1279 = arith.muli %scan3A_1246, %mul3A_1278 : i32
      %get3A_1280 = arith.constant 1 : i32
      %get3A_1281 = arith.index_cast %get3A_1280 : i32 to index
      %get3A_1282 = arith.index_cast %mul3A_1279 : i32 to index
      %get3A_1283 = tpu.vector_load %arg6[%get3A_1281, %get3A_1282] {strides = array<i32>} : memref<16x1024xf32, #tpu.memory_space<vmem>>, vector<1x16xf32>,
      %get3A_1284 = vector.shape_cast %get3A_1283 : vector<1x16xf32> to vector<16xf32>
      %mul3A_1285 = arith.mulf %get3A_1284, %get3A_1268 : vector<16xf32>
      %add3A_1286 = arith.addf %scan3A_1248, %mul3A_1285 : vector<16xf32>
      %mul3A_1287 = arith.constant 16 : i32
      %mul3A_1288 = arith.muli %scan3A_1246, %mul3A_1287 : i32
      %get3A_1289 = arith.constant 2 : i32
      %get3A_1290 = arith.index_cast %get3A_1289 : i32 to index
      %get3A_1291 = arith.index_cast %mul3A_1288 : i32 to index
      %get3A_1292 = tpu.vector_load %arg6[%get3A_1290, %get3A_1291] {strides = array<i32>} : memref<16x1024xf32, #tpu.memory_space<vmem>>, vector<1x16xf32>,
      %get3A_1293 = vector.shape_cast %get3A_1292 : vector<1x16xf32> to vector<16xf32>
      %mul3A_1294 = arith.mulf %get3A_1293, %get3A_1268 : vector<16xf32>
      %add3A_1295 = arith.addf %scan3A_1249, %mul3A_1294 : vector<16xf32>
      %mul3A_1296 = arith.constant 16 : i32
      %mul3A_1297 = arith.muli %scan3A_1246, %mul3A_1296 : i32
      %get3A_1298 = arith.constant 3 : i32
      %get3A_1299 = arith.index_cast %get3A_1298 : i32 to index
      %get3A_1300 = arith.index_cast %mul3A_1297 : i32 to index
      %get3A_1301 = tpu.vector_load %arg6[%get3A_1299, %get3A_1300] {strides = array<i32>} : memref<16x1024xf32, #tpu.memory_space<vmem>>, vector<1x16xf32>,
      %get3A_1302 = vector.shape_cast %get3A_1301 : vector<1x16xf32> to vector<16xf32>
      %mul3A_1303 = arith.mulf %get3A_1302, %get3A_1268 : vector<16xf32>
      %add3A_1304 = arith.addf %scan3A_1250, %mul3A_1303 : vector<16xf32>
      %mul3A_1305 = arith.constant 16 : i32
      %mul3A_1306 = arith.muli %scan3A_1246, %mul3A_1305 : i32
      %get3A_1307 = arith.constant 4 : i32
      %get3A_1308 = arith.index_cast %get3A_1307 : i32 to index
      %get3A_1309 = arith.index_cast %mul3A_1306 : i32 to index
      %get3A_1310 = tpu.vector_load %arg6[%get3A_1308, %get3A_1309] {strides = array<i32>} : memref<16x1024xf32, #tpu.memory_space<vmem>>, vector<1x16xf32>,
      %get3A_1311 = vector.shape_cast %get3A_1310 : vector<1x16xf32> to vector<16xf32>
      %mul3A_1312 = arith.mulf %get3A_1311, %get3A_1268 : vector<16xf32>
      %add3A_1313 = arith.addf %scan3A_1251, %mul3A_1312 : vector<16xf32>
      %mul3A_1314 = arith.constant 16 : i32
      %mul3A_1315 = arith.muli %scan3A_1246, %mul3A_1314 : i32
      %get3A_1316 = arith.constant 5 : i32
      %get3A_1317 = arith.index_cast %get3A_1316 : i32 to index
      %get3A_1318 = arith.index_cast %mul3A_1315 : i32 to index
      %get3A_1319 = tpu.vector_load %arg6[%get3A_1317, %get3A_1318] {strides = array<i32>} : memref<16x1024xf32, #tpu.memory_space<vmem>>, vector<1x16xf32>,
      %get3A_1320 = vector.shape_cast %get3A_1319 : vector<1x16xf32> to vector<16xf32>
      %mul3A_1321 = arith.mulf %get3A_1320, %get3A_1268 : vector<16xf32>
      %add3A_1322 = arith.addf %scan3A_1252, %mul3A_1321 : vector<16xf32>
      %mul3A_1323 = arith.constant 16 : i32
      %mul3A_1324 = arith.muli %scan3A_1246, %mul3A_1323 : i32
      %get3A_1325 = arith.constant 6 : i32
      %get3A_1326 = arith.index_cast %get3A_1325 : i32 to index
      %get3A_1327 = arith.index_cast %mul3A_1324 : i32 to index
      %get3A_1328 = tpu.vector_load %arg6[%get3A_1326, %get3A_1327] {strides = array<i32>} : memref<16x1024xf32, #tpu.memory_space<vmem>>, vector<1x16xf32>,
      %get3A_1329 = vector.shape_cast %get3A_1328 : vector<1x16xf32> to vector<16xf32>
      %mul3A_1330 = arith.mulf %get3A_1329, %get3A_1268 : vector<16xf32>
      %add3A_1331 = arith.addf %scan3A_1253, %mul3A_1330 : vector<16xf32>
      %mul3A_1332 = arith.constant 16 : i32
      %mul3A_1333 = arith.muli %scan3A_1246, %mul3A_1332 : i32
      %get3A_1334 = arith.constant 7 : i32
      %get3A_1335 = arith.index_cast %get3A_1334 : i32 to index
      %get3A_1336 = arith.index_cast %mul3A_1333 : i32 to index
      %get3A_1337 = tpu.vector_load %arg6[%get3A_1335, %get3A_1336] {strides = array<i32>} : memref<16x1024xf32, #tpu.memory_space<vmem>>, vector<1x16xf32>,
      %get3A_1338 = vector.shape_cast %get3A_1337 : vector<1x16xf32> to vector<16xf32>
      %mul3A_1339 = arith.mulf %get3A_1338, %get3A_1268 : vector<16xf32>
      %add3A_1340 = arith.addf %scan3A_1254, %mul3A_1339 : vector<16xf32>
      %mul3A_1341 = arith.constant 16 : i32
      %mul3A_1342 = arith.muli %scan3A_1246, %mul3A_1341 : i32
      %get3A_1343 = arith.constant 8 : i32
      %get3A_1344 = arith.index_cast %get3A_1343 : i32 to index
      %get3A_1345 = arith.index_cast %mul3A_1342 : i32 to index
      %get3A_1346 = tpu.vector_load %arg6[%get3A_1344, %get3A_1345] {strides = array<i32>} : memref<16x1024xf32, #tpu.memory_space<vmem>>, vector<1x16xf32>,
      %get3A_1347 = vector.shape_cast %get3A_1346 : vector<1x16xf32> to vector<16xf32>
      %mul3A_1348 = arith.mulf %get3A_1347, %get3A_1268 : vector<16xf32>
      %add3A_1349 = arith.addf %scan3A_1255, %mul3A_1348 : vector<16xf32>
      %mul3A_1350 = arith.constant 16 : i32
      %mul3A_1351 = arith.muli %scan3A_1246, %mul3A_1350 : i32
      %get3A_1352 = arith.constant 9 : i32
      %get3A_1353 = arith.index_cast %get3A_1352 : i32 to index
      %get3A_1354 = arith.index_cast %mul3A_1351 : i32 to index
      %get3A_1355 = tpu.vector_load %arg6[%get3A_1353, %get3A_1354] {strides = array<i32>} : memref<16x1024xf32, #tpu.memory_space<vmem>>, vector<1x16xf32>,
      %get3A_1356 = vector.shape_cast %get3A_1355 : vector<1x16xf32> to vector<16xf32>
      %mul3A_1357 = arith.mulf %get3A_1356, %get3A_1268 : vector<16xf32>
      %add3A_1358 = arith.addf %scan3A_1256, %mul3A_1357 : vector<16xf32>
      %mul3A_1359 = arith.constant 16 : i32
      %mul3A_1360 = arith.muli %scan3A_1246, %mul3A_1359 : i32
      %get3A_1361 = arith.constant 10 : i32
      %get3A_1362 = arith.index_cast %get3A_1361 : i32 to index
      %get3A_1363 = arith.index_cast %mul3A_1360 : i32 to index
      %get3A_1364 = tpu.vector_load %arg6[%get3A_1362, %get3A_1363] {strides = array<i32>} : memref<16x1024xf32, #tpu.memory_space<vmem>>, vector<1x16xf32>,
      %get3A_1365 = vector.shape_cast %get3A_1364 : vector<1x16xf32> to vector<16xf32>
      %mul3A_1366 = arith.mulf %get3A_1365, %get3A_1268 : vector<16xf32>
      %add3A_1367 = arith.addf %scan3A_1257, %mul3A_1366 : vector<16xf32>
      %mul3A_1368 = arith.constant 16 : i32
      %mul3A_1369 = arith.muli %scan3A_1246, %mul3A_1368 : i32
      %get3A_1370 = arith.constant 11 : i32
      %get3A_1371 = arith.index_cast %get3A_1370 : i32 to index
      %get3A_1372 = arith.index_cast %mul3A_1369 : i32 to index
      %get3A_1373 = tpu.vector_load %arg6[%get3A_1371, %get3A_1372] {strides = array<i32>} : memref<16x1024xf32, #tpu.memory_space<vmem>>, vector<1x16xf32>,
      %get3A_1374 = vector.shape_cast %get3A_1373 : vector<1x16xf32> to vector<16xf32>
      %mul3A_1375 = arith.mulf %get3A_1374, %get3A_1268 : vector<16xf32>
      %add3A_1376 = arith.addf %scan3A_1258, %mul3A_1375 : vector<16xf32>
      %mul3A_1377 = arith.constant 16 : i32
      %mul3A_1378 = arith.muli %scan3A_1246, %mul3A_1377 : i32
      %get3A_1379 = arith.constant 12 : i32
      %get3A_1380 = arith.index_cast %get3A_1379 : i32 to index
      %get3A_1381 = arith.index_cast %mul3A_1378 : i32 to index
      %get3A_1382 = tpu.vector_load %arg6[%get3A_1380, %get3A_1381] {strides = array<i32>} : memref<16x1024xf32, #tpu.memory_space<vmem>>, vector<1x16xf32>,
      %get3A_1383 = vector.shape_cast %get3A_1382 : vector<1x16xf32> to vector<16xf32>
      %mul3A_1384 = arith.mulf %get3A_1383, %get3A_1268 : vector<16xf32>
      %add3A_1385 = arith.addf %scan3A_1259, %mul3A_1384 : vector<16xf32>
      %mul3A_1386 = arith.constant 16 : i32
      %mul3A_1387 = arith.muli %scan3A_1246, %mul3A_1386 : i32
      %get3A_1388 = arith.constant 13 : i32
      %get3A_1389 = arith.index_cast %get3A_1388 : i32 to index
      %get3A_1390 = arith.index_cast %mul3A_1387 : i32 to index
      %get3A_1391 = tpu.vector_load %arg6[%get3A_1389, %get3A_1390] {strides = array<i32>} : memref<16x1024xf32, #tpu.memory_space<vmem>>, vector<1x16xf32>,
      %get3A_1392 = vector.shape_cast %get3A_1391 : vector<1x16xf32> to vector<16xf32>
      %mul3A_1393 = arith.mulf %get3A_1392, %get3A_1268 : vector<16xf32>
      %add3A_1394 = arith.addf %scan3A_1260, %mul3A_1393 : vector<16xf32>
      %mul3A_1395 = arith.constant 16 : i32
      %mul3A_1396 = arith.muli %scan3A_1246, %mul3A_1395 : i32
      %get3A_1397 = arith.constant 14 : i32
      %get3A_1398 = arith.index_cast %get3A_1397 : i32 to index
      %get3A_1399 = arith.index_cast %mul3A_1396 : i32 to index
      %get3A_1400 = tpu.vector_load %arg6[%get3A_1398, %get3A_1399] {strides = array<i32>} : memref<16x1024xf32, #tpu.memory_space<vmem>>, vector<1x16xf32>,
      %get3A_1401 = vector.shape_cast %get3A_1400 : vector<1x16xf32> to vector<16xf32>
      %mul3A_1402 = arith.mulf %get3A_1401, %get3A_1268 : vector<16xf32>
      %add3A_1403 = arith.addf %scan3A_1261, %mul3A_1402 : vector<16xf32>
      %mul3A_1404 = arith.constant 16 : i32
      %mul3A_1405 = arith.muli %scan3A_1246, %mul3A_1404 : i32
      %get3A_1406 = arith.constant 15 : i32
      %get3A_1407 = arith.index_cast %get3A_1406 : i32 to index
      %get3A_1408 = arith.index_cast %mul3A_1405 : i32 to index
      %get3A_1409 = tpu.vector_load %arg6[%get3A_1407, %get3A_1408] {strides = array<i32>} : memref<16x1024xf32, #tpu.memory_space<vmem>>, vector<1x16xf32>,
      %get3A_1410 = vector.shape_cast %get3A_1409 : vector<1x16xf32> to vector<16xf32>
      %mul3A_1411 = arith.mulf %get3A_1410, %get3A_1268 : vector<16xf32>
      %add3A_1412 = arith.addf %scan3A_1262, %mul3A_1411 : vector<16xf32>
      scf.yield %add3A_1277, %add3A_1286, %add3A_1295, %add3A_1304, %add3A_1313, %add3A_1322, %add3A_1331, %add3A_1340, %add3A_1349, %add3A_1358, %add3A_1367, %add3A_1376, %add3A_1385, %add3A_1394, %add3A_1403, %add3A_1412 : vector<16xf32>, vector<16xf32>, vector<16xf32>, vector<16xf32>, vector<16xf32>, vector<16xf32>, vector<16xf32>, vector<16xf32>, vector<16xf32>, vector<16xf32>, vector<16xf32>, vector<16xf32>, vector<16xf32>, vector<16xf32>, vector<16xf32>, vector<16xf32>
    }
    %scan3A_1003 = arith.constant 64 : i32
    %swap3A_1004 = arith.constant 6 : i32
    %swap3A_1005 = arith.index_cast %swap3A_1004 : i32 to index
    %swap3A_1006 = arith.constant 0 : index
    %swap3A_1007 = tpu.vector_load %arg8[%swap3A_1005, %swap3A_1006] {strides = array<i32>} : memref<8x256xf32, #tpu.memory_space<vmem>>, vector<1x16xf32>,
    %swap3A_1008 = vector.shape_cast %swap3A_1007 : vector<1x16xf32> to vector<16xf32>
    %swap3A_1009 = vector.shape_cast %scan3A_1002#0 : vector<16xf32> to vector<1x16xf32>
    tpu.vector_store %arg8[%swap3A_1005, %swap3A_1006], %swap3A_1009 {strides = array<i32>} : memref<8x256xf32, #tpu.memory_space<vmem>>, vector<1x16xf32>,
    %swap3A_1010 = arith.constant 6 : i32
    %swap3A_1011 = arith.index_cast %swap3A_1010 : i32 to index
    %swap3A_1012 = arith.constant 16 : index
    %swap3A_1013 = tpu.vector_load %arg8[%swap3A_1011, %swap3A_1012] {strides = array<i32>} : memref<8x256xf32, #tpu.memory_space<vmem>>, vector<1x16xf32>,
    %swap3A_1014 = vector.shape_cast %swap3A_1013 : vector<1x16xf32> to vector<16xf32>
    %swap3A_1015 = vector.shape_cast %scan3A_1002#1 : vector<16xf32> to vector<1x16xf32>
    tpu.vector_store %arg8[%swap3A_1011, %swap3A_1012], %swap3A_1015 {strides = array<i32>} : memref<8x256xf32, #tpu.memory_space<vmem>>, vector<1x16xf32>,
    %swap3A_1016 = arith.constant 6 : i32
    %swap3A_1017 = arith.index_cast %swap3A_1016 : i32 to index
    %swap3A_1018 = arith.constant 32 : index
    %swap3A_1019 = tpu.vector_load %arg8[%swap3A_1017, %swap3A_1018] {strides = array<i32>} : memref<8x256xf32, #tpu.memory_space<vmem>>, vector<1x16xf32>,
    %swap3A_1020 = vector.shape_cast %swap3A_1019 : vector<1x16xf32> to vector<16xf32>
    %swap3A_1021 = vector.shape_cast %scan3A_1002#2 : vector<16xf32> to vector<1x16xf32>
    tpu.vector_store %arg8[%swap3A_1017, %swap3A_1018], %swap3A_1021 {strides = array<i32>} : memref<8x256xf32, #tpu.memory_space<vmem>>, vector<1x16xf32>,
    %swap3A_1022 = arith.constant 6 : i32
    %swap3A_1023 = arith.index_cast %swap3A_1022 : i32 to index
    %swap3A_1024 = arith.constant 48 : index
    %swap3A_1025 = tpu.vector_load %arg8[%swap3A_1023, %swap3A_1024] {strides = array<i32>} : memref<8x256xf32, #tpu.memory_space<vmem>>, vector<1x16xf32>,
    %swap3A_1026 = vector.shape_cast %swap3A_1025 : vector<1x16xf32> to vector<16xf32>
    %swap3A_1027 = vector.shape_cast %scan3A_1002#3 : vector<16xf32> to vector<1x16xf32>
    tpu.vector_store %arg8[%swap3A_1023, %swap3A_1024], %swap3A_1027 {strides = array<i32>} : memref<8x256xf32, #tpu.memory_space<vmem>>, vector<1x16xf32>,
    %swap3A_1028 = arith.constant 6 : i32
    %swap3A_1029 = arith.index_cast %swap3A_1028 : i32 to index
    %swap3A_1030 = arith.constant 64 : index
    %swap3A_1031 = tpu.vector_load %arg8[%swap3A_1029, %swap3A_1030] {strides = array<i32>} : memref<8x256xf32, #tpu.memory_space<vmem>>, vector<1x16xf32>,
    %swap3A_1032 = vector.shape_cast %swap3A_1031 : vector<1x16xf32> to vector<16xf32>
    %swap3A_1033 = vector.shape_cast %scan3A_1002#4 : vector<16xf32> to vector<1x16xf32>
    tpu.vector_store %arg8[%swap3A_1029, %swap3A_1030], %swap3A_1033 {strides = array<i32>} : memref<8x256xf32, #tpu.memory_space<vmem>>, vector<1x16xf32>,
    %swap3A_1034 = arith.constant 6 : i32
    %swap3A_1035 = arith.index_cast %swap3A_1034 : i32 to index
    %swap3A_1036 = arith.constant 80 : index
    %swap3A_1037 = tpu.vector_load %arg8[%swap3A_1035, %swap3A_1036] {strides = array<i32>} : memref<8x256xf32, #tpu.memory_space<vmem>>, vector<1x16xf32>,
    %swap3A_1038 = vector.shape_cast %swap3A_1037 : vector<1x16xf32> to vector<16xf32>
    %swap3A_1039 = vector.shape_cast %scan3A_1002#5 : vector<16xf32> to vector<1x16xf32>
    tpu.vector_store %arg8[%swap3A_1035, %swap3A_1036], %swap3A_1039 {strides = array<i32>} : memref<8x256xf32, #tpu.memory_space<vmem>>, vector<1x16xf32>,
    %swap3A_1040 = arith.constant 6 : i32
    %swap3A_1041 = arith.index_cast %swap3A_1040 : i32 to index
    %swap3A_1042 = arith.constant 96 : index
    %swap3A_1043 = tpu.vector_load %arg8[%swap3A_1041, %swap3A_1042] {strides = array<i32>} : memref<8x256xf32, #tpu.memory_space<vmem>>, vector<1x16xf32>,
    %swap3A_1044 = vector.shape_cast %swap3A_1043 : vector<1x16xf32> to vector<16xf32>
    %swap3A_1045 = vector.shape_cast %scan3A_1002#6 : vector<16xf32> to vector<1x16xf32>
    tpu.vector_store %arg8[%swap3A_1041, %swap3A_1042], %swap3A_1045 {strides = array<i32>} : memref<8x256xf32, #tpu.memory_space<vmem>>, vector<1x16xf32>,
    %swap3A_1046 = arith.constant 6 : i32
    %swap3A_1047 = arith.index_cast %swap3A_1046 : i32 to index
    %swap3A_1048 = arith.constant 112 : index
    %swap3A_1049 = tpu.vector_load %arg8[%swap3A_1047, %swap3A_1048] {strides = array<i32>} : memref<8x256xf32, #tpu.memory_space<vmem>>, vector<1x16xf32>,
    %swap3A_1050 = vector.shape_cast %swap3A_1049 : vector<1x16xf32> to vector<16xf32>
    %swap3A_1051 = vector.shape_cast %scan3A_1002#7 : vector<16xf32> to vector<1x16xf32>
    tpu.vector_store %arg8[%swap3A_1047, %swap3A_1048], %swap3A_1051 {strides = array<i32>} : memref<8x256xf32, #tpu.memory_space<vmem>>, vector<1x16xf32>,
    %swap3A_1052 = arith.constant 6 : i32
    %swap3A_1053 = arith.index_cast %swap3A_1052 : i32 to index
    %swap3A_1054 = arith.constant 128 : index
    %swap3A_1055 = tpu.vector_load %arg8[%swap3A_1053, %swap3A_1054] {strides = array<i32>} : memref<8x256xf32, #tpu.memory_space<vmem>>, vector<1x16xf32>,
    %swap3A_1056 = vector.shape_cast %swap3A_1055 : vector<1x16xf32> to vector<16xf32>
    %swap3A_1057 = vector.shape_cast %scan3A_1002#8 : vector<16xf32> to vector<1x16xf32>
    tpu.vector_store %arg8[%swap3A_1053, %swap3A_1054], %swap3A_1057 {strides = array<i32>} : memref<8x256xf32, #tpu.memory_space<vmem>>, vector<1x16xf32>,
    %swap3A_1058 = arith.constant 6 : i32
    %swap3A_1059 = arith.index_cast %swap3A_1058 : i32 to index
    %swap3A_1060 = arith.constant 144 : index
    %swap3A_1061 = tpu.vector_load %arg8[%swap3A_1059, %swap3A_1060] {strides = array<i32>} : memref<8x256xf32, #tpu.memory_space<vmem>>, vector<1x16xf32>,
    %swap3A_1062 = vector.shape_cast %swap3A_1061 : vector<1x16xf32> to vector<16xf32>
    %swap3A_1063 = vector.shape_cast %scan3A_1002#9 : vector<16xf32> to vector<1x16xf32>
    tpu.vector_store %arg8[%swap3A_1059, %swap3A_1060], %swap3A_1063 {strides = array<i32>} : memref<8x256xf32, #tpu.memory_space<vmem>>, vector<1x16xf32>,
    %swap3A_1064 = arith.constant 6 : i32
    %swap3A_1065 = arith.index_cast %swap3A_1064 : i32 to index
    %swap3A_1066 = arith.constant 160 : index
    %swap3A_1067 = tpu.vector_load %arg8[%swap3A_1065, %swap3A_1066] {strides = array<i32>} : memref<8x256xf32, #tpu.memory_space<vmem>>, vector<1x16xf32>,
    %swap3A_1068 = vector.shape_cast %swap3A_1067 : vector<1x16xf32> to vector<16xf32>
    %swap3A_1069 = vector.shape_cast %scan3A_1002#10 : vector<16xf32> to vector<1x16xf32>
    tpu.vector_store %arg8[%swap3A_1065, %swap3A_1066], %swap3A_1069 {strides = array<i32>} : memref<8x256xf32, #tpu.memory_space<vmem>>, vector<1x16xf32>,
    %swap3A_1070 = arith.constant 6 : i32
    %swap3A_1071 = arith.index_cast %swap3A_1070 : i32 to index
    %swap3A_1072 = arith.constant 176 : index
    %swap3A_1073 = tpu.vector_load %arg8[%swap3A_1071, %swap3A_1072] {strides = array<i32>} : memref<8x256xf32, #tpu.memory_space<vmem>>, vector<1x16xf32>,
    %swap3A_1074 = vector.shape_cast %swap3A_1073 : vector<1x16xf32> to vector<16xf32>
    %swap3A_1075 = vector.shape_cast %scan3A_1002#11 : vector<16xf32> to vector<1x16xf32>
    tpu.vector_store %arg8[%swap3A_1071, %swap3A_1072], %swap3A_1075 {strides = array<i32>} : memref<8x256xf32, #tpu.memory_space<vmem>>, vector<1x16xf32>,
    %swap3A_1076 = arith.constant 6 : i32
    %swap3A_1077 = arith.index_cast %swap3A_1076 : i32 to index
    %swap3A_1078 = arith.constant 192 : index
    %swap3A_1079 = tpu.vector_load %arg8[%swap3A_1077, %swap3A_1078] {strides = array<i32>} : memref<8x256xf32, #tpu.memory_space<vmem>>, vector<1x16xf32>,
    %swap3A_1080 = vector.shape_cast %swap3A_1079 : vector<1x16xf32> to vector<16xf32>
    %swap3A_1081 = vector.shape_cast %scan3A_1002#12 : vector<16xf32> to vector<1x16xf32>
    tpu.vector_store %arg8[%swap3A_1077, %swap3A_1078], %swap3A_1081 {strides = array<i32>} : memref<8x256xf32, #tpu.memory_space<vmem>>, vector<1x16xf32>,
    %swap3A_1082 = arith.constant 6 : i32
    %swap3A_1083 = arith.index_cast %swap3A_1082 : i32 to index
    %swap3A_1084 = arith.constant 208 : index
    %swap3A_1085 = tpu.vector_load %arg8[%swap3A_1083, %swap3A_1084] {strides = array<i32>} : memref<8x256xf32, #tpu.memory_space<vmem>>, vector<1x16xf32>,
    %swap3A_1086 = vector.shape_cast %swap3A_1085 : vector<1x16xf32> to vector<16xf32>
    %swap3A_1087 = vector.shape_cast %scan3A_1002#13 : vector<16xf32> to vector<1x16xf32>
    tpu.vector_store %arg8[%swap3A_1083, %swap3A_1084], %swap3A_1087 {strides = array<i32>} : memref<8x256xf32, #tpu.memory_space<vmem>>, vector<1x16xf32>,
    %swap3A_1088 = arith.constant 6 : i32
    %swap3A_1089 = arith.index_cast %swap3A_1088 : i32 to index
    %swap3A_1090 = arith.constant 224 : index
    %swap3A_1091 = tpu.vector_load %arg8[%swap3A_1089, %swap3A_1090] {strides = array<i32>} : memref<8x256xf32, #tpu.memory_space<vmem>>, vector<1x16xf32>,
    %swap3A_1092 = vector.shape_cast %swap3A_1091 : vector<1x16xf32> to vector<16xf32>
    %swap3A_1093 = vector.shape_cast %scan3A_1002#14 : vector<16xf32> to vector<1x16xf32>
    tpu.vector_store %arg8[%swap3A_1089, %swap3A_1090], %swap3A_1093 {strides = array<i32>} : memref<8x256xf32, #tpu.memory_space<vmem>>, vector<1x16xf32>,
    %swap3A_1094 = arith.constant 6 : i32
    %swap3A_1095 = arith.index_cast %swap3A_1094 : i32 to index
    %swap3A_1096 = arith.constant 240 : index
    %swap3A_1097 = tpu.vector_load %arg8[%swap3A_1095, %swap3A_1096] {strides = array<i32>} : memref<8x256xf32, #tpu.memory_space<vmem>>, vector<1x16xf32>,
    %swap3A_1098 = vector.shape_cast %swap3A_1097 : vector<1x16xf32> to vector<16xf32>
    %swap3A_1099 = vector.shape_cast %scan3A_1002#15 : vector<16xf32> to vector<1x16xf32>
    tpu.vector_store %arg8[%swap3A_1095, %swap3A_1096], %swap3A_1099 {strides = array<i32>} : memref<8x256xf32, #tpu.memory_space<vmem>>, vector<1x16xf32>,
    %add3A_1100 = arith.constant 7 : i32
    %add3A_1101 = arith.addi %add3A_4, %add3A_1100 : i32
    %dma_wait3A_1102 = arith.constant 0 : i32
    %dma_wait3A_1103 = arith.constant 0 : i32
    %dma_wait3A_1104 = tpu.memref_slice %arg2[%add3A_1101, %dma_wait3A_1102, %dma_wait3A_1103] : memref<1024x16x1024xf32, #tpu.memory_space<hbm>> -> memref<1x16x1024xf32, #tpu.memory_space<hbm>>
    %dma_wait3A_1105 = tpu.memref_squeeze %dma_wait3A_1104 : memref<1x16x1024xf32, #tpu.memory_space<hbm>> -> memref<16x1024xf32, #tpu.memory_space<hbm>>
    %dma_wait3A_1106 = arith.constant 0 : i32
    %dma_wait3A_1107 = arith.constant 0 : i32
    %dma_wait3A_1108 = tpu.memref_slice %arg2[%add3A_1101, %dma_wait3A_1106, %dma_wait3A_1107] : memref<1024x16x1024xf32, #tpu.memory_space<hbm>> -> memref<1x16x1024xf32, #tpu.memory_space<hbm>>
    %dma_wait3A_1109 = tpu.memref_squeeze %dma_wait3A_1108 : memref<1x16x1024xf32, #tpu.memory_space<hbm>> -> memref<16x1024xf32, #tpu.memory_space<hbm>>
    tpu.wait_dma2 semaphore(%arg10 : memref<!tpu.dma_semaphore, #tpu.memory_space<semaphore_mem>>) src(%dma_wait3A_1109 : memref<16x1024xf32, #tpu.memory_space<hbm>>) dst(%arg7 : memref<16x1024xf32, #tpu.memory_space<vmem>>)
    %broadcast_in_dim3A_1110 = arith.constant 0.000000e+00 : f32
    %broadcast_in_dim3A_1111 = vector.broadcast %broadcast_in_dim3A_1110 : f32 to vector<16xf32>
    %broadcast_in_dim3A_1112 = arith.constant 0.000000e+00 : f32
    %broadcast_in_dim3A_1113 = vector.broadcast %broadcast_in_dim3A_1112 : f32 to vector<16xf32>
    %broadcast_in_dim3A_1114 = arith.constant 0.000000e+00 : f32
    %broadcast_in_dim3A_1115 = vector.broadcast %broadcast_in_dim3A_1114 : f32 to vector<16xf32>
    %broadcast_in_dim3A_1116 = arith.constant 0.000000e+00 : f32
    %broadcast_in_dim3A_1117 = vector.broadcast %broadcast_in_dim3A_1116 : f32 to vector<16xf32>
    %broadcast_in_dim3A_1118 = arith.constant 0.000000e+00 : f32
    %broadcast_in_dim3A_1119 = vector.broadcast %broadcast_in_dim3A_1118 : f32 to vector<16xf32>
    %broadcast_in_dim3A_1120 = arith.constant 0.000000e+00 : f32
    %broadcast_in_dim3A_1121 = vector.broadcast %broadcast_in_dim3A_1120 : f32 to vector<16xf32>
    %broadcast_in_dim3A_1122 = arith.constant 0.000000e+00 : f32
    %broadcast_in_dim3A_1123 = vector.broadcast %broadcast_in_dim3A_1122 : f32 to vector<16xf32>
    %broadcast_in_dim3A_1124 = arith.constant 0.000000e+00 : f32
    %broadcast_in_dim3A_1125 = vector.broadcast %broadcast_in_dim3A_1124 : f32 to vector<16xf32>
    %broadcast_in_dim3A_1126 = arith.constant 0.000000e+00 : f32
    %broadcast_in_dim3A_1127 = vector.broadcast %broadcast_in_dim3A_1126 : f32 to vector<16xf32>
    %broadcast_in_dim3A_1128 = arith.constant 0.000000e+00 : f32
    %broadcast_in_dim3A_1129 = vector.broadcast %broadcast_in_dim3A_1128 : f32 to vector<16xf32>
    %broadcast_in_dim3A_1130 = arith.constant 0.000000e+00 : f32
    %broadcast_in_dim3A_1131 = vector.broadcast %broadcast_in_dim3A_1130 : f32 to vector<16xf32>
    %broadcast_in_dim3A_1132 = arith.constant 0.000000e+00 : f32
    %broadcast_in_dim3A_1133 = vector.broadcast %broadcast_in_dim3A_1132 : f32 to vector<16xf32>
    %broadcast_in_dim3A_1134 = arith.constant 0.000000e+00 : f32
    %broadcast_in_dim3A_1135 = vector.broadcast %broadcast_in_dim3A_1134 : f32 to vector<16xf32>
    %broadcast_in_dim3A_1136 = arith.constant 0.000000e+00 : f32
    %broadcast_in_dim3A_1137 = vector.broadcast %broadcast_in_dim3A_1136 : f32 to vector<16xf32>
    %broadcast_in_dim3A_1138 = arith.constant 0.000000e+00 : f32
    %broadcast_in_dim3A_1139 = vector.broadcast %broadcast_in_dim3A_1138 : f32 to vector<16xf32>
    %broadcast_in_dim3A_1140 = arith.constant 0.000000e+00 : f32
    %broadcast_in_dim3A_1141 = vector.broadcast %broadcast_in_dim3A_1140 : f32 to vector<16xf32>
    %scan3A_1142 = arith.constant 0 : i32
    %scan3A_1143 = arith.constant 64 : i32
    %scan3A_1144 = arith.addi %scan3A_1142, %scan3A_1143 : i32
    %scan3A_1145 = arith.constant 1 : i32
    %scan3A_1146:16 = scf.for %scan3A_1246 = %scan3A_1142 to %scan3A_1144 step %scan3A_1145 iter_args(%scan3A_1247 = %broadcast_in_dim3A_1111, %scan3A_1248 = %broadcast_in_dim3A_1113, %scan3A_1249 = %broadcast_in_dim3A_1115, %scan3A_1250 = %broadcast_in_dim3A_1117, %scan3A_1251 = %broadcast_in_dim3A_1119, %scan3A_1252 = %broadcast_in_dim3A_1121, %scan3A_1253 = %broadcast_in_dim3A_1123, %scan3A_1254 = %broadcast_in_dim3A_1125, %scan3A_1255 = %broadcast_in_dim3A_1127, %scan3A_1256 = %broadcast_in_dim3A_1129, %scan3A_1257 = %broadcast_in_dim3A_1131, %scan3A_1258 = %broadcast_in_dim3A_1133, %scan3A_1259 = %broadcast_in_dim3A_1135, %scan3A_1260 = %broadcast_in_dim3A_1137, %scan3A_1261 = %broadcast_in_dim3A_1139, %scan3A_1262 = %broadcast_in_dim3A_1141) -> (vector<16xf32>, vector<16xf32>, vector<16xf32>, vector<16xf32>, vector<16xf32>, vector<16xf32>, vector<16xf32>, vector<16xf32>, vector<16xf32>, vector<16xf32>, vector<16xf32>, vector<16xf32>, vector<16xf32>, vector<16xf32>, vector<16xf32>, vector<16xf32>)  : i32 {
      %mul3A_1263 = arith.constant 16 : i32
      %mul3A_1264 = arith.muli %scan3A_1246, %mul3A_1263 : i32
      %get3A = arith.constant 7 : i32
      %get3A_1265 = arith.index_cast %get3A : i32 to index
      %get3A_1266 = arith.index_cast %mul3A_1264 : i32 to index
      %get3A_1267 = tpu.vector_load %arg5[%get3A_1265, %get3A_1266] {strides = array<i32>} : memref<8x1024xf32, #tpu.memory_space<vmem>>, vector<1x16xf32>,
      %get3A_1268 = vector.shape_cast %get3A_1267 : vector<1x16xf32> to vector<16xf32>
      %mul3A_1269 = arith.constant 16 : i32
      %mul3A_1270 = arith.muli %scan3A_1246, %mul3A_1269 : i32
      %get3A_1271 = arith.constant 0 : i32
      %get3A_1272 = arith.index_cast %get3A_1271 : i32 to index
      %get3A_1273 = arith.index_cast %mul3A_1270 : i32 to index
      %get3A_1274 = tpu.vector_load %arg7[%get3A_1272, %get3A_1273] {strides = array<i32>} : memref<16x1024xf32, #tpu.memory_space<vmem>>, vector<1x16xf32>,
      %get3A_1275 = vector.shape_cast %get3A_1274 : vector<1x16xf32> to vector<16xf32>
      %mul3A_1276 = arith.mulf %get3A_1275, %get3A_1268 : vector<16xf32>
      %add3A_1277 = arith.addf %scan3A_1247, %mul3A_1276 : vector<16xf32>
      %mul3A_1278 = arith.constant 16 : i32
      %mul3A_1279 = arith.muli %scan3A_1246, %mul3A_1278 : i32
      %get3A_1280 = arith.constant 1 : i32
      %get3A_1281 = arith.index_cast %get3A_1280 : i32 to index
      %get3A_1282 = arith.index_cast %mul3A_1279 : i32 to index
      %get3A_1283 = tpu.vector_load %arg7[%get3A_1281, %get3A_1282] {strides = array<i32>} : memref<16x1024xf32, #tpu.memory_space<vmem>>, vector<1x16xf32>,
      %get3A_1284 = vector.shape_cast %get3A_1283 : vector<1x16xf32> to vector<16xf32>
      %mul3A_1285 = arith.mulf %get3A_1284, %get3A_1268 : vector<16xf32>
      %add3A_1286 = arith.addf %scan3A_1248, %mul3A_1285 : vector<16xf32>
      %mul3A_1287 = arith.constant 16 : i32
      %mul3A_1288 = arith.muli %scan3A_1246, %mul3A_1287 : i32
      %get3A_1289 = arith.constant 2 : i32
      %get3A_1290 = arith.index_cast %get3A_1289 : i32 to index
      %get3A_1291 = arith.index_cast %mul3A_1288 : i32 to index
      %get3A_1292 = tpu.vector_load %arg7[%get3A_1290, %get3A_1291] {strides = array<i32>} : memref<16x1024xf32, #tpu.memory_space<vmem>>, vector<1x16xf32>,
      %get3A_1293 = vector.shape_cast %get3A_1292 : vector<1x16xf32> to vector<16xf32>
      %mul3A_1294 = arith.mulf %get3A_1293, %get3A_1268 : vector<16xf32>
      %add3A_1295 = arith.addf %scan3A_1249, %mul3A_1294 : vector<16xf32>
      %mul3A_1296 = arith.constant 16 : i32
      %mul3A_1297 = arith.muli %scan3A_1246, %mul3A_1296 : i32
      %get3A_1298 = arith.constant 3 : i32
      %get3A_1299 = arith.index_cast %get3A_1298 : i32 to index
      %get3A_1300 = arith.index_cast %mul3A_1297 : i32 to index
      %get3A_1301 = tpu.vector_load %arg7[%get3A_1299, %get3A_1300] {strides = array<i32>} : memref<16x1024xf32, #tpu.memory_space<vmem>>, vector<1x16xf32>,
      %get3A_1302 = vector.shape_cast %get3A_1301 : vector<1x16xf32> to vector<16xf32>
      %mul3A_1303 = arith.mulf %get3A_1302, %get3A_1268 : vector<16xf32>
      %add3A_1304 = arith.addf %scan3A_1250, %mul3A_1303 : vector<16xf32>
      %mul3A_1305 = arith.constant 16 : i32
      %mul3A_1306 = arith.muli %scan3A_1246, %mul3A_1305 : i32
      %get3A_1307 = arith.constant 4 : i32
      %get3A_1308 = arith.index_cast %get3A_1307 : i32 to index
      %get3A_1309 = arith.index_cast %mul3A_1306 : i32 to index
      %get3A_1310 = tpu.vector_load %arg7[%get3A_1308, %get3A_1309] {strides = array<i32>} : memref<16x1024xf32, #tpu.memory_space<vmem>>, vector<1x16xf32>,
      %get3A_1311 = vector.shape_cast %get3A_1310 : vector<1x16xf32> to vector<16xf32>
      %mul3A_1312 = arith.mulf %get3A_1311, %get3A_1268 : vector<16xf32>
      %add3A_1313 = arith.addf %scan3A_1251, %mul3A_1312 : vector<16xf32>
      %mul3A_1314 = arith.constant 16 : i32
      %mul3A_1315 = arith.muli %scan3A_1246, %mul3A_1314 : i32
      %get3A_1316 = arith.constant 5 : i32
      %get3A_1317 = arith.index_cast %get3A_1316 : i32 to index
      %get3A_1318 = arith.index_cast %mul3A_1315 : i32 to index
      %get3A_1319 = tpu.vector_load %arg7[%get3A_1317, %get3A_1318] {strides = array<i32>} : memref<16x1024xf32, #tpu.memory_space<vmem>>, vector<1x16xf32>,
      %get3A_1320 = vector.shape_cast %get3A_1319 : vector<1x16xf32> to vector<16xf32>
      %mul3A_1321 = arith.mulf %get3A_1320, %get3A_1268 : vector<16xf32>
      %add3A_1322 = arith.addf %scan3A_1252, %mul3A_1321 : vector<16xf32>
      %mul3A_1323 = arith.constant 16 : i32
      %mul3A_1324 = arith.muli %scan3A_1246, %mul3A_1323 : i32
      %get3A_1325 = arith.constant 6 : i32
      %get3A_1326 = arith.index_cast %get3A_1325 : i32 to index
      %get3A_1327 = arith.index_cast %mul3A_1324 : i32 to index
      %get3A_1328 = tpu.vector_load %arg7[%get3A_1326, %get3A_1327] {strides = array<i32>} : memref<16x1024xf32, #tpu.memory_space<vmem>>, vector<1x16xf32>,
      %get3A_1329 = vector.shape_cast %get3A_1328 : vector<1x16xf32> to vector<16xf32>
      %mul3A_1330 = arith.mulf %get3A_1329, %get3A_1268 : vector<16xf32>
      %add3A_1331 = arith.addf %scan3A_1253, %mul3A_1330 : vector<16xf32>
      %mul3A_1332 = arith.constant 16 : i32
      %mul3A_1333 = arith.muli %scan3A_1246, %mul3A_1332 : i32
      %get3A_1334 = arith.constant 7 : i32
      %get3A_1335 = arith.index_cast %get3A_1334 : i32 to index
      %get3A_1336 = arith.index_cast %mul3A_1333 : i32 to index
      %get3A_1337 = tpu.vector_load %arg7[%get3A_1335, %get3A_1336] {strides = array<i32>} : memref<16x1024xf32, #tpu.memory_space<vmem>>, vector<1x16xf32>,
      %get3A_1338 = vector.shape_cast %get3A_1337 : vector<1x16xf32> to vector<16xf32>
      %mul3A_1339 = arith.mulf %get3A_1338, %get3A_1268 : vector<16xf32>
      %add3A_1340 = arith.addf %scan3A_1254, %mul3A_1339 : vector<16xf32>
      %mul3A_1341 = arith.constant 16 : i32
      %mul3A_1342 = arith.muli %scan3A_1246, %mul3A_1341 : i32
      %get3A_1343 = arith.constant 8 : i32
      %get3A_1344 = arith.index_cast %get3A_1343 : i32 to index
      %get3A_1345 = arith.index_cast %mul3A_1342 : i32 to index
      %get3A_1346 = tpu.vector_load %arg7[%get3A_1344, %get3A_1345] {strides = array<i32>} : memref<16x1024xf32, #tpu.memory_space<vmem>>, vector<1x16xf32>,
      %get3A_1347 = vector.shape_cast %get3A_1346 : vector<1x16xf32> to vector<16xf32>
      %mul3A_1348 = arith.mulf %get3A_1347, %get3A_1268 : vector<16xf32>
      %add3A_1349 = arith.addf %scan3A_1255, %mul3A_1348 : vector<16xf32>
      %mul3A_1350 = arith.constant 16 : i32
      %mul3A_1351 = arith.muli %scan3A_1246, %mul3A_1350 : i32
      %get3A_1352 = arith.constant 9 : i32
      %get3A_1353 = arith.index_cast %get3A_1352 : i32 to index
      %get3A_1354 = arith.index_cast %mul3A_1351 : i32 to index
      %get3A_1355 = tpu.vector_load %arg7[%get3A_1353, %get3A_1354] {strides = array<i32>} : memref<16x1024xf32, #tpu.memory_space<vmem>>, vector<1x16xf32>,
      %get3A_1356 = vector.shape_cast %get3A_1355 : vector<1x16xf32> to vector<16xf32>
      %mul3A_1357 = arith.mulf %get3A_1356, %get3A_1268 : vector<16xf32>
      %add3A_1358 = arith.addf %scan3A_1256, %mul3A_1357 : vector<16xf32>
      %mul3A_1359 = arith.constant 16 : i32
      %mul3A_1360 = arith.muli %scan3A_1246, %mul3A_1359 : i32
      %get3A_1361 = arith.constant 10 : i32
      %get3A_1362 = arith.index_cast %get3A_1361 : i32 to index
      %get3A_1363 = arith.index_cast %mul3A_1360 : i32 to index
      %get3A_1364 = tpu.vector_load %arg7[%get3A_1362, %get3A_1363] {strides = array<i32>} : memref<16x1024xf32, #tpu.memory_space<vmem>>, vector<1x16xf32>,
      %get3A_1365 = vector.shape_cast %get3A_1364 : vector<1x16xf32> to vector<16xf32>
      %mul3A_1366 = arith.mulf %get3A_1365, %get3A_1268 : vector<16xf32>
      %add3A_1367 = arith.addf %scan3A_1257, %mul3A_1366 : vector<16xf32>
      %mul3A_1368 = arith.constant 16 : i32
      %mul3A_1369 = arith.muli %scan3A_1246, %mul3A_1368 : i32
      %get3A_1370 = arith.constant 11 : i32
      %get3A_1371 = arith.index_cast %get3A_1370 : i32 to index
      %get3A_1372 = arith.index_cast %mul3A_1369 : i32 to index
      %get3A_1373 = tpu.vector_load %arg7[%get3A_1371, %get3A_1372] {strides = array<i32>} : memref<16x1024xf32, #tpu.memory_space<vmem>>, vector<1x16xf32>,
      %get3A_1374 = vector.shape_cast %get3A_1373 : vector<1x16xf32> to vector<16xf32>
      %mul3A_1375 = arith.mulf %get3A_1374, %get3A_1268 : vector<16xf32>
      %add3A_1376 = arith.addf %scan3A_1258, %mul3A_1375 : vector<16xf32>
      %mul3A_1377 = arith.constant 16 : i32
      %mul3A_1378 = arith.muli %scan3A_1246, %mul3A_1377 : i32
      %get3A_1379 = arith.constant 12 : i32
      %get3A_1380 = arith.index_cast %get3A_1379 : i32 to index
      %get3A_1381 = arith.index_cast %mul3A_1378 : i32 to index
      %get3A_1382 = tpu.vector_load %arg7[%get3A_1380, %get3A_1381] {strides = array<i32>} : memref<16x1024xf32, #tpu.memory_space<vmem>>, vector<1x16xf32>,
      %get3A_1383 = vector.shape_cast %get3A_1382 : vector<1x16xf32> to vector<16xf32>
      %mul3A_1384 = arith.mulf %get3A_1383, %get3A_1268 : vector<16xf32>
      %add3A_1385 = arith.addf %scan3A_1259, %mul3A_1384 : vector<16xf32>
      %mul3A_1386 = arith.constant 16 : i32
      %mul3A_1387 = arith.muli %scan3A_1246, %mul3A_1386 : i32
      %get3A_1388 = arith.constant 13 : i32
      %get3A_1389 = arith.index_cast %get3A_1388 : i32 to index
      %get3A_1390 = arith.index_cast %mul3A_1387 : i32 to index
      %get3A_1391 = tpu.vector_load %arg7[%get3A_1389, %get3A_1390] {strides = array<i32>} : memref<16x1024xf32, #tpu.memory_space<vmem>>, vector<1x16xf32>,
      %get3A_1392 = vector.shape_cast %get3A_1391 : vector<1x16xf32> to vector<16xf32>
      %mul3A_1393 = arith.mulf %get3A_1392, %get3A_1268 : vector<16xf32>
      %add3A_1394 = arith.addf %scan3A_1260, %mul3A_1393 : vector<16xf32>
      %mul3A_1395 = arith.constant 16 : i32
      %mul3A_1396 = arith.muli %scan3A_1246, %mul3A_1395 : i32
      %get3A_1397 = arith.constant 14 : i32
      %get3A_1398 = arith.index_cast %get3A_1397 : i32 to index
      %get3A_1399 = arith.index_cast %mul3A_1396 : i32 to index
      %get3A_1400 = tpu.vector_load %arg7[%get3A_1398, %get3A_1399] {strides = array<i32>} : memref<16x1024xf32, #tpu.memory_space<vmem>>, vector<1x16xf32>,
      %get3A_1401 = vector.shape_cast %get3A_1400 : vector<1x16xf32> to vector<16xf32>
      %mul3A_1402 = arith.mulf %get3A_1401, %get3A_1268 : vector<16xf32>
      %add3A_1403 = arith.addf %scan3A_1261, %mul3A_1402 : vector<16xf32>
      %mul3A_1404 = arith.constant 16 : i32
      %mul3A_1405 = arith.muli %scan3A_1246, %mul3A_1404 : i32
      %get3A_1406 = arith.constant 15 : i32
      %get3A_1407 = arith.index_cast %get3A_1406 : i32 to index
      %get3A_1408 = arith.index_cast %mul3A_1405 : i32 to index
      %get3A_1409 = tpu.vector_load %arg7[%get3A_1407, %get3A_1408] {strides = array<i32>} : memref<16x1024xf32, #tpu.memory_space<vmem>>, vector<1x16xf32>,
      %get3A_1410 = vector.shape_cast %get3A_1409 : vector<1x16xf32> to vector<16xf32>
      %mul3A_1411 = arith.mulf %get3A_1410, %get3A_1268 : vector<16xf32>
      %add3A_1412 = arith.addf %scan3A_1262, %mul3A_1411 : vector<16xf32>
      scf.yield %add3A_1277, %add3A_1286, %add3A_1295, %add3A_1304, %add3A_1313, %add3A_1322, %add3A_1331, %add3A_1340, %add3A_1349, %add3A_1358, %add3A_1367, %add3A_1376, %add3A_1385, %add3A_1394, %add3A_1403, %add3A_1412 : vector<16xf32>, vector<16xf32>, vector<16xf32>, vector<16xf32>, vector<16xf32>, vector<16xf32>, vector<16xf32>, vector<16xf32>, vector<16xf32>, vector<16xf32>, vector<16xf32>, vector<16xf32>, vector<16xf32>, vector<16xf32>, vector<16xf32>, vector<16xf32>
    }
    %scan3A_1147 = arith.constant 64 : i32
    %swap3A_1148 = arith.constant 7 : i32
    %swap3A_1149 = arith.index_cast %swap3A_1148 : i32 to index
    %swap3A_1150 = arith.constant 0 : index
    %swap3A_1151 = tpu.vector_load %arg8[%swap3A_1149, %swap3A_1150] {strides = array<i32>} : memref<8x256xf32, #tpu.memory_space<vmem>>, vector<1x16xf32>,
    %swap3A_1152 = vector.shape_cast %swap3A_1151 : vector<1x16xf32> to vector<16xf32>
    %swap3A_1153 = vector.shape_cast %scan3A_1146#0 : vector<16xf32> to vector<1x16xf32>
    tpu.vector_store %arg8[%swap3A_1149, %swap3A_1150], %swap3A_1153 {strides = array<i32>} : memref<8x256xf32, #tpu.memory_space<vmem>>, vector<1x16xf32>,
    %swap3A_1154 = arith.constant 7 : i32
    %swap3A_1155 = arith.index_cast %swap3A_1154 : i32 to index
    %swap3A_1156 = arith.constant 16 : index
    %swap3A_1157 = tpu.vector_load %arg8[%swap3A_1155, %swap3A_1156] {strides = array<i32>} : memref<8x256xf32, #tpu.memory_space<vmem>>, vector<1x16xf32>,
    %swap3A_1158 = vector.shape_cast %swap3A_1157 : vector<1x16xf32> to vector<16xf32>
    %swap3A_1159 = vector.shape_cast %scan3A_1146#1 : vector<16xf32> to vector<1x16xf32>
    tpu.vector_store %arg8[%swap3A_1155, %swap3A_1156], %swap3A_1159 {strides = array<i32>} : memref<8x256xf32, #tpu.memory_space<vmem>>, vector<1x16xf32>,
    %swap3A_1160 = arith.constant 7 : i32
    %swap3A_1161 = arith.index_cast %swap3A_1160 : i32 to index
    %swap3A_1162 = arith.constant 32 : index
    %swap3A_1163 = tpu.vector_load %arg8[%swap3A_1161, %swap3A_1162] {strides = array<i32>} : memref<8x256xf32, #tpu.memory_space<vmem>>, vector<1x16xf32>,
    %swap3A_1164 = vector.shape_cast %swap3A_1163 : vector<1x16xf32> to vector<16xf32>
    %swap3A_1165 = vector.shape_cast %scan3A_1146#2 : vector<16xf32> to vector<1x16xf32>
    tpu.vector_store %arg8[%swap3A_1161, %swap3A_1162], %swap3A_1165 {strides = array<i32>} : memref<8x256xf32, #tpu.memory_space<vmem>>, vector<1x16xf32>,
    %swap3A_1166 = arith.constant 7 : i32
    %swap3A_1167 = arith.index_cast %swap3A_1166 : i32 to index
    %swap3A_1168 = arith.constant 48 : index
    %swap3A_1169 = tpu.vector_load %arg8[%swap3A_1167, %swap3A_1168] {strides = array<i32>} : memref<8x256xf32, #tpu.memory_space<vmem>>, vector<1x16xf32>,
    %swap3A_1170 = vector.shape_cast %swap3A_1169 : vector<1x16xf32> to vector<16xf32>
    %swap3A_1171 = vector.shape_cast %scan3A_1146#3 : vector<16xf32> to vector<1x16xf32>
    tpu.vector_store %arg8[%swap3A_1167, %swap3A_1168], %swap3A_1171 {strides = array<i32>} : memref<8x256xf32, #tpu.memory_space<vmem>>, vector<1x16xf32>,
    %swap3A_1172 = arith.constant 7 : i32
    %swap3A_1173 = arith.index_cast %swap3A_1172 : i32 to index
    %swap3A_1174 = arith.constant 64 : index
    %swap3A_1175 = tpu.vector_load %arg8[%swap3A_1173, %swap3A_1174] {strides = array<i32>} : memref<8x256xf32, #tpu.memory_space<vmem>>, vector<1x16xf32>,
    %swap3A_1176 = vector.shape_cast %swap3A_1175 : vector<1x16xf32> to vector<16xf32>
    %swap3A_1177 = vector.shape_cast %scan3A_1146#4 : vector<16xf32> to vector<1x16xf32>
    tpu.vector_store %arg8[%swap3A_1173, %swap3A_1174], %swap3A_1177 {strides = array<i32>} : memref<8x256xf32, #tpu.memory_space<vmem>>, vector<1x16xf32>,
    %swap3A_1178 = arith.constant 7 : i32
    %swap3A_1179 = arith.index_cast %swap3A_1178 : i32 to index
    %swap3A_1180 = arith.constant 80 : index
    %swap3A_1181 = tpu.vector_load %arg8[%swap3A_1179, %swap3A_1180] {strides = array<i32>} : memref<8x256xf32, #tpu.memory_space<vmem>>, vector<1x16xf32>,
    %swap3A_1182 = vector.shape_cast %swap3A_1181 : vector<1x16xf32> to vector<16xf32>
    %swap3A_1183 = vector.shape_cast %scan3A_1146#5 : vector<16xf32> to vector<1x16xf32>
    tpu.vector_store %arg8[%swap3A_1179, %swap3A_1180], %swap3A_1183 {strides = array<i32>} : memref<8x256xf32, #tpu.memory_space<vmem>>, vector<1x16xf32>,
    %swap3A_1184 = arith.constant 7 : i32
    %swap3A_1185 = arith.index_cast %swap3A_1184 : i32 to index
    %swap3A_1186 = arith.constant 96 : index
    %swap3A_1187 = tpu.vector_load %arg8[%swap3A_1185, %swap3A_1186] {strides = array<i32>} : memref<8x256xf32, #tpu.memory_space<vmem>>, vector<1x16xf32>,
    %swap3A_1188 = vector.shape_cast %swap3A_1187 : vector<1x16xf32> to vector<16xf32>
    %swap3A_1189 = vector.shape_cast %scan3A_1146#6 : vector<16xf32> to vector<1x16xf32>
    tpu.vector_store %arg8[%swap3A_1185, %swap3A_1186], %swap3A_1189 {strides = array<i32>} : memref<8x256xf32, #tpu.memory_space<vmem>>, vector<1x16xf32>,
    %swap3A_1190 = arith.constant 7 : i32
    %swap3A_1191 = arith.index_cast %swap3A_1190 : i32 to index
    %swap3A_1192 = arith.constant 112 : index
    %swap3A_1193 = tpu.vector_load %arg8[%swap3A_1191, %swap3A_1192] {strides = array<i32>} : memref<8x256xf32, #tpu.memory_space<vmem>>, vector<1x16xf32>,
    %swap3A_1194 = vector.shape_cast %swap3A_1193 : vector<1x16xf32> to vector<16xf32>
    %swap3A_1195 = vector.shape_cast %scan3A_1146#7 : vector<16xf32> to vector<1x16xf32>
    tpu.vector_store %arg8[%swap3A_1191, %swap3A_1192], %swap3A_1195 {strides = array<i32>} : memref<8x256xf32, #tpu.memory_space<vmem>>, vector<1x16xf32>,
    %swap3A_1196 = arith.constant 7 : i32
    %swap3A_1197 = arith.index_cast %swap3A_1196 : i32 to index
    %swap3A_1198 = arith.constant 128 : index
    %swap3A_1199 = tpu.vector_load %arg8[%swap3A_1197, %swap3A_1198] {strides = array<i32>} : memref<8x256xf32, #tpu.memory_space<vmem>>, vector<1x16xf32>,
    %swap3A_1200 = vector.shape_cast %swap3A_1199 : vector<1x16xf32> to vector<16xf32>
    %swap3A_1201 = vector.shape_cast %scan3A_1146#8 : vector<16xf32> to vector<1x16xf32>
    tpu.vector_store %arg8[%swap3A_1197, %swap3A_1198], %swap3A_1201 {strides = array<i32>} : memref<8x256xf32, #tpu.memory_space<vmem>>, vector<1x16xf32>,
    %swap3A_1202 = arith.constant 7 : i32
    %swap3A_1203 = arith.index_cast %swap3A_1202 : i32 to index
    %swap3A_1204 = arith.constant 144 : index
    %swap3A_1205 = tpu.vector_load %arg8[%swap3A_1203, %swap3A_1204] {strides = array<i32>} : memref<8x256xf32, #tpu.memory_space<vmem>>, vector<1x16xf32>,
    %swap3A_1206 = vector.shape_cast %swap3A_1205 : vector<1x16xf32> to vector<16xf32>
    %swap3A_1207 = vector.shape_cast %scan3A_1146#9 : vector<16xf32> to vector<1x16xf32>
    tpu.vector_store %arg8[%swap3A_1203, %swap3A_1204], %swap3A_1207 {strides = array<i32>} : memref<8x256xf32, #tpu.memory_space<vmem>>, vector<1x16xf32>,
    %swap3A_1208 = arith.constant 7 : i32
    %swap3A_1209 = arith.index_cast %swap3A_1208 : i32 to index
    %swap3A_1210 = arith.constant 160 : index
    %swap3A_1211 = tpu.vector_load %arg8[%swap3A_1209, %swap3A_1210] {strides = array<i32>} : memref<8x256xf32, #tpu.memory_space<vmem>>, vector<1x16xf32>,
    %swap3A_1212 = vector.shape_cast %swap3A_1211 : vector<1x16xf32> to vector<16xf32>
    %swap3A_1213 = vector.shape_cast %scan3A_1146#10 : vector<16xf32> to vector<1x16xf32>
    tpu.vector_store %arg8[%swap3A_1209, %swap3A_1210], %swap3A_1213 {strides = array<i32>} : memref<8x256xf32, #tpu.memory_space<vmem>>, vector<1x16xf32>,
    %swap3A_1214 = arith.constant 7 : i32
    %swap3A_1215 = arith.index_cast %swap3A_1214 : i32 to index
    %swap3A_1216 = arith.constant 176 : index
    %swap3A_1217 = tpu.vector_load %arg8[%swap3A_1215, %swap3A_1216] {strides = array<i32>} : memref<8x256xf32, #tpu.memory_space<vmem>>, vector<1x16xf32>,
    %swap3A_1218 = vector.shape_cast %swap3A_1217 : vector<1x16xf32> to vector<16xf32>
    %swap3A_1219 = vector.shape_cast %scan3A_1146#11 : vector<16xf32> to vector<1x16xf32>
    tpu.vector_store %arg8[%swap3A_1215, %swap3A_1216], %swap3A_1219 {strides = array<i32>} : memref<8x256xf32, #tpu.memory_space<vmem>>, vector<1x16xf32>,
    %swap3A_1220 = arith.constant 7 : i32
    %swap3A_1221 = arith.index_cast %swap3A_1220 : i32 to index
    %swap3A_1222 = arith.constant 192 : index
    %swap3A_1223 = tpu.vector_load %arg8[%swap3A_1221, %swap3A_1222] {strides = array<i32>} : memref<8x256xf32, #tpu.memory_space<vmem>>, vector<1x16xf32>,
    %swap3A_1224 = vector.shape_cast %swap3A_1223 : vector<1x16xf32> to vector<16xf32>
    %swap3A_1225 = vector.shape_cast %scan3A_1146#12 : vector<16xf32> to vector<1x16xf32>
    tpu.vector_store %arg8[%swap3A_1221, %swap3A_1222], %swap3A_1225 {strides = array<i32>} : memref<8x256xf32, #tpu.memory_space<vmem>>, vector<1x16xf32>,
    %swap3A_1226 = arith.constant 7 : i32
    %swap3A_1227 = arith.index_cast %swap3A_1226 : i32 to index
    %swap3A_1228 = arith.constant 208 : index
    %swap3A_1229 = tpu.vector_load %arg8[%swap3A_1227, %swap3A_1228] {strides = array<i32>} : memref<8x256xf32, #tpu.memory_space<vmem>>, vector<1x16xf32>,
    %swap3A_1230 = vector.shape_cast %swap3A_1229 : vector<1x16xf32> to vector<16xf32>
    %swap3A_1231 = vector.shape_cast %scan3A_1146#13 : vector<16xf32> to vector<1x16xf32>
    tpu.vector_store %arg8[%swap3A_1227, %swap3A_1228], %swap3A_1231 {strides = array<i32>} : memref<8x256xf32, #tpu.memory_space<vmem>>, vector<1x16xf32>,
    %swap3A_1232 = arith.constant 7 : i32
    %swap3A_1233 = arith.index_cast %swap3A_1232 : i32 to index
    %swap3A_1234 = arith.constant 224 : index
    %swap3A_1235 = tpu.vector_load %arg8[%swap3A_1233, %swap3A_1234] {strides = array<i32>} : memref<8x256xf32, #tpu.memory_space<vmem>>, vector<1x16xf32>,
    %swap3A_1236 = vector.shape_cast %swap3A_1235 : vector<1x16xf32> to vector<16xf32>
    %swap3A_1237 = vector.shape_cast %scan3A_1146#14 : vector<16xf32> to vector<1x16xf32>
    tpu.vector_store %arg8[%swap3A_1233, %swap3A_1234], %swap3A_1237 {strides = array<i32>} : memref<8x256xf32, #tpu.memory_space<vmem>>, vector<1x16xf32>,
    %swap3A_1238 = arith.constant 7 : i32
    %swap3A_1239 = arith.index_cast %swap3A_1238 : i32 to index
    %swap3A_1240 = arith.constant 240 : index
    %swap3A_1241 = tpu.vector_load %arg8[%swap3A_1239, %swap3A_1240] {strides = array<i32>} : memref<8x256xf32, #tpu.memory_space<vmem>>, vector<1x16xf32>,
    %swap3A_1242 = vector.shape_cast %swap3A_1241 : vector<1x16xf32> to vector<16xf32>
    %swap3A_1243 = vector.shape_cast %scan3A_1146#15 : vector<16xf32> to vector<1x16xf32>
    tpu.vector_store %arg8[%swap3A_1239, %swap3A_1240], %swap3A_1243 {strides = array<i32>} : memref<8x256xf32, #tpu.memory_space<vmem>>, vector<1x16xf32>,
    %mul3A_1244 = arith.constant 8 : i32
    %mul3A_1245 = arith.muli %add3A, %mul3A_1244 : i32
    "tpu.region"() ({
      %run_scoped3A = tpu.sem_alloc : memref<!tpu.dma_semaphore, #tpu.memory_space<semaphore_mem>>
      %dma_start3A_1246 = arith.constant 0 : i32
      %dma_start3A_1247 = tpu.memref_slice %arg4[%mul3A_1245, %dma_start3A_1246] : memref<256x256xf32, #tpu.memory_space<hbm>> -> memref<8x256xf32, #tpu.memory_space<hbm>>
      %dma_start3A_1248 = arith.constant 0 : i32
      %dma_start3A_1249 = tpu.memref_slice %arg4[%mul3A_1245, %dma_start3A_1248] : memref<256x256xf32, #tpu.memory_space<hbm>> -> memref<8x256xf32, #tpu.memory_space<hbm>>
      tpu.enqueue_dma source(%arg8 : memref<8x256xf32, #tpu.memory_space<vmem>>) target(%dma_start3A_1249 : memref<8x256xf32, #tpu.memory_space<hbm>>) target_semaphore(%run_scoped3A : memref<!tpu.dma_semaphore, #tpu.memory_space<semaphore_mem>>)
      %dma_wait3A_1250 = arith.constant 0 : i32
      %dma_wait3A_1251 = tpu.memref_slice %arg4[%mul3A_1245, %dma_wait3A_1250] : memref<256x256xf32, #tpu.memory_space<hbm>> -> memref<8x256xf32, #tpu.memory_space<hbm>>
      %dma_wait3A_1252 = arith.constant 0 : i32
      %dma_wait3A_1253 = tpu.memref_slice %arg4[%mul3A_1245, %dma_wait3A_1252] : memref<256x256xf32, #tpu.memory_space<hbm>> -> memref<8x256xf32, #tpu.memory_space<hbm>>
      tpu.wait_dma2 semaphore(%run_scoped3A : memref<!tpu.dma_semaphore, #tpu.memory_space<semaphore_mem>>) src(%arg8 : memref<8x256xf32, #tpu.memory_space<vmem>>) dst(%dma_wait3A_1253 : memref<8x256xf32, #tpu.memory_space<hbm>>)
      tpu.yield
    }) : () -> ()
    return
  }
}

module attributes {stable_mosaic.version = 14 : i64} {
  func.func @_tc_stream_body(%arg0: i32, %arg1: memref<1024x1024xf32, #tpu.memory_space<vmem>>, %arg2: memref<128x16x1024xf32, #tpu.memory_space<vmem>>, %arg3: memref<16x256xf32, #tpu.memory_space<vmem>>, %arg4: memref<1024x256xf32, #tpu.memory_space<vmem>>, %arg5: memref<256x256xf32, #tpu.memory_space<vmem>>, %arg6: memref<256x256xf32, #tpu.memory_space<vmem>>, %arg7: memref<256x256xf32, #tpu.memory_space<vmem>>, %arg8: memref<256x256xf32, #tpu.memory_space<vmem>>, %arg9: memref<256x256xf32, #tpu.memory_space<vmem>>, %arg10: memref<256x256xf32, #tpu.memory_space<vmem>>, %arg11: memref<256x256xf32, #tpu.memory_space<vmem>>, %arg12: memref<1x256xf32, #tpu.memory_space<vmem>>, %arg13: memref<1x256xf32, #tpu.memory_space<vmem>>, %arg14: memref<1x256xf32, #tpu.memory_space<vmem>>, %arg15: memref<128x256xf32, #tpu.memory_space<vmem>>, %arg16: memref<128x256xf32, #tpu.memory_space<vmem>>, %arg17: memref<1024x256xf32, #tpu.memory_space<vmem>>) attributes {dimension_semantics = [#tpu.dimension_semantics<arbitrary>], iteration_bounds = array<i64: 6>, scalar_prefetch = 0 : i64, scratch_operands = 0 : i64, tpu.core_type = #tpu.core_type<tc>, window_params = [{pipeline_mode = #tpu.pipeline_mode<synchronous>, transform_indices = @transform_0, window_bounds = array<i64: 1024, 1024>}, {transform_indices = @transform_1, window_bounds = array<i64: 128, 16, 1024>}, {pipeline_mode = #tpu.pipeline_mode<synchronous>, transform_indices = @transform_2, window_bounds = array<i64: 16, 256>}, {pipeline_mode = #tpu.pipeline_mode<synchronous>, transform_indices = @transform_3, window_bounds = array<i64: 1024, 256>}, {pipeline_mode = #tpu.pipeline_mode<synchronous>, transform_indices = @transform_4, window_bounds = array<i64: 256, 256>}, {pipeline_mode = #tpu.pipeline_mode<synchronous>, transform_indices = @transform_5, window_bounds = array<i64: 256, 256>}, {pipeline_mode = #tpu.pipeline_mode<synchronous>, transform_indices = @transform_6, window_bounds = array<i64: 256, 256>}, {pipeline_mode = #tpu.pipeline_mode<synchronous>, transform_indices = @transform_7, window_bounds = array<i64: 256, 256>}, {pipeline_mode = #tpu.pipeline_mode<synchronous>, transform_indices = @transform_8, window_bounds = array<i64: 256, 256>}, {pipeline_mode = #tpu.pipeline_mode<synchronous>, transform_indices = @transform_9, window_bounds = array<i64: 256, 256>}, {pipeline_mode = #tpu.pipeline_mode<synchronous>, transform_indices = @transform_10, window_bounds = array<i64: 256, 256>}, {pipeline_mode = #tpu.pipeline_mode<synchronous>, transform_indices = @transform_11, window_bounds = array<i64: 1, 256>}, {pipeline_mode = #tpu.pipeline_mode<synchronous>, transform_indices = @transform_12, window_bounds = array<i64: 1, 256>}, {pipeline_mode = #tpu.pipeline_mode<synchronous>, transform_indices = @transform_13, window_bounds = array<i64: 1, 256>}, {transform_indices = @transform_14, window_bounds = array<i64: 128, 256>}, {transform_indices = @transform_15, window_bounds = array<i64: 128, 256>}, {pipeline_mode = #tpu.pipeline_mode<synchronous>, transform_indices = @transform_16, window_bounds = array<i64: 1024, 256>}]} {
    %mul3A = arith.constant 128 : i32
    %mul3A_0 = arith.muli %arg0, %mul3A : i32
    %eq3A = arith.constant 0 : i32
    %eq3A_1 = arith.cmpi eq, %arg0, %eq3A : i32
    %convert_element_type3A = arith.extui %eq3A_1 : i1 to i32
    %cond3A = arith.constant 0 : i32
    %cond3A_2 = arith.cmpi ne, %convert_element_type3A, %cond3A : i32
    scf.if %cond3A_2 {
      %get3A_114 = arith.constant 0 : index
      %get3A_115 = arith.constant 0 : index
      %get3A_116 = vector.load %arg4[%get3A_114, %get3A_115] : memref<1024x256xf32, #tpu.memory_space<vmem>>, vector<1024x256xf32>
      %get3A_117 = arith.constant 0 : index
      %get3A_118 = arith.constant 0 : index
      %get3A_119 = vector.load %arg5[%get3A_117, %get3A_118] : memref<256x256xf32, #tpu.memory_space<vmem>>, vector<256x256xf32>
      %convert_element_type3A_120 = arith.truncf %get3A_116 : vector<1024x256xf32> to vector<1024x256xbf16>
      %convert_element_type3A_121 = arith.truncf %get3A_119 : vector<256x256xf32> to vector<256x256xbf16>
      %dot_general3A_122 = arith.constant dense<0.000000e+00> : vector<1024x256xf32>
      %dot_general3A_123 = tpu.matmul %convert_element_type3A_120, %convert_element_type3A_121, %dot_general3A_122 {dimension_numbers = #tpu.dot_dimension_numbers<[1], [0], [0], [1], [0, 0, 1, 1], [], []>, transpose_lhs_hint = false} : vector<1024x256xbf16>, vector<256x256xbf16>, vector<1024x256xf32> -> vector<1024x256xf32>
      %swap3A_124 = arith.constant 0 : index
      %swap3A_125 = arith.constant 0 : index
      %swap3A_126 = vector.load %arg17[%swap3A_124, %swap3A_125] : memref<1024x256xf32, #tpu.memory_space<vmem>>, vector<1024x256xf32>
      tpu.vector_store %arg17[%swap3A_124, %swap3A_125], %dot_general3A_123 {strides = array<i32>} : memref<1024x256xf32, #tpu.memory_space<vmem>>, vector<1024x256xf32>,
    } else {
    }
    %get3A = arith.index_cast %mul3A_0 : i32 to index
    %get3A_3 = arith.constant 0 : index
    %get3A_4 = vector.load %arg1[%get3A, %get3A_3] : memref<1024x1024xf32, #tpu.memory_space<vmem>>, vector<128x1024xf32>
    %get3A_5 = arith.constant 0 : index
    %get3A_6 = arith.constant 0 : index
    %get3A_7 = arith.constant 0 : index
    %get3A_8 = vector.load %arg2[%get3A_5, %get3A_6, %get3A_7] : memref<128x16x1024xf32, #tpu.memory_space<vmem>>, vector<128x16x1024xf32>
    %broadcast_in_dim3A = vector.shape_cast %get3A_4 : vector<128x1024xf32> to vector<128x1x1024xf32>
    %mul3A_9 = vector.broadcast %broadcast_in_dim3A : vector<128x1x1024xf32> to vector<128x16x1024xf32>
    %mul3A_10 = arith.mulf %get3A_8, %mul3A_9 : vector<128x16x1024xf32>
    %reduce_sum3A = arith.constant dense<0.000000e+00> : vector<128x16xf32>
    %reduce_sum3A_11 = vector.multi_reduction <add>, %mul3A_10, %reduce_sum3A [2] : vector<128x16x1024xf32> to vector<128x16xf32>
    %get3A_12 = arith.constant 0 : index
    %get3A_13 = arith.constant 0 : index
    %get3A_14 = vector.load %arg3[%get3A_12, %get3A_13] : memref<16x256xf32, #tpu.memory_space<vmem>>, vector<16x256xf32>
    %dot_general3A = arith.constant dense<0.000000e+00> : vector<128x256xf32>
    %dot_general3A_15 = tpu.matmul %reduce_sum3A_11, %get3A_14, %dot_general3A {dimension_numbers = #tpu.dot_dimension_numbers<[1], [0], [0], [1], [0, 0, 1, 1], [], []>, transpose_lhs_hint = false} : vector<128x16xf32>, vector<16x256xf32>, vector<128x256xf32> -> vector<128x256xf32>
    %mul3A_16 = arith.constant 9.765625E-4 : f32
    %mul3A_17 = vector.broadcast %mul3A_16 : f32 to vector<128x256xf32>
    %mul3A_18 = arith.mulf %dot_general3A_15, %mul3A_17 : vector<128x256xf32>
    %swap3A = arith.constant 0 : index
    %swap3A_19 = arith.constant 0 : index
    %swap3A_20 = vector.load %arg15[%swap3A, %swap3A_19] : memref<128x256xf32, #tpu.memory_space<vmem>>, vector<128x256xf32>
    tpu.vector_store %arg15[%swap3A, %swap3A_19], %mul3A_18 {strides = array<i32>} : memref<128x256xf32, #tpu.memory_space<vmem>>, vector<128x256xf32>,
    %get3A_21 = arith.index_cast %mul3A_0 : i32 to index
    %get3A_22 = arith.constant 0 : index
    %get3A_23 = vector.load %arg4[%get3A_21, %get3A_22] : memref<1024x256xf32, #tpu.memory_space<vmem>>, vector<128x256xf32>
    %get3A_24 = arith.constant 0 : index
    %get3A_25 = arith.constant 0 : index
    %get3A_26 = vector.load %arg17[%get3A_24, %get3A_25] : memref<1024x256xf32, #tpu.memory_space<vmem>>, vector<1024x256xf32>
    %convert_element_type3A_27 = arith.truncf %get3A_4 : vector<128x1024xf32> to vector<128x1024xbf16>
    %convert_element_type3A_28 = arith.truncf %get3A_26 : vector<1024x256xf32> to vector<1024x256xbf16>
    %dot_general3A_29 = arith.constant dense<0.000000e+00> : vector<128x256xf32>
    %dot_general3A_30 = tpu.matmul %convert_element_type3A_27, %convert_element_type3A_28, %dot_general3A_29 {dimension_numbers = #tpu.dot_dimension_numbers<[1], [0], [0], [1], [0, 0, 1, 1], [], []>, transpose_lhs_hint = false} : vector<128x1024xbf16>, vector<1024x256xbf16>, vector<128x256xf32> -> vector<128x256xf32>
    %mul3A_31 = arith.constant 9.765625E-4 : f32
    %mul3A_32 = vector.broadcast %mul3A_31 : f32 to vector<128x256xf32>
    %mul3A_33 = arith.mulf %dot_general3A_30, %mul3A_32 : vector<128x256xf32>
    %add3A = arith.addf %mul3A_33, %mul3A_18 : vector<128x256xf32>
    %get3A_34 = arith.constant 0 : index
    %get3A_35 = arith.constant 0 : index
    %get3A_36 = vector.load %arg6[%get3A_34, %get3A_35] : memref<256x256xf32, #tpu.memory_space<vmem>>, vector<256x256xf32>
    %convert_element_type3A_37 = arith.truncf %add3A : vector<128x256xf32> to vector<128x256xbf16>
    %convert_element_type3A_38 = arith.truncf %get3A_36 : vector<256x256xf32> to vector<256x256xbf16>
    %dot_general3A_39 = arith.constant dense<0.000000e+00> : vector<128x256xf32>
    %dot_general3A_40 = tpu.matmul %convert_element_type3A_37, %convert_element_type3A_38, %dot_general3A_39 {dimension_numbers = #tpu.dot_dimension_numbers<[1], [0], [0], [1], [0, 0, 1, 1], [], []>, transpose_lhs_hint = false} : vector<128x256xbf16>, vector<256x256xbf16>, vector<128x256xf32> -> vector<128x256xf32>
    %get3A_41 = arith.constant 0 : index
    %get3A_42 = arith.constant 0 : index
    %get3A_43 = vector.load %arg7[%get3A_41, %get3A_42] : memref<256x256xf32, #tpu.memory_space<vmem>>, vector<256x256xf32>
    %convert_element_type3A_44 = arith.truncf %get3A_23 : vector<128x256xf32> to vector<128x256xbf16>
    %convert_element_type3A_45 = arith.truncf %get3A_43 : vector<256x256xf32> to vector<256x256xbf16>
    %dot_general3A_46 = arith.constant dense<0.000000e+00> : vector<128x256xf32>
    %dot_general3A_47 = tpu.matmul %convert_element_type3A_44, %convert_element_type3A_45, %dot_general3A_46 {dimension_numbers = #tpu.dot_dimension_numbers<[1], [0], [0], [1], [0, 0, 1, 1], [], []>, transpose_lhs_hint = false} : vector<128x256xbf16>, vector<256x256xbf16>, vector<128x256xf32> -> vector<128x256xf32>
    %add3A_48 = arith.addf %dot_general3A_40, %dot_general3A_47 : vector<128x256xf32>
    %get3A_49 = arith.constant 0 : index
    %get3A_50 = arith.constant 0 : index
    %get3A_51 = vector.load %arg12[%get3A_49, %get3A_50] : memref<1x256xf32, #tpu.memory_space<vmem>>, vector<1x256xf32>
    %add3A_52 = vector.broadcast %get3A_51 : vector<1x256xf32> to vector<128x256xf32>
    %add3A_53 = arith.addf %add3A_48, %add3A_52 : vector<128x256xf32>
    %logistic3A = arith.negf %add3A_53 : vector<128x256xf32>
    %logistic3A_54 = math.exp %logistic3A : vector<128x256xf32>
    %logistic3A_55 = arith.constant 1.000000e+00 : f32
    %logistic3A_56 = vector.broadcast %logistic3A_55 : f32 to vector<128x256xf32>
    %logistic3A_57 = arith.addf %logistic3A_56, %logistic3A_54 : vector<128x256xf32>
    %logistic3A_58 = arith.divf %logistic3A_56, %logistic3A_57 : vector<128x256xf32>
    %get3A_59 = arith.constant 0 : index
    %get3A_60 = arith.constant 0 : index
    %get3A_61 = vector.load %arg8[%get3A_59, %get3A_60] : memref<256x256xf32, #tpu.memory_space<vmem>>, vector<256x256xf32>
    %convert_element_type3A_62 = arith.truncf %add3A : vector<128x256xf32> to vector<128x256xbf16>
    %convert_element_type3A_63 = arith.truncf %get3A_61 : vector<256x256xf32> to vector<256x256xbf16>
    %dot_general3A_64 = arith.constant dense<0.000000e+00> : vector<128x256xf32>
    %dot_general3A_65 = tpu.matmul %convert_element_type3A_62, %convert_element_type3A_63, %dot_general3A_64 {dimension_numbers = #tpu.dot_dimension_numbers<[1], [0], [0], [1], [0, 0, 1, 1], [], []>, transpose_lhs_hint = false} : vector<128x256xbf16>, vector<256x256xbf16>, vector<128x256xf32> -> vector<128x256xf32>
    %get3A_66 = arith.constant 0 : index
    %get3A_67 = arith.constant 0 : index
    %get3A_68 = vector.load %arg9[%get3A_66, %get3A_67] : memref<256x256xf32, #tpu.memory_space<vmem>>, vector<256x256xf32>
    %convert_element_type3A_69 = arith.truncf %get3A_23 : vector<128x256xf32> to vector<128x256xbf16>
    %convert_element_type3A_70 = arith.truncf %get3A_68 : vector<256x256xf32> to vector<256x256xbf16>
    %dot_general3A_71 = arith.constant dense<0.000000e+00> : vector<128x256xf32>
    %dot_general3A_72 = tpu.matmul %convert_element_type3A_69, %convert_element_type3A_70, %dot_general3A_71 {dimension_numbers = #tpu.dot_dimension_numbers<[1], [0], [0], [1], [0, 0, 1, 1], [], []>, transpose_lhs_hint = false} : vector<128x256xbf16>, vector<256x256xbf16>, vector<128x256xf32> -> vector<128x256xf32>
    %add3A_73 = arith.addf %dot_general3A_65, %dot_general3A_72 : vector<128x256xf32>
    %get3A_74 = arith.constant 0 : index
    %get3A_75 = arith.constant 0 : index
    %get3A_76 = vector.load %arg13[%get3A_74, %get3A_75] : memref<1x256xf32, #tpu.memory_space<vmem>>, vector<1x256xf32>
    %add3A_77 = vector.broadcast %get3A_76 : vector<1x256xf32> to vector<128x256xf32>
    %add3A_78 = arith.addf %add3A_73, %add3A_77 : vector<128x256xf32>
    %logistic3A_79 = arith.negf %add3A_78 : vector<128x256xf32>
    %logistic3A_80 = math.exp %logistic3A_79 : vector<128x256xf32>
    %logistic3A_81 = arith.constant 1.000000e+00 : f32
    %logistic3A_82 = vector.broadcast %logistic3A_81 : f32 to vector<128x256xf32>
    %logistic3A_83 = arith.addf %logistic3A_82, %logistic3A_80 : vector<128x256xf32>
    %logistic3A_84 = arith.divf %logistic3A_82, %logistic3A_83 : vector<128x256xf32>
    %get3A_85 = arith.constant 0 : index
    %get3A_86 = arith.constant 0 : index
    %get3A_87 = vector.load %arg10[%get3A_85, %get3A_86] : memref<256x256xf32, #tpu.memory_space<vmem>>, vector<256x256xf32>
    %convert_element_type3A_88 = arith.truncf %add3A : vector<128x256xf32> to vector<128x256xbf16>
    %convert_element_type3A_89 = arith.truncf %get3A_87 : vector<256x256xf32> to vector<256x256xbf16>
    %dot_general3A_90 = arith.constant dense<0.000000e+00> : vector<128x256xf32>
    %dot_general3A_91 = tpu.matmul %convert_element_type3A_88, %convert_element_type3A_89, %dot_general3A_90 {dimension_numbers = #tpu.dot_dimension_numbers<[1], [0], [0], [1], [0, 0, 1, 1], [], []>, transpose_lhs_hint = false} : vector<128x256xbf16>, vector<256x256xbf16>, vector<128x256xf32> -> vector<128x256xf32>
    %mul3A_92 = arith.mulf %logistic3A_84, %get3A_23 : vector<128x256xf32>
    %get3A_93 = arith.constant 0 : index
    %get3A_94 = arith.constant 0 : index
    %get3A_95 = vector.load %arg11[%get3A_93, %get3A_94] : memref<256x256xf32, #tpu.memory_space<vmem>>, vector<256x256xf32>
    %convert_element_type3A_96 = arith.truncf %mul3A_92 : vector<128x256xf32> to vector<128x256xbf16>
    %convert_element_type3A_97 = arith.truncf %get3A_95 : vector<256x256xf32> to vector<256x256xbf16>
    %dot_general3A_98 = arith.constant dense<0.000000e+00> : vector<128x256xf32>
    %dot_general3A_99 = tpu.matmul %convert_element_type3A_96, %convert_element_type3A_97, %dot_general3A_98 {dimension_numbers = #tpu.dot_dimension_numbers<[1], [0], [0], [1], [0, 0, 1, 1], [], []>, transpose_lhs_hint = false} : vector<128x256xbf16>, vector<256x256xbf16>, vector<128x256xf32> -> vector<128x256xf32>
    %add3A_100 = arith.addf %dot_general3A_91, %dot_general3A_99 : vector<128x256xf32>
    %get3A_101 = arith.constant 0 : index
    %get3A_102 = arith.constant 0 : index
    %get3A_103 = vector.load %arg14[%get3A_101, %get3A_102] : memref<1x256xf32, #tpu.memory_space<vmem>>, vector<1x256xf32>
    %add3A_104 = vector.broadcast %get3A_103 : vector<1x256xf32> to vector<128x256xf32>
    %add3A_105 = arith.addf %add3A_100, %add3A_104 : vector<128x256xf32>
    %tanh3A = math.tanh %add3A_105 : vector<128x256xf32>
    %sub3A = arith.constant 1.000000e+00 : f32
    %sub3A_106 = vector.broadcast %sub3A : f32 to vector<128x256xf32>
    %sub3A_107 = arith.subf %sub3A_106, %logistic3A_58 : vector<128x256xf32>
    %mul3A_108 = arith.mulf %sub3A_107, %get3A_23 : vector<128x256xf32>
    %mul3A_109 = arith.mulf %logistic3A_58, %tanh3A : vector<128x256xf32>
    %add3A_110 = arith.addf %mul3A_108, %mul3A_109 : vector<128x256xf32>
    %swap3A_111 = arith.constant 0 : index
    %swap3A_112 = arith.constant 0 : index
    %swap3A_113 = vector.load %arg16[%swap3A_111, %swap3A_112] : memref<128x256xf32, #tpu.memory_space<vmem>>, vector<128x256xf32>
    tpu.vector_store %arg16[%swap3A_111, %swap3A_112], %add3A_110 {strides = array<i32>} : memref<128x256xf32, #tpu.memory_space<vmem>>, vector<128x256xf32>,
    return
  }
  func.func @transform_0(%arg0: i32) -> (i32, i32) {
    %c0_i32 = arith.constant 0 : i32
    %c0_i32_0 = arith.constant 0 : i32
    %c0_i32_1 = arith.constant 0 : i32
    return %c0_i32, %c0_i32_0 : i32, i32
  }
  func.func @transform_1(%arg0: i32) -> (i32, i32, i32) {
    %c0_i32 = arith.constant 0 : i32
    %c0_i32_0 = arith.constant 0 : i32
    %c0_i32_1 = arith.constant 0 : i32
    return %arg0, %c0_i32, %c0_i32_0 : i32, i32, i32
  }
  func.func @transform_2(%arg0: i32) -> (i32, i32) {
    %c0_i32 = arith.constant 0 : i32
    %c0_i32_0 = arith.constant 0 : i32
    %c0_i32_1 = arith.constant 0 : i32
    return %c0_i32, %c0_i32_0 : i32, i32
  }
  func.func @transform_3(%arg0: i32) -> (i32, i32) {
    %c0_i32 = arith.constant 0 : i32
    %c0_i32_0 = arith.constant 0 : i32
    %c0_i32_1 = arith.constant 0 : i32
    return %c0_i32, %c0_i32_0 : i32, i32
  }
  func.func @transform_4(%arg0: i32) -> (i32, i32) {
    %c0_i32 = arith.constant 0 : i32
    %c0_i32_0 = arith.constant 0 : i32
    %c0_i32_1 = arith.constant 0 : i32
    return %c0_i32, %c0_i32_0 : i32, i32
  }
  func.func @transform_5(%arg0: i32) -> (i32, i32) {
    %c0_i32 = arith.constant 0 : i32
    %c0_i32_0 = arith.constant 0 : i32
    %c0_i32_1 = arith.constant 0 : i32
    return %c0_i32, %c0_i32_0 : i32, i32
  }
  func.func @transform_6(%arg0: i32) -> (i32, i32) {
    %c0_i32 = arith.constant 0 : i32
    %c0_i32_0 = arith.constant 0 : i32
    %c0_i32_1 = arith.constant 0 : i32
    return %c0_i32, %c0_i32_0 : i32, i32
  }
  func.func @transform_7(%arg0: i32) -> (i32, i32) {
    %c0_i32 = arith.constant 0 : i32
    %c0_i32_0 = arith.constant 0 : i32
    %c0_i32_1 = arith.constant 0 : i32
    return %c0_i32, %c0_i32_0 : i32, i32
  }
  func.func @transform_8(%arg0: i32) -> (i32, i32) {
    %c0_i32 = arith.constant 0 : i32
    %c0_i32_0 = arith.constant 0 : i32
    %c0_i32_1 = arith.constant 0 : i32
    return %c0_i32, %c0_i32_0 : i32, i32
  }
  func.func @transform_9(%arg0: i32) -> (i32, i32) {
    %c0_i32 = arith.constant 0 : i32
    %c0_i32_0 = arith.constant 0 : i32
    %c0_i32_1 = arith.constant 0 : i32
    return %c0_i32, %c0_i32_0 : i32, i32
  }
  func.func @transform_10(%arg0: i32) -> (i32, i32) {
    %c0_i32 = arith.constant 0 : i32
    %c0_i32_0 = arith.constant 0 : i32
    %c0_i32_1 = arith.constant 0 : i32
    return %c0_i32, %c0_i32_0 : i32, i32
  }
  func.func @transform_11(%arg0: i32) -> (i32, i32) {
    %c0_i32 = arith.constant 0 : i32
    %c0_i32_0 = arith.constant 0 : i32
    %c0_i32_1 = arith.constant 0 : i32
    return %c0_i32, %c0_i32_0 : i32, i32
  }
  func.func @transform_12(%arg0: i32) -> (i32, i32) {
    %c0_i32 = arith.constant 0 : i32
    %c0_i32_0 = arith.constant 0 : i32
    %c0_i32_1 = arith.constant 0 : i32
    return %c0_i32, %c0_i32_0 : i32, i32
  }
  func.func @transform_13(%arg0: i32) -> (i32, i32) {
    %c0_i32 = arith.constant 0 : i32
    %c0_i32_0 = arith.constant 0 : i32
    %c0_i32_1 = arith.constant 0 : i32
    return %c0_i32, %c0_i32_0 : i32, i32
  }
  func.func @transform_14(%arg0: i32) -> (i32, i32) {
    %c0_i32 = arith.constant 0 : i32
    %c0_i32_0 = arith.constant 0 : i32
    return %arg0, %c0_i32 : i32, i32
  }
  func.func @transform_15(%arg0: i32) -> (i32, i32) {
    %c0_i32 = arith.constant 0 : i32
    %c0_i32_0 = arith.constant 0 : i32
    return %arg0, %c0_i32 : i32, i32
  }
  func.func @transform_16(%arg0: i32) -> (i32, i32) {
    %c0_i32 = arith.constant 0 : i32
    %c0_i32_0 = arith.constant 0 : i32
    %c0_i32_1 = arith.constant 0 : i32
    return %c0_i32, %c0_i32_0 : i32, i32
  }
}

module attributes {stable_mosaic.version = 14 : i64} {
  func.func @_tc_tail_body(%arg0: memref<1024x1024xf32, #tpu.memory_space<vmem>>, %arg1: memref<1024x256xf32, #tpu.memory_space<vmem>>, %arg2: memref<256x256xf32, #tpu.memory_space<vmem>>, %arg3: memref<768x256xf32, #tpu.memory_space<vmem>>, %arg4: memref<768x256xf32, #tpu.memory_space<vmem>>, %arg5: memref<256x256xf32, #tpu.memory_space<vmem>>, %arg6: memref<256x256xf32, #tpu.memory_space<vmem>>, %arg7: memref<256x256xf32, #tpu.memory_space<vmem>>, %arg8: memref<256x256xf32, #tpu.memory_space<vmem>>, %arg9: memref<256x256xf32, #tpu.memory_space<vmem>>, %arg10: memref<256x256xf32, #tpu.memory_space<vmem>>, %arg11: memref<256x256xf32, #tpu.memory_space<vmem>>, %arg12: memref<256x256xf32, #tpu.memory_space<vmem>>, %arg13: memref<1x256xf32, #tpu.memory_space<vmem>>, %arg14: memref<1x256xf32, #tpu.memory_space<vmem>>, %arg15: memref<1x256xf32, #tpu.memory_space<vmem>>, %arg16: memref<256x256xf32, #tpu.memory_space<vmem>>, %arg17: memref<1x256xf32, #tpu.memory_space<vmem>>, %arg18: memref<256x256xf32, #tpu.memory_space<vmem>>, %arg19: memref<1x256xf32, #tpu.memory_space<vmem>>, %arg20: memref<1x128xf32, #tpu.memory_space<vmem>>, %arg21: memref<128x256xf32, #tpu.memory_space<vmem>>, %arg22: memref<512x256xf32, #tpu.memory_space<vmem>>, %arg23: memref<1x256xf32, #tpu.memory_space<vmem>>, %arg24: memref<1x256xf32, #tpu.memory_space<vmem>>) attributes {dimension_semantics = [], scalar_prefetch = 0 : i64, scratch_operands = 0 : i64, tpu.core_type = #tpu.core_type<tc>} {
    %get3A = arith.constant 0 : index
    %get3A_0 = arith.constant 0 : index
    %get3A_1 = vector.load %arg2[%get3A, %get3A_0] : memref<256x256xf32, #tpu.memory_space<vmem>>, vector<256x256xf32>
    %get3A_2 = arith.constant 0 : index
    %get3A_3 = arith.constant 0 : index
    %get3A_4 = vector.load %arg5[%get3A_2, %get3A_3] : memref<256x256xf32, #tpu.memory_space<vmem>>, vector<256x256xf32>
    %dot_general3A = arith.constant dense<0.000000e+00> : vector<256x256xf32>
    %dot_general3A_5 = tpu.matmul %get3A_1, %get3A_4, %dot_general3A {dimension_numbers = #tpu.dot_dimension_numbers<[1], [0], [0], [1], [0, 0, 1, 1], [], []>, transpose_lhs_hint = false} : vector<256x256xf32>, vector<256x256xf32>, vector<256x256xf32> -> vector<256x256xf32>
    %mul3A = arith.constant 9.765625E-4 : f32
    %mul3A_6 = vector.broadcast %mul3A : f32 to vector<256x256xf32>
    %mul3A_7 = arith.mulf %dot_general3A_5, %mul3A_6 : vector<256x256xf32>
    %get3A_8 = arith.constant 0 : index
    %get3A_9 = arith.constant 0 : index
    %get3A_10 = vector.load %arg3[%get3A_8, %get3A_9] : memref<768x256xf32, #tpu.memory_space<vmem>>, vector<768x256xf32>
    %concatenate3A = tpu.concatenate %get3A_10, %mul3A_7 in 0 : vector<768x256xf32>, vector<256x256xf32> -> vector<1024x256xf32>
    %get3A_11 = arith.constant 768 : index
    %get3A_12 = arith.constant 0 : index
    %get3A_13 = vector.load %arg0[%get3A_11, %get3A_12] : memref<1024x1024xf32, #tpu.memory_space<vmem>>, vector<256x1024xf32>
    %get3A_14 = arith.constant 768 : index
    %get3A_15 = arith.constant 0 : index
    %get3A_16 = vector.load %arg1[%get3A_14, %get3A_15] : memref<1024x256xf32, #tpu.memory_space<vmem>>, vector<256x256xf32>
    %get3A_17 = arith.constant 0 : index
    %get3A_18 = arith.constant 0 : index
    %get3A_19 = vector.load %arg1[%get3A_17, %get3A_18] : memref<1024x256xf32, #tpu.memory_space<vmem>>, vector<1024x256xf32>
    %get3A_20 = arith.constant 0 : index
    %get3A_21 = arith.constant 0 : index
    %get3A_22 = vector.load %arg6[%get3A_20, %get3A_21] : memref<256x256xf32, #tpu.memory_space<vmem>>, vector<256x256xf32>
    %convert_element_type3A = arith.truncf %get3A_19 : vector<1024x256xf32> to vector<1024x256xbf16>
    %convert_element_type3A_23 = arith.truncf %get3A_22 : vector<256x256xf32> to vector<256x256xbf16>
    %dot_general3A_24 = arith.constant dense<0.000000e+00> : vector<1024x256xf32>
    %dot_general3A_25 = tpu.matmul %convert_element_type3A, %convert_element_type3A_23, %dot_general3A_24 {dimension_numbers = #tpu.dot_dimension_numbers<[1], [0], [0], [1], [0, 0, 1, 1], [], []>, transpose_lhs_hint = false} : vector<1024x256xbf16>, vector<256x256xbf16>, vector<1024x256xf32> -> vector<1024x256xf32>
    %convert_element_type3A_26 = arith.truncf %get3A_13 : vector<256x1024xf32> to vector<256x1024xbf16>
    %convert_element_type3A_27 = arith.truncf %dot_general3A_25 : vector<1024x256xf32> to vector<1024x256xbf16>
    %dot_general3A_28 = arith.constant dense<0.000000e+00> : vector<256x256xf32>
    %dot_general3A_29 = tpu.matmul %convert_element_type3A_26, %convert_element_type3A_27, %dot_general3A_28 {dimension_numbers = #tpu.dot_dimension_numbers<[1], [0], [0], [1], [0, 0, 1, 1], [], []>, transpose_lhs_hint = false} : vector<256x1024xbf16>, vector<1024x256xbf16>, vector<256x256xf32> -> vector<256x256xf32>
    %mul3A_30 = arith.constant 9.765625E-4 : f32
    %mul3A_31 = vector.broadcast %mul3A_30 : f32 to vector<256x256xf32>
    %mul3A_32 = arith.mulf %dot_general3A_29, %mul3A_31 : vector<256x256xf32>
    %add3A = arith.addf %mul3A_32, %mul3A_7 : vector<256x256xf32>
    %get3A_33 = arith.constant 0 : index
    %get3A_34 = arith.constant 0 : index
    %get3A_35 = vector.load %arg7[%get3A_33, %get3A_34] : memref<256x256xf32, #tpu.memory_space<vmem>>, vector<256x256xf32>
    %convert_element_type3A_36 = arith.truncf %add3A : vector<256x256xf32> to vector<256x256xbf16>
    %convert_element_type3A_37 = arith.truncf %get3A_35 : vector<256x256xf32> to vector<256x256xbf16>
    %dot_general3A_38 = arith.constant dense<0.000000e+00> : vector<256x256xf32>
    %dot_general3A_39 = tpu.matmul %convert_element_type3A_36, %convert_element_type3A_37, %dot_general3A_38 {dimension_numbers = #tpu.dot_dimension_numbers<[1], [0], [0], [1], [0, 0, 1, 1], [], []>, transpose_lhs_hint = false} : vector<256x256xbf16>, vector<256x256xbf16>, vector<256x256xf32> -> vector<256x256xf32>
    %get3A_40 = arith.constant 0 : index
    %get3A_41 = arith.constant 0 : index
    %get3A_42 = vector.load %arg8[%get3A_40, %get3A_41] : memref<256x256xf32, #tpu.memory_space<vmem>>, vector<256x256xf32>
    %convert_element_type3A_43 = arith.truncf %get3A_16 : vector<256x256xf32> to vector<256x256xbf16>
    %convert_element_type3A_44 = arith.truncf %get3A_42 : vector<256x256xf32> to vector<256x256xbf16>
    %dot_general3A_45 = arith.constant dense<0.000000e+00> : vector<256x256xf32>
    %dot_general3A_46 = tpu.matmul %convert_element_type3A_43, %convert_element_type3A_44, %dot_general3A_45 {dimension_numbers = #tpu.dot_dimension_numbers<[1], [0], [0], [1], [0, 0, 1, 1], [], []>, transpose_lhs_hint = false} : vector<256x256xbf16>, vector<256x256xbf16>, vector<256x256xf32> -> vector<256x256xf32>
    %add3A_47 = arith.addf %dot_general3A_39, %dot_general3A_46 : vector<256x256xf32>
    %get3A_48 = arith.constant 0 : index
    %get3A_49 = arith.constant 0 : index
    %get3A_50 = vector.load %arg13[%get3A_48, %get3A_49] : memref<1x256xf32, #tpu.memory_space<vmem>>, vector<1x256xf32>
    %add3A_51 = vector.broadcast %get3A_50 : vector<1x256xf32> to vector<256x256xf32>
    %add3A_52 = arith.addf %add3A_47, %add3A_51 : vector<256x256xf32>
    %logistic3A = arith.negf %add3A_52 : vector<256x256xf32>
    %logistic3A_53 = math.exp %logistic3A : vector<256x256xf32>
    %logistic3A_54 = arith.constant 1.000000e+00 : f32
    %logistic3A_55 = vector.broadcast %logistic3A_54 : f32 to vector<256x256xf32>
    %logistic3A_56 = arith.addf %logistic3A_55, %logistic3A_53 : vector<256x256xf32>
    %logistic3A_57 = arith.divf %logistic3A_55, %logistic3A_56 : vector<256x256xf32>
    %get3A_58 = arith.constant 0 : index
    %get3A_59 = arith.constant 0 : index
    %get3A_60 = vector.load %arg9[%get3A_58, %get3A_59] : memref<256x256xf32, #tpu.memory_space<vmem>>, vector<256x256xf32>
    %convert_element_type3A_61 = arith.truncf %add3A : vector<256x256xf32> to vector<256x256xbf16>
    %convert_element_type3A_62 = arith.truncf %get3A_60 : vector<256x256xf32> to vector<256x256xbf16>
    %dot_general3A_63 = arith.constant dense<0.000000e+00> : vector<256x256xf32>
    %dot_general3A_64 = tpu.matmul %convert_element_type3A_61, %convert_element_type3A_62, %dot_general3A_63 {dimension_numbers = #tpu.dot_dimension_numbers<[1], [0], [0], [1], [0, 0, 1, 1], [], []>, transpose_lhs_hint = false} : vector<256x256xbf16>, vector<256x256xbf16>, vector<256x256xf32> -> vector<256x256xf32>
    %get3A_65 = arith.constant 0 : index
    %get3A_66 = arith.constant 0 : index
    %get3A_67 = vector.load %arg10[%get3A_65, %get3A_66] : memref<256x256xf32, #tpu.memory_space<vmem>>, vector<256x256xf32>
    %convert_element_type3A_68 = arith.truncf %get3A_16 : vector<256x256xf32> to vector<256x256xbf16>
    %convert_element_type3A_69 = arith.truncf %get3A_67 : vector<256x256xf32> to vector<256x256xbf16>
    %dot_general3A_70 = arith.constant dense<0.000000e+00> : vector<256x256xf32>
    %dot_general3A_71 = tpu.matmul %convert_element_type3A_68, %convert_element_type3A_69, %dot_general3A_70 {dimension_numbers = #tpu.dot_dimension_numbers<[1], [0], [0], [1], [0, 0, 1, 1], [], []>, transpose_lhs_hint = false} : vector<256x256xbf16>, vector<256x256xbf16>, vector<256x256xf32> -> vector<256x256xf32>
    %add3A_72 = arith.addf %dot_general3A_64, %dot_general3A_71 : vector<256x256xf32>
    %get3A_73 = arith.constant 0 : index
    %get3A_74 = arith.constant 0 : index
    %get3A_75 = vector.load %arg14[%get3A_73, %get3A_74] : memref<1x256xf32, #tpu.memory_space<vmem>>, vector<1x256xf32>
    %add3A_76 = vector.broadcast %get3A_75 : vector<1x256xf32> to vector<256x256xf32>
    %add3A_77 = arith.addf %add3A_72, %add3A_76 : vector<256x256xf32>
    %logistic3A_78 = arith.negf %add3A_77 : vector<256x256xf32>
    %logistic3A_79 = math.exp %logistic3A_78 : vector<256x256xf32>
    %logistic3A_80 = arith.constant 1.000000e+00 : f32
    %logistic3A_81 = vector.broadcast %logistic3A_80 : f32 to vector<256x256xf32>
    %logistic3A_82 = arith.addf %logistic3A_81, %logistic3A_79 : vector<256x256xf32>
    %logistic3A_83 = arith.divf %logistic3A_81, %logistic3A_82 : vector<256x256xf32>
    %get3A_84 = arith.constant 0 : index
    %get3A_85 = arith.constant 0 : index
    %get3A_86 = vector.load %arg11[%get3A_84, %get3A_85] : memref<256x256xf32, #tpu.memory_space<vmem>>, vector<256x256xf32>
    %convert_element_type3A_87 = arith.truncf %add3A : vector<256x256xf32> to vector<256x256xbf16>
    %convert_element_type3A_88 = arith.truncf %get3A_86 : vector<256x256xf32> to vector<256x256xbf16>
    %dot_general3A_89 = arith.constant dense<0.000000e+00> : vector<256x256xf32>
    %dot_general3A_90 = tpu.matmul %convert_element_type3A_87, %convert_element_type3A_88, %dot_general3A_89 {dimension_numbers = #tpu.dot_dimension_numbers<[1], [0], [0], [1], [0, 0, 1, 1], [], []>, transpose_lhs_hint = false} : vector<256x256xbf16>, vector<256x256xbf16>, vector<256x256xf32> -> vector<256x256xf32>
    %mul3A_91 = arith.mulf %logistic3A_83, %get3A_16 : vector<256x256xf32>
    %get3A_92 = arith.constant 0 : index
    %get3A_93 = arith.constant 0 : index
    %get3A_94 = vector.load %arg12[%get3A_92, %get3A_93] : memref<256x256xf32, #tpu.memory_space<vmem>>, vector<256x256xf32>
    %convert_element_type3A_95 = arith.truncf %mul3A_91 : vector<256x256xf32> to vector<256x256xbf16>
    %convert_element_type3A_96 = arith.truncf %get3A_94 : vector<256x256xf32> to vector<256x256xbf16>
    %dot_general3A_97 = arith.constant dense<0.000000e+00> : vector<256x256xf32>
    %dot_general3A_98 = tpu.matmul %convert_element_type3A_95, %convert_element_type3A_96, %dot_general3A_97 {dimension_numbers = #tpu.dot_dimension_numbers<[1], [0], [0], [1], [0, 0, 1, 1], [], []>, transpose_lhs_hint = false} : vector<256x256xbf16>, vector<256x256xbf16>, vector<256x256xf32> -> vector<256x256xf32>
    %add3A_99 = arith.addf %dot_general3A_90, %dot_general3A_98 : vector<256x256xf32>
    %get3A_100 = arith.constant 0 : index
    %get3A_101 = arith.constant 0 : index
    %get3A_102 = vector.load %arg15[%get3A_100, %get3A_101] : memref<1x256xf32, #tpu.memory_space<vmem>>, vector<1x256xf32>
    %add3A_103 = vector.broadcast %get3A_102 : vector<1x256xf32> to vector<256x256xf32>
    %add3A_104 = arith.addf %add3A_99, %add3A_103 : vector<256x256xf32>
    %tanh3A = math.tanh %add3A_104 : vector<256x256xf32>
    %sub3A = arith.constant 1.000000e+00 : f32
    %sub3A_105 = vector.broadcast %sub3A : f32 to vector<256x256xf32>
    %sub3A_106 = arith.subf %sub3A_105, %logistic3A_57 : vector<256x256xf32>
    %mul3A_107 = arith.mulf %sub3A_106, %get3A_16 : vector<256x256xf32>
    %mul3A_108 = arith.mulf %logistic3A_57, %tanh3A : vector<256x256xf32>
    %add3A_109 = arith.addf %mul3A_107, %mul3A_108 : vector<256x256xf32>
    %get3A_110 = arith.constant 0 : index
    %get3A_111 = arith.constant 0 : index
    %get3A_112 = vector.load %arg4[%get3A_110, %get3A_111] : memref<768x256xf32, #tpu.memory_space<vmem>>, vector<768x256xf32>
    %concatenate3A_113 = tpu.concatenate %get3A_112, %add3A_109 in 0 : vector<768x256xf32>, vector<256x256xf32> -> vector<1024x256xf32>
    %get3A_114 = arith.constant 0 : index
    %get3A_115 = arith.constant 0 : index
    %get3A_116 = vector.load %arg0[%get3A_114, %get3A_115] : memref<1024x1024xf32, #tpu.memory_space<vmem>>, vector<1024x1024xf32>
    %convert_element_type3A_117 = arith.truncf %get3A_116 : vector<1024x1024xf32> to vector<1024x1024xbf16>
    %get3A_118 = arith.constant 0 : index
    %get3A_119 = arith.constant 0 : index
    %get3A_120 = vector.load %arg6[%get3A_118, %get3A_119] : memref<256x256xf32, #tpu.memory_space<vmem>>, vector<256x256xf32>
    %convert_element_type3A_121 = arith.truncf %concatenate3A_113 : vector<1024x256xf32> to vector<1024x256xbf16>
    %convert_element_type3A_122 = arith.truncf %get3A_120 : vector<256x256xf32> to vector<256x256xbf16>
    %dot_general3A_123 = arith.constant dense<0.000000e+00> : vector<1024x256xf32>
    %dot_general3A_124 = tpu.matmul %convert_element_type3A_121, %convert_element_type3A_122, %dot_general3A_123 {dimension_numbers = #tpu.dot_dimension_numbers<[1], [0], [0], [1], [0, 0, 1, 1], [], []>, transpose_lhs_hint = false} : vector<1024x256xbf16>, vector<256x256xbf16>, vector<1024x256xf32> -> vector<1024x256xf32>
    %convert_element_type3A_125 = arith.truncf %dot_general3A_124 : vector<1024x256xf32> to vector<1024x256xbf16>
    %dot_general3A_126 = arith.constant dense<0.000000e+00> : vector<1024x256xf32>
    %dot_general3A_127 = tpu.matmul %convert_element_type3A_117, %convert_element_type3A_125, %dot_general3A_126 {dimension_numbers = #tpu.dot_dimension_numbers<[1], [0], [0], [1], [0, 0, 1, 1], [], []>, transpose_lhs_hint = false} : vector<1024x1024xbf16>, vector<1024x256xbf16>, vector<1024x256xf32> -> vector<1024x256xf32>
    %mul3A_128 = arith.constant 9.765625E-4 : f32
    %mul3A_129 = vector.broadcast %mul3A_128 : f32 to vector<1024x256xf32>
    %mul3A_130 = arith.mulf %dot_general3A_127, %mul3A_129 : vector<1024x256xf32>
    %add3A_131 = arith.addf %mul3A_130, %concatenate3A : vector<1024x256xf32>
    %get3A_132 = arith.constant 0 : index
    %get3A_133 = arith.constant 0 : index
    %get3A_134 = vector.load %arg7[%get3A_132, %get3A_133] : memref<256x256xf32, #tpu.memory_space<vmem>>, vector<256x256xf32>
    %convert_element_type3A_135 = arith.truncf %add3A_131 : vector<1024x256xf32> to vector<1024x256xbf16>
    %convert_element_type3A_136 = arith.truncf %get3A_134 : vector<256x256xf32> to vector<256x256xbf16>
    %dot_general3A_137 = arith.constant dense<0.000000e+00> : vector<1024x256xf32>
    %dot_general3A_138 = tpu.matmul %convert_element_type3A_135, %convert_element_type3A_136, %dot_general3A_137 {dimension_numbers = #tpu.dot_dimension_numbers<[1], [0], [0], [1], [0, 0, 1, 1], [], []>, transpose_lhs_hint = false} : vector<1024x256xbf16>, vector<256x256xbf16>, vector<1024x256xf32> -> vector<1024x256xf32>
    %get3A_139 = arith.constant 0 : index
    %get3A_140 = arith.constant 0 : index
    %get3A_141 = vector.load %arg8[%get3A_139, %get3A_140] : memref<256x256xf32, #tpu.memory_space<vmem>>, vector<256x256xf32>
    %convert_element_type3A_142 = arith.truncf %concatenate3A_113 : vector<1024x256xf32> to vector<1024x256xbf16>
    %convert_element_type3A_143 = arith.truncf %get3A_141 : vector<256x256xf32> to vector<256x256xbf16>
    %dot_general3A_144 = arith.constant dense<0.000000e+00> : vector<1024x256xf32>
    %dot_general3A_145 = tpu.matmul %convert_element_type3A_142, %convert_element_type3A_143, %dot_general3A_144 {dimension_numbers = #tpu.dot_dimension_numbers<[1], [0], [0], [1], [0, 0, 1, 1], [], []>, transpose_lhs_hint = false} : vector<1024x256xbf16>, vector<256x256xbf16>, vector<1024x256xf32> -> vector<1024x256xf32>
    %add3A_146 = arith.addf %dot_general3A_138, %dot_general3A_145 : vector<1024x256xf32>
    %get3A_147 = arith.constant 0 : index
    %get3A_148 = arith.constant 0 : index
    %get3A_149 = vector.load %arg13[%get3A_147, %get3A_148] : memref<1x256xf32, #tpu.memory_space<vmem>>, vector<1x256xf32>
    %add3A_150 = vector.broadcast %get3A_149 : vector<1x256xf32> to vector<1024x256xf32>
    %add3A_151 = arith.addf %add3A_146, %add3A_150 : vector<1024x256xf32>
    %logistic3A_152 = arith.negf %add3A_151 : vector<1024x256xf32>
    %logistic3A_153 = math.exp %logistic3A_152 : vector<1024x256xf32>
    %logistic3A_154 = arith.constant 1.000000e+00 : f32
    %logistic3A_155 = vector.broadcast %logistic3A_154 : f32 to vector<1024x256xf32>
    %logistic3A_156 = arith.addf %logistic3A_155, %logistic3A_153 : vector<1024x256xf32>
    %logistic3A_157 = arith.divf %logistic3A_155, %logistic3A_156 : vector<1024x256xf32>
    %get3A_158 = arith.constant 0 : index
    %get3A_159 = arith.constant 0 : index
    %get3A_160 = vector.load %arg9[%get3A_158, %get3A_159] : memref<256x256xf32, #tpu.memory_space<vmem>>, vector<256x256xf32>
    %convert_element_type3A_161 = arith.truncf %add3A_131 : vector<1024x256xf32> to vector<1024x256xbf16>
    %convert_element_type3A_162 = arith.truncf %get3A_160 : vector<256x256xf32> to vector<256x256xbf16>
    %dot_general3A_163 = arith.constant dense<0.000000e+00> : vector<1024x256xf32>
    %dot_general3A_164 = tpu.matmul %convert_element_type3A_161, %convert_element_type3A_162, %dot_general3A_163 {dimension_numbers = #tpu.dot_dimension_numbers<[1], [0], [0], [1], [0, 0, 1, 1], [], []>, transpose_lhs_hint = false} : vector<1024x256xbf16>, vector<256x256xbf16>, vector<1024x256xf32> -> vector<1024x256xf32>
    %get3A_165 = arith.constant 0 : index
    %get3A_166 = arith.constant 0 : index
    %get3A_167 = vector.load %arg10[%get3A_165, %get3A_166] : memref<256x256xf32, #tpu.memory_space<vmem>>, vector<256x256xf32>
    %convert_element_type3A_168 = arith.truncf %concatenate3A_113 : vector<1024x256xf32> to vector<1024x256xbf16>
    %convert_element_type3A_169 = arith.truncf %get3A_167 : vector<256x256xf32> to vector<256x256xbf16>
    %dot_general3A_170 = arith.constant dense<0.000000e+00> : vector<1024x256xf32>
    %dot_general3A_171 = tpu.matmul %convert_element_type3A_168, %convert_element_type3A_169, %dot_general3A_170 {dimension_numbers = #tpu.dot_dimension_numbers<[1], [0], [0], [1], [0, 0, 1, 1], [], []>, transpose_lhs_hint = false} : vector<1024x256xbf16>, vector<256x256xbf16>, vector<1024x256xf32> -> vector<1024x256xf32>
    %add3A_172 = arith.addf %dot_general3A_164, %dot_general3A_171 : vector<1024x256xf32>
    %get3A_173 = arith.constant 0 : index
    %get3A_174 = arith.constant 0 : index
    %get3A_175 = vector.load %arg14[%get3A_173, %get3A_174] : memref<1x256xf32, #tpu.memory_space<vmem>>, vector<1x256xf32>
    %add3A_176 = vector.broadcast %get3A_175 : vector<1x256xf32> to vector<1024x256xf32>
    %add3A_177 = arith.addf %add3A_172, %add3A_176 : vector<1024x256xf32>
    %logistic3A_178 = arith.negf %add3A_177 : vector<1024x256xf32>
    %logistic3A_179 = math.exp %logistic3A_178 : vector<1024x256xf32>
    %logistic3A_180 = arith.constant 1.000000e+00 : f32
    %logistic3A_181 = vector.broadcast %logistic3A_180 : f32 to vector<1024x256xf32>
    %logistic3A_182 = arith.addf %logistic3A_181, %logistic3A_179 : vector<1024x256xf32>
    %logistic3A_183 = arith.divf %logistic3A_181, %logistic3A_182 : vector<1024x256xf32>
    %get3A_184 = arith.constant 0 : index
    %get3A_185 = arith.constant 0 : index
    %get3A_186 = vector.load %arg11[%get3A_184, %get3A_185] : memref<256x256xf32, #tpu.memory_space<vmem>>, vector<256x256xf32>
    %convert_element_type3A_187 = arith.truncf %add3A_131 : vector<1024x256xf32> to vector<1024x256xbf16>
    %convert_element_type3A_188 = arith.truncf %get3A_186 : vector<256x256xf32> to vector<256x256xbf16>
    %dot_general3A_189 = arith.constant dense<0.000000e+00> : vector<1024x256xf32>
    %dot_general3A_190 = tpu.matmul %convert_element_type3A_187, %convert_element_type3A_188, %dot_general3A_189 {dimension_numbers = #tpu.dot_dimension_numbers<[1], [0], [0], [1], [0, 0, 1, 1], [], []>, transpose_lhs_hint = false} : vector<1024x256xbf16>, vector<256x256xbf16>, vector<1024x256xf32> -> vector<1024x256xf32>
    %mul3A_191 = arith.mulf %logistic3A_183, %concatenate3A_113 : vector<1024x256xf32>
    %get3A_192 = arith.constant 0 : index
    %get3A_193 = arith.constant 0 : index
    %get3A_194 = vector.load %arg12[%get3A_192, %get3A_193] : memref<256x256xf32, #tpu.memory_space<vmem>>, vector<256x256xf32>
    %convert_element_type3A_195 = arith.truncf %mul3A_191 : vector<1024x256xf32> to vector<1024x256xbf16>
    %convert_element_type3A_196 = arith.truncf %get3A_194 : vector<256x256xf32> to vector<256x256xbf16>
    %dot_general3A_197 = arith.constant dense<0.000000e+00> : vector<1024x256xf32>
    %dot_general3A_198 = tpu.matmul %convert_element_type3A_195, %convert_element_type3A_196, %dot_general3A_197 {dimension_numbers = #tpu.dot_dimension_numbers<[1], [0], [0], [1], [0, 0, 1, 1], [], []>, transpose_lhs_hint = false} : vector<1024x256xbf16>, vector<256x256xbf16>, vector<1024x256xf32> -> vector<1024x256xf32>
    %add3A_199 = arith.addf %dot_general3A_190, %dot_general3A_198 : vector<1024x256xf32>
    %get3A_200 = arith.constant 0 : index
    %get3A_201 = arith.constant 0 : index
    %get3A_202 = vector.load %arg15[%get3A_200, %get3A_201] : memref<1x256xf32, #tpu.memory_space<vmem>>, vector<1x256xf32>
    %add3A_203 = vector.broadcast %get3A_202 : vector<1x256xf32> to vector<1024x256xf32>
    %add3A_204 = arith.addf %add3A_199, %add3A_203 : vector<1024x256xf32>
    %tanh3A_205 = math.tanh %add3A_204 : vector<1024x256xf32>
    %sub3A_206 = arith.constant 1.000000e+00 : f32
    %sub3A_207 = vector.broadcast %sub3A_206 : f32 to vector<1024x256xf32>
    %sub3A_208 = arith.subf %sub3A_207, %logistic3A_157 : vector<1024x256xf32>
    %mul3A_209 = arith.mulf %sub3A_208, %concatenate3A_113 : vector<1024x256xf32>
    %mul3A_210 = arith.mulf %logistic3A_157, %tanh3A_205 : vector<1024x256xf32>
    %add3A_211 = arith.addf %mul3A_209, %mul3A_210 : vector<1024x256xf32>
    %get3A_212 = arith.constant 0 : index
    %get3A_213 = arith.constant 0 : index
    %get3A_214 = vector.load %arg6[%get3A_212, %get3A_213] : memref<256x256xf32, #tpu.memory_space<vmem>>, vector<256x256xf32>
    %convert_element_type3A_215 = arith.truncf %add3A_211 : vector<1024x256xf32> to vector<1024x256xbf16>
    %convert_element_type3A_216 = arith.truncf %get3A_214 : vector<256x256xf32> to vector<256x256xbf16>
    %dot_general3A_217 = arith.constant dense<0.000000e+00> : vector<1024x256xf32>
    %dot_general3A_218 = tpu.matmul %convert_element_type3A_215, %convert_element_type3A_216, %dot_general3A_217 {dimension_numbers = #tpu.dot_dimension_numbers<[1], [0], [0], [1], [0, 0, 1, 1], [], []>, transpose_lhs_hint = false} : vector<1024x256xbf16>, vector<256x256xbf16>, vector<1024x256xf32> -> vector<1024x256xf32>
    %convert_element_type3A_219 = arith.truncf %dot_general3A_218 : vector<1024x256xf32> to vector<1024x256xbf16>
    %dot_general3A_220 = arith.constant dense<0.000000e+00> : vector<1024x256xf32>
    %dot_general3A_221 = tpu.matmul %convert_element_type3A_117, %convert_element_type3A_219, %dot_general3A_220 {dimension_numbers = #tpu.dot_dimension_numbers<[1], [0], [0], [1], [0, 0, 1, 1], [], []>, transpose_lhs_hint = false} : vector<1024x1024xbf16>, vector<1024x256xbf16>, vector<1024x256xf32> -> vector<1024x256xf32>
    %mul3A_222 = arith.constant 9.765625E-4 : f32
    %mul3A_223 = vector.broadcast %mul3A_222 : f32 to vector<1024x256xf32>
    %mul3A_224 = arith.mulf %dot_general3A_221, %mul3A_223 : vector<1024x256xf32>
    %add3A_225 = arith.addf %mul3A_224, %concatenate3A : vector<1024x256xf32>
    %get3A_226 = arith.constant 0 : index
    %get3A_227 = arith.constant 0 : index
    %get3A_228 = vector.load %arg7[%get3A_226, %get3A_227] : memref<256x256xf32, #tpu.memory_space<vmem>>, vector<256x256xf32>
    %convert_element_type3A_229 = arith.truncf %add3A_225 : vector<1024x256xf32> to vector<1024x256xbf16>
    %convert_element_type3A_230 = arith.truncf %get3A_228 : vector<256x256xf32> to vector<256x256xbf16>
    %dot_general3A_231 = arith.constant dense<0.000000e+00> : vector<1024x256xf32>
    %dot_general3A_232 = tpu.matmul %convert_element_type3A_229, %convert_element_type3A_230, %dot_general3A_231 {dimension_numbers = #tpu.dot_dimension_numbers<[1], [0], [0], [1], [0, 0, 1, 1], [], []>, transpose_lhs_hint = false} : vector<1024x256xbf16>, vector<256x256xbf16>, vector<1024x256xf32> -> vector<1024x256xf32>
    %get3A_233 = arith.constant 0 : index
    %get3A_234 = arith.constant 0 : index
    %get3A_235 = vector.load %arg8[%get3A_233, %get3A_234] : memref<256x256xf32, #tpu.memory_space<vmem>>, vector<256x256xf32>
    %convert_element_type3A_236 = arith.truncf %add3A_211 : vector<1024x256xf32> to vector<1024x256xbf16>
    %convert_element_type3A_237 = arith.truncf %get3A_235 : vector<256x256xf32> to vector<256x256xbf16>
    %dot_general3A_238 = arith.constant dense<0.000000e+00> : vector<1024x256xf32>
    %dot_general3A_239 = tpu.matmul %convert_element_type3A_236, %convert_element_type3A_237, %dot_general3A_238 {dimension_numbers = #tpu.dot_dimension_numbers<[1], [0], [0], [1], [0, 0, 1, 1], [], []>, transpose_lhs_hint = false} : vector<1024x256xbf16>, vector<256x256xbf16>, vector<1024x256xf32> -> vector<1024x256xf32>
    %add3A_240 = arith.addf %dot_general3A_232, %dot_general3A_239 : vector<1024x256xf32>
    %get3A_241 = arith.constant 0 : index
    %get3A_242 = arith.constant 0 : index
    %get3A_243 = vector.load %arg13[%get3A_241, %get3A_242] : memref<1x256xf32, #tpu.memory_space<vmem>>, vector<1x256xf32>
    %add3A_244 = vector.broadcast %get3A_243 : vector<1x256xf32> to vector<1024x256xf32>
    %add3A_245 = arith.addf %add3A_240, %add3A_244 : vector<1024x256xf32>
    %logistic3A_246 = arith.negf %add3A_245 : vector<1024x256xf32>
    %logistic3A_247 = math.exp %logistic3A_246 : vector<1024x256xf32>
    %logistic3A_248 = arith.constant 1.000000e+00 : f32
    %logistic3A_249 = vector.broadcast %logistic3A_248 : f32 to vector<1024x256xf32>
    %logistic3A_250 = arith.addf %logistic3A_249, %logistic3A_247 : vector<1024x256xf32>
    %logistic3A_251 = arith.divf %logistic3A_249, %logistic3A_250 : vector<1024x256xf32>
    %get3A_252 = arith.constant 0 : index
    %get3A_253 = arith.constant 0 : index
    %get3A_254 = vector.load %arg9[%get3A_252, %get3A_253] : memref<256x256xf32, #tpu.memory_space<vmem>>, vector<256x256xf32>
    %convert_element_type3A_255 = arith.truncf %add3A_225 : vector<1024x256xf32> to vector<1024x256xbf16>
    %convert_element_type3A_256 = arith.truncf %get3A_254 : vector<256x256xf32> to vector<256x256xbf16>
    %dot_general3A_257 = arith.constant dense<0.000000e+00> : vector<1024x256xf32>
    %dot_general3A_258 = tpu.matmul %convert_element_type3A_255, %convert_element_type3A_256, %dot_general3A_257 {dimension_numbers = #tpu.dot_dimension_numbers<[1], [0], [0], [1], [0, 0, 1, 1], [], []>, transpose_lhs_hint = false} : vector<1024x256xbf16>, vector<256x256xbf16>, vector<1024x256xf32> -> vector<1024x256xf32>
    %get3A_259 = arith.constant 0 : index
    %get3A_260 = arith.constant 0 : index
    %get3A_261 = vector.load %arg10[%get3A_259, %get3A_260] : memref<256x256xf32, #tpu.memory_space<vmem>>, vector<256x256xf32>
    %convert_element_type3A_262 = arith.truncf %add3A_211 : vector<1024x256xf32> to vector<1024x256xbf16>
    %convert_element_type3A_263 = arith.truncf %get3A_261 : vector<256x256xf32> to vector<256x256xbf16>
    %dot_general3A_264 = arith.constant dense<0.000000e+00> : vector<1024x256xf32>
    %dot_general3A_265 = tpu.matmul %convert_element_type3A_262, %convert_element_type3A_263, %dot_general3A_264 {dimension_numbers = #tpu.dot_dimension_numbers<[1], [0], [0], [1], [0, 0, 1, 1], [], []>, transpose_lhs_hint = false} : vector<1024x256xbf16>, vector<256x256xbf16>, vector<1024x256xf32> -> vector<1024x256xf32>
    %add3A_266 = arith.addf %dot_general3A_258, %dot_general3A_265 : vector<1024x256xf32>
    %get3A_267 = arith.constant 0 : index
    %get3A_268 = arith.constant 0 : index
    %get3A_269 = vector.load %arg14[%get3A_267, %get3A_268] : memref<1x256xf32, #tpu.memory_space<vmem>>, vector<1x256xf32>
    %add3A_270 = vector.broadcast %get3A_269 : vector<1x256xf32> to vector<1024x256xf32>
    %add3A_271 = arith.addf %add3A_266, %add3A_270 : vector<1024x256xf32>
    %logistic3A_272 = arith.negf %add3A_271 : vector<1024x256xf32>
    %logistic3A_273 = math.exp %logistic3A_272 : vector<1024x256xf32>
    %logistic3A_274 = arith.constant 1.000000e+00 : f32
    %logistic3A_275 = vector.broadcast %logistic3A_274 : f32 to vector<1024x256xf32>
    %logistic3A_276 = arith.addf %logistic3A_275, %logistic3A_273 : vector<1024x256xf32>
    %logistic3A_277 = arith.divf %logistic3A_275, %logistic3A_276 : vector<1024x256xf32>
    %get3A_278 = arith.constant 0 : index
    %get3A_279 = arith.constant 0 : index
    %get3A_280 = vector.load %arg11[%get3A_278, %get3A_279] : memref<256x256xf32, #tpu.memory_space<vmem>>, vector<256x256xf32>
    %convert_element_type3A_281 = arith.truncf %add3A_225 : vector<1024x256xf32> to vector<1024x256xbf16>
    %convert_element_type3A_282 = arith.truncf %get3A_280 : vector<256x256xf32> to vector<256x256xbf16>
    %dot_general3A_283 = arith.constant dense<0.000000e+00> : vector<1024x256xf32>
    %dot_general3A_284 = tpu.matmul %convert_element_type3A_281, %convert_element_type3A_282, %dot_general3A_283 {dimension_numbers = #tpu.dot_dimension_numbers<[1], [0], [0], [1], [0, 0, 1, 1], [], []>, transpose_lhs_hint = false} : vector<1024x256xbf16>, vector<256x256xbf16>, vector<1024x256xf32> -> vector<1024x256xf32>
    %mul3A_285 = arith.mulf %logistic3A_277, %add3A_211 : vector<1024x256xf32>
    %get3A_286 = arith.constant 0 : index
    %get3A_287 = arith.constant 0 : index
    %get3A_288 = vector.load %arg12[%get3A_286, %get3A_287] : memref<256x256xf32, #tpu.memory_space<vmem>>, vector<256x256xf32>
    %convert_element_type3A_289 = arith.truncf %mul3A_285 : vector<1024x256xf32> to vector<1024x256xbf16>
    %convert_element_type3A_290 = arith.truncf %get3A_288 : vector<256x256xf32> to vector<256x256xbf16>
    %dot_general3A_291 = arith.constant dense<0.000000e+00> : vector<1024x256xf32>
    %dot_general3A_292 = tpu.matmul %convert_element_type3A_289, %convert_element_type3A_290, %dot_general3A_291 {dimension_numbers = #tpu.dot_dimension_numbers<[1], [0], [0], [1], [0, 0, 1, 1], [], []>, transpose_lhs_hint = false} : vector<1024x256xbf16>, vector<256x256xbf16>, vector<1024x256xf32> -> vector<1024x256xf32>
    %add3A_293 = arith.addf %dot_general3A_284, %dot_general3A_292 : vector<1024x256xf32>
    %get3A_294 = arith.constant 0 : index
    %get3A_295 = arith.constant 0 : index
    %get3A_296 = vector.load %arg15[%get3A_294, %get3A_295] : memref<1x256xf32, #tpu.memory_space<vmem>>, vector<1x256xf32>
    %add3A_297 = vector.broadcast %get3A_296 : vector<1x256xf32> to vector<1024x256xf32>
    %add3A_298 = arith.addf %add3A_293, %add3A_297 : vector<1024x256xf32>
    %tanh3A_299 = math.tanh %add3A_298 : vector<1024x256xf32>
    %sub3A_300 = arith.constant 1.000000e+00 : f32
    %sub3A_301 = vector.broadcast %sub3A_300 : f32 to vector<1024x256xf32>
    %sub3A_302 = arith.subf %sub3A_301, %logistic3A_251 : vector<1024x256xf32>
    %mul3A_303 = arith.mulf %sub3A_302, %add3A_211 : vector<1024x256xf32>
    %mul3A_304 = arith.mulf %logistic3A_251, %tanh3A_299 : vector<1024x256xf32>
    %add3A_305 = arith.addf %mul3A_303, %mul3A_304 : vector<1024x256xf32>
    %get3A_306 = arith.constant 0 : index
    %get3A_307 = arith.constant 0 : index
    %get3A_308 = vector.load %arg16[%get3A_306, %get3A_307] : memref<256x256xf32, #tpu.memory_space<vmem>>, vector<256x256xf32>
    %convert_element_type3A_309 = arith.truncf %add3A_305 : vector<1024x256xf32> to vector<1024x256xbf16>
    %convert_element_type3A_310 = arith.truncf %get3A_308 : vector<256x256xf32> to vector<256x256xbf16>
    %dot_general3A_311 = arith.constant dense<0.000000e+00> : vector<1024x256xf32>
    %dot_general3A_312 = tpu.matmul %convert_element_type3A_309, %convert_element_type3A_310, %dot_general3A_311 {dimension_numbers = #tpu.dot_dimension_numbers<[1], [0], [0], [1], [0, 0, 1, 1], [], []>, transpose_lhs_hint = false} : vector<1024x256xbf16>, vector<256x256xbf16>, vector<1024x256xf32> -> vector<1024x256xf32>
    %get3A_313 = arith.constant 0 : index
    %get3A_314 = arith.constant 0 : index
    %get3A_315 = vector.load %arg17[%get3A_313, %get3A_314] : memref<1x256xf32, #tpu.memory_space<vmem>>, vector<1x256xf32>
    %add3A_316 = vector.broadcast %get3A_315 : vector<1x256xf32> to vector<1024x256xf32>
    %add3A_317 = arith.addf %dot_general3A_312, %add3A_316 : vector<1024x256xf32>
    %logistic3A_318 = arith.negf %add3A_317 : vector<1024x256xf32>
    %logistic3A_319 = math.exp %logistic3A_318 : vector<1024x256xf32>
    %logistic3A_320 = arith.constant 1.000000e+00 : f32
    %logistic3A_321 = vector.broadcast %logistic3A_320 : f32 to vector<1024x256xf32>
    %logistic3A_322 = arith.addf %logistic3A_321, %logistic3A_319 : vector<1024x256xf32>
    %logistic3A_323 = arith.divf %logistic3A_321, %logistic3A_322 : vector<1024x256xf32>
    %get3A_324 = arith.constant 0 : index
    %get3A_325 = arith.constant 0 : index
    %get3A_326 = vector.load %arg18[%get3A_324, %get3A_325] : memref<256x256xf32, #tpu.memory_space<vmem>>, vector<256x256xf32>
    %convert_element_type3A_327 = arith.truncf %add3A_305 : vector<1024x256xf32> to vector<1024x256xbf16>
    %convert_element_type3A_328 = arith.truncf %get3A_326 : vector<256x256xf32> to vector<256x256xbf16>
    %dot_general3A_329 = arith.constant dense<0.000000e+00> : vector<1024x256xf32>
    %dot_general3A_330 = tpu.matmul %convert_element_type3A_327, %convert_element_type3A_328, %dot_general3A_329 {dimension_numbers = #tpu.dot_dimension_numbers<[1], [0], [0], [1], [0, 0, 1, 1], [], []>, transpose_lhs_hint = false} : vector<1024x256xbf16>, vector<256x256xbf16>, vector<1024x256xf32> -> vector<1024x256xf32>
    %get3A_331 = arith.constant 0 : index
    %get3A_332 = arith.constant 0 : index
    %get3A_333 = vector.load %arg19[%get3A_331, %get3A_332] : memref<1x256xf32, #tpu.memory_space<vmem>>, vector<1x256xf32>
    %add3A_334 = vector.broadcast %get3A_333 : vector<1x256xf32> to vector<1024x256xf32>
    %add3A_335 = arith.addf %dot_general3A_330, %add3A_334 : vector<1024x256xf32>
    %tanh3A_336 = math.tanh %add3A_335 : vector<1024x256xf32>
    %mul3A_337 = arith.mulf %logistic3A_323, %tanh3A_336 : vector<1024x256xf32>
    %reduce_sum3A = arith.constant dense<0.000000e+00> : vector<256xf32>
    %reduce_sum3A_338 = vector.multi_reduction <add>, %mul3A_337, %reduce_sum3A [0] : vector<1024x256xf32> to vector<256xf32>
    %broadcast_in_dim3A = vector.shape_cast %reduce_sum3A_338 : vector<256xf32> to vector<1x256xf32>
    %get3A_339 = arith.constant 0 : index
    %get3A_340 = arith.constant 0 : index
    %get3A_341 = vector.load %arg20[%get3A_339, %get3A_340] : memref<1x128xf32, #tpu.memory_space<vmem>>, vector<1x128xf32>
    %get3A_342 = arith.constant 0 : index
    %get3A_343 = arith.constant 0 : index
    %get3A_344 = vector.load %arg21[%get3A_342, %get3A_343] : memref<128x256xf32, #tpu.memory_space<vmem>>, vector<128x256xf32>
    %dot_general3A_345 = arith.constant dense<0.000000e+00> : vector<1x256xf32>
    %dot_general3A_346 = tpu.matmul %get3A_341, %get3A_344, %dot_general3A_345 {dimension_numbers = #tpu.dot_dimension_numbers<[1], [0], [0], [1], [0, 0, 1, 1], [], []>, transpose_lhs_hint = false} : vector<1x128xf32>, vector<128x256xf32>, vector<1x256xf32> -> vector<1x256xf32>
    %get3A_347 = arith.constant 0 : index
    %get3A_348 = arith.constant 0 : index
    %get3A_349 = vector.load %arg22[%get3A_347, %get3A_348] : memref<512x256xf32, #tpu.memory_space<vmem>>, vector<256x256xf32>
    %dot_general3A_350 = arith.constant dense<0.000000e+00> : vector<1x256xf32>
    %dot_general3A_351 = tpu.matmul %broadcast_in_dim3A, %get3A_349, %dot_general3A_350 {dimension_numbers = #tpu.dot_dimension_numbers<[1], [0], [0], [1], [0, 0, 1, 1], [], []>, transpose_lhs_hint = false} : vector<1x256xf32>, vector<256x256xf32>, vector<1x256xf32> -> vector<1x256xf32>
    %get3A_352 = arith.constant 256 : index
    %get3A_353 = arith.constant 0 : index
    %get3A_354 = vector.load %arg22[%get3A_352, %get3A_353] : memref<512x256xf32, #tpu.memory_space<vmem>>, vector<256x256xf32>
    %dot_general3A_355 = arith.constant dense<0.000000e+00> : vector<1x256xf32>
    %dot_general3A_356 = tpu.matmul %dot_general3A_346, %get3A_354, %dot_general3A_355 {dimension_numbers = #tpu.dot_dimension_numbers<[1], [0], [0], [1], [0, 0, 1, 1], [], []>, transpose_lhs_hint = false} : vector<1x256xf32>, vector<256x256xf32>, vector<1x256xf32> -> vector<1x256xf32>
    %add3A_357 = arith.addf %dot_general3A_351, %dot_general3A_356 : vector<1x256xf32>
    %get3A_358 = arith.constant 0 : index
    %get3A_359 = arith.constant 0 : index
    %get3A_360 = vector.load %arg23[%get3A_358, %get3A_359] : memref<1x256xf32, #tpu.memory_space<vmem>>, vector<1x256xf32>
    %add3A_361 = arith.addf %add3A_357, %get3A_360 : vector<1x256xf32>
    %swap3A = arith.constant 0 : index
    %swap3A_362 = arith.constant 0 : index
    %swap3A_363 = vector.load %arg24[%swap3A, %swap3A_362] : memref<1x256xf32, #tpu.memory_space<vmem>>, vector<1x256xf32>
    tpu.vector_store %arg24[%swap3A, %swap3A_362], %add3A_361 {strides = array<i32>} : memref<1x256xf32, #tpu.memory_space<vmem>>, vector<1x256xf32>,
    return
  }
}

</mosaic_0001>

<sc_bundles>
// kernel: kernel.5.cloned.1.call-start
scs
__scs_entry_jumppad:
0x0: {  	(pc) =	sbr.rel $0x88, $3  }
0x1: {  	(tag) =	ssettag $0x0;
	lr =	simm.s32 $0x1  }
0x2: {  	[smem:$0x3F8B] =	sst lr;
	_ =	strace $0xD0000000  }
0x3: {  	_ = 	snop  }
0x4: {  	_ = 	snop  }
0x5: {  	_ = 	snop  }
0x6: {  	_ = 	snop  }
0x7: {  	_ = 	snop  }
__scs_overlays_trampoline_lowered:
0x8: {  	[smem:$0x3F9A] =	sst s0  }
0x9: {  	[smem:$0x3F9B] =	sst s1  }
0xa: {  	[smem:$0x3F9C] =	sst s2  }
0xb: {  	[smem:$0x3F9D] =	sst s3  }
0xc: {  	[smem:$0x3F9E] =	sst s4  }
0xd: {  	[smem:$0x3F9F] =	sst s5  }
0xe: {  	[smem:$0x3FA0] =	sst s6  }
0xf: {  	[smem:$0x3FA1] =	sst s7  }
0x10: {  	[smem:$0x3FA2] =	sst s8  }
0x11: {  	[smem:$0x3FA3] =	sst s9;
	s0 =	simm.s32 @!p0 $0x0  }
0x12: {  	s1 =	sld [smem:$0x3F89];
	s0 =	simm.s32 @p0 $0x1  }
0x13: {  	[smem:$0x3FA4] =	sst s0;
	s0 =	simm.s32 @!p1 $0x0  }
0x14: {  	s2 =	sld [smem:$0x3F88];
	s0 =	simm.s32 @p1 $0x1  }
0x15: {  	[smem:$0x3FA5] =	sst s0;
	s0 =	simm.s32 @!p2 $0x0  }
0x16: {  	s3 =	sld [smem:$0x3FDB];
	s0 =	simm.s32 @p2 $0x1  }
0x17: {  	s4 =	simm.s32 $0x1BF5;
	[smem:$0x3FA7] =	sst s0  }
0x18: {  	s0 =	sld [smem:$0x3F8A];
	_ =	swait.ge [sflag:s4], $0x0  }
0x19: {  	s7 =	sld [smem:$0x3F8B]  }
0x1a: {  	s8 =	sadd.s32 $0xFFFFE003, lr  }
0x1b: {  	s9 =	sadd.s32 $0xFFFFFEF7, lr;
	s5 =	simm.s32 $0xFFFFFFFF;
	p2 =	slt.u32 s8, $0xFFFFF086  }
0x1c: {  	p1 =	slt.u32 s9, $0xF7A;
	s5 =	simm.s32 @!p2 $0x0  }
0x1d: {  	s5 =	simm.s32 @p1 $0x1;
	p0 =	seq.s32 s7, s2  }
0x1e: {  	s7 =	smul.u32 @!p0 $0xF7A, s2;
	p2 =	seq.s32 @!p0 s5, $0x0  }
0x1f: {  	s9 =	smul.u32 $0xF7A, s1;
	s8 =	simm.s32 @!p0 $0x1BF5;
	p2 =	por !p2, p0  }
0x20: {  	[sflag:s8] =	ssyncset.s32 @!p0 $0xFFFFF086;
	s6 =	sadd.s32 @!p0 s3, s7;
	s7 =	simm.s32 @!p0 $0x108  }
0x21: {  	s3 =	sadd.s32 s3, s9;
	s6 =	sadd.s32 @!p0 $0x88, s6;
	s7 =	simm.s32 @p2 $0x1082  }
0x22: {  	[simem:s7], [sflag:s8] =	dma.local @!p0 [hbm:s6], $0xF7A  }
0x23: {  	s9 =	sor.u32 $0xD0000000, s2;
	s6 =	simm.s32 $0x108;
	_ =	swait.ge @!p0 [sflag:s8], $0x0  }
0x24: {  	s3 =	sadd.s32 $0x88, s3;
	s6 =	simm.s32 @!p1 $0x1082;
	[sflag:s4] =	ssyncset.s32 $0xFFFFF086  }
0x25: {  	[simem:s6], [sflag:s4] =	dma.local [hbm:s3], $0xF7A  }
0x26: {  	[smem:$0x3F8B] =	sst s1;
	(tag) =	ssettag s2;
	_ =	strace s9  }
0x27: {  	s1 =	sld [smem:$0x3F9B]  }
0x28: {  	s2 =	sld [smem:$0x3F9C]  }
0x29: {  	s4 =	sld [smem:$0x3F9E]  }
0x2a: {  	p0 =	seq.s32 s5, $0x0;
	s5 =	sld [smem:$0x3F9F]  }
0x2b: {  	s6 =	sld [smem:$0x3FA0]  }
0x2c: {  	s7 =	sld [smem:$0x3FA1]  }
0x2d: {  	s3 =	simm.s32 $0x108;
	s8 =	sld [smem:$0x3FA2]  }
0x2e: {  	s3 =	simm.s32 @!p0 $0x1082;
	s9 =	sld [smem:$0x3FA3]  }
0x2f: {  	lr =	sadd.s32 s0, s3;
	s0 =	sld [smem:$0x3F9A]  }
0x30: {  	s3 =	sld [smem:$0x3F9D]  }
0x31: {  	[smem:$0x3FA6] =	sst s10  }
0x32: {  	s10 =	sld [smem:$0x3FA4];
	_ =	sdelay $0x3  }
0x33: {  	p0 =	seq.s32 s10, $0x1;
	s10 =	sld [smem:$0x3FA6];
	_ =	sdelay $0x3  }
0x34: {  	[smem:$0x3FA6] =	sst s10  }
0x35: {  	s10 =	sld [smem:$0x3FA5];
	_ =	sdelay $0x3  }
0x36: {  	p1 =	seq.s32 s10, $0x1;
	s10 =	sld [smem:$0x3FA6];
	_ =	sdelay $0x3  }
0x37: {  	[smem:$0x3FA6] =	sst s10  }
0x38: {  	s10 =	sld [smem:$0x3FA7]  }
0x39: {  	_ = 	snop;
	(pc) =	sbr.ind lr, $3  }
0x3a: {  	_ = 	snop  }
0x3b: {  	_ = 	snop  }
0x3c: {  	p2 =	seq.s32 s10, $0x1;
	s10 =	sld [smem:$0x3FA6]  }
0x3d: {  	_ =	shalt  }
0x3e: {  	_ =	shalt  }
0x3f: {  	_ =	shalt  }
0x40: {  	_ =	shalt  }
0x41: {  	_ =	shalt  }
0x42: {  	_ =	shalt  }
0x43: {  	_ =	shalt  }
0x44: {  	_ =	shalt  }
0x45: {  	_ =	shalt  }
0x46: {  	_ =	shalt  }
0x47: {  	_ =	shalt  }
0x48: {  	_ =	shalt  }
0x49: {  	_ =	shalt  }
0x4a: {  	_ =	shalt  }
0x4b: {  	_ =	shalt  }
0x4c: {  	_ =	shalt  }
0x4d: {  	_ =	shalt  }
0x4e: {  	_ =	shalt  }
0x4f: {  	_ =	shalt  }
0x50: {  	_ =	shalt  }
0x51: {  	_ =	shalt  }
0x52: {  	_ =	shalt  }
0x53: {  	_ =	shalt  }
0x54: {  	_ =	shalt  }
0x55: {  	_ =	shalt  }
0x56: {  	_ =	shalt  }
0x57: {  	_ =	shalt  }
0x58: {  	_ =	shalt  }
0x59: {  	_ =	shalt  }
0x5a: {  	_ =	shalt  }
0x5b: {  	_ =	shalt  }
0x5c: {  	_ =	shalt  }
0x5d: {  	_ =	shalt  }
0x5e: {  	_ =	shalt  }
0x5f: {  	_ =	shalt  }
0x60: {  	_ =	shalt  }
0x61: {  	_ =	shalt  }
0x62: {  	_ =	shalt  }
0x63: {  	_ =	shalt  }
0x64: {  	_ =	shalt  }
0x65: {  	_ =	shalt  }
0x66: {  	_ =	shalt  }
0x67: {  	_ =	shalt  }
0x68: {  	_ =	shalt  }
0x69: {  	_ =	shalt  }
0x6a: {  	_ =	shalt  }
0x6b: {  	_ =	shalt  }
0x6c: {  	_ =	shalt  }
0x6d: {  	_ =	shalt  }
0x6e: {  	_ =	shalt  }
0x6f: {  	_ =	shalt  }
0x70: {  	_ =	shalt  }
0x71: {  	_ =	shalt  }
0x72: {  	_ =	shalt  }
0x73: {  	_ =	shalt  }
0x74: {  	_ =	shalt  }
0x75: {  	_ =	shalt  }
0x76: {  	_ =	shalt  }
0x77: {  	_ =	shalt  }
0x78: {  	_ =	shalt  }
0x79: {  	_ =	shalt  }
0x7a: {  	_ =	shalt  }
0x7b: {  	_ =	shalt  }
0x7c: {  	_ =	shalt  }
0x7d: {  	_ =	shalt  }
0x7e: {  	_ =	shalt  }
0x7f: {  	_ =	shalt  }
0x80: {  	_ =	shalt  }
0x81: {  	_ =	shalt  }
0x82: {  	_ =	shalt  }
0x83: {  	_ =	shalt  }
0x84: {  	_ =	shalt  }
0x85: {  	_ =	shalt  }
0x86: {  	_ =	shalt  }
0x87: {  	_ =	shalt  }
.Lfunc_end0:
.L_simem_size_0:
called_computation_lowered:
.L_overlay_start_0:
0x88: {  	s2 =	sld [smem:$0x3FD9]  }
0x89: {  	s3 =	sld [smem:$0x3FFE];
	_ =	sdelay $0x1  }
0x8a: {  	s1 =	srdreg.scid  }
0x8b: {  	s0 =	sand.u32 $0x1, s1  }
0x8c: {  	s17 =	sshll.u32 s0, $0xA;
	s2 =	sadd.s32 s3, s2  }
0x8d: {  	s2 =	sadd.s32 s2, s17  }
0x8e: {  	[smem:$0x3FB2] =	sst s2  }
0x8f: {  	_ = 	snop  }
0x90: {  	s2 =	sld [smem:$0x3FC8]  }
0x91: {  	s18 =	sld [smem:$0x3FC7];
	(tm) =	ssettm $0x1  }
0x92: {  	s4 =	sld [smem:$0x3FFB];
	_ =	sdelay $0x3  }
0x93: {  	_ =	strace s4  }
0x94: {  	s4 =	sld [smem:$0x3FFC];
	_ =	sdelay $0x3  }
0x95: {  	_ =	strace s4  }
0x96: {  	s4 =	sld [smem:$0x3FFD];
	_ =	sdelay $0x3  }
0x97: {  	_ =	strace s4  }
0x98: {  	_ =	strace $0x8FFFFFFF  }
0x99: {  	s19 =	sld [smem:$0x3FDB];
	_ =	sdelay $0x1  }
0x9a: {  	s5 =	simm.s32 $_scs_section_size  }
0x9b: {  	s6 =	simm.s32 $_size__tile_overlayer_lowered;
	s7 =	simm.s32 $_tile_overlayer_lowered  }
0x9c: {  	s22 =	simm.s32 $0x1BFF;
	s21 =	sshll.u32 s7, $0x1;
	s4 =	sadd.s32 s5, s19  }
0x9d: {  	s8 =	simm.s32 $0x0;
	s20 =	sshll.u32 s6, $0x1;
	s6 =	sadd.s32 s21, s4  }
0x9e: {  	[timem:s8], [sflag:s22] =	dma.local [hbm:s6], s20  }
0x9f: {  	_ =	swait.ge [sflag:s22], s20  }
0xa0: {  	s5 =	ssub.s32 $0x0, s20;
	[sflag:s22] =	ssyncset.done $0x0  }
0xa1: {  	[sflag:s22] =	ssyncadd.s32 s5;
	_ =	sdelay $0x1  }
0xa2: {  	s23 =	simm.s32 $0x1B8B  }
0xa3: {  	_ =	swait.ge [sflag:s23], $0x1  }
0xa4: {  	[sflag:s23] =	ssyncset.done $0x0  }
0xa5: {  	s25 =	simm.s32 $0x1B8E;
	s24 =	sld [smem:$0x3FFE];
	[sflag:s23] =	ssyncadd.s32 $0xFFFFFFFF  }
0xa6: {  	s26 =	simm.s32 $execute0_lowered;
	[smem:$0x3FD2] =	sst s25  }
0xa7: {  	s6 =	sshll.u32 s26, $0x1;
	_ =	strace $0x80000046;
	[dreg:$0x1] =	wrdreg $0xFFFFFFFF  }
0xa8: {  	s28 =	simm.s32 $_size_execute0_lowered;
	s4 =	sadd.s32 s4, s6;
	[dreg:$0x0] =	wrdreg $0x0  }
0xa9: {  	s6 =	sshll.u32 s28, $0x1;
	[dreg:$0x2] =	wrdreg s4  }
0xaa: {  	[dreg:$0x3] =	wrdreg s6  }
0xab: {  	[dreg:$0x4] =	wrdreg $0xC0  }
0xac: {  	_ =	task [dreg:s8], $0x5FFFF  }
0xad: {  	[dreg:$0x1] =	wrdreg $0xFFFFFFFF  }
0xae: {  	[dreg:$0x0] =	wrdreg $0x60  }
0xaf: {  	[dreg:$0x2] =	wrdreg s2  }
0xb0: {  	[dreg:$0x3] =	wrdreg s18  }
0xb1: {  	[dreg:$0x4] =	wrdreg s24  }
0xb2: {  	[dreg:$0x5] =	wrdreg $0x9  }
0xb3: {  	_ =	task.clear_ibuf [dreg:s8], $0x6FFFF;
	_ =	strace $0x90000046  }
0xb4: {  	s29 =	simm.s32 $0x9;
	_ =	strace $0x80000048  }
0xb5: {  	_ =	swait.ge [sflag:s29], $0x1  }
0xb6: {  	[sflag:s29] =	ssyncadd.s32 $0xFFFFFFFF  }
0xb7: {  	_ =	strace $0x90000048  }
0xb8: {  	_ =	sfence  }
0xb9: {  	s30 =	sld [smem:$0x0];
	_ =	sdelay $0x2  }
0xba: {  	s31 =	sshll.u32 s1, $0xD;
	s1 =	sshrl.u32 s1, $0x2  }
0xbb: {  	s3 =	sand.u32 $0x4000, s31;
	s1 =	sadd.s32 s1, s30  }
0xbc: {  	s0 =	sor.u32 s3, s0;
	s1 =	sshll.u32 s1, $0x11  }
0xbd: {  	s0 =	sor.u32 s1, s0  }
0xbe: {  	s0 =	sadd.s32 $0x8F2B, s0  }
0xbf: {  	[sflag:s0] =	ssyncadd.remote.s32 $0x1  }
0xc0: {  	_ =	sfence.sel $0xFFFF  }
0xc1: {  	[dreg:$0x0] =	wrdreg $0xFFFFFFFF;
	(pc) =	sbr.abs _section_cstart, $3  }
0xc2: {  	[dreg:$0x1] =	wrdreg $0xFFFFFFFF  }
0xc3: {  	_ =	task.clear_ibuf [dreg:s8], $0x2FFFF;
	_ =	strace $0x9FFFFFFF  }
0xc4: {  	(tm) =	ssettm $0x7FFFFFFF  }
0xc5: {  	_ =	shalt  }
tec
execute0_lowered:
.L_overlay_start_1:
0x0: {  	(tag) =	ssettag $0x1  }
0x1: {  	s6 =	rddreg [dreg:$0x0]  }
0x2: {  	s3 =	rddreg [dreg:$0x1]  }
0x3: {  	s4 =	rddreg [dreg:$0x2]  }
0x4: {  	s2 =	srdreg.scid;
	s0 =	rddreg [dreg:$0x3]  }
0x5: {  	s1 =	stileid.u32;
	s14 =	simm.s32 $0x3;
	s15 =	simm.s32 $0x2000  }
0x6: {  	s16 =	simm.s32 $0x1;
	s17 =	simm.s32 $0x6000;
	s18 =	simm.s32 $0x2  }
0x7: {  	s19 =	simm.s32 $0xA000;
	s20 =	simm.s32 $0x0;
	s5 =	sand.u32 $0x1, s2  }
0x8: {  	s2 =	simm.s32 $0x0;
	s7 =	sshll.u32 s1, $0x4;
	s8 =	sshll.u32 s5, $0x3  }
0x9: {  	[smem:$0x7FF] =	sst s2;
	s28 =	ssub.s32 $0x2, s5;
	s7 =	sor.u32 s8, s7  }
0xa: {  	_ =	strace $0x80000047;
	s30 =	sshrl.u32 s28, $0x1;
	s8 =	sshll.u32 s7, $0x5  }
0xb: {  	s29 =	sor.u32 $0x300, s7;
	s7 =	sshll.u32 s7, $0xB;
	s13 =	ssub.s32 s28, s30  }
0xc: {  	s12 =	sadd.s32 s8, s4;
	s9 =	sshll.u32 s29, $0x7;
	s11 =	sadd.s32 s7, s6  }
0xd: {  	s31 =	sshll.u32 s29, $0xB;
	s13 =	smax.u32 s13, $0x1;
	s4 =	sadd.s32 $0x180800, s11  }
0xe: {  	s3 =	sadd.s32 s3, s9;
	s5 =	sadd.s32 $0x181000, s11;
	s7 =	sadd.s32 $0x181800, s11  }
0xf: {  	s6 =	sadd.s32 s6, s31;
	s8 =	sadd.s32 $0x182800, s11;
	s9 =	sadd.s32 $0x182000, s11  }
0x10: {  	s10 =	sadd.s32 $0x183000, s11;
	s11 =	sadd.s32 $0x183800, s11;
	s12 =	sadd.s32 $0x3200, s12  }
.LBB2_1:
0x11: {  	[tilespmem:s2], [sflag:$0x3] =	stream.linear.gather [hbm4b:s3+s2], $0x2000, $0x38;
	[tilespmem:$0xA800] =	vst v63  }
0x12: {  	_ =	swait.ge [sflag:s14], $0x2000  }
0x13: {  	[sflag:s14] =	ssyncset.done $0x0  }
0x14: {  	[sflag:s14] =	ssyncadd.s32 $0xFFFFE000  }
0x15: {  	[tilespmem:s15], [sflag:$0x1] =	stream.linear.gather [hbm4b:s6+s2], $0x4000, $0x38;
	[tilespmem:$0xA800] =	vst v63  }
0x16: {  	_ =	swait.ge [sflag:s16], $0x4000  }
0x17: {  	s21 =	sand.u32 $0x70, s2;
	s22 =	sand.u32 $0x1C00, s2;
	[sflag:s16] =	ssyncset.done $0x0  }
0x18: {  	s25 =	sor.u32 s21, s22;
	[sflag:s16] =	ssyncadd.s32 $0xFFFFC000  }
0x19: {  	[tilespmem:s17], [sflag:$0x2] =	stream.linear.gather [hbm4b:s4+s2], $0x4000, $0x38;
	[tilespmem:$0xA800] =	vst v63  }
0x1a: {  	v1 =	vld [tilespmem:s25+$0x0]  }
0x1b: {  	v0 =	vld [tilespmem:s25+$0x4380]  }
0x1c: {  	v2 =	vld [tilespmem:s25+$0x2000]  }
0x1d: {  	v3 =	vld [tilespmem:s25+$0x2080]  }
0x1e: {  	v4 =	vld [tilespmem:s25+$0x2100]  }
0x1f: {  	v15 =	vld [tilespmem:s25+$0x4000]  }
0x20: {  	v16 =	vld [tilespmem:s25+$0x4080]  }
0x21: {  	v5 =	vld [tilespmem:s25+$0x2180]  }
0x22: {  	v7 =	vld [tilespmem:s25+$0x2200]  }
0x23: {  	s30 =	sor.u32 s2, s2;
	v9 =	vld [tilespmem:s25+$0x2300];
	v0 =	vmul.f32 v0, v1  }
0x24: {  	s21 =	sor.u32 $0x380, s30;
	v8 =	vld [tilespmem:s25+$0x2280];
	v2 =	vmul.f32 v2, v1;
	v3 =	vmul.f32 v3, v1  }
0x25: {  	v6 =	vimm.f32 $0.0e+00;
	v14 =	vld [tilespmem:s21+$0x2000];
	v22 =	vmul.f32 v15, v1;
	v23 =	vmul.f32 v16, v1  }
0x26: {  	v16 =	vimm.f32 $0.0e+00;
	v15 =	vimm.f32 $0.0e+00;
	v13 =	vadd.f32 v2, v6  }
0x27: {  	v2 =	vmul.f32 v4, v1;
	v12 =	vadd.f32 v3, v6;
	v3 =	vmul.f32 v5, v1  }
0x28: {  	v19 =	vld [tilespmem:s25+$0x4100];
	v0 =	vadd.f32 v0, v6;
	v4 =	vmul.f32 v7, v1;
	v5 =	vmul.f32 v9, v1  }
0x29: {  	v18 =	vld [tilespmem:s25+$0x4180];
	v9 =	vimm.f32 $0.0e+00;
	v10 =	vadd.f32 v2, v6;
	v2 =	vmul.f32 v8, v1  }
0x2a: {  	s31 =	simm.s32 $0x10;
	s22 =	simm.s32 $0x80;
	v17 =	vld [tilespmem:s25+$0x4200];
	v11 =	vadd.f32 v3, v6;
	v8 =	vadd.f32 v4, v6;
	v3 =	vmul.f32 v14, v1  }
0x2b: {  	s23 =	sand.u32 $0x70, s31;
	s24 =	sand.u32 $0x1C00, s22;
	s26 =	sor.u32 s22, s31;
	v20 =	vld [tilespmem:s25+$0x4280];
	v4 =	vadd.f32 v5, v6;
	v14 =	vimm.f32 $0.0e+00;
	v7 =	vadd.f32 v2, v6  }
0x2c: {  	s21 =	sor.u32 s23, s24;
	s24 =	sor.u32 $0x380, s26;
	s23 =	simm.s32 $0x20;
	v21 =	vld [tilespmem:s25+$0x4300];
	v5 =	vadd.f32 v3, v6;
	v3 =	vimm.f32 $0.0e+00;
	v2 =	vimm.f32 $0.0e+00  }
.LBB2_2:
0x2d: {  	p0 =	sne.s32 s23, $0x3F0;
	v24 =	vld [tilespmem:s21+$0x0];
	v6 =	vadd.f32 v22, v6;
	v19 =	vmul.f32 v19, v1  }
0x2e: {  	v22 =	vld [tilespmem:s21+$0x4380];
	v16 =	vadd.f32 v23, v16;
	v18 =	vmul.f32 v18, v1  }
0x2f: {  	v23 =	vld [tilespmem:s21+$0x2000];
	v15 =	vadd.f32 v19, v15;
	v17 =	vmul.f32 v17, v1  }
0x30: {  	v19 =	vld [tilespmem:s21+$0x2080];
	v14 =	vadd.f32 v18, v14;
	v18 =	vmul.f32 v20, v1  }
0x31: {  	v20 =	vld [tilespmem:s21+$0x2100];
	v9 =	vadd.f32 v17, v9;
	v17 =	vmul.f32 v21, v1  }
0x32: {  	v21 =	vld [tilespmem:s21+$0x2180];
	v3 =	vadd.f32 v18, v3;
	v1 =	vmov v24  }
0x33: {  	v18 =	vld [tilespmem:s21+$0x2200];
	v22 =	vmul.f32 v22, v1;
	v2 =	vadd.f32 v17, v2  }
0x34: {  	v17 =	vmul.f32 v23, v1;
	v23 =	vld [tilespmem:s21+$0x2280]  }
0x35: {  	v19 =	vmul.f32 v19, v1;
	v24 =	vld [tilespmem:s21+$0x2300];
	v0 =	vadd.f32 v22, v0  }
0x36: {  	v13 =	vadd.f32 v17, v13;
	v17 =	vmul.f32 v20, v1;
	v20 =	vld [tilespmem:s24+$0x2000]  }
0x37: {  	v12 =	vadd.f32 v19, v12;
	v19 =	vmul.f32 v21, v1;
	v21 =	vld [tilespmem:s21+$0x4000]  }
0x38: {  	v10 =	vadd.f32 v17, v10;
	v17 =	vmul.f32 v18, v1;
	v25 =	vld [tilespmem:s21+$0x4080]  }
.Ltmp0:
0x39: {  	v11 =	vadd.f32 v19, v11;
	v22 =	vmul.f32 v23, v1;
	v19 =	vld [tilespmem:s21+$0x4100];
	(pc) =	sbr.rel @p0 .LBB2_2-.Ltmp0, $4  }
0x3a: {  	v8 =	vadd.f32 v17, v8;
	v23 =	vmul.f32 v24, v1;
	v18 =	vld [tilespmem:s21+$0x4180]  }
0x3b: {  	s22 =	sadd.s32 $0x80, s22;
	v7 =	vadd.f32 v22, v7;
	v24 =	vmul.f32 v20, v1;
	v17 =	vld [tilespmem:s21+$0x4200]  }
0x3c: {  	s25 =	sand.u32 $0x70, s23;
	s26 =	sand.u32 $0x1C00, s22;
	s24 =	sor.u32 s22, s23;
	v4 =	vadd.f32 v23, v4;
	v22 =	vmul.f32 v21, v1;
	v20 =	vld [tilespmem:s21+$0x4280]  }
0x3d: {  	s23 =	sadd.s32 $0x10, s23;
	s24 =	sor.u32 $0x380, s24;
	v5 =	vadd.f32 v24, v5;
	v23 =	vmul.f32 v25, v1;
	v21 =	vld [tilespmem:s21+$0x4300];
	s21 =	sor.u32 s25, s26  }
0x3e: {  	v24 =	vld [tilespmem:s21+$0x0]  }
0x3f: {  	v25 =	vld [tilespmem:s21+$0x4380]  }
0x40: {  	v26 =	vld [tilespmem:s21+$0x2000]  }
0x41: {  	v27 =	vld [tilespmem:s21+$0x2080]  }
0x42: {  	v28 =	vld [tilespmem:s21+$0x2100]  }
0x43: {  	v29 =	vld [tilespmem:s21+$0x2180]  }
0x44: {  	v30 =	vld [tilespmem:s21+$0x2200]  }
0x45: {  	v31 =	vld [tilespmem:s21+$0x2280]  }
0x46: {  	v32 =	vld [tilespmem:s21+$0x2300]  }
0x47: {  	v33 =	vld [tilespmem:s24+$0x2000]  }
0x48: {  	v34 =	vld [tilespmem:s21+$0x4000]  }
0x49: {  	v35 =	vld [tilespmem:s21+$0x4080]  }
0x4a: {  	v36 =	vld [tilespmem:s21+$0x4100];
	v26 =	vmul.f32 v26, v24  }
0x4b: {  	v37 =	vld [tilespmem:s21+$0x4180];
	v27 =	vmul.f32 v27, v24  }
0x4c: {  	v38 =	vld [tilespmem:s21+$0x4200];
	v61 =	vmul.f32 v28, v24;
	v13 =	vadd.f32 v26, v13  }
0x4d: {  	v62 =	vld [tilespmem:s21+$0x4280];
	v6 =	vadd.f32 v22, v6;
	v22 =	vmul.f32 v29, v24;
	v12 =	vadd.f32 v27, v12  }
0x4e: {  	v63 =	vld [tilespmem:s21+$0x4300];
	v10 =	vadd.f32 v61, v10;
	[tilespmem:$0xA000] =	vst v13  }
0x4f: {  	v11 =	vadd.f32 v22, v11;
	v13 =	vmul.f32 v30, v24;
	[tilespmem:$0xA010] =	vst v12  }
0x50: {  	v12 =	vmul.f32 v19, v1;
	v19 =	vmul.f32 v31, v24;
	[tilespmem:$0xA020] =	vst v10  }
0x51: {  	v16 =	vadd.f32 v23, v16;
	v10 =	vmul.f32 v18, v1;
	[tilespmem:$0xA030] =	vst v11;
	v11 =	vmul.f32 v33, v24  }
0x52: {  	v8 =	vadd.f32 v13, v8;
	v13 =	vmul.f32 v32, v24;
	v12 =	vadd.f32 v12, v15  }
0x53: {  	v7 =	vadd.f32 v19, v7;
	v5 =	vadd.f32 v11, v5;
	v11 =	vmul.f32 v35, v24  }
0x54: {  	v4 =	vadd.f32 v13, v4;
	[tilespmem:$0xA040] =	vst v8;
	v8 =	vmul.f32 v34, v24;
	v13 =	vmul.f32 v17, v1  }
0x55: {  	v10 =	vadd.f32 v10, v14;
	[tilespmem:$0xA050] =	vst v7;
	v7 =	vmul.f32 v20, v1;
	v1 =	vmul.f32 v21, v1  }
0x56: {  	v6 =	vadd.f32 v8, v6;
	v8 =	vmul.f32 v36, v24;
	[tilespmem:$0xA060] =	vst v4;
	v4 =	vadd.f32 v13, v9  }
0x57: {  	[tilespmem:$0xA070] =	vst v5;
	v9 =	vadd.f32 v11, v16;
	v11 =	vmul.f32 v37, v24;
	v3 =	vadd.f32 v7, v3  }
0x58: {  	v7 =	vmul.f32 v62, v24;
	v5 =	vadd.f32 v8, v12;
	v8 =	vmul.f32 v38, v24;
	[tilespmem:$0xA400] =	vst v6  }
0x59: {  	v1 =	vadd.f32 v1, v2;
	v6 =	vadd.f32 v11, v10;
	[tilespmem:$0xA410] =	vst v9  }
0x5a: {  	v3 =	vadd.f32 v7, v3;
	v2 =	vadd.f32 v8, v4;
	v4 =	vmul.f32 v63, v24;
	[tilespmem:$0xA420] =	vst v5  }
0x5b: {  	v5 =	vmul.f32 v25, v24;
	[tilespmem:$0xA430] =	vst v6  }
0x5c: {  	[tilespmem:$0xA450] =	vst v3;
	v1 =	vadd.f32 v4, v1  }
0x5d: {  	[tilespmem:$0xA440] =	vst v2;
	v0 =	vadd.f32 v5, v0  }
0x5e: {  	[tilespmem:$0xA460] =	vst v1  }
0x5f: {  	[tilespmem:$0xA470] =	vst v0  }
0x60: {  	s28 =	simm.s32 $0x0;
	_ =	swait.ge [sflag:s18], $0x4000  }
0x61: {  	s22 =	sand.u32 $0x70, s28;
	s23 =	sand.u32 $0x1C00, s28;
	[sflag:s18] =	ssyncset.done $0x0  }
0x62: {  	s25 =	sor.u32 s23, s22;
	[sflag:s18] =	ssyncadd.s32 $0xFFFFC000  }
0x63: {  	[tilespmem:s15], [sflag:$0x1] =	stream.linear.gather [hbm4b:s5+s28], $0x4000, $0x38;
	[tilespmem:$0xA800] =	vst v63  }
0x64: {  	v1 =	vld [tilespmem:s25+$0x80]  }
0x65: {  	v0 =	vld [tilespmem:s25+$0x8380]  }
0x66: {  	v2 =	vld [tilespmem:s25+$0x6000]  }
0x67: {  	v3 =	vld [tilespmem:s25+$0x6080]  }
0x68: {  	v4 =	vld [tilespmem:s25+$0x6100]  }
0x69: {  	v15 =	vld [tilespmem:s25+$0x8000]  }
0x6a: {  	v16 =	vld [tilespmem:s25+$0x8080]  }
0x6b: {  	v5 =	vld [tilespmem:s25+$0x6180]  }
0x6c: {  	v7 =	vld [tilespmem:s25+$0x6200]  }
0x6d: {  	s21 =	sor.u32 s28, s28;
	v9 =	vld [tilespmem:s25+$0x6300];
	v0 =	vmul.f32 v0, v1  }
0x6e: {  	s21 =	sor.u32 $0x380, s21;
	v8 =	vld [tilespmem:s25+$0x6280];
	v2 =	vmul.f32 v2, v1;
	v3 =	vmul.f32 v3, v1  }
0x6f: {  	v6 =	vimm.f32 $0.0e+00;
	v14 =	vld [tilespmem:s21+$0x6000];
	v22 =	vmul.f32 v15, v1;
	v23 =	vmul.f32 v16, v1  }
0x70: {  	v16 =	vimm.f32 $0.0e+00;
	v15 =	vimm.f32 $0.0e+00;
	v13 =	vadd.f32 v2, v6  }
0x71: {  	v2 =	vmul.f32 v4, v1;
	v12 =	vadd.f32 v3, v6;
	v3 =	vmul.f32 v5, v1  }
0x72: {  	v19 =	vld [tilespmem:s25+$0x8100];
	v0 =	vadd.f32 v0, v6;
	v4 =	vmul.f32 v7, v1;
	v5 =	vmul.f32 v9, v1  }
0x73: {  	v18 =	vld [tilespmem:s25+$0x8180];
	v9 =	vimm.f32 $0.0e+00;
	v10 =	vadd.f32 v2, v6;
	v2 =	vmul.f32 v8, v1  }
0x74: {  	s29 =	simm.s32 $0x10;
	s22 =	simm.s32 $0x80;
	v17 =	vld [tilespmem:s25+$0x8200];
	v11 =	vadd.f32 v3, v6;
	v8 =	vadd.f32 v4, v6;
	v3 =	vmul.f32 v14, v1  }
0x75: {  	s30 =	sand.u32 $0x70, s29;
	s31 =	sand.u32 $0x1C00, s22;
	s26 =	sor.u32 s22, s29;
	v20 =	vld [tilespmem:s25+$0x8280];
	v4 =	vadd.f32 v5, v6;
	v14 =	vimm.f32 $0.0e+00;
	v7 =	vadd.f32 v2, v6  }
0x76: {  	s23 =	simm.s32 $0x20;
	s24 =	sor.u32 $0x380, s26;
	s21 =	sor.u32 s31, s30;
	v21 =	vld [tilespmem:s25+$0x8300];
	v5 =	vadd.f32 v3, v6;
	v3 =	vimm.f32 $0.0e+00;
	v2 =	vimm.f32 $0.0e+00  }
.LBB2_4:
0x77: {  	p0 =	sne.s32 s23, $0x3F0;
	v24 =	vld [tilespmem:s21+$0x80];
	v6 =	vadd.f32 v22, v6;
	v19 =	vmul.f32 v19, v1  }
0x78: {  	v22 =	vld [tilespmem:s21+$0x8380];
	v16 =	vadd.f32 v23, v16;
	v18 =	vmul.f32 v18, v1  }
0x79: {  	v23 =	vld [tilespmem:s21+$0x6000];
	v15 =	vadd.f32 v19, v15;
	v17 =	vmul.f32 v17, v1  }
0x7a: {  	v19 =	vld [tilespmem:s21+$0x6080];
	v14 =	vadd.f32 v18, v14;
	v18 =	vmul.f32 v20, v1  }
0x7b: {  	v20 =	vld [tilespmem:s21+$0x6100];
	v9 =	vadd.f32 v17, v9;
	v17 =	vmul.f32 v21, v1  }
0x7c: {  	v21 =	vld [tilespmem:s21+$0x6180];
	v3 =	vadd.f32 v18, v3;
	v1 =	vmov v24  }
0x7d: {  	v18 =	vld [tilespmem:s21+$0x6200];
	v22 =	vmul.f32 v22, v1;
	v2 =	vadd.f32 v17, v2  }
0x7e: {  	v17 =	vmul.f32 v23, v1;
	v23 =	vld [tilespmem:s21+$0x6280]  }
0x7f: {  	v19 =	vmul.f32 v19, v1;
	v24 =	vld [tilespmem:s21+$0x6300];
	v0 =	vadd.f32 v22, v0  }
0x80: {  	v13 =	vadd.f32 v17, v13;
	v17 =	vmul.f32 v20, v1;
	v20 =	vld [tilespmem:s24+$0x6000]  }
0x81: {  	v12 =	vadd.f32 v19, v12;
	v19 =	vmul.f32 v21, v1;
	v21 =	vld [tilespmem:s21+$0x8000]  }
0x82: {  	v10 =	vadd.f32 v17, v10;
	v17 =	vmul.f32 v18, v1;
	v25 =	vld [tilespmem:s21+$0x8080]  }
.Ltmp1:
0x83: {  	v11 =	vadd.f32 v19, v11;
	v22 =	vmul.f32 v23, v1;
	v19 =	vld [tilespmem:s21+$0x8100];
	(pc) =	sbr.rel @p0 .LBB2_4-.Ltmp1, $4  }
0x84: {  	v8 =	vadd.f32 v17, v8;
	v23 =	vmul.f32 v24, v1;
	v18 =	vld [tilespmem:s21+$0x8180]  }
0x85: {  	s22 =	sadd.s32 $0x80, s22;
	v7 =	vadd.f32 v22, v7;
	v24 =	vmul.f32 v20, v1;
	v17 =	vld [tilespmem:s21+$0x8200]  }
0x86: {  	s25 =	sand.u32 $0x70, s23;
	s26 =	sand.u32 $0x1C00, s22;
	s24 =	sor.u32 s22, s23;
	v4 =	vadd.f32 v23, v4;
	v22 =	vmul.f32 v21, v1;
	v20 =	vld [tilespmem:s21+$0x8280]  }
0x87: {  	s23 =	sadd.s32 $0x10, s23;
	s24 =	sor.u32 $0x380, s24;
	v5 =	vadd.f32 v24, v5;
	v23 =	vmul.f32 v25, v1;
	v21 =	vld [tilespmem:s21+$0x8300];
	s21 =	sor.u32 s26, s25  }
0x88: {  	v24 =	vld [tilespmem:s21+$0x80]  }
0x89: {  	v25 =	vld [tilespmem:s21+$0x8380]  }
0x8a: {  	v26 =	vld [tilespmem:s21+$0x6000]  }
0x8b: {  	v27 =	vld [tilespmem:s21+$0x6080]  }
0x8c: {  	v28 =	vld [tilespmem:s21+$0x6100]  }
0x8d: {  	v29 =	vld [tilespmem:s21+$0x6180]  }
0x8e: {  	v30 =	vld [tilespmem:s21+$0x6200]  }
0x8f: {  	v31 =	vld [tilespmem:s21+$0x6280]  }
0x90: {  	v32 =	vld [tilespmem:s21+$0x6300]  }
0x91: {  	v33 =	vld [tilespmem:s24+$0x6000]  }
0x92: {  	v34 =	vld [tilespmem:s21+$0x8000]  }
0x93: {  	v35 =	vld [tilespmem:s21+$0x8080]  }
0x94: {  	v36 =	vld [tilespmem:s21+$0x8100];
	v26 =	vmul.f32 v26, v24  }
0x95: {  	v37 =	vld [tilespmem:s21+$0x8180];
	v27 =	vmul.f32 v27, v24  }
0x96: {  	v38 =	vld [tilespmem:s21+$0x8200];
	v61 =	vmul.f32 v28, v24;
	v13 =	vadd.f32 v26, v13  }
0x97: {  	v62 =	vld [tilespmem:s21+$0x8280];
	v6 =	vadd.f32 v22, v6;
	v22 =	vmul.f32 v29, v24;
	v12 =	vadd.f32 v27, v12  }
0x98: {  	v63 =	vld [tilespmem:s21+$0x8300];
	v10 =	vadd.f32 v61, v10;
	[tilespmem:$0xA080] =	vst v13  }
0x99: {  	v11 =	vadd.f32 v22, v11;
	v13 =	vmul.f32 v30, v24;
	[tilespmem:$0xA090] =	vst v12  }
0x9a: {  	v12 =	vmul.f32 v19, v1;
	v19 =	vmul.f32 v31, v24;
	[tilespmem:$0xA0A0] =	vst v10  }
0x9b: {  	v16 =	vadd.f32 v23, v16;
	v10 =	vmul.f32 v18, v1;
	[tilespmem:$0xA0B0] =	vst v11;
	v11 =	vmul.f32 v33, v24  }
0x9c: {  	v8 =	vadd.f32 v13, v8;
	v13 =	vmul.f32 v32, v24;
	v12 =	vadd.f32 v12, v15  }
0x9d: {  	v7 =	vadd.f32 v19, v7;
	v5 =	vadd.f32 v11, v5;
	v11 =	vmul.f32 v35, v24  }
0x9e: {  	v4 =	vadd.f32 v13, v4;
	[tilespmem:$0xA0C0] =	vst v8;
	v8 =	vmul.f32 v34, v24;
	v13 =	vmul.f32 v17, v1  }
0x9f: {  	v10 =	vadd.f32 v10, v14;
	[tilespmem:$0xA0D0] =	vst v7;
	v7 =	vmul.f32 v20, v1;
	v1 =	vmul.f32 v21, v1  }
0xa0: {  	v6 =	vadd.f32 v8, v6;
	v8 =	vmul.f32 v36, v24;
	[tilespmem:$0xA0E0] =	vst v4;
	v4 =	vadd.f32 v13, v9  }
0xa1: {  	[tilespmem:$0xA0F0] =	vst v5;
	v9 =	vadd.f32 v11, v16;
	v11 =	vmul.f32 v37, v24;
	v3 =	vadd.f32 v7, v3  }
0xa2: {  	v7 =	vmul.f32 v62, v24;
	v5 =	vadd.f32 v8, v12;
	v8 =	vmul.f32 v38, v24;
	[tilespmem:$0xA480] =	vst v6  }
0xa3: {  	v1 =	vadd.f32 v1, v2;
	v6 =	vadd.f32 v11, v10;
	[tilespmem:$0xA490] =	vst v9  }
0xa4: {  	v3 =	vadd.f32 v7, v3;
	v2 =	vadd.f32 v8, v4;
	v4 =	vmul.f32 v63, v24;
	[tilespmem:$0xA4A0] =	vst v5  }
0xa5: {  	v5 =	vmul.f32 v25, v24;
	[tilespmem:$0xA4B0] =	vst v6  }
0xa6: {  	[tilespmem:$0xA4D0] =	vst v3;
	v1 =	vadd.f32 v4, v1  }
0xa7: {  	[tilespmem:$0xA4C0] =	vst v2;
	v0 =	vadd.f32 v5, v0  }
0xa8: {  	[tilespmem:$0xA4E0] =	vst v1  }
0xa9: {  	[tilespmem:$0xA4F0] =	vst v0  }
0xaa: {  	s28 =	simm.s32 $0x0;
	_ =	swait.ge [sflag:s16], $0x4000  }
0xab: {  	s22 =	sand.u32 $0x70, s28;
	s23 =	sand.u32 $0x1C00, s28;
	[sflag:s16] =	ssyncset.done $0x0  }
0xac: {  	s25 =	sor.u32 s23, s22;
	[sflag:s16] =	ssyncadd.s32 $0xFFFFC000  }
0xad: {  	[tilespmem:s17], [sflag:$0x2] =	stream.linear.gather [hbm4b:s7+s28], $0x4000, $0x38;
	[tilespmem:$0xA800] =	vst v63  }
0xae: {  	v1 =	vld [tilespmem:s25+$0x100]  }
0xaf: {  	v0 =	vld [tilespmem:s25+$0x4380]  }
0xb0: {  	v2 =	vld [tilespmem:s25+$0x2000]  }
0xb1: {  	v3 =	vld [tilespmem:s25+$0x2080]  }
0xb2: {  	v4 =	vld [tilespmem:s25+$0x2100]  }
0xb3: {  	v15 =	vld [tilespmem:s25+$0x4000]  }
0xb4: {  	v16 =	vld [tilespmem:s25+$0x4080]  }
0xb5: {  	v5 =	vld [tilespmem:s25+$0x2180]  }
0xb6: {  	v7 =	vld [tilespmem:s25+$0x2200]  }
0xb7: {  	s21 =	sor.u32 s28, s28;
	v9 =	vld [tilespmem:s25+$0x2300];
	v0 =	vmul.f32 v0, v1  }
0xb8: {  	s21 =	sor.u32 $0x380, s21;
	v8 =	vld [tilespmem:s25+$0x2280];
	v2 =	vmul.f32 v2, v1;
	v3 =	vmul.f32 v3, v1  }
0xb9: {  	v6 =	vimm.f32 $0.0e+00;
	v14 =	vld [tilespmem:s21+$0x2000];
	v22 =	vmul.f32 v15, v1;
	v23 =	vmul.f32 v16, v1  }
0xba: {  	v16 =	vimm.f32 $0.0e+00;
	v15 =	vimm.f32 $0.0e+00;
	v13 =	vadd.f32 v2, v6  }
0xbb: {  	v2 =	vmul.f32 v4, v1;
	v12 =	vadd.f32 v3, v6;
	v3 =	vmul.f32 v5, v1  }
0xbc: {  	v19 =	vld [tilespmem:s25+$0x4100];
	v0 =	vadd.f32 v0, v6;
	v4 =	vmul.f32 v7, v1;
	v5 =	vmul.f32 v9, v1  }
0xbd: {  	v18 =	vld [tilespmem:s25+$0x4180];
	v9 =	vimm.f32 $0.0e+00;
	v10 =	vadd.f32 v2, v6;
	v2 =	vmul.f32 v8, v1  }
0xbe: {  	s29 =	simm.s32 $0x10;
	s22 =	simm.s32 $0x80;
	v17 =	vld [tilespmem:s25+$0x4200];
	v11 =	vadd.f32 v3, v6;
	v8 =	vadd.f32 v4, v6;
	v3 =	vmul.f32 v14, v1  }
0xbf: {  	s30 =	sand.u32 $0x70, s29;
	s31 =	sand.u32 $0x1C00, s22;
	s26 =	sor.u32 s22, s29;
	v20 =	vld [tilespmem:s25+$0x4280];
	v4 =	vadd.f32 v5, v6;
	v14 =	vimm.f32 $0.0e+00;
	v7 =	vadd.f32 v2, v6  }
0xc0: {  	s23 =	simm.s32 $0x20;
	s24 =	sor.u32 $0x380, s26;
	s21 =	sor.u32 s31, s30;
	v21 =	vld [tilespmem:s25+$0x4300];
	v5 =	vadd.f32 v3, v6;
	v3 =	vimm.f32 $0.0e+00;
	v2 =	vimm.f32 $0.0e+00  }
.LBB2_6:
0xc1: {  	p0 =	sne.s32 s23, $0x3F0;
	v24 =	vld [tilespmem:s21+$0x100];
	v6 =	vadd.f32 v22, v6;
	v19 =	vmul.f32 v19, v1  }
0xc2: {  	v22 =	vld [tilespmem:s21+$0x4380];
	v16 =	vadd.f32 v23, v16;
	v18 =	vmul.f32 v18, v1  }
0xc3: {  	v23 =	vld [tilespmem:s21+$0x2000];
	v15 =	vadd.f32 v19, v15;
	v17 =	vmul.f32 v17, v1  }
0xc4: {  	v19 =	vld [tilespmem:s21+$0x2080];
	v14 =	vadd.f32 v18, v14;
	v18 =	vmul.f32 v20, v1  }
0xc5: {  	v20 =	vld [tilespmem:s21+$0x2100];
	v9 =	vadd.f32 v17, v9;
	v17 =	vmul.f32 v21, v1  }
0xc6: {  	v21 =	vld [tilespmem:s21+$0x2180];
	v3 =	vadd.f32 v18, v3;
	v1 =	vmov v24  }
0xc7: {  	v18 =	vld [tilespmem:s21+$0x2200];
	v22 =	vmul.f32 v22, v1;
	v2 =	vadd.f32 v17, v2  }
0xc8: {  	v17 =	vmul.f32 v23, v1;
	v23 =	vld [tilespmem:s21+$0x2280]  }
0xc9: {  	v19 =	vmul.f32 v19, v1;
	v24 =	vld [tilespmem:s21+$0x2300];
	v0 =	vadd.f32 v22, v0  }
0xca: {  	v13 =	vadd.f32 v17, v13;
	v17 =	vmul.f32 v20, v1;
	v20 =	vld [tilespmem:s24+$0x2000]  }
0xcb: {  	v12 =	vadd.f32 v19, v12;
	v19 =	vmul.f32 v21, v1;
	v21 =	vld [tilespmem:s21+$0x4000]  }
0xcc: {  	v10 =	vadd.f32 v17, v10;
	v17 =	vmul.f32 v18, v1;
	v25 =	vld [tilespmem:s21+$0x4080]  }
.Ltmp2:
0xcd: {  	v11 =	vadd.f32 v19, v11;
	v22 =	vmul.f32 v23, v1;
	v19 =	vld [tilespmem:s21+$0x4100];
	(pc) =	sbr.rel @p0 .LBB2_6-.Ltmp2, $4  }
0xce: {  	v8 =	vadd.f32 v17, v8;
	v23 =	vmul.f32 v24, v1;
	v18 =	vld [tilespmem:s21+$0x4180]  }
0xcf: {  	s22 =	sadd.s32 $0x80, s22;
	v7 =	vadd.f32 v22, v7;
	v24 =	vmul.f32 v20, v1;
	v17 =	vld [tilespmem:s21+$0x4200]  }
0xd0: {  	s25 =	sand.u32 $0x70, s23;
	s26 =	sand.u32 $0x1C00, s22;
	s24 =	sor.u32 s22, s23;
	v4 =	vadd.f32 v23, v4;
	v22 =	vmul.f32 v21, v1;
	v20 =	vld [tilespmem:s21+$0x4280]  }
0xd1: {  	s23 =	sadd.s32 $0x10, s23;
	s24 =	sor.u32 $0x380, s24;
	v5 =	vadd.f32 v24, v5;
	v23 =	vmul.f32 v25, v1;
	v21 =	vld [tilespmem:s21+$0x4300];
	s21 =	sor.u32 s26, s25  }
0xd2: {  	v24 =	vld [tilespmem:s21+$0x100]  }
0xd3: {  	v25 =	vld [tilespmem:s21+$0x4380]  }
0xd4: {  	v26 =	vld [tilespmem:s21+$0x2000]  }
0xd5: {  	v27 =	vld [tilespmem:s21+$0x2080]  }
0xd6: {  	v28 =	vld [tilespmem:s21+$0x2100]  }
0xd7: {  	v29 =	vld [tilespmem:s21+$0x2180]  }
0xd8: {  	v30 =	vld [tilespmem:s21+$0x2200]  }
0xd9: {  	v31 =	vld [tilespmem:s21+$0x2280]  }
0xda: {  	v32 =	vld [tilespmem:s21+$0x2300]  }
0xdb: {  	v33 =	vld [tilespmem:s24+$0x2000]  }
0xdc: {  	v34 =	vld [tilespmem:s21+$0x4000]  }
0xdd: {  	v35 =	vld [tilespmem:s21+$0x4080]  }
0xde: {  	v36 =	vld [tilespmem:s21+$0x4100];
	v26 =	vmul.f32 v26, v24  }
0xdf: {  	v37 =	vld [tilespmem:s21+$0x4180];
	v27 =	vmul.f32 v27, v24  }
0xe0: {  	v38 =	vld [tilespmem:s21+$0x4200];
	v61 =	vmul.f32 v28, v24;
	v13 =	vadd.f32 v26, v13  }
0xe1: {  	v62 =	vld [tilespmem:s21+$0x4280];
	v6 =	vadd.f32 v22, v6;
	v22 =	vmul.f32 v29, v24;
	v12 =	vadd.f32 v27, v12  }
0xe2: {  	v63 =	vld [tilespmem:s21+$0x4300];
	v10 =	vadd.f32 v61, v10;
	[tilespmem:$0xA100] =	vst v13  }
0xe3: {  	v11 =	vadd.f32 v22, v11;
	v13 =	vmul.f32 v30, v24;
	[tilespmem:$0xA110] =	vst v12  }
0xe4: {  	v12 =	vmul.f32 v19, v1;
	v19 =	vmul.f32 v31, v24;
	[tilespmem:$0xA120] =	vst v10  }
0xe5: {  	v16 =	vadd.f32 v23, v16;
	v10 =	vmul.f32 v18, v1;
	[tilespmem:$0xA130] =	vst v11;
	v11 =	vmul.f32 v33, v24  }
0xe6: {  	v8 =	vadd.f32 v13, v8;
	v13 =	vmul.f32 v32, v24;
	v12 =	vadd.f32 v12, v15  }
0xe7: {  	v7 =	vadd.f32 v19, v7;
	v5 =	vadd.f32 v11, v5;
	v11 =	vmul.f32 v35, v24  }
0xe8: {  	v4 =	vadd.f32 v13, v4;
	[tilespmem:$0xA140] =	vst v8;
	v8 =	vmul.f32 v34, v24;
	v13 =	vmul.f32 v17, v1  }
0xe9: {  	v10 =	vadd.f32 v10, v14;
	[tilespmem:$0xA150] =	vst v7;
	v7 =	vmul.f32 v20, v1;
	v1 =	vmul.f32 v21, v1  }
0xea: {  	v6 =	vadd.f32 v8, v6;
	v8 =	vmul.f32 v36, v24;
	[tilespmem:$0xA160] =	vst v4;
	v4 =	vadd.f32 v13, v9  }
0xeb: {  	[tilespmem:$0xA170] =	vst v5;
	v9 =	vadd.f32 v11, v16;
	v11 =	vmul.f32 v37, v24;
	v3 =	vadd.f32 v7, v3  }
0xec: {  	v7 =	vmul.f32 v62, v24;
	v5 =	vadd.f32 v8, v12;
	v8 =	vmul.f32 v38, v24;
	[tilespmem:$0xA500] =	vst v6  }
0xed: {  	v1 =	vadd.f32 v1, v2;
	v6 =	vadd.f32 v11, v10;
	[tilespmem:$0xA510] =	vst v9  }
0xee: {  	v3 =	vadd.f32 v7, v3;
	v2 =	vadd.f32 v8, v4;
	v4 =	vmul.f32 v63, v24;
	[tilespmem:$0xA520] =	vst v5  }
0xef: {  	v5 =	vmul.f32 v25, v24;
	[tilespmem:$0xA530] =	vst v6  }
0xf0: {  	[tilespmem:$0xA550] =	vst v3;
	v1 =	vadd.f32 v4, v1  }
0xf1: {  	[tilespmem:$0xA540] =	vst v2;
	v0 =	vadd.f32 v5, v0  }
0xf2: {  	[tilespmem:$0xA560] =	vst v1  }
0xf3: {  	[tilespmem:$0xA570] =	vst v0  }
0xf4: {  	s28 =	simm.s32 $0x0;
	_ =	swait.ge [sflag:s18], $0x4000  }
0xf5: {  	s22 =	sand.u32 $0x70, s28;
	s23 =	sand.u32 $0x1C00, s28;
	[sflag:s18] =	ssyncset.done $0x0  }
0xf6: {  	s25 =	sor.u32 s23, s22;
	[sflag:s18] =	ssyncadd.s32 $0xFFFFC000  }
0xf7: {  	[tilespmem:s15], [sflag:$0x1] =	stream.linear.gather [hbm4b:s9+s28], $0x4000, $0x38;
	[tilespmem:$0xA800] =	vst v63  }
0xf8: {  	v1 =	vld [tilespmem:s25+$0x180]  }
0xf9: {  	v0 =	vld [tilespmem:s25+$0x8380]  }
0xfa: {  	v2 =	vld [tilespmem:s25+$0x6000]  }
0xfb: {  	v3 =	vld [tilespmem:s25+$0x6080]  }
0xfc: {  	v4 =	vld [tilespmem:s25+$0x6100]  }
0xfd: {  	v15 =	vld [tilespmem:s25+$0x8000]  }
0xfe: {  	v16 =	vld [tilespmem:s25+$0x8080]  }
0xff: {  	v5 =	vld [tilespmem:s25+$0x6180]  }
0x100: {  	v7 =	vld [tilespmem:s25+$0x6200]  }
0x101: {  	s21 =	sor.u32 s28, s28;
	v9 =	vld [tilespmem:s25+$0x6300];
	v0 =	vmul.f32 v0, v1  }
0x102: {  	s21 =	sor.u32 $0x380, s21;
	v8 =	vld [tilespmem:s25+$0x6280];
	v2 =	vmul.f32 v2, v1;
	v3 =	vmul.f32 v3, v1  }
0x103: {  	v6 =	vimm.f32 $0.0e+00;
	v14 =	vld [tilespmem:s21+$0x6000];
	v22 =	vmul.f32 v15, v1;
	v23 =	vmul.f32 v16, v1  }
0x104: {  	v16 =	vimm.f32 $0.0e+00;
	v15 =	vimm.f32 $0.0e+00;
	v13 =	vadd.f32 v2, v6  }
0x105: {  	v2 =	vmul.f32 v4, v1;
	v12 =	vadd.f32 v3, v6;
	v3 =	vmul.f32 v5, v1  }
0x106: {  	v19 =	vld [tilespmem:s25+$0x8100];
	v0 =	vadd.f32 v0, v6;
	v4 =	vmul.f32 v7, v1;
	v5 =	vmul.f32 v9, v1  }
0x107: {  	v18 =	vld [tilespmem:s25+$0x8180];
	v9 =	vimm.f32 $0.0e+00;
	v10 =	vadd.f32 v2, v6;
	v2 =	vmul.f32 v8, v1  }
0x108: {  	s29 =	simm.s32 $0x10;
	s22 =	simm.s32 $0x80;
	v17 =	vld [tilespmem:s25+$0x8200];
	v11 =	vadd.f32 v3, v6;
	v8 =	vadd.f32 v4, v6;
	v3 =	vmul.f32 v14, v1  }
0x109: {  	s30 =	sand.u32 $0x70, s29;
	s31 =	sand.u32 $0x1C00, s22;
	s26 =	sor.u32 s22, s29;
	v20 =	vld [tilespmem:s25+$0x8280];
	v4 =	vadd.f32 v5, v6;
	v14 =	vimm.f32 $0.0e+00;
	v7 =	vadd.f32 v2, v6  }
0x10a: {  	s23 =	simm.s32 $0x20;
	s24 =	sor.u32 $0x380, s26;
	s21 =	sor.u32 s31, s30;
	v21 =	vld [tilespmem:s25+$0x8300];
	v5 =	vadd.f32 v3, v6;
	v3 =	vimm.f32 $0.0e+00;
	v2 =	vimm.f32 $0.0e+00  }
.LBB2_8:
0x10b: {  	p0 =	sne.s32 s23, $0x3F0;
	v24 =	vld [tilespmem:s21+$0x180];
	v6 =	vadd.f32 v22, v6;
	v19 =	vmul.f32 v19, v1  }
0x10c: {  	v22 =	vld [tilespmem:s21+$0x8380];
	v16 =	vadd.f32 v23, v16;
	v18 =	vmul.f32 v18, v1  }
0x10d: {  	v23 =	vld [tilespmem:s21+$0x6000];
	v15 =	vadd.f32 v19, v15;
	v17 =	vmul.f32 v17, v1  }
0x10e: {  	v19 =	vld [tilespmem:s21+$0x6080];
	v14 =	vadd.f32 v18, v14;
	v18 =	vmul.f32 v20, v1  }
0x10f: {  	v20 =	vld [tilespmem:s21+$0x6100];
	v9 =	vadd.f32 v17, v9;
	v17 =	vmul.f32 v21, v1  }
0x110: {  	v21 =	vld [tilespmem:s21+$0x6180];
	v3 =	vadd.f32 v18, v3;
	v1 =	vmov v24  }
0x111: {  	v18 =	vld [tilespmem:s21+$0x6200];
	v22 =	vmul.f32 v22, v1;
	v2 =	vadd.f32 v17, v2  }
0x112: {  	v17 =	vmul.f32 v23, v1;
	v23 =	vld [tilespmem:s21+$0x6280]  }
0x113: {  	v19 =	vmul.f32 v19, v1;
	v24 =	vld [tilespmem:s21+$0x6300];
	v0 =	vadd.f32 v22, v0  }
0x114: {  	v13 =	vadd.f32 v17, v13;
	v17 =	vmul.f32 v20, v1;
	v20 =	vld [tilespmem:s24+$0x6000]  }
0x115: {  	v12 =	vadd.f32 v19, v12;
	v19 =	vmul.f32 v21, v1;
	v21 =	vld [tilespmem:s21+$0x8000]  }
0x116: {  	v10 =	vadd.f32 v17, v10;
	v17 =	vmul.f32 v18, v1;
	v25 =	vld [tilespmem:s21+$0x8080]  }
.Ltmp3:
0x117: {  	v11 =	vadd.f32 v19, v11;
	v22 =	vmul.f32 v23, v1;
	v19 =	vld [tilespmem:s21+$0x8100];
	(pc) =	sbr.rel @p0 .LBB2_8-.Ltmp3, $4  }
0x118: {  	v8 =	vadd.f32 v17, v8;
	v23 =	vmul.f32 v24, v1;
	v18 =	vld [tilespmem:s21+$0x8180]  }
0x119: {  	s22 =	sadd.s32 $0x80, s22;
	v7 =	vadd.f32 v22, v7;
	v24 =	vmul.f32 v20, v1;
	v17 =	vld [tilespmem:s21+$0x8200]  }
0x11a: {  	s25 =	sand.u32 $0x70, s23;
	s26 =	sand.u32 $0x1C00, s22;
	s24 =	sor.u32 s22, s23;
	v4 =	vadd.f32 v23, v4;
	v22 =	vmul.f32 v21, v1;
	v20 =	vld [tilespmem:s21+$0x8280]  }
0x11b: {  	s23 =	sadd.s32 $0x10, s23;
	s24 =	sor.u32 $0x380, s24;
	v5 =	vadd.f32 v24, v5;
	v23 =	vmul.f32 v25, v1;
	v21 =	vld [tilespmem:s21+$0x8300];
	s21 =	sor.u32 s26, s25  }
0x11c: {  	v24 =	vld [tilespmem:s21+$0x180]  }
0x11d: {  	v25 =	vld [tilespmem:s21+$0x8380]  }
0x11e: {  	v26 =	vld [tilespmem:s21+$0x6000]  }
0x11f: {  	v27 =	vld [tilespmem:s21+$0x6080]  }
0x120: {  	v28 =	vld [tilespmem:s21+$0x6100]  }
0x121: {  	v29 =	vld [tilespmem:s21+$0x6180]  }
0x122: {  	v30 =	vld [tilespmem:s21+$0x6200]  }
0x123: {  	v31 =	vld [tilespmem:s21+$0x6280]  }
0x124: {  	v32 =	vld [tilespmem:s21+$0x6300]  }
0x125: {  	v33 =	vld [tilespmem:s24+$0x6000]  }
0x126: {  	v34 =	vld [tilespmem:s21+$0x8000]  }
0x127: {  	v35 =	vld [tilespmem:s21+$0x8080]  }
0x128: {  	v36 =	vld [tilespmem:s21+$0x8100];
	v26 =	vmul.f32 v26, v24  }
0x129: {  	v37 =	vld [tilespmem:s21+$0x8180];
	v27 =	vmul.f32 v27, v24  }
0x12a: {  	v38 =	vld [tilespmem:s21+$0x8200];
	v61 =	vmul.f32 v28, v24;
	v13 =	vadd.f32 v26, v13  }
0x12b: {  	v62 =	vld [tilespmem:s21+$0x8280];
	v6 =	vadd.f32 v22, v6;
	v22 =	vmul.f32 v29, v24;
	v12 =	vadd.f32 v27, v12  }
0x12c: {  	v63 =	vld [tilespmem:s21+$0x8300];
	v10 =	vadd.f32 v61, v10;
	[tilespmem:$0xA180] =	vst v13  }
0x12d: {  	v11 =	vadd.f32 v22, v11;
	v13 =	vmul.f32 v30, v24;
	[tilespmem:$0xA190] =	vst v12  }
0x12e: {  	v12 =	vmul.f32 v19, v1;
	v19 =	vmul.f32 v31, v24;
	[tilespmem:$0xA1A0] =	vst v10  }
0x12f: {  	v16 =	vadd.f32 v23, v16;
	v10 =	vmul.f32 v18, v1;
	[tilespmem:$0xA1B0] =	vst v11;
	v11 =	vmul.f32 v33, v24  }
0x130: {  	v8 =	vadd.f32 v13, v8;
	v13 =	vmul.f32 v32, v24;
	v12 =	vadd.f32 v12, v15  }
0x131: {  	v7 =	vadd.f32 v19, v7;
	v5 =	vadd.f32 v11, v5;
	v11 =	vmul.f32 v35, v24  }
0x132: {  	v4 =	vadd.f32 v13, v4;
	[tilespmem:$0xA1C0] =	vst v8;
	v8 =	vmul.f32 v34, v24;
	v13 =	vmul.f32 v17, v1  }
0x133: {  	v10 =	vadd.f32 v10, v14;
	[tilespmem:$0xA1D0] =	vst v7;
	v7 =	vmul.f32 v20, v1;
	v1 =	vmul.f32 v21, v1  }
0x134: {  	v6 =	vadd.f32 v8, v6;
	v8 =	vmul.f32 v36, v24;
	[tilespmem:$0xA1E0] =	vst v4;
	v4 =	vadd.f32 v13, v9  }
0x135: {  	[tilespmem:$0xA1F0] =	vst v5;
	v9 =	vadd.f32 v11, v16;
	v11 =	vmul.f32 v37, v24;
	v3 =	vadd.f32 v7, v3  }
0x136: {  	v7 =	vmul.f32 v62, v24;
	v5 =	vadd.f32 v8, v12;
	v8 =	vmul.f32 v38, v24;
	[tilespmem:$0xA580] =	vst v6  }
0x137: {  	v1 =	vadd.f32 v1, v2;
	v6 =	vadd.f32 v11, v10;
	[tilespmem:$0xA590] =	vst v9  }
0x138: {  	v3 =	vadd.f32 v7, v3;
	v2 =	vadd.f32 v8, v4;
	v4 =	vmul.f32 v63, v24;
	[tilespmem:$0xA5A0] =	vst v5  }
0x139: {  	v5 =	vmul.f32 v25, v24;
	[tilespmem:$0xA5B0] =	vst v6  }
0x13a: {  	[tilespmem:$0xA5D0] =	vst v3;
	v1 =	vadd.f32 v4, v1  }
0x13b: {  	[tilespmem:$0xA5C0] =	vst v2;
	v0 =	vadd.f32 v5, v0  }
0x13c: {  	[tilespmem:$0xA5E0] =	vst v1  }
0x13d: {  	[tilespmem:$0xA5F0] =	vst v0  }
0x13e: {  	s28 =	simm.s32 $0x0;
	_ =	swait.ge [sflag:s16], $0x4000  }
0x13f: {  	s22 =	sand.u32 $0x70, s28;
	s23 =	sand.u32 $0x1C00, s28;
	[sflag:s16] =	ssyncset.done $0x0  }
0x140: {  	s25 =	sor.u32 s23, s22;
	[sflag:s16] =	ssyncadd.s32 $0xFFFFC000  }
0x141: {  	[tilespmem:s17], [sflag:$0x2] =	stream.linear.gather [hbm4b:s8+s28], $0x4000, $0x38;
	[tilespmem:$0xA800] =	vst v63  }
0x142: {  	v1 =	vld [tilespmem:s25+$0x200]  }
0x143: {  	v0 =	vld [tilespmem:s25+$0x4380]  }
0x144: {  	v2 =	vld [tilespmem:s25+$0x2000]  }
0x145: {  	v3 =	vld [tilespmem:s25+$0x2080]  }
0x146: {  	v4 =	vld [tilespmem:s25+$0x2100]  }
0x147: {  	v15 =	vld [tilespmem:s25+$0x4000]  }
0x148: {  	v16 =	vld [tilespmem:s25+$0x4080]  }
0x149: {  	v5 =	vld [tilespmem:s25+$0x2180]  }
0x14a: {  	v7 =	vld [tilespmem:s25+$0x2200]  }
0x14b: {  	s21 =	sor.u32 s28, s28;
	v9 =	vld [tilespmem:s25+$0x2300];
	v0 =	vmul.f32 v0, v1  }
0x14c: {  	s21 =	sor.u32 $0x380, s21;
	v8 =	vld [tilespmem:s25+$0x2280];
	v2 =	vmul.f32 v2, v1;
	v3 =	vmul.f32 v3, v1  }
0x14d: {  	v6 =	vimm.f32 $0.0e+00;
	v14 =	vld [tilespmem:s21+$0x2000];
	v22 =	vmul.f32 v15, v1;
	v23 =	vmul.f32 v16, v1  }
0x14e: {  	v16 =	vimm.f32 $0.0e+00;
	v15 =	vimm.f32 $0.0e+00;
	v13 =	vadd.f32 v2, v6  }
0x14f: {  	v2 =	vmul.f32 v4, v1;
	v12 =	vadd.f32 v3, v6;
	v3 =	vmul.f32 v5, v1  }
0x150: {  	v19 =	vld [tilespmem:s25+$0x4100];
	v0 =	vadd.f32 v0, v6;
	v4 =	vmul.f32 v7, v1;
	v5 =	vmul.f32 v9, v1  }
0x151: {  	v18 =	vld [tilespmem:s25+$0x4180];
	v9 =	vimm.f32 $0.0e+00;
	v10 =	vadd.f32 v2, v6;
	v2 =	vmul.f32 v8, v1  }
0x152: {  	s29 =	simm.s32 $0x10;
	s22 =	simm.s32 $0x80;
	v17 =	vld [tilespmem:s25+$0x4200];
	v11 =	vadd.f32 v3, v6;
	v8 =	vadd.f32 v4, v6;
	v3 =	vmul.f32 v14, v1  }
0x153: {  	s30 =	sand.u32 $0x70, s29;
	s31 =	sand.u32 $0x1C00, s22;
	s26 =	sor.u32 s22, s29;
	v20 =	vld [tilespmem:s25+$0x4280];
	v4 =	vadd.f32 v5, v6;
	v14 =	vimm.f32 $0.0e+00;
	v7 =	vadd.f32 v2, v6  }
0x154: {  	s23 =	simm.s32 $0x20;
	s24 =	sor.u32 $0x380, s26;
	s21 =	sor.u32 s31, s30;
	v21 =	vld [tilespmem:s25+$0x4300];
	v5 =	vadd.f32 v3, v6;
	v3 =	vimm.f32 $0.0e+00;
	v2 =	vimm.f32 $0.0e+00  }
.LBB2_10:
0x155: {  	p0 =	sne.s32 s23, $0x3F0;
	v24 =	vld [tilespmem:s21+$0x200];
	v6 =	vadd.f32 v22, v6;
	v19 =	vmul.f32 v19, v1  }
0x156: {  	v22 =	vld [tilespmem:s21+$0x4380];
	v16 =	vadd.f32 v23, v16;
	v18 =	vmul.f32 v18, v1  }
0x157: {  	v23 =	vld [tilespmem:s21+$0x2000];
	v15 =	vadd.f32 v19, v15;
	v17 =	vmul.f32 v17, v1  }
0x158: {  	v19 =	vld [tilespmem:s21+$0x2080];
	v14 =	vadd.f32 v18, v14;
	v18 =	vmul.f32 v20, v1  }
0x159: {  	v20 =	vld [tilespmem:s21+$0x2100];
	v9 =	vadd.f32 v17, v9;
	v17 =	vmul.f32 v21, v1  }
0x15a: {  	v21 =	vld [tilespmem:s21+$0x2180];
	v3 =	vadd.f32 v18, v3;
	v1 =	vmov v24  }
0x15b: {  	v18 =	vld [tilespmem:s21+$0x2200];
	v22 =	vmul.f32 v22, v1;
	v2 =	vadd.f32 v17, v2  }
0x15c: {  	v17 =	vmul.f32 v23, v1;
	v23 =	vld [tilespmem:s21+$0x2280]  }
0x15d: {  	v19 =	vmul.f32 v19, v1;
	v24 =	vld [tilespmem:s21+$0x2300];
	v0 =	vadd.f32 v22, v0  }
0x15e: {  	v13 =	vadd.f32 v17, v13;
	v17 =	vmul.f32 v20, v1;
	v20 =	vld [tilespmem:s24+$0x2000]  }
0x15f: {  	v12 =	vadd.f32 v19, v12;
	v19 =	vmul.f32 v21, v1;
	v21 =	vld [tilespmem:s21+$0x4000]  }
0x160: {  	v10 =	vadd.f32 v17, v10;
	v17 =	vmul.f32 v18, v1;
	v25 =	vld [tilespmem:s21+$0x4080]  }
.Ltmp4:
0x161: {  	v11 =	vadd.f32 v19, v11;
	v22 =	vmul.f32 v23, v1;
	v19 =	vld [tilespmem:s21+$0x4100];
	(pc) =	sbr.rel @p0 .LBB2_10-.Ltmp4, $4  }
0x162: {  	v8 =	vadd.f32 v17, v8;
	v23 =	vmul.f32 v24, v1;
	v18 =	vld [tilespmem:s21+$0x4180]  }
0x163: {  	s22 =	sadd.s32 $0x80, s22;
	v7 =	vadd.f32 v22, v7;
	v24 =	vmul.f32 v20, v1;
	v17 =	vld [tilespmem:s21+$0x4200]  }
0x164: {  	s25 =	sand.u32 $0x70, s23;
	s26 =	sand.u32 $0x1C00, s22;
	s24 =	sor.u32 s22, s23;
	v4 =	vadd.f32 v23, v4;
	v22 =	vmul.f32 v21, v1;
	v20 =	vld [tilespmem:s21+$0x4280]  }
0x165: {  	s23 =	sadd.s32 $0x10, s23;
	s24 =	sor.u32 $0x380, s24;
	v5 =	vadd.f32 v24, v5;
	v23 =	vmul.f32 v25, v1;
	v21 =	vld [tilespmem:s21+$0x4300];
	s21 =	sor.u32 s26, s25  }
0x166: {  	v24 =	vld [tilespmem:s21+$0x200]  }
0x167: {  	v25 =	vld [tilespmem:s21+$0x4380]  }
0x168: {  	v26 =	vld [tilespmem:s21+$0x2000]  }
0x169: {  	v27 =	vld [tilespmem:s21+$0x2080]  }
0x16a: {  	v28 =	vld [tilespmem:s21+$0x2100]  }
0x16b: {  	v29 =	vld [tilespmem:s21+$0x2180]  }
0x16c: {  	v30 =	vld [tilespmem:s21+$0x2200]  }
0x16d: {  	v31 =	vld [tilespmem:s21+$0x2280]  }
0x16e: {  	v32 =	vld [tilespmem:s21+$0x2300]  }
0x16f: {  	v33 =	vld [tilespmem:s24+$0x2000]  }
0x170: {  	v34 =	vld [tilespmem:s21+$0x4000]  }
0x171: {  	v35 =	vld [tilespmem:s21+$0x4080]  }
0x172: {  	v36 =	vld [tilespmem:s21+$0x4100];
	v26 =	vmul.f32 v26, v24  }
0x173: {  	v37 =	vld [tilespmem:s21+$0x4180];
	v27 =	vmul.f32 v27, v24  }
0x174: {  	v38 =	vld [tilespmem:s21+$0x4200];
	v61 =	vmul.f32 v28, v24;
	v13 =	vadd.f32 v26, v13  }
0x175: {  	v62 =	vld [tilespmem:s21+$0x4280];
	v6 =	vadd.f32 v22, v6;
	v22 =	vmul.f32 v29, v24;
	v12 =	vadd.f32 v27, v12  }
0x176: {  	v63 =	vld [tilespmem:s21+$0x4300];
	v10 =	vadd.f32 v61, v10;
	[tilespmem:$0xA200] =	vst v13  }
0x177: {  	v11 =	vadd.f32 v22, v11;
	v13 =	vmul.f32 v30, v24;
	[tilespmem:$0xA210] =	vst v12  }
0x178: {  	v12 =	vmul.f32 v19, v1;
	v19 =	vmul.f32 v31, v24;
	[tilespmem:$0xA220] =	vst v10  }
0x179: {  	v16 =	vadd.f32 v23, v16;
	v10 =	vmul.f32 v18, v1;
	[tilespmem:$0xA230] =	vst v11;
	v11 =	vmul.f32 v33, v24  }
0x17a: {  	v8 =	vadd.f32 v13, v8;
	v13 =	vmul.f32 v32, v24;
	v12 =	vadd.f32 v12, v15  }
0x17b: {  	v7 =	vadd.f32 v19, v7;
	v5 =	vadd.f32 v11, v5;
	v11 =	vmul.f32 v35, v24  }
0x17c: {  	v4 =	vadd.f32 v13, v4;
	[tilespmem:$0xA240] =	vst v8;
	v8 =	vmul.f32 v34, v24;
	v13 =	vmul.f32 v17, v1  }
0x17d: {  	v10 =	vadd.f32 v10, v14;
	[tilespmem:$0xA250] =	vst v7;
	v7 =	vmul.f32 v20, v1;
	v1 =	vmul.f32 v21, v1  }
0x17e: {  	v6 =	vadd.f32 v8, v6;
	v8 =	vmul.f32 v36, v24;
	[tilespmem:$0xA260] =	vst v4;
	v4 =	vadd.f32 v13, v9  }
0x17f: {  	[tilespmem:$0xA270] =	vst v5;
	v9 =	vadd.f32 v11, v16;
	v11 =	vmul.f32 v37, v24;
	v3 =	vadd.f32 v7, v3  }
0x180: {  	v7 =	vmul.f32 v62, v24;
	v5 =	vadd.f32 v8, v12;
	v8 =	vmul.f32 v38, v24;
	[tilespmem:$0xA600] =	vst v6  }
0x181: {  	v1 =	vadd.f32 v1, v2;
	v6 =	vadd.f32 v11, v10;
	[tilespmem:$0xA610] =	vst v9  }
0x182: {  	v3 =	vadd.f32 v7, v3;
	v2 =	vadd.f32 v8, v4;
	v4 =	vmul.f32 v63, v24;
	[tilespmem:$0xA620] =	vst v5  }
0x183: {  	v5 =	vmul.f32 v25, v24;
	[tilespmem:$0xA630] =	vst v6  }
0x184: {  	[tilespmem:$0xA650] =	vst v3;
	v1 =	vadd.f32 v4, v1  }
0x185: {  	[tilespmem:$0xA640] =	vst v2;
	v0 =	vadd.f32 v5, v0  }
0x186: {  	[tilespmem:$0xA660] =	vst v1  }
0x187: {  	[tilespmem:$0xA670] =	vst v0  }
0x188: {  	s28 =	simm.s32 $0x0;
	_ =	swait.ge [sflag:s18], $0x4000  }
0x189: {  	s22 =	sand.u32 $0x70, s28;
	s23 =	sand.u32 $0x1C00, s28;
	[sflag:s18] =	ssyncset.done $0x0  }
0x18a: {  	s25 =	sor.u32 s23, s22;
	[sflag:s18] =	ssyncadd.s32 $0xFFFFC000  }
0x18b: {  	[tilespmem:s15], [sflag:$0x1] =	stream.linear.gather [hbm4b:s10+s28], $0x4000, $0x38;
	[tilespmem:$0xA800] =	vst v63  }
0x18c: {  	v1 =	vld [tilespmem:s25+$0x280]  }
0x18d: {  	v0 =	vld [tilespmem:s25+$0x8380]  }
0x18e: {  	v2 =	vld [tilespmem:s25+$0x6000]  }
0x18f: {  	v3 =	vld [tilespmem:s25+$0x6080]  }
0x190: {  	v4 =	vld [tilespmem:s25+$0x6100]  }
0x191: {  	v15 =	vld [tilespmem:s25+$0x8000]  }
0x192: {  	v16 =	vld [tilespmem:s25+$0x8080]  }
0x193: {  	v5 =	vld [tilespmem:s25+$0x6180]  }
0x194: {  	v7 =	vld [tilespmem:s25+$0x6200]  }
0x195: {  	s21 =	sor.u32 s28, s28;
	v9 =	vld [tilespmem:s25+$0x6300];
	v0 =	vmul.f32 v0, v1  }
0x196: {  	s21 =	sor.u32 $0x380, s21;
	v8 =	vld [tilespmem:s25+$0x6280];
	v2 =	vmul.f32 v2, v1;
	v3 =	vmul.f32 v3, v1  }
0x197: {  	v6 =	vimm.f32 $0.0e+00;
	v14 =	vld [tilespmem:s21+$0x6000];
	v22 =	vmul.f32 v15, v1;
	v23 =	vmul.f32 v16, v1  }
0x198: {  	v16 =	vimm.f32 $0.0e+00;
	v15 =	vimm.f32 $0.0e+00;
	v13 =	vadd.f32 v2, v6  }
0x199: {  	v2 =	vmul.f32 v4, v1;
	v12 =	vadd.f32 v3, v6;
	v3 =	vmul.f32 v5, v1  }
0x19a: {  	v19 =	vld [tilespmem:s25+$0x8100];
	v0 =	vadd.f32 v0, v6;
	v4 =	vmul.f32 v7, v1;
	v5 =	vmul.f32 v9, v1  }
0x19b: {  	v18 =	vld [tilespmem:s25+$0x8180];
	v9 =	vimm.f32 $0.0e+00;
	v10 =	vadd.f32 v2, v6;
	v2 =	vmul.f32 v8, v1  }
0x19c: {  	s29 =	simm.s32 $0x10;
	s22 =	simm.s32 $0x80;
	v17 =	vld [tilespmem:s25+$0x8200];
	v11 =	vadd.f32 v3, v6;
	v8 =	vadd.f32 v4, v6;
	v3 =	vmul.f32 v14, v1  }
0x19d: {  	s30 =	sand.u32 $0x70, s29;
	s31 =	sand.u32 $0x1C00, s22;
	s26 =	sor.u32 s22, s29;
	v20 =	vld [tilespmem:s25+$0x8280];
	v4 =	vadd.f32 v5, v6;
	v14 =	vimm.f32 $0.0e+00;
	v7 =	vadd.f32 v2, v6  }
0x19e: {  	s23 =	simm.s32 $0x20;
	s24 =	sor.u32 $0x380, s26;
	s21 =	sor.u32 s31, s30;
	v21 =	vld [tilespmem:s25+$0x8300];
	v5 =	vadd.f32 v3, v6;
	v3 =	vimm.f32 $0.0e+00;
	v2 =	vimm.f32 $0.0e+00  }
.LBB2_12:
0x19f: {  	p0 =	sne.s32 s23, $0x3F0;
	v24 =	vld [tilespmem:s21+$0x280];
	v6 =	vadd.f32 v22, v6;
	v19 =	vmul.f32 v19, v1  }
0x1a0: {  	v22 =	vld [tilespmem:s21+$0x8380];
	v16 =	vadd.f32 v23, v16;
	v18 =	vmul.f32 v18, v1  }
0x1a1: {  	v23 =	vld [tilespmem:s21+$0x6000];
	v15 =	vadd.f32 v19, v15;
	v17 =	vmul.f32 v17, v1  }
0x1a2: {  	v19 =	vld [tilespmem:s21+$0x6080];
	v14 =	vadd.f32 v18, v14;
	v18 =	vmul.f32 v20, v1  }
0x1a3: {  	v20 =	vld [tilespmem:s21+$0x6100];
	v9 =	vadd.f32 v17, v9;
	v17 =	vmul.f32 v21, v1  }
0x1a4: {  	v21 =	vld [tilespmem:s21+$0x6180];
	v3 =	vadd.f32 v18, v3;
	v1 =	vmov v24  }
0x1a5: {  	v18 =	vld [tilespmem:s21+$0x6200];
	v22 =	vmul.f32 v22, v1;
	v2 =	vadd.f32 v17, v2  }
0x1a6: {  	v17 =	vmul.f32 v23, v1;
	v23 =	vld [tilespmem:s21+$0x6280]  }
0x1a7: {  	v19 =	vmul.f32 v19, v1;
	v24 =	vld [tilespmem:s21+$0x6300];
	v0 =	vadd.f32 v22, v0  }
0x1a8: {  	v13 =	vadd.f32 v17, v13;
	v17 =	vmul.f32 v20, v1;
	v20 =	vld [tilespmem:s24+$0x6000]  }
0x1a9: {  	v12 =	vadd.f32 v19, v12;
	v19 =	vmul.f32 v21, v1;
	v21 =	vld [tilespmem:s21+$0x8000]  }
0x1aa: {  	v10 =	vadd.f32 v17, v10;
	v17 =	vmul.f32 v18, v1;
	v25 =	vld [tilespmem:s21+$0x8080]  }
.Ltmp5:
0x1ab: {  	v11 =	vadd.f32 v19, v11;
	v22 =	vmul.f32 v23, v1;
	v19 =	vld [tilespmem:s21+$0x8100];
	(pc) =	sbr.rel @p0 .LBB2_12-.Ltmp5, $4  }
0x1ac: {  	v8 =	vadd.f32 v17, v8;
	v23 =	vmul.f32 v24, v1;
	v18 =	vld [tilespmem:s21+$0x8180]  }
0x1ad: {  	s22 =	sadd.s32 $0x80, s22;
	v7 =	vadd.f32 v22, v7;
	v24 =	vmul.f32 v20, v1;
	v17 =	vld [tilespmem:s21+$0x8200]  }
0x1ae: {  	s25 =	sand.u32 $0x70, s23;
	s26 =	sand.u32 $0x1C00, s22;
	s24 =	sor.u32 s22, s23;
	v4 =	vadd.f32 v23, v4;
	v22 =	vmul.f32 v21, v1;
	v20 =	vld [tilespmem:s21+$0x8280]  }
0x1af: {  	s23 =	sadd.s32 $0x10, s23;
	s24 =	sor.u32 $0x380, s24;
	v5 =	vadd.f32 v24, v5;
	v23 =	vmul.f32 v25, v1;
	v21 =	vld [tilespmem:s21+$0x8300];
	s21 =	sor.u32 s26, s25  }
0x1b0: {  	v24 =	vld [tilespmem:s21+$0x280]  }
0x1b1: {  	v25 =	vld [tilespmem:s21+$0x8380]  }
0x1b2: {  	v26 =	vld [tilespmem:s21+$0x6000]  }
0x1b3: {  	v27 =	vld [tilespmem:s21+$0x6080]  }
0x1b4: {  	v28 =	vld [tilespmem:s21+$0x6100]  }
0x1b5: {  	v29 =	vld [tilespmem:s21+$0x6180]  }
0x1b6: {  	v30 =	vld [tilespmem:s21+$0x6200]  }
0x1b7: {  	v31 =	vld [tilespmem:s21+$0x6280]  }
0x1b8: {  	v32 =	vld [tilespmem:s21+$0x6300]  }
0x1b9: {  	v33 =	vld [tilespmem:s24+$0x6000]  }
0x1ba: {  	v34 =	vld [tilespmem:s21+$0x8000]  }
0x1bb: {  	v35 =	vld [tilespmem:s21+$0x8080]  }
0x1bc: {  	v36 =	vld [tilespmem:s21+$0x8100];
	v26 =	vmul.f32 v26, v24  }
0x1bd: {  	v37 =	vld [tilespmem:s21+$0x8180];
	v27 =	vmul.f32 v27, v24  }
0x1be: {  	v38 =	vld [tilespmem:s21+$0x8200];
	v61 =	vmul.f32 v28, v24;
	v13 =	vadd.f32 v26, v13  }
0x1bf: {  	v62 =	vld [tilespmem:s21+$0x8280];
	v6 =	vadd.f32 v22, v6;
	v22 =	vmul.f32 v29, v24;
	v12 =	vadd.f32 v27, v12  }
0x1c0: {  	v63 =	vld [tilespmem:s21+$0x8300];
	v10 =	vadd.f32 v61, v10;
	[tilespmem:$0xA280] =	vst v13  }
0x1c1: {  	v11 =	vadd.f32 v22, v11;
	v13 =	vmul.f32 v30, v24;
	[tilespmem:$0xA290] =	vst v12  }
0x1c2: {  	v12 =	vmul.f32 v19, v1;
	v19 =	vmul.f32 v31, v24;
	[tilespmem:$0xA2A0] =	vst v10  }
0x1c3: {  	v16 =	vadd.f32 v23, v16;
	v10 =	vmul.f32 v18, v1;
	[tilespmem:$0xA2B0] =	vst v11;
	v11 =	vmul.f32 v33, v24  }
0x1c4: {  	v8 =	vadd.f32 v13, v8;
	v13 =	vmul.f32 v32, v24;
	v12 =	vadd.f32 v12, v15  }
0x1c5: {  	v7 =	vadd.f32 v19, v7;
	v5 =	vadd.f32 v11, v5;
	v11 =	vmul.f32 v35, v24  }
0x1c6: {  	v4 =	vadd.f32 v13, v4;
	[tilespmem:$0xA2C0] =	vst v8;
	v8 =	vmul.f32 v34, v24;
	v13 =	vmul.f32 v17, v1  }
0x1c7: {  	v10 =	vadd.f32 v10, v14;
	[tilespmem:$0xA2D0] =	vst v7;
	v7 =	vmul.f32 v20, v1;
	v1 =	vmul.f32 v21, v1  }
0x1c8: {  	v6 =	vadd.f32 v8, v6;
	v8 =	vmul.f32 v36, v24;
	[tilespmem:$0xA2E0] =	vst v4;
	v4 =	vadd.f32 v13, v9  }
0x1c9: {  	[tilespmem:$0xA2F0] =	vst v5;
	v9 =	vadd.f32 v11, v16;
	v11 =	vmul.f32 v37, v24;
	v3 =	vadd.f32 v7, v3  }
0x1ca: {  	v7 =	vmul.f32 v62, v24;
	v5 =	vadd.f32 v8, v12;
	v8 =	vmul.f32 v38, v24;
	[tilespmem:$0xA680] =	vst v6  }
0x1cb: {  	v1 =	vadd.f32 v1, v2;
	v6 =	vadd.f32 v11, v10;
	[tilespmem:$0xA690] =	vst v9  }
0x1cc: {  	v3 =	vadd.f32 v7, v3;
	v2 =	vadd.f32 v8, v4;
	v4 =	vmul.f32 v63, v24;
	[tilespmem:$0xA6A0] =	vst v5  }
0x1cd: {  	v5 =	vmul.f32 v25, v24;
	[tilespmem:$0xA6B0] =	vst v6  }
0x1ce: {  	[tilespmem:$0xA6D0] =	vst v3;
	v1 =	vadd.f32 v4, v1  }
0x1cf: {  	[tilespmem:$0xA6C0] =	vst v2;
	v0 =	vadd.f32 v5, v0  }
0x1d0: {  	[tilespmem:$0xA6E0] =	vst v1  }
0x1d1: {  	[tilespmem:$0xA6F0] =	vst v0  }
0x1d2: {  	s28 =	simm.s32 $0x0;
	_ =	swait.ge [sflag:s16], $0x4000  }
0x1d3: {  	s22 =	sand.u32 $0x70, s28;
	s23 =	sand.u32 $0x1C00, s28;
	[sflag:s16] =	ssyncset.done $0x0  }
0x1d4: {  	s25 =	sor.u32 s23, s22;
	[sflag:s16] =	ssyncadd.s32 $0xFFFFC000  }
0x1d5: {  	[tilespmem:s17], [sflag:$0x2] =	stream.linear.gather [hbm4b:s11+s28], $0x4000, $0x38;
	[tilespmem:$0xA800] =	vst v63  }
0x1d6: {  	v1 =	vld [tilespmem:s25+$0x300]  }
0x1d7: {  	v0 =	vld [tilespmem:s25+$0x4380]  }
0x1d8: {  	v2 =	vld [tilespmem:s25+$0x2000]  }
0x1d9: {  	v3 =	vld [tilespmem:s25+$0x2080]  }
0x1da: {  	v4 =	vld [tilespmem:s25+$0x2100]  }
0x1db: {  	v15 =	vld [tilespmem:s25+$0x4000]  }
0x1dc: {  	v16 =	vld [tilespmem:s25+$0x4080]  }
0x1dd: {  	v5 =	vld [tilespmem:s25+$0x2180]  }
0x1de: {  	v7 =	vld [tilespmem:s25+$0x2200]  }
0x1df: {  	s21 =	sor.u32 s28, s28;
	v9 =	vld [tilespmem:s25+$0x2300];
	v0 =	vmul.f32 v0, v1  }
0x1e0: {  	s21 =	sor.u32 $0x380, s21;
	v8 =	vld [tilespmem:s25+$0x2280];
	v2 =	vmul.f32 v2, v1;
	v3 =	vmul.f32 v3, v1  }
0x1e1: {  	v6 =	vimm.f32 $0.0e+00;
	v14 =	vld [tilespmem:s21+$0x2000];
	v22 =	vmul.f32 v15, v1;
	v23 =	vmul.f32 v16, v1  }
0x1e2: {  	v16 =	vimm.f32 $0.0e+00;
	v15 =	vimm.f32 $0.0e+00;
	v13 =	vadd.f32 v2, v6  }
0x1e3: {  	v2 =	vmul.f32 v4, v1;
	v12 =	vadd.f32 v3, v6;
	v3 =	vmul.f32 v5, v1  }
0x1e4: {  	v19 =	vld [tilespmem:s25+$0x4100];
	v0 =	vadd.f32 v0, v6;
	v4 =	vmul.f32 v7, v1;
	v5 =	vmul.f32 v9, v1  }
0x1e5: {  	v18 =	vld [tilespmem:s25+$0x4180];
	v9 =	vimm.f32 $0.0e+00;
	v10 =	vadd.f32 v2, v6;
	v2 =	vmul.f32 v8, v1  }
0x1e6: {  	s29 =	simm.s32 $0x10;
	s22 =	simm.s32 $0x80;
	v17 =	vld [tilespmem:s25+$0x4200];
	v11 =	vadd.f32 v3, v6;
	v8 =	vadd.f32 v4, v6;
	v3 =	vmul.f32 v14, v1  }
0x1e7: {  	s30 =	sand.u32 $0x70, s29;
	s31 =	sand.u32 $0x1C00, s22;
	s26 =	sor.u32 s22, s29;
	v20 =	vld [tilespmem:s25+$0x4280];
	v4 =	vadd.f32 v5, v6;
	v14 =	vimm.f32 $0.0e+00;
	v7 =	vadd.f32 v2, v6  }
0x1e8: {  	s23 =	simm.s32 $0x20;
	s24 =	sor.u32 $0x380, s26;
	s21 =	sor.u32 s31, s30;
	v21 =	vld [tilespmem:s25+$0x4300];
	v5 =	vadd.f32 v3, v6;
	v3 =	vimm.f32 $0.0e+00;
	v2 =	vimm.f32 $0.0e+00  }
.LBB2_14:
0x1e9: {  	p0 =	sne.s32 s23, $0x3F0;
	v24 =	vld [tilespmem:s21+$0x300];
	v6 =	vadd.f32 v22, v6;
	v19 =	vmul.f32 v19, v1  }
0x1ea: {  	v22 =	vld [tilespmem:s21+$0x4380];
	v16 =	vadd.f32 v23, v16;
	v18 =	vmul.f32 v18, v1  }
0x1eb: {  	v23 =	vld [tilespmem:s21+$0x2000];
	v15 =	vadd.f32 v19, v15;
	v17 =	vmul.f32 v17, v1  }
0x1ec: {  	v19 =	vld [tilespmem:s21+$0x2080];
	v14 =	vadd.f32 v18, v14;
	v18 =	vmul.f32 v20, v1  }
0x1ed: {  	v20 =	vld [tilespmem:s21+$0x2100];
	v9 =	vadd.f32 v17, v9;
	v17 =	vmul.f32 v21, v1  }
0x1ee: {  	v21 =	vld [tilespmem:s21+$0x2180];
	v3 =	vadd.f32 v18, v3;
	v1 =	vmov v24  }
0x1ef: {  	v18 =	vld [tilespmem:s21+$0x2200];
	v22 =	vmul.f32 v22, v1;
	v2 =	vadd.f32 v17, v2  }
0x1f0: {  	v17 =	vmul.f32 v23, v1;
	v23 =	vld [tilespmem:s21+$0x2280]  }
0x1f1: {  	v19 =	vmul.f32 v19, v1;
	v24 =	vld [tilespmem:s21+$0x2300];
	v0 =	vadd.f32 v22, v0  }
0x1f2: {  	v13 =	vadd.f32 v17, v13;
	v17 =	vmul.f32 v20, v1;
	v20 =	vld [tilespmem:s24+$0x2000]  }
0x1f3: {  	v12 =	vadd.f32 v19, v12;
	v19 =	vmul.f32 v21, v1;
	v21 =	vld [tilespmem:s21+$0x4000]  }
0x1f4: {  	v10 =	vadd.f32 v17, v10;
	v17 =	vmul.f32 v18, v1;
	v25 =	vld [tilespmem:s21+$0x4080]  }
.Ltmp6:
0x1f5: {  	v11 =	vadd.f32 v19, v11;
	v22 =	vmul.f32 v23, v1;
	v19 =	vld [tilespmem:s21+$0x4100];
	(pc) =	sbr.rel @p0 .LBB2_14-.Ltmp6, $4  }
0x1f6: {  	v8 =	vadd.f32 v17, v8;
	v23 =	vmul.f32 v24, v1;
	v18 =	vld [tilespmem:s21+$0x4180]  }
0x1f7: {  	s22 =	sadd.s32 $0x80, s22;
	v7 =	vadd.f32 v22, v7;
	v24 =	vmul.f32 v20, v1;
	v17 =	vld [tilespmem:s21+$0x4200]  }
0x1f8: {  	s25 =	sand.u32 $0x70, s23;
	s26 =	sand.u32 $0x1C00, s22;
	s24 =	sor.u32 s22, s23;
	v4 =	vadd.f32 v23, v4;
	v22 =	vmul.f32 v21, v1;
	v20 =	vld [tilespmem:s21+$0x4280]  }
0x1f9: {  	s23 =	sadd.s32 $0x10, s23;
	s24 =	sor.u32 $0x380, s24;
	v5 =	vadd.f32 v24, v5;
	v23 =	vmul.f32 v25, v1;
	v21 =	vld [tilespmem:s21+$0x4300];
	s21 =	sor.u32 s26, s25  }
0x1fa: {  	v24 =	vld [tilespmem:s21+$0x300]  }
0x1fb: {  	v25 =	vld [tilespmem:s21+$0x4380]  }
0x1fc: {  	v26 =	vld [tilespmem:s21+$0x2000]  }
0x1fd: {  	v27 =	vld [tilespmem:s21+$0x2080]  }
0x1fe: {  	v28 =	vld [tilespmem:s21+$0x2100]  }
0x1ff: {  	v29 =	vld [tilespmem:s21+$0x2180]  }
0x200: {  	v30 =	vld [tilespmem:s21+$0x2200]  }
0x201: {  	v31 =	vld [tilespmem:s21+$0x2280]  }
0x202: {  	v32 =	vld [tilespmem:s21+$0x2300]  }
0x203: {  	v33 =	vld [tilespmem:s24+$0x2000]  }
0x204: {  	v34 =	vld [tilespmem:s21+$0x4000]  }
0x205: {  	v35 =	vld [tilespmem:s21+$0x4080]  }
0x206: {  	v36 =	vld [tilespmem:s21+$0x4100];
	v26 =	vmul.f32 v26, v24  }
0x207: {  	v37 =	vld [tilespmem:s21+$0x4180];
	v27 =	vmul.f32 v27, v24  }
0x208: {  	v38 =	vld [tilespmem:s21+$0x4200];
	v61 =	vmul.f32 v28, v24;
	v13 =	vadd.f32 v26, v13  }
0x209: {  	v62 =	vld [tilespmem:s21+$0x4280];
	v6 =	vadd.f32 v22, v6;
	v22 =	vmul.f32 v29, v24;
	v12 =	vadd.f32 v27, v12  }
0x20a: {  	v63 =	vld [tilespmem:s21+$0x4300];
	v10 =	vadd.f32 v61, v10;
	[tilespmem:$0xA300] =	vst v13  }
0x20b: {  	v11 =	vadd.f32 v22, v11;
	v13 =	vmul.f32 v30, v24;
	[tilespmem:$0xA310] =	vst v12  }
0x20c: {  	v12 =	vmul.f32 v19, v1;
	v19 =	vmul.f32 v31, v24;
	[tilespmem:$0xA320] =	vst v10  }
0x20d: {  	v16 =	vadd.f32 v23, v16;
	v10 =	vmul.f32 v18, v1;
	[tilespmem:$0xA330] =	vst v11;
	v11 =	vmul.f32 v33, v24  }
0x20e: {  	v8 =	vadd.f32 v13, v8;
	v13 =	vmul.f32 v32, v24;
	v12 =	vadd.f32 v12, v15  }
0x20f: {  	v7 =	vadd.f32 v19, v7;
	v5 =	vadd.f32 v11, v5;
	v11 =	vmul.f32 v35, v24  }
0x210: {  	v4 =	vadd.f32 v13, v4;
	[tilespmem:$0xA340] =	vst v8;
	v8 =	vmul.f32 v34, v24;
	v13 =	vmul.f32 v17, v1  }
0x211: {  	v10 =	vadd.f32 v10, v14;
	[tilespmem:$0xA350] =	vst v7;
	v7 =	vmul.f32 v20, v1;
	v1 =	vmul.f32 v21, v1  }
0x212: {  	v6 =	vadd.f32 v8, v6;
	v8 =	vmul.f32 v36, v24;
	[tilespmem:$0xA360] =	vst v4;
	v4 =	vadd.f32 v13, v9  }
0x213: {  	[tilespmem:$0xA370] =	vst v5;
	v9 =	vadd.f32 v11, v16;
	v11 =	vmul.f32 v37, v24;
	v3 =	vadd.f32 v7, v3  }
0x214: {  	v7 =	vmul.f32 v62, v24;
	v5 =	vadd.f32 v8, v12;
	v8 =	vmul.f32 v38, v24;
	[tilespmem:$0xA700] =	vst v6  }
0x215: {  	v1 =	vadd.f32 v1, v2;
	v6 =	vadd.f32 v11, v10;
	[tilespmem:$0xA710] =	vst v9  }
0x216: {  	v3 =	vadd.f32 v7, v3;
	v2 =	vadd.f32 v8, v4;
	v4 =	vmul.f32 v63, v24;
	[tilespmem:$0xA720] =	vst v5  }
0x217: {  	v5 =	vmul.f32 v25, v24;
	[tilespmem:$0xA730] =	vst v6  }
0x218: {  	[tilespmem:$0xA750] =	vst v3;
	v1 =	vadd.f32 v4, v1  }
0x219: {  	[tilespmem:$0xA740] =	vst v2;
	v0 =	vadd.f32 v5, v0  }
0x21a: {  	[tilespmem:$0xA760] =	vst v1  }
0x21b: {  	[tilespmem:$0xA770] =	vst v0  }
0x21c: {  	s30 =	simm.s32 $0x0;
	_ =	swait.ge [sflag:s18], $0x4000  }
0x21d: {  	s22 =	sor.u32 s30, s30;
	s23 =	sand.u32 $0x70, s30;
	[sflag:s18] =	ssyncset.done $0x0  }
0x21e: {  	s21 =	sand.u32 $0x1C00, s30;
	s22 =	sor.u32 $0x380, s22;
	[sflag:s18] =	ssyncadd.s32 $0xFFFFC000  }
0x21f: {  	s23 =	sor.u32 s23, s21;
	v1 =	vld [tilespmem:s22+$0x0]  }
0x220: {  	v0 =	vld [tilespmem:s23+$0x8380]  }
0x221: {  	v2 =	vld [tilespmem:s23+$0x6000]  }
0x222: {  	v3 =	vld [tilespmem:s23+$0x6080]  }
0x223: {  	v4 =	vld [tilespmem:s23+$0x6100]  }
0x224: {  	v15 =	vld [tilespmem:s23+$0x8000]  }
0x225: {  	v16 =	vld [tilespmem:s23+$0x8080]  }
0x226: {  	v5 =	vld [tilespmem:s23+$0x6180]  }
0x227: {  	v7 =	vld [tilespmem:s23+$0x6200]  }
0x228: {  	v9 =	vld [tilespmem:s23+$0x6300];
	v0 =	vmul.f32 v0, v1  }
0x229: {  	v8 =	vld [tilespmem:s23+$0x6280];
	v2 =	vmul.f32 v2, v1;
	v3 =	vmul.f32 v3, v1  }
0x22a: {  	v6 =	vimm.f32 $0.0e+00;
	v14 =	vld [tilespmem:s22+$0x6000];
	v22 =	vmul.f32 v15, v1;
	v23 =	vmul.f32 v16, v1  }
0x22b: {  	v16 =	vimm.f32 $0.0e+00;
	v15 =	vimm.f32 $0.0e+00;
	v13 =	vadd.f32 v2, v6  }
0x22c: {  	v2 =	vmul.f32 v4, v1;
	v12 =	vadd.f32 v3, v6;
	v3 =	vmul.f32 v5, v1  }
0x22d: {  	v20 =	vld [tilespmem:s23+$0x8100];
	v0 =	vadd.f32 v0, v6;
	v4 =	vmul.f32 v7, v1;
	v5 =	vmul.f32 v9, v1  }
0x22e: {  	v18 =	vld [tilespmem:s23+$0x8180];
	v9 =	vimm.f32 $0.0e+00;
	v10 =	vadd.f32 v2, v6;
	v2 =	vmul.f32 v8, v1  }
0x22f: {  	s31 =	simm.s32 $0x10;
	s21 =	simm.s32 $0x80;
	v17 =	vld [tilespmem:s23+$0x8200];
	v11 =	vadd.f32 v3, v6;
	v8 =	vadd.f32 v4, v6;
	v3 =	vmul.f32 v14, v1  }
0x230: {  	s25 =	sand.u32 $0x70, s31;
	s22 =	sor.u32 s21, s31;
	v19 =	vld [tilespmem:s23+$0x8280];
	v4 =	vadd.f32 v5, v6;
	v14 =	vimm.f32 $0.0e+00;
	v7 =	vadd.f32 v2, v6  }
0x231: {  	s26 =	sand.u32 $0x1C00, s21;
	v21 =	vld [tilespmem:s23+$0x8300];
	s24 =	sor.u32 $0x380, s22;
	s22 =	simm.s32 $0x20;
	v5 =	vadd.f32 v3, v6;
	v3 =	vimm.f32 $0.0e+00;
	v2 =	vimm.f32 $0.0e+00  }
.LBB2_16:
0x232: {  	p0 =	sne.s32 s22, $0x3F0;
	v24 =	vld [tilespmem:s24+$0x0];
	s23 =	sor.u32 s25, s26;
	v6 =	vadd.f32 v22, v6;
	v20 =	vmul.f32 v20, v1  }
0x233: {  	v22 =	vld [tilespmem:s23+$0x8380];
	v16 =	vadd.f32 v23, v16;
	v18 =	vmul.f32 v18, v1  }
0x234: {  	v23 =	vld [tilespmem:s23+$0x6000];
	v15 =	vadd.f32 v20, v15;
	v17 =	vmul.f32 v17, v1  }
0x235: {  	v20 =	vld [tilespmem:s23+$0x6080];
	v14 =	vadd.f32 v18, v14;
	v18 =	vmul.f32 v19, v1  }
0x236: {  	v19 =	vld [tilespmem:s23+$0x6100];
	v9 =	vadd.f32 v17, v9;
	v17 =	vmul.f32 v21, v1  }
0x237: {  	v21 =	vld [tilespmem:s23+$0x6180];
	v3 =	vadd.f32 v18, v3;
	v1 =	vmov v24  }
0x238: {  	v18 =	vld [tilespmem:s23+$0x6200];
	v22 =	vmul.f32 v22, v1;
	v2 =	vadd.f32 v17, v2  }
0x239: {  	v17 =	vmul.f32 v23, v1;
	v23 =	vld [tilespmem:s23+$0x6280]  }
0x23a: {  	v20 =	vmul.f32 v20, v1;
	v24 =	vld [tilespmem:s23+$0x6300];
	v0 =	vadd.f32 v22, v0  }
0x23b: {  	v13 =	vadd.f32 v17, v13;
	v17 =	vmul.f32 v19, v1;
	v19 =	vld [tilespmem:s24+$0x6000]  }
0x23c: {  	v12 =	vadd.f32 v20, v12;
	v20 =	vmul.f32 v21, v1;
	v21 =	vld [tilespmem:s23+$0x8000]  }
0x23d: {  	v10 =	vadd.f32 v17, v10;
	v17 =	vmul.f32 v18, v1;
	v25 =	vld [tilespmem:s23+$0x8080]  }
.Ltmp7:
0x23e: {  	v11 =	vadd.f32 v20, v11;
	v22 =	vmul.f32 v23, v1;
	v20 =	vld [tilespmem:s23+$0x8100];
	(pc) =	sbr.rel @p0 .LBB2_16-.Ltmp7, $4  }
0x23f: {  	v8 =	vadd.f32 v17, v8;
	v23 =	vmul.f32 v24, v1;
	v18 =	vld [tilespmem:s23+$0x8180]  }
0x240: {  	s21 =	sadd.s32 $0x80, s21;
	v7 =	vadd.f32 v22, v7;
	v24 =	vmul.f32 v19, v1;
	v17 =	vld [tilespmem:s23+$0x8200]  }
0x241: {  	s25 =	sand.u32 $0x70, s22;
	s24 =	sor.u32 s21, s22;
	v4 =	vadd.f32 v23, v4;
	v22 =	vmul.f32 v21, v1;
	v19 =	vld [tilespmem:s23+$0x8280]  }
0x242: {  	s26 =	sand.u32 $0x1C00, s21;
	s22 =	sadd.s32 $0x10, s22;
	s24 =	sor.u32 $0x380, s24;
	v5 =	vadd.f32 v24, v5;
	v23 =	vmul.f32 v25, v1;
	v21 =	vld [tilespmem:s23+$0x8300]  }
0x243: {  	v24 =	vld [tilespmem:s24+$0x0]  }
0x244: {  	s21 =	sor.u32 s25, s26;
	v33 =	vld [tilespmem:s24+$0x6000]  }
0x245: {  	v25 =	vld [tilespmem:s21+$0x8380]  }
0x246: {  	v26 =	vld [tilespmem:s21+$0x6000]  }
0x247: {  	v27 =	vld [tilespmem:s21+$0x6080]  }
0x248: {  	v28 =	vld [tilespmem:s21+$0x6100]  }
0x249: {  	v29 =	vld [tilespmem:s21+$0x6180]  }
0x24a: {  	v30 =	vld [tilespmem:s21+$0x6200]  }
0x24b: {  	v31 =	vld [tilespmem:s21+$0x6280]  }
0x24c: {  	v32 =	vld [tilespmem:s21+$0x6300]  }
0x24d: {  	v34 =	vld [tilespmem:s21+$0x8000]  }
0x24e: {  	v35 =	vld [tilespmem:s21+$0x8080]  }
0x24f: {  	v36 =	vld [tilespmem:s21+$0x8100];
	v47 =	vmul.f32 v33, v24  }
0x250: {  	v37 =	vld [tilespmem:s21+$0x8180];
	v26 =	vmul.f32 v26, v24  }
0x251: {  	v38 =	vld [tilespmem:s21+$0x8200];
	v27 =	vmul.f32 v27, v24;
	v5 =	vadd.f32 v47, v5  }
0x252: {  	v6 =	vadd.f32 v22, v6;
	v39 =	vld [tilespmem:s21+$0x8280];
	v63 =	vmul.f32 v28, v24;
	v13 =	vadd.f32 v26, v13  }
0x253: {  	v43 =	vmul.f32 v20, v1;
	v41 =	vld [tilespmem:s21+$0x8300];
	v40 =	vmul.f32 v29, v24;
	v12 =	vadd.f32 v27, v12;
	[tilespmem:$0xA3F0] =	vst v5  }
0x254: {  	v16 =	vadd.f32 v23, v16;
	v42 =	vmul.f32 v30, v24;
	v10 =	vadd.f32 v63, v10;
	[tilespmem:$0xA380] =	vst v13  }
0x255: {  	v45 =	vmul.f32 v18, v1;
	v44 =	vmul.f32 v31, v24;
	v11 =	vadd.f32 v40, v11;
	[tilespmem:$0xA390] =	vst v12  }
0x256: {  	v49 =	vmul.f32 v17, v1;
	v46 =	vmul.f32 v32, v24;
	v8 =	vadd.f32 v42, v8;
	[tilespmem:$0xA3A0] =	vst v10  }
0x257: {  	v51 =	vmul.f32 v19, v1;
	v48 =	vmul.f32 v34, v24;
	v7 =	vadd.f32 v44, v7;
	[tilespmem:$0xA3B0] =	vst v11  }
0x258: {  	v53 =	vadd.f32 v49, v9;
	v50 =	vmul.f32 v35, v24;
	v4 =	vadd.f32 v46, v4;
	[tilespmem:$0xA3C0] =	vst v8  }
0x259: {  	v56 =	vmul.f32 v21, v1;
	v58 =	vmul.f32 v38, v24;
	v6 =	vadd.f32 v48, v6;
	[tilespmem:$0xA3D0] =	vst v7  }
0x25a: {  	v3 =	vadd.f32 v51, v3;
	v60 =	vmul.f32 v39, v24;
	v54 =	vadd.f32 v50, v16;
	[tilespmem:$0xA3E0] =	vst v4  }
0x25b: {  	v1 =	vadd.f32 v56, v2;
	v62 =	vmul.f32 v41, v24;
	v61 =	vadd.f32 v58, v53;
	[tilespmem:$0xA780] =	vst v6  }
0x25c: {  	v63 =	vmul.f32 v25, v24;
	v3 =	vadd.f32 v60, v3;
	[tilespmem:$0xA790] =	vst v54  }
0x25d: {  	v52 =	vmul.f32 v36, v24;
	v1 =	vadd.f32 v62, v1;
	v12 =	vadd.f32 v43, v15;
	[tilespmem:$0xA7C0] =	vst v61  }
0x25e: {  	v55 =	vmul.f32 v37, v24;
	v10 =	vadd.f32 v45, v14;
	v0 =	vadd.f32 v63, v0;
	[tilespmem:$0xA7D0] =	vst v3  }
0x25f: {  	[tilespmem:$0xA7E0] =	vst v1;
	v57 =	vadd.f32 v52, v12  }
0x260: {  	s20 =	sadd.s32 $0x1, s20;
	v59 =	vadd.f32 v55, v10;
	[tilespmem:$0xA7F0] =	vst v0  }
0x261: {  	p0 =	sne.s32 s20, s13;
	[tilespmem:$0xA7A0] =	vst v57  }
.Ltmp8:
0x262: {  	[tilespmem:$0xA7B0] =	vst v59;
	(pc) =	sbr.rel @p0 .LBB2_1-.Ltmp8, $4  }
0x263: {  	[hbm4b:s12+s2] =	stream.linear.scatter [tilespmem:s19], [sflag:$0x3], $0x800, $0x38;
	[tilespmem:$0xA800] =	vst v63  }
0x264: {  	_ =	swait.ge [sflag:s14], $0x800  }
0x265: {  	[sflag:s14] =	ssyncset.done $0x0  }
0x266: {  	[sflag:s14] =	ssyncadd.s32 $0xFFFFF800  }
0x267: {  	_ =	sfence.sel $0x180000  }
0x268: {  	[bflag:$0x0] =	sbarrier.arrive $0xFFFF  }
0x269: {  	p0 =	sne.s32 s1, $0x0;
	_ =	strace $0x90000047  }
0x26a: {  	s0 =	sadd.s32 @!p0 $0x100000, s0;
	[bflag:$0x2] =	sbarrier.arrive $0xFFFF  }
0x26b: {  	[sflag:s0] =	ssyncadd.tile.s32 @!p0 $0x1;
	_ =	shalt  }
.Lfunc_end2:
_tile_overlayer_lowered:
.L_overlay_start_2:
0x26c: {  	(tag) =	ssettag $0x2  }
0x26d: {  	s0 =	rddreg [dreg:$0x0];
	s2 =	stileid.u32  }
0x26e: {  	s1 =	rddreg [dreg:$0x1];
	p0 =	sne.s32 s2, $0x0  }
0x26f: {  	s3 =	rddreg [dreg:$0x2];
	[bflag:$0x3] =	sbarrier.arrive $0xFFFF;
	s2 =	simm.s32 @!p0 $0x1C03  }
0x270: {  	[timem:s3], [sflag:s2] =	dma.local @!p0 [hbm:s0], s1  }
0x271: {  	s0 =	simm.s32 @!p0 $0x3  }
0x272: {  	_ =	swait.ge @!p0 [sflag:s0], s1  }
0x273: {  	s1 =	ssub.s32 @!p0 $0x0, s1;
	[sflag:s0] =	ssyncset.done @!p0 $0x0  }
0x274: {  	[sflag:s0] =	ssyncadd.s32 @!p0 s1  }
0x275: {  	[bflag:$0x3] =	sbarrier.arrive $0xFFFF  }
0x276: {  	_ =	shalt  }

</sc_bundles>
